<compile_context>
chip_gen: v7x
topology: tpu7x:2x2x1
jax: 0.10.2.dev20260603
libtpu: 0.0.44.dev20260713+nightly
codegen_flags: <defaults>
</compile_context>

<pallas_src>
import functools

import jax
import jax.numpy as jnp
from jax import lax
from jax.experimental import pallas as pl
from jax.experimental.pallas import tpu as pltpu
from jax.experimental.pallas import tpu_sc as plsc

D_MODEL = 2048
N_CLUSTERS = 1024
CLUSTER_SIZE = 100
CS_MAP = 128
N_PROBES = 64
NW = 32
CLUSTERS_PER_W = N_PROBES // NW
BPW = 208
N_PADDED = NW * BPW
CHUNK = 16
N_CHUNKS = BPW // CHUNK
_R = 8
_C = N_CLUSTERS // _R
INT_MIN = -2147483648


def _select_body(h_ref, cent_ref, vmap_ref, rank_ref, vmpad_ref):
    h = h_ref[...]
    vm = vmap_ref[...]
    vmpad_ref[...] = jnp.concatenate(
        [vm, vm[:, :CS_MAP - CLUSTER_SIZE]], axis=1)

    rows = []
    norms = []
    for r in range(_R):
        sl = cent_ref[:, pl.ds(r * _C, _C)]
        rows.append(jnp.dot(h, sl, preferred_element_type=jnp.float32))
        norms.append(jnp.sum(sl * sl, axis=0, keepdims=True))
    sims = jnp.concatenate(rows, axis=0)
    norm2 = jnp.concatenate(norms, axis=0)
    scores = sims * lax.rsqrt(norm2)

    u = lax.bitcast_convert_type(scores, jnp.int32)
    mag = u & jnp.int32(0x7FFFFFFF)
    key = jnp.where(u >= 0, mag, -1 - mag)

    n_nonneg = jnp.sum((key >= 0).astype(jnp.int32))
    t0 = jnp.where(n_nonneg >= N_PROBES, jnp.int32(0), jnp.int32(INT_MIN))

    def bit_body(i, t):
        cand = t + (jnp.int32(1) << (30 - i))
        cnt = jnp.sum((key >= cand).astype(jnp.int32))
        return jnp.where(cnt >= N_PROBES, cand, t)

    t = lax.fori_loop(0, 31, bit_body, t0)

    n_gt = jnp.sum((key > t).astype(jnp.int32))
    need = (N_PROBES - n_gt).astype(jnp.float32)

    iota_r = lax.broadcasted_iota(jnp.int32, (_C, _C), 0)
    iota_c = lax.broadcasted_iota(jnp.int32, (_C, _C), 1)
    upper = (iota_r <= iota_c).astype(jnp.float32)
    lo8r = lax.broadcasted_iota(jnp.int32, (_R, _R), 0)
    lo8c = lax.broadcasted_iota(jnp.int32, (_R, _R), 1)
    lstrict8 = (lo8c < lo8r).astype(jnp.float32)

    def flat_rank(mask_f):
        incl = jnp.dot(mask_f, upper, preferred_element_type=jnp.float32)
        rowsum = jnp.sum(mask_f, axis=1, keepdims=True)
        rowpref = jnp.dot(lstrict8, rowsum,
                          preferred_element_type=jnp.float32)
        return incl + rowpref

    mask_eq = (key == t).astype(jnp.float32)
    sel_eq = mask_eq * (flat_rank(mask_eq) <= need).astype(jnp.float32)
    sel = (key > t).astype(jnp.float32) + sel_eq
    selrank = flat_rank(sel)
    rank_ref[...] = (sel * selrank).astype(jnp.int32)


def _argmax_body(log_ref, idx_ref, out_ref):
    l = log_ref[...]
    ids = idx_ref[...]
    cols = l.shape[1]
    flat = (lax.broadcasted_iota(jnp.int32, l.shape, 0) * cols
            + lax.broadcasted_iota(jnp.int32, l.shape, 1))
    m = jnp.max(l)
    pos = jnp.min(jnp.where(l == m, flat, N_PADDED))
    val = jnp.sum(jnp.where(flat == pos, ids, 0))
    out_ref[...] = jnp.full((1, 1), val, jnp.int32)


def _logits_sc_body(w_hbm, vmap_hbm, rank_hbm, h_hbm, out_hbm, ids_hbm,
                    rank_v, h_v, ids2d, buf0, buf1, buf2, logits_v, ids_v,
                    sem0, sem1, sem2, semh):
    wid = lax.axis_index("s") * 2 + lax.axis_index("c")
    iota16 = lax.iota(jnp.int32, 16)

    copy_rank = pltpu.make_async_copy(rank_hbm, rank_v, sem0)
    copy_rank.start()
    copy_h = pltpu.make_async_copy(h_hbm, h_v, semh)
    copy_h.start()
    copy_rank.wait()
    t0 = jnp.zeros((16,), jnp.int32)
    t1 = jnp.zeros((16,), jnp.int32)
    r0 = 2 * wid + 1
    r1 = 2 * wid + 2
    for r in range(_R):
        for k in range(_C // 16):
            v = rank_v[r, pl.ds(k * 16, 16)]
            fidx = iota16 + (r * _C + k * 16)
            t0 = t0 + jnp.where(v == r0, fidx, 0)
            t1 = t1 + jnp.where(v == r1, fidx, 0)
    c0 = jnp.sum(t0)
    c1 = jnp.sum(t1)
    cid16 = jnp.where(iota16 == 0, c0, c1)

    pltpu.async_copy(vmap_hbm.at[cid16], ids2d, sem0).wait()
    copy_h.wait()

    def chunk_ids(t):
        p = iota16 + t * CHUNK
        return plsc.load_gather(ids2d, [p // CLUSTER_SIZE, p % CLUSTER_SIZE])

    def start(t, buf, sem):
        pltpu.make_async_copy(w_hbm.at[chunk_ids(t)], buf, sem).start()

    def wait_for(t, buf, sem):
        pltpu.make_async_copy(w_hbm.at[chunk_ids(t)], buf, sem).wait()

    def compute(t, buf):
        def dbody(dc, accs):
            h16 = h_v[pl.ds(dc * 16, 16)]
            return tuple(
                accs[r] + buf[r, pl.ds(dc * 16, 16)] * h16
                for r in range(CHUNK))

        accs = lax.fori_loop(
            0, D_MODEL // 16, dbody,
            tuple(jnp.zeros((16,), jnp.float32) for _ in range(CHUNK)),
            unroll=4)
        res = jnp.zeros((16,), jnp.float32)
        for r in range(CHUNK):
            res = jnp.where(iota16 == r, jnp.sum(accs[r]), res)
        logits_v[pl.ds(t * CHUNK, CHUNK)] = res
        ids_v[pl.ds(t * CHUNK, CHUNK)] = chunk_ids(t)

    bufs = (buf0, buf1, buf2)
    sems = (sem0, sem1, sem2)
    start(0, buf0, sem0)
    start(1, buf1, sem1)

    def triple(k, carry):
        for j in range(3):
            t = 3 * k + j
            nxt = (j + 2) % 3

            @pl.when(t + 2 < N_CHUNKS)
            def _():
                start(t + 2, bufs[nxt], sems[nxt])

            @pl.when(t < N_CHUNKS)
            def _():
                wait_for(t, bufs[j], sems[j])
                compute(t, bufs[j])
        return carry

    lax.fori_loop(0, (N_CHUNKS + 2) // 3, triple, 0)
    pltpu.sync_copy(logits_v, out_hbm.at[wid])
    pltpu.sync_copy(ids_v, ids_hbm.at[wid])


@functools.lru_cache(maxsize=1)
def _build_logits_sc():
    mesh = plsc.VectorSubcoreMesh(core_axis_name="c", subcore_axis_name="s")
    return pl.kernel(
        _logits_sc_body,
        mesh=mesh,
        out_type=(jax.ShapeDtypeStruct((NW, BPW), jnp.float32),
                  jax.ShapeDtypeStruct((NW, BPW), jnp.int32)),
        scratch_types=[
            pltpu.VMEM((_R, _C), jnp.int32),
            pltpu.VMEM((D_MODEL,), jnp.float32),
            pltpu.VMEM((CHUNK, CS_MAP), jnp.int32),
            pltpu.VMEM((CHUNK, D_MODEL), jnp.float32),
            pltpu.VMEM((CHUNK, D_MODEL), jnp.float32),
            pltpu.VMEM((CHUNK, D_MODEL), jnp.float32),
            pltpu.VMEM((BPW,), jnp.float32),
            pltpu.VMEM((BPW,), jnp.int32),
            pltpu.SemaphoreType.DMA,
            pltpu.SemaphoreType.DMA,
            pltpu.SemaphoreType.DMA,
            pltpu.SemaphoreType.DMA,
        ],
        compiler_params=pltpu.CompilerParams(needs_layout_passes=False),
    )


def kernel(hidden_states, lm_head_weight, centroids, vocab_maps_tensor):
    h2d = hidden_states.reshape(1, D_MODEL)
    rank8, vmap_pad = pl.pallas_call(
        _select_body,
        out_shape=(jax.ShapeDtypeStruct((_R, _C), jnp.int32),
                   jax.ShapeDtypeStruct((N_CLUSTERS, CS_MAP), jnp.int32)),
    )(h2d, centroids, vocab_maps_tensor)

    logits, ids = _build_logits_sc()(
        lm_head_weight, vmap_pad, rank8, hidden_states.reshape(D_MODEL))

    out = pl.pallas_call(
        _argmax_body,
        out_shape=jax.ShapeDtypeStruct((1, 1), jnp.int32),
    )(logits, ids)
    return out

# --- scband reference (transcript-rebuilt; emitter-appended) ---
"""Pipeline reference for scband-flash-head-1975684956889 (READ-ONLY COPY).

The authoritative reference and input builder live on the scoring server;
editing this copy changes nothing except your own understanding.
"""

import jax, jax.numpy as jnp
import numpy as np

D_MODEL = 2048
N_CLUSTERS = 1024
CLUSTER_SIZE = 100
VOCAB = 100000
N_PROBES = 64


def setup_inputs(seed: int = 0) -> dict:
    key = jax.random.key(seed)
    k1, k2, k3, k4 = jax.random.split(key, 4)
    hidden_states = jax.random.normal(k1, (1, 1, D_MODEL), dtype=jnp.float32)
    lm_head_weight = jax.random.normal(k2, (VOCAB, D_MODEL), dtype=jnp.float32) * 0.02
    centroids = jax.random.normal(k3, (D_MODEL, N_CLUSTERS), dtype=jnp.float32)
    vocab_maps_tensor = jax.random.randint(k4, (N_CLUSTERS, CLUSTER_SIZE), 0, VOCAB).astype(jnp.int32)
    return {
        'hidden_states': hidden_states,
        'lm_head_weight': lm_head_weight,
        'centroids': centroids,
        'vocab_maps_tensor': vocab_maps_tensor,
    }


def reference(hidden_states, lm_head_weight, centroids, vocab_maps_tensor):
    # pre_normalized_centroids: normalize each centroid column (dim=0), then transpose
    pre_norm = centroids / jnp.linalg.norm(centroids, axis=0, keepdims=True)  # [D, C]
    # cluster_linear(hidden) == hidden @ pre_norm (weight is pre_norm.T applied as x W^T)
    sims = jnp.einsum('btd,dc->btc', hidden_states, pre_norm)  # [1, 1, C]
    _, top = jax.lax.top_k(sims, N_PROBES)  # [1, 1, n_probes]
    # T == 1 greedy path: cluster_indices = top[0, 0]
    cluster_indices = top[0, 0]  # [n_probes]
    maps = jnp.take(vocab_maps_tensor, cluster_indices, axis=0)  # [n_probes, cluster_size]
    indices = maps.reshape(-1)  # [n_probes * cluster_size]
    # no special tokens, no tiebreak sort -> use indices as-is
    gathered = jnp.take(lm_head_weight, indices, axis=0)  # [n_sel, D]
    logits = jnp.einsum('btd,nd->btn', hidden_states, gathered)  # [1, 1, n_sel]
    cluster_token_idx = jnp.argmax(logits, axis=-1, keepdims=True)  # [1, 1, 1]
    vocab_index = indices[cluster_token_idx]  # [1, 1, 1]
    return vocab_index[0]

if __name__ == "__main__":
    import jax
    _d = setup_inputs()
    print(jax.jit(kernel)(*tuple(_d.values())))

</pallas_src>

<mosaic_0001>
#map = affine_map<(d0, d1) -> (0, 0)>
#map1 = affine_map<(d0, d1) -> (0)>
module attributes {stable_mosaic.version = 14 : i64} {
  func.func @_logits_sc_body(%arg0: i32, %arg1: i32, %arg2: memref<100000x2048xf32, #tpu.memory_space<hbm>>, %arg3: memref<1024x128xi32, #tpu.memory_space<hbm>>, %arg4: memref<8x128xi32, #tpu.memory_space<hbm>>, %arg5: memref<2048xf32, #tpu.memory_space<hbm>>, %arg6: memref<32x208xf32, #tpu.memory_space<hbm>>, %arg7: memref<32x208xi32, #tpu.memory_space<hbm>>, %arg8: memref<8x128xi32, #tpu.memory_space<vmem>>, %arg9: memref<2048xf32, #tpu.memory_space<vmem>>, %arg10: memref<16x128xi32, #tpu.memory_space<vmem>>, %arg11: memref<16x2048xf32, #tpu.memory_space<vmem>>, %arg12: memref<16x2048xf32, #tpu.memory_space<vmem>>, %arg13: memref<16x2048xf32, #tpu.memory_space<vmem>>, %arg14: memref<208xf32, #tpu.memory_space<vmem>>, %arg15: memref<208xi32, #tpu.memory_space<vmem>>, %arg16: memref<!tpu.dma_semaphore, #tpu.memory_space<semaphore_mem>>, %arg17: memref<!tpu.dma_semaphore, #tpu.memory_space<semaphore_mem>>, %arg18: memref<!tpu.dma_semaphore, #tpu.memory_space<semaphore_mem>>, %arg19: memref<!tpu.dma_semaphore, #tpu.memory_space<semaphore_mem>>) attributes {dimension_semantics = [#tpu.dimension_semantics<core_parallel>, #tpu.dimension_semantics<subcore_parallel>], iteration_bounds = array<i64: 2, 16>, scalar_prefetch = 0 : i64, scratch_operands = 12 : i64, tpu.core_type = #tpu.core_type<sc_vector_subcore>, window_params = [{transform_indices = #map}, {transform_indices = #map}, {transform_indices = #map}, {transform_indices = #map1}, {transform_indices = #map}, {transform_indices = #map}]} {
    %mul3A = arith.constant 2 : i32
    %mul3A_0 = arith.muli %arg1, %mul3A : i32
    %add3A = arith.addi %mul3A_0, %arg0 : i32
    %iota3A = tpu.iota {dimensions = array<i32: 0>} : vector<16xi32>
    tpu.enqueue_dma source(%arg4 : memref<8x128xi32, #tpu.memory_space<hbm>>) target(%arg8 : memref<8x128xi32, #tpu.memory_space<vmem>>) target_semaphore(%arg16 : memref<!tpu.dma_semaphore, #tpu.memory_space<semaphore_mem>>)
    tpu.enqueue_dma source(%arg5 : memref<2048xf32, #tpu.memory_space<hbm>>) target(%arg9 : memref<2048xf32, #tpu.memory_space<vmem>>) target_semaphore(%arg19 : memref<!tpu.dma_semaphore, #tpu.memory_space<semaphore_mem>>)
    tpu.wait_dma2 semaphore(%arg16 : memref<!tpu.dma_semaphore, #tpu.memory_space<semaphore_mem>>) src(%arg4 : memref<8x128xi32, #tpu.memory_space<hbm>>) dst(%arg8 : memref<8x128xi32, #tpu.memory_space<vmem>>)
    %broadcast_in_dim3A = arith.constant 0 : i32
    %broadcast_in_dim3A_1 = vector.broadcast %broadcast_in_dim3A : i32 to vector<16xi32>
    %broadcast_in_dim3A_2 = arith.constant 0 : i32
    %broadcast_in_dim3A_3 = vector.broadcast %broadcast_in_dim3A_2 : i32 to vector<16xi32>
    %mul3A_4 = arith.constant 2 : i32
    %mul3A_5 = arith.muli %mul3A_4, %add3A : i32
    %add3A_6 = arith.constant 1 : i32
    %add3A_7 = arith.addi %mul3A_5, %add3A_6 : i32
    %mul3A_8 = arith.constant 2 : i32
    %mul3A_9 = arith.muli %mul3A_8, %add3A : i32
    %add3A_10 = arith.constant 2 : i32
    %add3A_11 = arith.addi %mul3A_9, %add3A_10 : i32
    %get3A = arith.constant 0 : i32
    %get3A_12 = arith.index_cast %get3A : i32 to index
    %get3A_13 = arith.constant 0 : index
    %get3A_14 = tpu.vector_load %arg8[%get3A_12, %get3A_13] {strides = array<i32>} : memref<8x128xi32, #tpu.memory_space<vmem>>, vector<16xi32>,
    %add3A_15 = arith.constant 0 : i32
    %add3A_16 = vector.broadcast %add3A_15 : i32 to vector<16xi32>
    %add3A_17 = arith.addi %iota3A, %add3A_16 : vector<16xi32>
    %eq3A = vector.broadcast %add3A_7 : i32 to vector<16xi32>
    %eq3A_18 = arith.cmpi eq, %get3A_14, %eq3A : vector<16xi32>
    %jit3A = arith.constant 0 : i32
    %broadcast_in_dim3A_19 = vector.broadcast %jit3A : i32 to vector<16xi32>
    %select_n3A = arith.select %eq3A_18, %add3A_17, %broadcast_in_dim3A_19 : vector<16xi1>, vector<16xi32>
    %add3A_20 = arith.addi %broadcast_in_dim3A_1, %select_n3A : vector<16xi32>
    %eq3A_21 = vector.broadcast %add3A_11 : i32 to vector<16xi32>
    %eq3A_22 = arith.cmpi eq, %get3A_14, %eq3A_21 : vector<16xi32>
    %jit3A_23 = arith.constant 0 : i32
    %broadcast_in_dim3A_24 = vector.broadcast %jit3A_23 : i32 to vector<16xi32>
    %select_n3A_25 = arith.select %eq3A_22, %add3A_17, %broadcast_in_dim3A_24 : vector<16xi1>, vector<16xi32>
    %add3A_26 = arith.addi %broadcast_in_dim3A_3, %select_n3A_25 : vector<16xi32>
    %get3A_27 = arith.constant 0 : i32
    %get3A_28 = arith.index_cast %get3A_27 : i32 to index
    %get3A_29 = arith.constant 16 : index
    %get3A_30 = tpu.vector_load %arg8[%get3A_28, %get3A_29] {strides = array<i32>} : memref<8x128xi32, #tpu.memory_space<vmem>>, vector<16xi32>,
    %add3A_31 = arith.constant 16 : i32
    %add3A_32 = vector.broadcast %add3A_31 : i32 to vector<16xi32>
    %add3A_33 = arith.addi %iota3A, %add3A_32 : vector<16xi32>
    %eq3A_34 = vector.broadcast %add3A_7 : i32 to vector<16xi32>
    %eq3A_35 = arith.cmpi eq, %get3A_30, %eq3A_34 : vector<16xi32>
    %jit3A_36 = arith.constant 0 : i32
    %broadcast_in_dim3A_37 = vector.broadcast %jit3A_36 : i32 to vector<16xi32>
    %select_n3A_38 = arith.select %eq3A_35, %add3A_33, %broadcast_in_dim3A_37 : vector<16xi1>, vector<16xi32>
    %add3A_39 = arith.addi %add3A_20, %select_n3A_38 : vector<16xi32>
    %eq3A_40 = vector.broadcast %add3A_11 : i32 to vector<16xi32>
    %eq3A_41 = arith.cmpi eq, %get3A_30, %eq3A_40 : vector<16xi32>
    %jit3A_42 = arith.constant 0 : i32
    %broadcast_in_dim3A_43 = vector.broadcast %jit3A_42 : i32 to vector<16xi32>
    %select_n3A_44 = arith.select %eq3A_41, %add3A_33, %broadcast_in_dim3A_43 : vector<16xi1>, vector<16xi32>
    %add3A_45 = arith.addi %add3A_26, %select_n3A_44 : vector<16xi32>
    %get3A_46 = arith.constant 0 : i32
    %get3A_47 = arith.index_cast %get3A_46 : i32 to index
    %get3A_48 = arith.constant 32 : index
    %get3A_49 = tpu.vector_load %arg8[%get3A_47, %get3A_48] {strides = array<i32>} : memref<8x128xi32, #tpu.memory_space<vmem>>, vector<16xi32>,
    %add3A_50 = arith.constant 32 : i32
    %add3A_51 = vector.broadcast %add3A_50 : i32 to vector<16xi32>
    %add3A_52 = arith.addi %iota3A, %add3A_51 : vector<16xi32>
    %eq3A_53 = vector.broadcast %add3A_7 : i32 to vector<16xi32>
    %eq3A_54 = arith.cmpi eq, %get3A_49, %eq3A_53 : vector<16xi32>
    %jit3A_55 = arith.constant 0 : i32
    %broadcast_in_dim3A_56 = vector.broadcast %jit3A_55 : i32 to vector<16xi32>
    %select_n3A_57 = arith.select %eq3A_54, %add3A_52, %broadcast_in_dim3A_56 : vector<16xi1>, vector<16xi32>
    %add3A_58 = arith.addi %add3A_39, %select_n3A_57 : vector<16xi32>
    %eq3A_59 = vector.broadcast %add3A_11 : i32 to vector<16xi32>
    %eq3A_60 = arith.cmpi eq, %get3A_49, %eq3A_59 : vector<16xi32>
    %jit3A_61 = arith.constant 0 : i32
    %broadcast_in_dim3A_62 = vector.broadcast %jit3A_61 : i32 to vector<16xi32>
    %select_n3A_63 = arith.select %eq3A_60, %add3A_52, %broadcast_in_dim3A_62 : vector<16xi1>, vector<16xi32>
    %add3A_64 = arith.addi %add3A_45, %select_n3A_63 : vector<16xi32>
    %get3A_65 = arith.constant 0 : i32
    %get3A_66 = arith.index_cast %get3A_65 : i32 to index
    %get3A_67 = arith.constant 48 : index
    %get3A_68 = tpu.vector_load %arg8[%get3A_66, %get3A_67] {strides = array<i32>} : memref<8x128xi32, #tpu.memory_space<vmem>>, vector<16xi32>,
    %add3A_69 = arith.constant 48 : i32
    %add3A_70 = vector.broadcast %add3A_69 : i32 to vector<16xi32>
    %add3A_71 = arith.addi %iota3A, %add3A_70 : vector<16xi32>
    %eq3A_72 = vector.broadcast %add3A_7 : i32 to vector<16xi32>
    %eq3A_73 = arith.cmpi eq, %get3A_68, %eq3A_72 : vector<16xi32>
    %jit3A_74 = arith.constant 0 : i32
    %broadcast_in_dim3A_75 = vector.broadcast %jit3A_74 : i32 to vector<16xi32>
    %select_n3A_76 = arith.select %eq3A_73, %add3A_71, %broadcast_in_dim3A_75 : vector<16xi1>, vector<16xi32>
    %add3A_77 = arith.addi %add3A_58, %select_n3A_76 : vector<16xi32>
    %eq3A_78 = vector.broadcast %add3A_11 : i32 to vector<16xi32>
    %eq3A_79 = arith.cmpi eq, %get3A_68, %eq3A_78 : vector<16xi32>
    %jit3A_80 = arith.constant 0 : i32
    %broadcast_in_dim3A_81 = vector.broadcast %jit3A_80 : i32 to vector<16xi32>
    %select_n3A_82 = arith.select %eq3A_79, %add3A_71, %broadcast_in_dim3A_81 : vector<16xi1>, vector<16xi32>
    %add3A_83 = arith.addi %add3A_64, %select_n3A_82 : vector<16xi32>
    %get3A_84 = arith.constant 0 : i32
    %get3A_85 = arith.index_cast %get3A_84 : i32 to index
    %get3A_86 = arith.constant 64 : index
    %get3A_87 = tpu.vector_load %arg8[%get3A_85, %get3A_86] {strides = array<i32>} : memref<8x128xi32, #tpu.memory_space<vmem>>, vector<16xi32>,
    %add3A_88 = arith.constant 64 : i32
    %add3A_89 = vector.broadcast %add3A_88 : i32 to vector<16xi32>
    %add3A_90 = arith.addi %iota3A, %add3A_89 : vector<16xi32>
    %eq3A_91 = vector.broadcast %add3A_7 : i32 to vector<16xi32>
    %eq3A_92 = arith.cmpi eq, %get3A_87, %eq3A_91 : vector<16xi32>
    %jit3A_93 = arith.constant 0 : i32
    %broadcast_in_dim3A_94 = vector.broadcast %jit3A_93 : i32 to vector<16xi32>
    %select_n3A_95 = arith.select %eq3A_92, %add3A_90, %broadcast_in_dim3A_94 : vector<16xi1>, vector<16xi32>
    %add3A_96 = arith.addi %add3A_77, %select_n3A_95 : vector<16xi32>
    %eq3A_97 = vector.broadcast %add3A_11 : i32 to vector<16xi32>
    %eq3A_98 = arith.cmpi eq, %get3A_87, %eq3A_97 : vector<16xi32>
    %jit3A_99 = arith.constant 0 : i32
    %broadcast_in_dim3A_100 = vector.broadcast %jit3A_99 : i32 to vector<16xi32>
    %select_n3A_101 = arith.select %eq3A_98, %add3A_90, %broadcast_in_dim3A_100 : vector<16xi1>, vector<16xi32>
    %add3A_102 = arith.addi %add3A_83, %select_n3A_101 : vector<16xi32>
    %get3A_103 = arith.constant 0 : i32
    %get3A_104 = arith.index_cast %get3A_103 : i32 to index
    %get3A_105 = arith.constant 80 : index
    %get3A_106 = tpu.vector_load %arg8[%get3A_104, %get3A_105] {strides = array<i32>} : memref<8x128xi32, #tpu.memory_space<vmem>>, vector<16xi32>,
    %add3A_107 = arith.constant 80 : i32
    %add3A_108 = vector.broadcast %add3A_107 : i32 to vector<16xi32>
    %add3A_109 = arith.addi %iota3A, %add3A_108 : vector<16xi32>
    %eq3A_110 = vector.broadcast %add3A_7 : i32 to vector<16xi32>
    %eq3A_111 = arith.cmpi eq, %get3A_106, %eq3A_110 : vector<16xi32>
    %jit3A_112 = arith.constant 0 : i32
    %broadcast_in_dim3A_113 = vector.broadcast %jit3A_112 : i32 to vector<16xi32>
    %select_n3A_114 = arith.select %eq3A_111, %add3A_109, %broadcast_in_dim3A_113 : vector<16xi1>, vector<16xi32>
    %add3A_115 = arith.addi %add3A_96, %select_n3A_114 : vector<16xi32>
    %eq3A_116 = vector.broadcast %add3A_11 : i32 to vector<16xi32>
    %eq3A_117 = arith.cmpi eq, %get3A_106, %eq3A_116 : vector<16xi32>
    %jit3A_118 = arith.constant 0 : i32
    %broadcast_in_dim3A_119 = vector.broadcast %jit3A_118 : i32 to vector<16xi32>
    %select_n3A_120 = arith.select %eq3A_117, %add3A_109, %broadcast_in_dim3A_119 : vector<16xi1>, vector<16xi32>
    %add3A_121 = arith.addi %add3A_102, %select_n3A_120 : vector<16xi32>
    %get3A_122 = arith.constant 0 : i32
    %get3A_123 = arith.index_cast %get3A_122 : i32 to index
    %get3A_124 = arith.constant 96 : index
    %get3A_125 = tpu.vector_load %arg8[%get3A_123, %get3A_124] {strides = array<i32>} : memref<8x128xi32, #tpu.memory_space<vmem>>, vector<16xi32>,
    %add3A_126 = arith.constant 96 : i32
    %add3A_127 = vector.broadcast %add3A_126 : i32 to vector<16xi32>
    %add3A_128 = arith.addi %iota3A, %add3A_127 : vector<16xi32>
    %eq3A_129 = vector.broadcast %add3A_7 : i32 to vector<16xi32>
    %eq3A_130 = arith.cmpi eq, %get3A_125, %eq3A_129 : vector<16xi32>
    %jit3A_131 = arith.constant 0 : i32
    %broadcast_in_dim3A_132 = vector.broadcast %jit3A_131 : i32 to vector<16xi32>
    %select_n3A_133 = arith.select %eq3A_130, %add3A_128, %broadcast_in_dim3A_132 : vector<16xi1>, vector<16xi32>
    %add3A_134 = arith.addi %add3A_115, %select_n3A_133 : vector<16xi32>
    %eq3A_135 = vector.broadcast %add3A_11 : i32 to vector<16xi32>
    %eq3A_136 = arith.cmpi eq, %get3A_125, %eq3A_135 : vector<16xi32>
    %jit3A_137 = arith.constant 0 : i32
    %broadcast_in_dim3A_138 = vector.broadcast %jit3A_137 : i32 to vector<16xi32>
    %select_n3A_139 = arith.select %eq3A_136, %add3A_128, %broadcast_in_dim3A_138 : vector<16xi1>, vector<16xi32>
    %add3A_140 = arith.addi %add3A_121, %select_n3A_139 : vector<16xi32>
    %get3A_141 = arith.constant 0 : i32
    %get3A_142 = arith.index_cast %get3A_141 : i32 to index
    %get3A_143 = arith.constant 112 : index
    %get3A_144 = tpu.vector_load %arg8[%get3A_142, %get3A_143] {strides = array<i32>} : memref<8x128xi32, #tpu.memory_space<vmem>>, vector<16xi32>,
    %add3A_145 = arith.constant 112 : i32
    %add3A_146 = vector.broadcast %add3A_145 : i32 to vector<16xi32>
    %add3A_147 = arith.addi %iota3A, %add3A_146 : vector<16xi32>
    %eq3A_148 = vector.broadcast %add3A_7 : i32 to vector<16xi32>
    %eq3A_149 = arith.cmpi eq, %get3A_144, %eq3A_148 : vector<16xi32>
    %jit3A_150 = arith.constant 0 : i32
    %broadcast_in_dim3A_151 = vector.broadcast %jit3A_150 : i32 to vector<16xi32>
    %select_n3A_152 = arith.select %eq3A_149, %add3A_147, %broadcast_in_dim3A_151 : vector<16xi1>, vector<16xi32>
    %add3A_153 = arith.addi %add3A_134, %select_n3A_152 : vector<16xi32>
    %eq3A_154 = vector.broadcast %add3A_11 : i32 to vector<16xi32>
    %eq3A_155 = arith.cmpi eq, %get3A_144, %eq3A_154 : vector<16xi32>
    %jit3A_156 = arith.constant 0 : i32
    %broadcast_in_dim3A_157 = vector.broadcast %jit3A_156 : i32 to vector<16xi32>
    %select_n3A_158 = arith.select %eq3A_155, %add3A_147, %broadcast_in_dim3A_157 : vector<16xi1>, vector<16xi32>
    %add3A_159 = arith.addi %add3A_140, %select_n3A_158 : vector<16xi32>
    %get3A_160 = arith.constant 1 : i32
    %get3A_161 = arith.index_cast %get3A_160 : i32 to index
    %get3A_162 = arith.constant 0 : index
    %get3A_163 = tpu.vector_load %arg8[%get3A_161, %get3A_162] {strides = array<i32>} : memref<8x128xi32, #tpu.memory_space<vmem>>, vector<16xi32>,
    %add3A_164 = arith.constant 128 : i32
    %add3A_165 = vector.broadcast %add3A_164 : i32 to vector<16xi32>
    %add3A_166 = arith.addi %iota3A, %add3A_165 : vector<16xi32>
    %eq3A_167 = vector.broadcast %add3A_7 : i32 to vector<16xi32>
    %eq3A_168 = arith.cmpi eq, %get3A_163, %eq3A_167 : vector<16xi32>
    %jit3A_169 = arith.constant 0 : i32
    %broadcast_in_dim3A_170 = vector.broadcast %jit3A_169 : i32 to vector<16xi32>
    %select_n3A_171 = arith.select %eq3A_168, %add3A_166, %broadcast_in_dim3A_170 : vector<16xi1>, vector<16xi32>
    %add3A_172 = arith.addi %add3A_153, %select_n3A_171 : vector<16xi32>
    %eq3A_173 = vector.broadcast %add3A_11 : i32 to vector<16xi32>
    %eq3A_174 = arith.cmpi eq, %get3A_163, %eq3A_173 : vector<16xi32>
    %jit3A_175 = arith.constant 0 : i32
    %broadcast_in_dim3A_176 = vector.broadcast %jit3A_175 : i32 to vector<16xi32>
    %select_n3A_177 = arith.select %eq3A_174, %add3A_166, %broadcast_in_dim3A_176 : vector<16xi1>, vector<16xi32>
    %add3A_178 = arith.addi %add3A_159, %select_n3A_177 : vector<16xi32>
    %get3A_179 = arith.constant 1 : i32
    %get3A_180 = arith.index_cast %get3A_179 : i32 to index
    %get3A_181 = arith.constant 16 : index
    %get3A_182 = tpu.vector_load %arg8[%get3A_180, %get3A_181] {strides = array<i32>} : memref<8x128xi32, #tpu.memory_space<vmem>>, vector<16xi32>,
    %add3A_183 = arith.constant 144 : i32
    %add3A_184 = vector.broadcast %add3A_183 : i32 to vector<16xi32>
    %add3A_185 = arith.addi %iota3A, %add3A_184 : vector<16xi32>
    %eq3A_186 = vector.broadcast %add3A_7 : i32 to vector<16xi32>
    %eq3A_187 = arith.cmpi eq, %get3A_182, %eq3A_186 : vector<16xi32>
    %jit3A_188 = arith.constant 0 : i32
    %broadcast_in_dim3A_189 = vector.broadcast %jit3A_188 : i32 to vector<16xi32>
    %select_n3A_190 = arith.select %eq3A_187, %add3A_185, %broadcast_in_dim3A_189 : vector<16xi1>, vector<16xi32>
    %add3A_191 = arith.addi %add3A_172, %select_n3A_190 : vector<16xi32>
    %eq3A_192 = vector.broadcast %add3A_11 : i32 to vector<16xi32>
    %eq3A_193 = arith.cmpi eq, %get3A_182, %eq3A_192 : vector<16xi32>
    %jit3A_194 = arith.constant 0 : i32
    %broadcast_in_dim3A_195 = vector.broadcast %jit3A_194 : i32 to vector<16xi32>
    %select_n3A_196 = arith.select %eq3A_193, %add3A_185, %broadcast_in_dim3A_195 : vector<16xi1>, vector<16xi32>
    %add3A_197 = arith.addi %add3A_178, %select_n3A_196 : vector<16xi32>
    %get3A_198 = arith.constant 1 : i32
    %get3A_199 = arith.index_cast %get3A_198 : i32 to index
    %get3A_200 = arith.constant 32 : index
    %get3A_201 = tpu.vector_load %arg8[%get3A_199, %get3A_200] {strides = array<i32>} : memref<8x128xi32, #tpu.memory_space<vmem>>, vector<16xi32>,
    %add3A_202 = arith.constant 160 : i32
    %add3A_203 = vector.broadcast %add3A_202 : i32 to vector<16xi32>
    %add3A_204 = arith.addi %iota3A, %add3A_203 : vector<16xi32>
    %eq3A_205 = vector.broadcast %add3A_7 : i32 to vector<16xi32>
    %eq3A_206 = arith.cmpi eq, %get3A_201, %eq3A_205 : vector<16xi32>
    %jit3A_207 = arith.constant 0 : i32
    %broadcast_in_dim3A_208 = vector.broadcast %jit3A_207 : i32 to vector<16xi32>
    %select_n3A_209 = arith.select %eq3A_206, %add3A_204, %broadcast_in_dim3A_208 : vector<16xi1>, vector<16xi32>
    %add3A_210 = arith.addi %add3A_191, %select_n3A_209 : vector<16xi32>
    %eq3A_211 = vector.broadcast %add3A_11 : i32 to vector<16xi32>
    %eq3A_212 = arith.cmpi eq, %get3A_201, %eq3A_211 : vector<16xi32>
    %jit3A_213 = arith.constant 0 : i32
    %broadcast_in_dim3A_214 = vector.broadcast %jit3A_213 : i32 to vector<16xi32>
    %select_n3A_215 = arith.select %eq3A_212, %add3A_204, %broadcast_in_dim3A_214 : vector<16xi1>, vector<16xi32>
    %add3A_216 = arith.addi %add3A_197, %select_n3A_215 : vector<16xi32>
    %get3A_217 = arith.constant 1 : i32
    %get3A_218 = arith.index_cast %get3A_217 : i32 to index
    %get3A_219 = arith.constant 48 : index
    %get3A_220 = tpu.vector_load %arg8[%get3A_218, %get3A_219] {strides = array<i32>} : memref<8x128xi32, #tpu.memory_space<vmem>>, vector<16xi32>,
    %add3A_221 = arith.constant 176 : i32
    %add3A_222 = vector.broadcast %add3A_221 : i32 to vector<16xi32>
    %add3A_223 = arith.addi %iota3A, %add3A_222 : vector<16xi32>
    %eq3A_224 = vector.broadcast %add3A_7 : i32 to vector<16xi32>
    %eq3A_225 = arith.cmpi eq, %get3A_220, %eq3A_224 : vector<16xi32>
    %jit3A_226 = arith.constant 0 : i32
    %broadcast_in_dim3A_227 = vector.broadcast %jit3A_226 : i32 to vector<16xi32>
    %select_n3A_228 = arith.select %eq3A_225, %add3A_223, %broadcast_in_dim3A_227 : vector<16xi1>, vector<16xi32>
    %add3A_229 = arith.addi %add3A_210, %select_n3A_228 : vector<16xi32>
    %eq3A_230 = vector.broadcast %add3A_11 : i32 to vector<16xi32>
    %eq3A_231 = arith.cmpi eq, %get3A_220, %eq3A_230 : vector<16xi32>
    %jit3A_232 = arith.constant 0 : i32
    %broadcast_in_dim3A_233 = vector.broadcast %jit3A_232 : i32 to vector<16xi32>
    %select_n3A_234 = arith.select %eq3A_231, %add3A_223, %broadcast_in_dim3A_233 : vector<16xi1>, vector<16xi32>
    %add3A_235 = arith.addi %add3A_216, %select_n3A_234 : vector<16xi32>
    %get3A_236 = arith.constant 1 : i32
    %get3A_237 = arith.index_cast %get3A_236 : i32 to index
    %get3A_238 = arith.constant 64 : index
    %get3A_239 = tpu.vector_load %arg8[%get3A_237, %get3A_238] {strides = array<i32>} : memref<8x128xi32, #tpu.memory_space<vmem>>, vector<16xi32>,
    %add3A_240 = arith.constant 192 : i32
    %add3A_241 = vector.broadcast %add3A_240 : i32 to vector<16xi32>
    %add3A_242 = arith.addi %iota3A, %add3A_241 : vector<16xi32>
    %eq3A_243 = vector.broadcast %add3A_7 : i32 to vector<16xi32>
    %eq3A_244 = arith.cmpi eq, %get3A_239, %eq3A_243 : vector<16xi32>
    %jit3A_245 = arith.constant 0 : i32
    %broadcast_in_dim3A_246 = vector.broadcast %jit3A_245 : i32 to vector<16xi32>
    %select_n3A_247 = arith.select %eq3A_244, %add3A_242, %broadcast_in_dim3A_246 : vector<16xi1>, vector<16xi32>
    %add3A_248 = arith.addi %add3A_229, %select_n3A_247 : vector<16xi32>
    %eq3A_249 = vector.broadcast %add3A_11 : i32 to vector<16xi32>
    %eq3A_250 = arith.cmpi eq, %get3A_239, %eq3A_249 : vector<16xi32>
    %jit3A_251 = arith.constant 0 : i32
    %broadcast_in_dim3A_252 = vector.broadcast %jit3A_251 : i32 to vector<16xi32>
    %select_n3A_253 = arith.select %eq3A_250, %add3A_242, %broadcast_in_dim3A_252 : vector<16xi1>, vector<16xi32>
    %add3A_254 = arith.addi %add3A_235, %select_n3A_253 : vector<16xi32>
    %get3A_255 = arith.constant 1 : i32
    %get3A_256 = arith.index_cast %get3A_255 : i32 to index
    %get3A_257 = arith.constant 80 : index
    %get3A_258 = tpu.vector_load %arg8[%get3A_256, %get3A_257] {strides = array<i32>} : memref<8x128xi32, #tpu.memory_space<vmem>>, vector<16xi32>,
    %add3A_259 = arith.constant 208 : i32
    %add3A_260 = vector.broadcast %add3A_259 : i32 to vector<16xi32>
    %add3A_261 = arith.addi %iota3A, %add3A_260 : vector<16xi32>
    %eq3A_262 = vector.broadcast %add3A_7 : i32 to vector<16xi32>
    %eq3A_263 = arith.cmpi eq, %get3A_258, %eq3A_262 : vector<16xi32>
    %jit3A_264 = arith.constant 0 : i32
    %broadcast_in_dim3A_265 = vector.broadcast %jit3A_264 : i32 to vector<16xi32>
    %select_n3A_266 = arith.select %eq3A_263, %add3A_261, %broadcast_in_dim3A_265 : vector<16xi1>, vector<16xi32>
    %add3A_267 = arith.addi %add3A_248, %select_n3A_266 : vector<16xi32>
    %eq3A_268 = vector.broadcast %add3A_11 : i32 to vector<16xi32>
    %eq3A_269 = arith.cmpi eq, %get3A_258, %eq3A_268 : vector<16xi32>
    %jit3A_270 = arith.constant 0 : i32
    %broadcast_in_dim3A_271 = vector.broadcast %jit3A_270 : i32 to vector<16xi32>
    %select_n3A_272 = arith.select %eq3A_269, %add3A_261, %broadcast_in_dim3A_271 : vector<16xi1>, vector<16xi32>
    %add3A_273 = arith.addi %add3A_254, %select_n3A_272 : vector<16xi32>
    %get3A_274 = arith.constant 1 : i32
    %get3A_275 = arith.index_cast %get3A_274 : i32 to index
    %get3A_276 = arith.constant 96 : index
    %get3A_277 = tpu.vector_load %arg8[%get3A_275, %get3A_276] {strides = array<i32>} : memref<8x128xi32, #tpu.memory_space<vmem>>, vector<16xi32>,
    %add3A_278 = arith.constant 224 : i32
    %add3A_279 = vector.broadcast %add3A_278 : i32 to vector<16xi32>
    %add3A_280 = arith.addi %iota3A, %add3A_279 : vector<16xi32>
    %eq3A_281 = vector.broadcast %add3A_7 : i32 to vector<16xi32>
    %eq3A_282 = arith.cmpi eq, %get3A_277, %eq3A_281 : vector<16xi32>
    %jit3A_283 = arith.constant 0 : i32
    %broadcast_in_dim3A_284 = vector.broadcast %jit3A_283 : i32 to vector<16xi32>
    %select_n3A_285 = arith.select %eq3A_282, %add3A_280, %broadcast_in_dim3A_284 : vector<16xi1>, vector<16xi32>
    %add3A_286 = arith.addi %add3A_267, %select_n3A_285 : vector<16xi32>
    %eq3A_287 = vector.broadcast %add3A_11 : i32 to vector<16xi32>
    %eq3A_288 = arith.cmpi eq, %get3A_277, %eq3A_287 : vector<16xi32>
    %jit3A_289 = arith.constant 0 : i32
    %broadcast_in_dim3A_290 = vector.broadcast %jit3A_289 : i32 to vector<16xi32>
    %select_n3A_291 = arith.select %eq3A_288, %add3A_280, %broadcast_in_dim3A_290 : vector<16xi1>, vector<16xi32>
    %add3A_292 = arith.addi %add3A_273, %select_n3A_291 : vector<16xi32>
    %get3A_293 = arith.constant 1 : i32
    %get3A_294 = arith.index_cast %get3A_293 : i32 to index
    %get3A_295 = arith.constant 112 : index
    %get3A_296 = tpu.vector_load %arg8[%get3A_294, %get3A_295] {strides = array<i32>} : memref<8x128xi32, #tpu.memory_space<vmem>>, vector<16xi32>,
    %add3A_297 = arith.constant 240 : i32
    %add3A_298 = vector.broadcast %add3A_297 : i32 to vector<16xi32>
    %add3A_299 = arith.addi %iota3A, %add3A_298 : vector<16xi32>
    %eq3A_300 = vector.broadcast %add3A_7 : i32 to vector<16xi32>
    %eq3A_301 = arith.cmpi eq, %get3A_296, %eq3A_300 : vector<16xi32>
    %jit3A_302 = arith.constant 0 : i32
    %broadcast_in_dim3A_303 = vector.broadcast %jit3A_302 : i32 to vector<16xi32>
    %select_n3A_304 = arith.select %eq3A_301, %add3A_299, %broadcast_in_dim3A_303 : vector<16xi1>, vector<16xi32>
    %add3A_305 = arith.addi %add3A_286, %select_n3A_304 : vector<16xi32>
    %eq3A_306 = vector.broadcast %add3A_11 : i32 to vector<16xi32>
    %eq3A_307 = arith.cmpi eq, %get3A_296, %eq3A_306 : vector<16xi32>
    %jit3A_308 = arith.constant 0 : i32
    %broadcast_in_dim3A_309 = vector.broadcast %jit3A_308 : i32 to vector<16xi32>
    %select_n3A_310 = arith.select %eq3A_307, %add3A_299, %broadcast_in_dim3A_309 : vector<16xi1>, vector<16xi32>
    %add3A_311 = arith.addi %add3A_292, %select_n3A_310 : vector<16xi32>
    %get3A_312 = arith.constant 2 : i32
    %get3A_313 = arith.index_cast %get3A_312 : i32 to index
    %get3A_314 = arith.constant 0 : index
    %get3A_315 = tpu.vector_load %arg8[%get3A_313, %get3A_314] {strides = array<i32>} : memref<8x128xi32, #tpu.memory_space<vmem>>, vector<16xi32>,
    %add3A_316 = arith.constant 256 : i32
    %add3A_317 = vector.broadcast %add3A_316 : i32 to vector<16xi32>
    %add3A_318 = arith.addi %iota3A, %add3A_317 : vector<16xi32>
    %eq3A_319 = vector.broadcast %add3A_7 : i32 to vector<16xi32>
    %eq3A_320 = arith.cmpi eq, %get3A_315, %eq3A_319 : vector<16xi32>
    %jit3A_321 = arith.constant 0 : i32
    %broadcast_in_dim3A_322 = vector.broadcast %jit3A_321 : i32 to vector<16xi32>
    %select_n3A_323 = arith.select %eq3A_320, %add3A_318, %broadcast_in_dim3A_322 : vector<16xi1>, vector<16xi32>
    %add3A_324 = arith.addi %add3A_305, %select_n3A_323 : vector<16xi32>
    %eq3A_325 = vector.broadcast %add3A_11 : i32 to vector<16xi32>
    %eq3A_326 = arith.cmpi eq, %get3A_315, %eq3A_325 : vector<16xi32>
    %jit3A_327 = arith.constant 0 : i32
    %broadcast_in_dim3A_328 = vector.broadcast %jit3A_327 : i32 to vector<16xi32>
    %select_n3A_329 = arith.select %eq3A_326, %add3A_318, %broadcast_in_dim3A_328 : vector<16xi1>, vector<16xi32>
    %add3A_330 = arith.addi %add3A_311, %select_n3A_329 : vector<16xi32>
    %get3A_331 = arith.constant 2 : i32
    %get3A_332 = arith.index_cast %get3A_331 : i32 to index
    %get3A_333 = arith.constant 16 : index
    %get3A_334 = tpu.vector_load %arg8[%get3A_332, %get3A_333] {strides = array<i32>} : memref<8x128xi32, #tpu.memory_space<vmem>>, vector<16xi32>,
    %add3A_335 = arith.constant 272 : i32
    %add3A_336 = vector.broadcast %add3A_335 : i32 to vector<16xi32>
    %add3A_337 = arith.addi %iota3A, %add3A_336 : vector<16xi32>
    %eq3A_338 = vector.broadcast %add3A_7 : i32 to vector<16xi32>
    %eq3A_339 = arith.cmpi eq, %get3A_334, %eq3A_338 : vector<16xi32>
    %jit3A_340 = arith.constant 0 : i32
    %broadcast_in_dim3A_341 = vector.broadcast %jit3A_340 : i32 to vector<16xi32>
    %select_n3A_342 = arith.select %eq3A_339, %add3A_337, %broadcast_in_dim3A_341 : vector<16xi1>, vector<16xi32>
    %add3A_343 = arith.addi %add3A_324, %select_n3A_342 : vector<16xi32>
    %eq3A_344 = vector.broadcast %add3A_11 : i32 to vector<16xi32>
    %eq3A_345 = arith.cmpi eq, %get3A_334, %eq3A_344 : vector<16xi32>
    %jit3A_346 = arith.constant 0 : i32
    %broadcast_in_dim3A_347 = vector.broadcast %jit3A_346 : i32 to vector<16xi32>
    %select_n3A_348 = arith.select %eq3A_345, %add3A_337, %broadcast_in_dim3A_347 : vector<16xi1>, vector<16xi32>
    %add3A_349 = arith.addi %add3A_330, %select_n3A_348 : vector<16xi32>
    %get3A_350 = arith.constant 2 : i32
    %get3A_351 = arith.index_cast %get3A_350 : i32 to index
    %get3A_352 = arith.constant 32 : index
    %get3A_353 = tpu.vector_load %arg8[%get3A_351, %get3A_352] {strides = array<i32>} : memref<8x128xi32, #tpu.memory_space<vmem>>, vector<16xi32>,
    %add3A_354 = arith.constant 288 : i32
    %add3A_355 = vector.broadcast %add3A_354 : i32 to vector<16xi32>
    %add3A_356 = arith.addi %iota3A, %add3A_355 : vector<16xi32>
    %eq3A_357 = vector.broadcast %add3A_7 : i32 to vector<16xi32>
    %eq3A_358 = arith.cmpi eq, %get3A_353, %eq3A_357 : vector<16xi32>
    %jit3A_359 = arith.constant 0 : i32
    %broadcast_in_dim3A_360 = vector.broadcast %jit3A_359 : i32 to vector<16xi32>
    %select_n3A_361 = arith.select %eq3A_358, %add3A_356, %broadcast_in_dim3A_360 : vector<16xi1>, vector<16xi32>
    %add3A_362 = arith.addi %add3A_343, %select_n3A_361 : vector<16xi32>
    %eq3A_363 = vector.broadcast %add3A_11 : i32 to vector<16xi32>
    %eq3A_364 = arith.cmpi eq, %get3A_353, %eq3A_363 : vector<16xi32>
    %jit3A_365 = arith.constant 0 : i32
    %broadcast_in_dim3A_366 = vector.broadcast %jit3A_365 : i32 to vector<16xi32>
    %select_n3A_367 = arith.select %eq3A_364, %add3A_356, %broadcast_in_dim3A_366 : vector<16xi1>, vector<16xi32>
    %add3A_368 = arith.addi %add3A_349, %select_n3A_367 : vector<16xi32>
    %get3A_369 = arith.constant 2 : i32
    %get3A_370 = arith.index_cast %get3A_369 : i32 to index
    %get3A_371 = arith.constant 48 : index
    %get3A_372 = tpu.vector_load %arg8[%get3A_370, %get3A_371] {strides = array<i32>} : memref<8x128xi32, #tpu.memory_space<vmem>>, vector<16xi32>,
    %add3A_373 = arith.constant 304 : i32
    %add3A_374 = vector.broadcast %add3A_373 : i32 to vector<16xi32>
    %add3A_375 = arith.addi %iota3A, %add3A_374 : vector<16xi32>
    %eq3A_376 = vector.broadcast %add3A_7 : i32 to vector<16xi32>
    %eq3A_377 = arith.cmpi eq, %get3A_372, %eq3A_376 : vector<16xi32>
    %jit3A_378 = arith.constant 0 : i32
    %broadcast_in_dim3A_379 = vector.broadcast %jit3A_378 : i32 to vector<16xi32>
    %select_n3A_380 = arith.select %eq3A_377, %add3A_375, %broadcast_in_dim3A_379 : vector<16xi1>, vector<16xi32>
    %add3A_381 = arith.addi %add3A_362, %select_n3A_380 : vector<16xi32>
    %eq3A_382 = vector.broadcast %add3A_11 : i32 to vector<16xi32>
    %eq3A_383 = arith.cmpi eq, %get3A_372, %eq3A_382 : vector<16xi32>
    %jit3A_384 = arith.constant 0 : i32
    %broadcast_in_dim3A_385 = vector.broadcast %jit3A_384 : i32 to vector<16xi32>
    %select_n3A_386 = arith.select %eq3A_383, %add3A_375, %broadcast_in_dim3A_385 : vector<16xi1>, vector<16xi32>
    %add3A_387 = arith.addi %add3A_368, %select_n3A_386 : vector<16xi32>
    %get3A_388 = arith.constant 2 : i32
    %get3A_389 = arith.index_cast %get3A_388 : i32 to index
    %get3A_390 = arith.constant 64 : index
    %get3A_391 = tpu.vector_load %arg8[%get3A_389, %get3A_390] {strides = array<i32>} : memref<8x128xi32, #tpu.memory_space<vmem>>, vector<16xi32>,
    %add3A_392 = arith.constant 320 : i32
    %add3A_393 = vector.broadcast %add3A_392 : i32 to vector<16xi32>
    %add3A_394 = arith.addi %iota3A, %add3A_393 : vector<16xi32>
    %eq3A_395 = vector.broadcast %add3A_7 : i32 to vector<16xi32>
    %eq3A_396 = arith.cmpi eq, %get3A_391, %eq3A_395 : vector<16xi32>
    %jit3A_397 = arith.constant 0 : i32
    %broadcast_in_dim3A_398 = vector.broadcast %jit3A_397 : i32 to vector<16xi32>
    %select_n3A_399 = arith.select %eq3A_396, %add3A_394, %broadcast_in_dim3A_398 : vector<16xi1>, vector<16xi32>
    %add3A_400 = arith.addi %add3A_381, %select_n3A_399 : vector<16xi32>
    %eq3A_401 = vector.broadcast %add3A_11 : i32 to vector<16xi32>
    %eq3A_402 = arith.cmpi eq, %get3A_391, %eq3A_401 : vector<16xi32>
    %jit3A_403 = arith.constant 0 : i32
    %broadcast_in_dim3A_404 = vector.broadcast %jit3A_403 : i32 to vector<16xi32>
    %select_n3A_405 = arith.select %eq3A_402, %add3A_394, %broadcast_in_dim3A_404 : vector<16xi1>, vector<16xi32>
    %add3A_406 = arith.addi %add3A_387, %select_n3A_405 : vector<16xi32>
    %get3A_407 = arith.constant 2 : i32
    %get3A_408 = arith.index_cast %get3A_407 : i32 to index
    %get3A_409 = arith.constant 80 : index
    %get3A_410 = tpu.vector_load %arg8[%get3A_408, %get3A_409] {strides = array<i32>} : memref<8x128xi32, #tpu.memory_space<vmem>>, vector<16xi32>,
    %add3A_411 = arith.constant 336 : i32
    %add3A_412 = vector.broadcast %add3A_411 : i32 to vector<16xi32>
    %add3A_413 = arith.addi %iota3A, %add3A_412 : vector<16xi32>
    %eq3A_414 = vector.broadcast %add3A_7 : i32 to vector<16xi32>
    %eq3A_415 = arith.cmpi eq, %get3A_410, %eq3A_414 : vector<16xi32>
    %jit3A_416 = arith.constant 0 : i32
    %broadcast_in_dim3A_417 = vector.broadcast %jit3A_416 : i32 to vector<16xi32>
    %select_n3A_418 = arith.select %eq3A_415, %add3A_413, %broadcast_in_dim3A_417 : vector<16xi1>, vector<16xi32>
    %add3A_419 = arith.addi %add3A_400, %select_n3A_418 : vector<16xi32>
    %eq3A_420 = vector.broadcast %add3A_11 : i32 to vector<16xi32>
    %eq3A_421 = arith.cmpi eq, %get3A_410, %eq3A_420 : vector<16xi32>
    %jit3A_422 = arith.constant 0 : i32
    %broadcast_in_dim3A_423 = vector.broadcast %jit3A_422 : i32 to vector<16xi32>
    %select_n3A_424 = arith.select %eq3A_421, %add3A_413, %broadcast_in_dim3A_423 : vector<16xi1>, vector<16xi32>
    %add3A_425 = arith.addi %add3A_406, %select_n3A_424 : vector<16xi32>
    %get3A_426 = arith.constant 2 : i32
    %get3A_427 = arith.index_cast %get3A_426 : i32 to index
    %get3A_428 = arith.constant 96 : index
    %get3A_429 = tpu.vector_load %arg8[%get3A_427, %get3A_428] {strides = array<i32>} : memref<8x128xi32, #tpu.memory_space<vmem>>, vector<16xi32>,
    %add3A_430 = arith.constant 352 : i32
    %add3A_431 = vector.broadcast %add3A_430 : i32 to vector<16xi32>
    %add3A_432 = arith.addi %iota3A, %add3A_431 : vector<16xi32>
    %eq3A_433 = vector.broadcast %add3A_7 : i32 to vector<16xi32>
    %eq3A_434 = arith.cmpi eq, %get3A_429, %eq3A_433 : vector<16xi32>
    %jit3A_435 = arith.constant 0 : i32
    %broadcast_in_dim3A_436 = vector.broadcast %jit3A_435 : i32 to vector<16xi32>
    %select_n3A_437 = arith.select %eq3A_434, %add3A_432, %broadcast_in_dim3A_436 : vector<16xi1>, vector<16xi32>
    %add3A_438 = arith.addi %add3A_419, %select_n3A_437 : vector<16xi32>
    %eq3A_439 = vector.broadcast %add3A_11 : i32 to vector<16xi32>
    %eq3A_440 = arith.cmpi eq, %get3A_429, %eq3A_439 : vector<16xi32>
    %jit3A_441 = arith.constant 0 : i32
    %broadcast_in_dim3A_442 = vector.broadcast %jit3A_441 : i32 to vector<16xi32>
    %select_n3A_443 = arith.select %eq3A_440, %add3A_432, %broadcast_in_dim3A_442 : vector<16xi1>, vector<16xi32>
    %add3A_444 = arith.addi %add3A_425, %select_n3A_443 : vector<16xi32>
    %get3A_445 = arith.constant 2 : i32
    %get3A_446 = arith.index_cast %get3A_445 : i32 to index
    %get3A_447 = arith.constant 112 : index
    %get3A_448 = tpu.vector_load %arg8[%get3A_446, %get3A_447] {strides = array<i32>} : memref<8x128xi32, #tpu.memory_space<vmem>>, vector<16xi32>,
    %add3A_449 = arith.constant 368 : i32
    %add3A_450 = vector.broadcast %add3A_449 : i32 to vector<16xi32>
    %add3A_451 = arith.addi %iota3A, %add3A_450 : vector<16xi32>
    %eq3A_452 = vector.broadcast %add3A_7 : i32 to vector<16xi32>
    %eq3A_453 = arith.cmpi eq, %get3A_448, %eq3A_452 : vector<16xi32>
    %jit3A_454 = arith.constant 0 : i32
    %broadcast_in_dim3A_455 = vector.broadcast %jit3A_454 : i32 to vector<16xi32>
    %select_n3A_456 = arith.select %eq3A_453, %add3A_451, %broadcast_in_dim3A_455 : vector<16xi1>, vector<16xi32>
    %add3A_457 = arith.addi %add3A_438, %select_n3A_456 : vector<16xi32>
    %eq3A_458 = vector.broadcast %add3A_11 : i32 to vector<16xi32>
    %eq3A_459 = arith.cmpi eq, %get3A_448, %eq3A_458 : vector<16xi32>
    %jit3A_460 = arith.constant 0 : i32
    %broadcast_in_dim3A_461 = vector.broadcast %jit3A_460 : i32 to vector<16xi32>
    %select_n3A_462 = arith.select %eq3A_459, %add3A_451, %broadcast_in_dim3A_461 : vector<16xi1>, vector<16xi32>
    %add3A_463 = arith.addi %add3A_444, %select_n3A_462 : vector<16xi32>
    %get3A_464 = arith.constant 3 : i32
    %get3A_465 = arith.index_cast %get3A_464 : i32 to index
    %get3A_466 = arith.constant 0 : index
    %get3A_467 = tpu.vector_load %arg8[%get3A_465, %get3A_466] {strides = array<i32>} : memref<8x128xi32, #tpu.memory_space<vmem>>, vector<16xi32>,
    %add3A_468 = arith.constant 384 : i32
    %add3A_469 = vector.broadcast %add3A_468 : i32 to vector<16xi32>
    %add3A_470 = arith.addi %iota3A, %add3A_469 : vector<16xi32>
    %eq3A_471 = vector.broadcast %add3A_7 : i32 to vector<16xi32>
    %eq3A_472 = arith.cmpi eq, %get3A_467, %eq3A_471 : vector<16xi32>
    %jit3A_473 = arith.constant 0 : i32
    %broadcast_in_dim3A_474 = vector.broadcast %jit3A_473 : i32 to vector<16xi32>
    %select_n3A_475 = arith.select %eq3A_472, %add3A_470, %broadcast_in_dim3A_474 : vector<16xi1>, vector<16xi32>
    %add3A_476 = arith.addi %add3A_457, %select_n3A_475 : vector<16xi32>
    %eq3A_477 = vector.broadcast %add3A_11 : i32 to vector<16xi32>
    %eq3A_478 = arith.cmpi eq, %get3A_467, %eq3A_477 : vector<16xi32>
    %jit3A_479 = arith.constant 0 : i32
    %broadcast_in_dim3A_480 = vector.broadcast %jit3A_479 : i32 to vector<16xi32>
    %select_n3A_481 = arith.select %eq3A_478, %add3A_470, %broadcast_in_dim3A_480 : vector<16xi1>, vector<16xi32>
    %add3A_482 = arith.addi %add3A_463, %select_n3A_481 : vector<16xi32>
    %get3A_483 = arith.constant 3 : i32
    %get3A_484 = arith.index_cast %get3A_483 : i32 to index
    %get3A_485 = arith.constant 16 : index
    %get3A_486 = tpu.vector_load %arg8[%get3A_484, %get3A_485] {strides = array<i32>} : memref<8x128xi32, #tpu.memory_space<vmem>>, vector<16xi32>,
    %add3A_487 = arith.constant 400 : i32
    %add3A_488 = vector.broadcast %add3A_487 : i32 to vector<16xi32>
    %add3A_489 = arith.addi %iota3A, %add3A_488 : vector<16xi32>
    %eq3A_490 = vector.broadcast %add3A_7 : i32 to vector<16xi32>
    %eq3A_491 = arith.cmpi eq, %get3A_486, %eq3A_490 : vector<16xi32>
    %jit3A_492 = arith.constant 0 : i32
    %broadcast_in_dim3A_493 = vector.broadcast %jit3A_492 : i32 to vector<16xi32>
    %select_n3A_494 = arith.select %eq3A_491, %add3A_489, %broadcast_in_dim3A_493 : vector<16xi1>, vector<16xi32>
    %add3A_495 = arith.addi %add3A_476, %select_n3A_494 : vector<16xi32>
    %eq3A_496 = vector.broadcast %add3A_11 : i32 to vector<16xi32>
    %eq3A_497 = arith.cmpi eq, %get3A_486, %eq3A_496 : vector<16xi32>
    %jit3A_498 = arith.constant 0 : i32
    %broadcast_in_dim3A_499 = vector.broadcast %jit3A_498 : i32 to vector<16xi32>
    %select_n3A_500 = arith.select %eq3A_497, %add3A_489, %broadcast_in_dim3A_499 : vector<16xi1>, vector<16xi32>
    %add3A_501 = arith.addi %add3A_482, %select_n3A_500 : vector<16xi32>
    %get3A_502 = arith.constant 3 : i32
    %get3A_503 = arith.index_cast %get3A_502 : i32 to index
    %get3A_504 = arith.constant 32 : index
    %get3A_505 = tpu.vector_load %arg8[%get3A_503, %get3A_504] {strides = array<i32>} : memref<8x128xi32, #tpu.memory_space<vmem>>, vector<16xi32>,
    %add3A_506 = arith.constant 416 : i32
    %add3A_507 = vector.broadcast %add3A_506 : i32 to vector<16xi32>
    %add3A_508 = arith.addi %iota3A, %add3A_507 : vector<16xi32>
    %eq3A_509 = vector.broadcast %add3A_7 : i32 to vector<16xi32>
    %eq3A_510 = arith.cmpi eq, %get3A_505, %eq3A_509 : vector<16xi32>
    %jit3A_511 = arith.constant 0 : i32
    %broadcast_in_dim3A_512 = vector.broadcast %jit3A_511 : i32 to vector<16xi32>
    %select_n3A_513 = arith.select %eq3A_510, %add3A_508, %broadcast_in_dim3A_512 : vector<16xi1>, vector<16xi32>
    %add3A_514 = arith.addi %add3A_495, %select_n3A_513 : vector<16xi32>
    %eq3A_515 = vector.broadcast %add3A_11 : i32 to vector<16xi32>
    %eq3A_516 = arith.cmpi eq, %get3A_505, %eq3A_515 : vector<16xi32>
    %jit3A_517 = arith.constant 0 : i32
    %broadcast_in_dim3A_518 = vector.broadcast %jit3A_517 : i32 to vector<16xi32>
    %select_n3A_519 = arith.select %eq3A_516, %add3A_508, %broadcast_in_dim3A_518 : vector<16xi1>, vector<16xi32>
    %add3A_520 = arith.addi %add3A_501, %select_n3A_519 : vector<16xi32>
    %get3A_521 = arith.constant 3 : i32
    %get3A_522 = arith.index_cast %get3A_521 : i32 to index
    %get3A_523 = arith.constant 48 : index
    %get3A_524 = tpu.vector_load %arg8[%get3A_522, %get3A_523] {strides = array<i32>} : memref<8x128xi32, #tpu.memory_space<vmem>>, vector<16xi32>,
    %add3A_525 = arith.constant 432 : i32
    %add3A_526 = vector.broadcast %add3A_525 : i32 to vector<16xi32>
    %add3A_527 = arith.addi %iota3A, %add3A_526 : vector<16xi32>
    %eq3A_528 = vector.broadcast %add3A_7 : i32 to vector<16xi32>
    %eq3A_529 = arith.cmpi eq, %get3A_524, %eq3A_528 : vector<16xi32>
    %jit3A_530 = arith.constant 0 : i32
    %broadcast_in_dim3A_531 = vector.broadcast %jit3A_530 : i32 to vector<16xi32>
    %select_n3A_532 = arith.select %eq3A_529, %add3A_527, %broadcast_in_dim3A_531 : vector<16xi1>, vector<16xi32>
    %add3A_533 = arith.addi %add3A_514, %select_n3A_532 : vector<16xi32>
    %eq3A_534 = vector.broadcast %add3A_11 : i32 to vector<16xi32>
    %eq3A_535 = arith.cmpi eq, %get3A_524, %eq3A_534 : vector<16xi32>
    %jit3A_536 = arith.constant 0 : i32
    %broadcast_in_dim3A_537 = vector.broadcast %jit3A_536 : i32 to vector<16xi32>
    %select_n3A_538 = arith.select %eq3A_535, %add3A_527, %broadcast_in_dim3A_537 : vector<16xi1>, vector<16xi32>
    %add3A_539 = arith.addi %add3A_520, %select_n3A_538 : vector<16xi32>
    %get3A_540 = arith.constant 3 : i32
    %get3A_541 = arith.index_cast %get3A_540 : i32 to index
    %get3A_542 = arith.constant 64 : index
    %get3A_543 = tpu.vector_load %arg8[%get3A_541, %get3A_542] {strides = array<i32>} : memref<8x128xi32, #tpu.memory_space<vmem>>, vector<16xi32>,
    %add3A_544 = arith.constant 448 : i32
    %add3A_545 = vector.broadcast %add3A_544 : i32 to vector<16xi32>
    %add3A_546 = arith.addi %iota3A, %add3A_545 : vector<16xi32>
    %eq3A_547 = vector.broadcast %add3A_7 : i32 to vector<16xi32>
    %eq3A_548 = arith.cmpi eq, %get3A_543, %eq3A_547 : vector<16xi32>
    %jit3A_549 = arith.constant 0 : i32
    %broadcast_in_dim3A_550 = vector.broadcast %jit3A_549 : i32 to vector<16xi32>
    %select_n3A_551 = arith.select %eq3A_548, %add3A_546, %broadcast_in_dim3A_550 : vector<16xi1>, vector<16xi32>
    %add3A_552 = arith.addi %add3A_533, %select_n3A_551 : vector<16xi32>
    %eq3A_553 = vector.broadcast %add3A_11 : i32 to vector<16xi32>
    %eq3A_554 = arith.cmpi eq, %get3A_543, %eq3A_553 : vector<16xi32>
    %jit3A_555 = arith.constant 0 : i32
    %broadcast_in_dim3A_556 = vector.broadcast %jit3A_555 : i32 to vector<16xi32>
    %select_n3A_557 = arith.select %eq3A_554, %add3A_546, %broadcast_in_dim3A_556 : vector<16xi1>, vector<16xi32>
    %add3A_558 = arith.addi %add3A_539, %select_n3A_557 : vector<16xi32>
    %get3A_559 = arith.constant 3 : i32
    %get3A_560 = arith.index_cast %get3A_559 : i32 to index
    %get3A_561 = arith.constant 80 : index
    %get3A_562 = tpu.vector_load %arg8[%get3A_560, %get3A_561] {strides = array<i32>} : memref<8x128xi32, #tpu.memory_space<vmem>>, vector<16xi32>,
    %add3A_563 = arith.constant 464 : i32
    %add3A_564 = vector.broadcast %add3A_563 : i32 to vector<16xi32>
    %add3A_565 = arith.addi %iota3A, %add3A_564 : vector<16xi32>
    %eq3A_566 = vector.broadcast %add3A_7 : i32 to vector<16xi32>
    %eq3A_567 = arith.cmpi eq, %get3A_562, %eq3A_566 : vector<16xi32>
    %jit3A_568 = arith.constant 0 : i32
    %broadcast_in_dim3A_569 = vector.broadcast %jit3A_568 : i32 to vector<16xi32>
    %select_n3A_570 = arith.select %eq3A_567, %add3A_565, %broadcast_in_dim3A_569 : vector<16xi1>, vector<16xi32>
    %add3A_571 = arith.addi %add3A_552, %select_n3A_570 : vector<16xi32>
    %eq3A_572 = vector.broadcast %add3A_11 : i32 to vector<16xi32>
    %eq3A_573 = arith.cmpi eq, %get3A_562, %eq3A_572 : vector<16xi32>
    %jit3A_574 = arith.constant 0 : i32
    %broadcast_in_dim3A_575 = vector.broadcast %jit3A_574 : i32 to vector<16xi32>
    %select_n3A_576 = arith.select %eq3A_573, %add3A_565, %broadcast_in_dim3A_575 : vector<16xi1>, vector<16xi32>
    %add3A_577 = arith.addi %add3A_558, %select_n3A_576 : vector<16xi32>
    %get3A_578 = arith.constant 3 : i32
    %get3A_579 = arith.index_cast %get3A_578 : i32 to index
    %get3A_580 = arith.constant 96 : index
    %get3A_581 = tpu.vector_load %arg8[%get3A_579, %get3A_580] {strides = array<i32>} : memref<8x128xi32, #tpu.memory_space<vmem>>, vector<16xi32>,
    %add3A_582 = arith.constant 480 : i32
    %add3A_583 = vector.broadcast %add3A_582 : i32 to vector<16xi32>
    %add3A_584 = arith.addi %iota3A, %add3A_583 : vector<16xi32>
    %eq3A_585 = vector.broadcast %add3A_7 : i32 to vector<16xi32>
    %eq3A_586 = arith.cmpi eq, %get3A_581, %eq3A_585 : vector<16xi32>
    %jit3A_587 = arith.constant 0 : i32
    %broadcast_in_dim3A_588 = vector.broadcast %jit3A_587 : i32 to vector<16xi32>
    %select_n3A_589 = arith.select %eq3A_586, %add3A_584, %broadcast_in_dim3A_588 : vector<16xi1>, vector<16xi32>
    %add3A_590 = arith.addi %add3A_571, %select_n3A_589 : vector<16xi32>
    %eq3A_591 = vector.broadcast %add3A_11 : i32 to vector<16xi32>
    %eq3A_592 = arith.cmpi eq, %get3A_581, %eq3A_591 : vector<16xi32>
    %jit3A_593 = arith.constant 0 : i32
    %broadcast_in_dim3A_594 = vector.broadcast %jit3A_593 : i32 to vector<16xi32>
    %select_n3A_595 = arith.select %eq3A_592, %add3A_584, %broadcast_in_dim3A_594 : vector<16xi1>, vector<16xi32>
    %add3A_596 = arith.addi %add3A_577, %select_n3A_595 : vector<16xi32>
    %get3A_597 = arith.constant 3 : i32
    %get3A_598 = arith.index_cast %get3A_597 : i32 to index
    %get3A_599 = arith.constant 112 : index
    %get3A_600 = tpu.vector_load %arg8[%get3A_598, %get3A_599] {strides = array<i32>} : memref<8x128xi32, #tpu.memory_space<vmem>>, vector<16xi32>,
    %add3A_601 = arith.constant 496 : i32
    %add3A_602 = vector.broadcast %add3A_601 : i32 to vector<16xi32>
    %add3A_603 = arith.addi %iota3A, %add3A_602 : vector<16xi32>
    %eq3A_604 = vector.broadcast %add3A_7 : i32 to vector<16xi32>
    %eq3A_605 = arith.cmpi eq, %get3A_600, %eq3A_604 : vector<16xi32>
    %jit3A_606 = arith.constant 0 : i32
    %broadcast_in_dim3A_607 = vector.broadcast %jit3A_606 : i32 to vector<16xi32>
    %select_n3A_608 = arith.select %eq3A_605, %add3A_603, %broadcast_in_dim3A_607 : vector<16xi1>, vector<16xi32>
    %add3A_609 = arith.addi %add3A_590, %select_n3A_608 : vector<16xi32>
    %eq3A_610 = vector.broadcast %add3A_11 : i32 to vector<16xi32>
    %eq3A_611 = arith.cmpi eq, %get3A_600, %eq3A_610 : vector<16xi32>
    %jit3A_612 = arith.constant 0 : i32
    %broadcast_in_dim3A_613 = vector.broadcast %jit3A_612 : i32 to vector<16xi32>
    %select_n3A_614 = arith.select %eq3A_611, %add3A_603, %broadcast_in_dim3A_613 : vector<16xi1>, vector<16xi32>
    %add3A_615 = arith.addi %add3A_596, %select_n3A_614 : vector<16xi32>
    %get3A_616 = arith.constant 4 : i32
    %get3A_617 = arith.index_cast %get3A_616 : i32 to index
    %get3A_618 = arith.constant 0 : index
    %get3A_619 = tpu.vector_load %arg8[%get3A_617, %get3A_618] {strides = array<i32>} : memref<8x128xi32, #tpu.memory_space<vmem>>, vector<16xi32>,
    %add3A_620 = arith.constant 512 : i32
    %add3A_621 = vector.broadcast %add3A_620 : i32 to vector<16xi32>
    %add3A_622 = arith.addi %iota3A, %add3A_621 : vector<16xi32>
    %eq3A_623 = vector.broadcast %add3A_7 : i32 to vector<16xi32>
    %eq3A_624 = arith.cmpi eq, %get3A_619, %eq3A_623 : vector<16xi32>
    %jit3A_625 = arith.constant 0 : i32
    %broadcast_in_dim3A_626 = vector.broadcast %jit3A_625 : i32 to vector<16xi32>
    %select_n3A_627 = arith.select %eq3A_624, %add3A_622, %broadcast_in_dim3A_626 : vector<16xi1>, vector<16xi32>
    %add3A_628 = arith.addi %add3A_609, %select_n3A_627 : vector<16xi32>
    %eq3A_629 = vector.broadcast %add3A_11 : i32 to vector<16xi32>
    %eq3A_630 = arith.cmpi eq, %get3A_619, %eq3A_629 : vector<16xi32>
    %jit3A_631 = arith.constant 0 : i32
    %broadcast_in_dim3A_632 = vector.broadcast %jit3A_631 : i32 to vector<16xi32>
    %select_n3A_633 = arith.select %eq3A_630, %add3A_622, %broadcast_in_dim3A_632 : vector<16xi1>, vector<16xi32>
    %add3A_634 = arith.addi %add3A_615, %select_n3A_633 : vector<16xi32>
    %get3A_635 = arith.constant 4 : i32
    %get3A_636 = arith.index_cast %get3A_635 : i32 to index
    %get3A_637 = arith.constant 16 : index
    %get3A_638 = tpu.vector_load %arg8[%get3A_636, %get3A_637] {strides = array<i32>} : memref<8x128xi32, #tpu.memory_space<vmem>>, vector<16xi32>,
    %add3A_639 = arith.constant 528 : i32
    %add3A_640 = vector.broadcast %add3A_639 : i32 to vector<16xi32>
    %add3A_641 = arith.addi %iota3A, %add3A_640 : vector<16xi32>
    %eq3A_642 = vector.broadcast %add3A_7 : i32 to vector<16xi32>
    %eq3A_643 = arith.cmpi eq, %get3A_638, %eq3A_642 : vector<16xi32>
    %jit3A_644 = arith.constant 0 : i32
    %broadcast_in_dim3A_645 = vector.broadcast %jit3A_644 : i32 to vector<16xi32>
    %select_n3A_646 = arith.select %eq3A_643, %add3A_641, %broadcast_in_dim3A_645 : vector<16xi1>, vector<16xi32>
    %add3A_647 = arith.addi %add3A_628, %select_n3A_646 : vector<16xi32>
    %eq3A_648 = vector.broadcast %add3A_11 : i32 to vector<16xi32>
    %eq3A_649 = arith.cmpi eq, %get3A_638, %eq3A_648 : vector<16xi32>
    %jit3A_650 = arith.constant 0 : i32
    %broadcast_in_dim3A_651 = vector.broadcast %jit3A_650 : i32 to vector<16xi32>
    %select_n3A_652 = arith.select %eq3A_649, %add3A_641, %broadcast_in_dim3A_651 : vector<16xi1>, vector<16xi32>
    %add3A_653 = arith.addi %add3A_634, %select_n3A_652 : vector<16xi32>
    %get3A_654 = arith.constant 4 : i32
    %get3A_655 = arith.index_cast %get3A_654 : i32 to index
    %get3A_656 = arith.constant 32 : index
    %get3A_657 = tpu.vector_load %arg8[%get3A_655, %get3A_656] {strides = array<i32>} : memref<8x128xi32, #tpu.memory_space<vmem>>, vector<16xi32>,
    %add3A_658 = arith.constant 544 : i32
    %add3A_659 = vector.broadcast %add3A_658 : i32 to vector<16xi32>
    %add3A_660 = arith.addi %iota3A, %add3A_659 : vector<16xi32>
    %eq3A_661 = vector.broadcast %add3A_7 : i32 to vector<16xi32>
    %eq3A_662 = arith.cmpi eq, %get3A_657, %eq3A_661 : vector<16xi32>
    %jit3A_663 = arith.constant 0 : i32
    %broadcast_in_dim3A_664 = vector.broadcast %jit3A_663 : i32 to vector<16xi32>
    %select_n3A_665 = arith.select %eq3A_662, %add3A_660, %broadcast_in_dim3A_664 : vector<16xi1>, vector<16xi32>
    %add3A_666 = arith.addi %add3A_647, %select_n3A_665 : vector<16xi32>
    %eq3A_667 = vector.broadcast %add3A_11 : i32 to vector<16xi32>
    %eq3A_668 = arith.cmpi eq, %get3A_657, %eq3A_667 : vector<16xi32>
    %jit3A_669 = arith.constant 0 : i32
    %broadcast_in_dim3A_670 = vector.broadcast %jit3A_669 : i32 to vector<16xi32>
    %select_n3A_671 = arith.select %eq3A_668, %add3A_660, %broadcast_in_dim3A_670 : vector<16xi1>, vector<16xi32>
    %add3A_672 = arith.addi %add3A_653, %select_n3A_671 : vector<16xi32>
    %get3A_673 = arith.constant 4 : i32
    %get3A_674 = arith.index_cast %get3A_673 : i32 to index
    %get3A_675 = arith.constant 48 : index
    %get3A_676 = tpu.vector_load %arg8[%get3A_674, %get3A_675] {strides = array<i32>} : memref<8x128xi32, #tpu.memory_space<vmem>>, vector<16xi32>,
    %add3A_677 = arith.constant 560 : i32
    %add3A_678 = vector.broadcast %add3A_677 : i32 to vector<16xi32>
    %add3A_679 = arith.addi %iota3A, %add3A_678 : vector<16xi32>
    %eq3A_680 = vector.broadcast %add3A_7 : i32 to vector<16xi32>
    %eq3A_681 = arith.cmpi eq, %get3A_676, %eq3A_680 : vector<16xi32>
    %jit3A_682 = arith.constant 0 : i32
    %broadcast_in_dim3A_683 = vector.broadcast %jit3A_682 : i32 to vector<16xi32>
    %select_n3A_684 = arith.select %eq3A_681, %add3A_679, %broadcast_in_dim3A_683 : vector<16xi1>, vector<16xi32>
    %add3A_685 = arith.addi %add3A_666, %select_n3A_684 : vector<16xi32>
    %eq3A_686 = vector.broadcast %add3A_11 : i32 to vector<16xi32>
    %eq3A_687 = arith.cmpi eq, %get3A_676, %eq3A_686 : vector<16xi32>
    %jit3A_688 = arith.constant 0 : i32
    %broadcast_in_dim3A_689 = vector.broadcast %jit3A_688 : i32 to vector<16xi32>
    %select_n3A_690 = arith.select %eq3A_687, %add3A_679, %broadcast_in_dim3A_689 : vector<16xi1>, vector<16xi32>
    %add3A_691 = arith.addi %add3A_672, %select_n3A_690 : vector<16xi32>
    %get3A_692 = arith.constant 4 : i32
    %get3A_693 = arith.index_cast %get3A_692 : i32 to index
    %get3A_694 = arith.constant 64 : index
    %get3A_695 = tpu.vector_load %arg8[%get3A_693, %get3A_694] {strides = array<i32>} : memref<8x128xi32, #tpu.memory_space<vmem>>, vector<16xi32>,
    %add3A_696 = arith.constant 576 : i32
    %add3A_697 = vector.broadcast %add3A_696 : i32 to vector<16xi32>
    %add3A_698 = arith.addi %iota3A, %add3A_697 : vector<16xi32>
    %eq3A_699 = vector.broadcast %add3A_7 : i32 to vector<16xi32>
    %eq3A_700 = arith.cmpi eq, %get3A_695, %eq3A_699 : vector<16xi32>
    %jit3A_701 = arith.constant 0 : i32
    %broadcast_in_dim3A_702 = vector.broadcast %jit3A_701 : i32 to vector<16xi32>
    %select_n3A_703 = arith.select %eq3A_700, %add3A_698, %broadcast_in_dim3A_702 : vector<16xi1>, vector<16xi32>
    %add3A_704 = arith.addi %add3A_685, %select_n3A_703 : vector<16xi32>
    %eq3A_705 = vector.broadcast %add3A_11 : i32 to vector<16xi32>
    %eq3A_706 = arith.cmpi eq, %get3A_695, %eq3A_705 : vector<16xi32>
    %jit3A_707 = arith.constant 0 : i32
    %broadcast_in_dim3A_708 = vector.broadcast %jit3A_707 : i32 to vector<16xi32>
    %select_n3A_709 = arith.select %eq3A_706, %add3A_698, %broadcast_in_dim3A_708 : vector<16xi1>, vector<16xi32>
    %add3A_710 = arith.addi %add3A_691, %select_n3A_709 : vector<16xi32>
    %get3A_711 = arith.constant 4 : i32
    %get3A_712 = arith.index_cast %get3A_711 : i32 to index
    %get3A_713 = arith.constant 80 : index
    %get3A_714 = tpu.vector_load %arg8[%get3A_712, %get3A_713] {strides = array<i32>} : memref<8x128xi32, #tpu.memory_space<vmem>>, vector<16xi32>,
    %add3A_715 = arith.constant 592 : i32
    %add3A_716 = vector.broadcast %add3A_715 : i32 to vector<16xi32>
    %add3A_717 = arith.addi %iota3A, %add3A_716 : vector<16xi32>
    %eq3A_718 = vector.broadcast %add3A_7 : i32 to vector<16xi32>
    %eq3A_719 = arith.cmpi eq, %get3A_714, %eq3A_718 : vector<16xi32>
    %jit3A_720 = arith.constant 0 : i32
    %broadcast_in_dim3A_721 = vector.broadcast %jit3A_720 : i32 to vector<16xi32>
    %select_n3A_722 = arith.select %eq3A_719, %add3A_717, %broadcast_in_dim3A_721 : vector<16xi1>, vector<16xi32>
    %add3A_723 = arith.addi %add3A_704, %select_n3A_722 : vector<16xi32>
    %eq3A_724 = vector.broadcast %add3A_11 : i32 to vector<16xi32>
    %eq3A_725 = arith.cmpi eq, %get3A_714, %eq3A_724 : vector<16xi32>
    %jit3A_726 = arith.constant 0 : i32
    %broadcast_in_dim3A_727 = vector.broadcast %jit3A_726 : i32 to vector<16xi32>
    %select_n3A_728 = arith.select %eq3A_725, %add3A_717, %broadcast_in_dim3A_727 : vector<16xi1>, vector<16xi32>
    %add3A_729 = arith.addi %add3A_710, %select_n3A_728 : vector<16xi32>
    %get3A_730 = arith.constant 4 : i32
    %get3A_731 = arith.index_cast %get3A_730 : i32 to index
    %get3A_732 = arith.constant 96 : index
    %get3A_733 = tpu.vector_load %arg8[%get3A_731, %get3A_732] {strides = array<i32>} : memref<8x128xi32, #tpu.memory_space<vmem>>, vector<16xi32>,
    %add3A_734 = arith.constant 608 : i32
    %add3A_735 = vector.broadcast %add3A_734 : i32 to vector<16xi32>
    %add3A_736 = arith.addi %iota3A, %add3A_735 : vector<16xi32>
    %eq3A_737 = vector.broadcast %add3A_7 : i32 to vector<16xi32>
    %eq3A_738 = arith.cmpi eq, %get3A_733, %eq3A_737 : vector<16xi32>
    %jit3A_739 = arith.constant 0 : i32
    %broadcast_in_dim3A_740 = vector.broadcast %jit3A_739 : i32 to vector<16xi32>
    %select_n3A_741 = arith.select %eq3A_738, %add3A_736, %broadcast_in_dim3A_740 : vector<16xi1>, vector<16xi32>
    %add3A_742 = arith.addi %add3A_723, %select_n3A_741 : vector<16xi32>
    %eq3A_743 = vector.broadcast %add3A_11 : i32 to vector<16xi32>
    %eq3A_744 = arith.cmpi eq, %get3A_733, %eq3A_743 : vector<16xi32>
    %jit3A_745 = arith.constant 0 : i32
    %broadcast_in_dim3A_746 = vector.broadcast %jit3A_745 : i32 to vector<16xi32>
    %select_n3A_747 = arith.select %eq3A_744, %add3A_736, %broadcast_in_dim3A_746 : vector<16xi1>, vector<16xi32>
    %add3A_748 = arith.addi %add3A_729, %select_n3A_747 : vector<16xi32>
    %get3A_749 = arith.constant 4 : i32
    %get3A_750 = arith.index_cast %get3A_749 : i32 to index
    %get3A_751 = arith.constant 112 : index
    %get3A_752 = tpu.vector_load %arg8[%get3A_750, %get3A_751] {strides = array<i32>} : memref<8x128xi32, #tpu.memory_space<vmem>>, vector<16xi32>,
    %add3A_753 = arith.constant 624 : i32
    %add3A_754 = vector.broadcast %add3A_753 : i32 to vector<16xi32>
    %add3A_755 = arith.addi %iota3A, %add3A_754 : vector<16xi32>
    %eq3A_756 = vector.broadcast %add3A_7 : i32 to vector<16xi32>
    %eq3A_757 = arith.cmpi eq, %get3A_752, %eq3A_756 : vector<16xi32>
    %jit3A_758 = arith.constant 0 : i32
    %broadcast_in_dim3A_759 = vector.broadcast %jit3A_758 : i32 to vector<16xi32>
    %select_n3A_760 = arith.select %eq3A_757, %add3A_755, %broadcast_in_dim3A_759 : vector<16xi1>, vector<16xi32>
    %add3A_761 = arith.addi %add3A_742, %select_n3A_760 : vector<16xi32>
    %eq3A_762 = vector.broadcast %add3A_11 : i32 to vector<16xi32>
    %eq3A_763 = arith.cmpi eq, %get3A_752, %eq3A_762 : vector<16xi32>
    %jit3A_764 = arith.constant 0 : i32
    %broadcast_in_dim3A_765 = vector.broadcast %jit3A_764 : i32 to vector<16xi32>
    %select_n3A_766 = arith.select %eq3A_763, %add3A_755, %broadcast_in_dim3A_765 : vector<16xi1>, vector<16xi32>
    %add3A_767 = arith.addi %add3A_748, %select_n3A_766 : vector<16xi32>
    %get3A_768 = arith.constant 5 : i32
    %get3A_769 = arith.index_cast %get3A_768 : i32 to index
    %get3A_770 = arith.constant 0 : index
    %get3A_771 = tpu.vector_load %arg8[%get3A_769, %get3A_770] {strides = array<i32>} : memref<8x128xi32, #tpu.memory_space<vmem>>, vector<16xi32>,
    %add3A_772 = arith.constant 640 : i32
    %add3A_773 = vector.broadcast %add3A_772 : i32 to vector<16xi32>
    %add3A_774 = arith.addi %iota3A, %add3A_773 : vector<16xi32>
    %eq3A_775 = vector.broadcast %add3A_7 : i32 to vector<16xi32>
    %eq3A_776 = arith.cmpi eq, %get3A_771, %eq3A_775 : vector<16xi32>
    %jit3A_777 = arith.constant 0 : i32
    %broadcast_in_dim3A_778 = vector.broadcast %jit3A_777 : i32 to vector<16xi32>
    %select_n3A_779 = arith.select %eq3A_776, %add3A_774, %broadcast_in_dim3A_778 : vector<16xi1>, vector<16xi32>
    %add3A_780 = arith.addi %add3A_761, %select_n3A_779 : vector<16xi32>
    %eq3A_781 = vector.broadcast %add3A_11 : i32 to vector<16xi32>
    %eq3A_782 = arith.cmpi eq, %get3A_771, %eq3A_781 : vector<16xi32>
    %jit3A_783 = arith.constant 0 : i32
    %broadcast_in_dim3A_784 = vector.broadcast %jit3A_783 : i32 to vector<16xi32>
    %select_n3A_785 = arith.select %eq3A_782, %add3A_774, %broadcast_in_dim3A_784 : vector<16xi1>, vector<16xi32>
    %add3A_786 = arith.addi %add3A_767, %select_n3A_785 : vector<16xi32>
    %get3A_787 = arith.constant 5 : i32
    %get3A_788 = arith.index_cast %get3A_787 : i32 to index
    %get3A_789 = arith.constant 16 : index
    %get3A_790 = tpu.vector_load %arg8[%get3A_788, %get3A_789] {strides = array<i32>} : memref<8x128xi32, #tpu.memory_space<vmem>>, vector<16xi32>,
    %add3A_791 = arith.constant 656 : i32
    %add3A_792 = vector.broadcast %add3A_791 : i32 to vector<16xi32>
    %add3A_793 = arith.addi %iota3A, %add3A_792 : vector<16xi32>
    %eq3A_794 = vector.broadcast %add3A_7 : i32 to vector<16xi32>
    %eq3A_795 = arith.cmpi eq, %get3A_790, %eq3A_794 : vector<16xi32>
    %jit3A_796 = arith.constant 0 : i32
    %broadcast_in_dim3A_797 = vector.broadcast %jit3A_796 : i32 to vector<16xi32>
    %select_n3A_798 = arith.select %eq3A_795, %add3A_793, %broadcast_in_dim3A_797 : vector<16xi1>, vector<16xi32>
    %add3A_799 = arith.addi %add3A_780, %select_n3A_798 : vector<16xi32>
    %eq3A_800 = vector.broadcast %add3A_11 : i32 to vector<16xi32>
    %eq3A_801 = arith.cmpi eq, %get3A_790, %eq3A_800 : vector<16xi32>
    %jit3A_802 = arith.constant 0 : i32
    %broadcast_in_dim3A_803 = vector.broadcast %jit3A_802 : i32 to vector<16xi32>
    %select_n3A_804 = arith.select %eq3A_801, %add3A_793, %broadcast_in_dim3A_803 : vector<16xi1>, vector<16xi32>
    %add3A_805 = arith.addi %add3A_786, %select_n3A_804 : vector<16xi32>
    %get3A_806 = arith.constant 5 : i32
    %get3A_807 = arith.index_cast %get3A_806 : i32 to index
    %get3A_808 = arith.constant 32 : index
    %get3A_809 = tpu.vector_load %arg8[%get3A_807, %get3A_808] {strides = array<i32>} : memref<8x128xi32, #tpu.memory_space<vmem>>, vector<16xi32>,
    %add3A_810 = arith.constant 672 : i32
    %add3A_811 = vector.broadcast %add3A_810 : i32 to vector<16xi32>
    %add3A_812 = arith.addi %iota3A, %add3A_811 : vector<16xi32>
    %eq3A_813 = vector.broadcast %add3A_7 : i32 to vector<16xi32>
    %eq3A_814 = arith.cmpi eq, %get3A_809, %eq3A_813 : vector<16xi32>
    %jit3A_815 = arith.constant 0 : i32
    %broadcast_in_dim3A_816 = vector.broadcast %jit3A_815 : i32 to vector<16xi32>
    %select_n3A_817 = arith.select %eq3A_814, %add3A_812, %broadcast_in_dim3A_816 : vector<16xi1>, vector<16xi32>
    %add3A_818 = arith.addi %add3A_799, %select_n3A_817 : vector<16xi32>
    %eq3A_819 = vector.broadcast %add3A_11 : i32 to vector<16xi32>
    %eq3A_820 = arith.cmpi eq, %get3A_809, %eq3A_819 : vector<16xi32>
    %jit3A_821 = arith.constant 0 : i32
    %broadcast_in_dim3A_822 = vector.broadcast %jit3A_821 : i32 to vector<16xi32>
    %select_n3A_823 = arith.select %eq3A_820, %add3A_812, %broadcast_in_dim3A_822 : vector<16xi1>, vector<16xi32>
    %add3A_824 = arith.addi %add3A_805, %select_n3A_823 : vector<16xi32>
    %get3A_825 = arith.constant 5 : i32
    %get3A_826 = arith.index_cast %get3A_825 : i32 to index
    %get3A_827 = arith.constant 48 : index
    %get3A_828 = tpu.vector_load %arg8[%get3A_826, %get3A_827] {strides = array<i32>} : memref<8x128xi32, #tpu.memory_space<vmem>>, vector<16xi32>,
    %add3A_829 = arith.constant 688 : i32
    %add3A_830 = vector.broadcast %add3A_829 : i32 to vector<16xi32>
    %add3A_831 = arith.addi %iota3A, %add3A_830 : vector<16xi32>
    %eq3A_832 = vector.broadcast %add3A_7 : i32 to vector<16xi32>
    %eq3A_833 = arith.cmpi eq, %get3A_828, %eq3A_832 : vector<16xi32>
    %jit3A_834 = arith.constant 0 : i32
    %broadcast_in_dim3A_835 = vector.broadcast %jit3A_834 : i32 to vector<16xi32>
    %select_n3A_836 = arith.select %eq3A_833, %add3A_831, %broadcast_in_dim3A_835 : vector<16xi1>, vector<16xi32>
    %add3A_837 = arith.addi %add3A_818, %select_n3A_836 : vector<16xi32>
    %eq3A_838 = vector.broadcast %add3A_11 : i32 to vector<16xi32>
    %eq3A_839 = arith.cmpi eq, %get3A_828, %eq3A_838 : vector<16xi32>
    %jit3A_840 = arith.constant 0 : i32
    %broadcast_in_dim3A_841 = vector.broadcast %jit3A_840 : i32 to vector<16xi32>
    %select_n3A_842 = arith.select %eq3A_839, %add3A_831, %broadcast_in_dim3A_841 : vector<16xi1>, vector<16xi32>
    %add3A_843 = arith.addi %add3A_824, %select_n3A_842 : vector<16xi32>
    %get3A_844 = arith.constant 5 : i32
    %get3A_845 = arith.index_cast %get3A_844 : i32 to index
    %get3A_846 = arith.constant 64 : index
    %get3A_847 = tpu.vector_load %arg8[%get3A_845, %get3A_846] {strides = array<i32>} : memref<8x128xi32, #tpu.memory_space<vmem>>, vector<16xi32>,
    %add3A_848 = arith.constant 704 : i32
    %add3A_849 = vector.broadcast %add3A_848 : i32 to vector<16xi32>
    %add3A_850 = arith.addi %iota3A, %add3A_849 : vector<16xi32>
    %eq3A_851 = vector.broadcast %add3A_7 : i32 to vector<16xi32>
    %eq3A_852 = arith.cmpi eq, %get3A_847, %eq3A_851 : vector<16xi32>
    %jit3A_853 = arith.constant 0 : i32
    %broadcast_in_dim3A_854 = vector.broadcast %jit3A_853 : i32 to vector<16xi32>
    %select_n3A_855 = arith.select %eq3A_852, %add3A_850, %broadcast_in_dim3A_854 : vector<16xi1>, vector<16xi32>
    %add3A_856 = arith.addi %add3A_837, %select_n3A_855 : vector<16xi32>
    %eq3A_857 = vector.broadcast %add3A_11 : i32 to vector<16xi32>
    %eq3A_858 = arith.cmpi eq, %get3A_847, %eq3A_857 : vector<16xi32>
    %jit3A_859 = arith.constant 0 : i32
    %broadcast_in_dim3A_860 = vector.broadcast %jit3A_859 : i32 to vector<16xi32>
    %select_n3A_861 = arith.select %eq3A_858, %add3A_850, %broadcast_in_dim3A_860 : vector<16xi1>, vector<16xi32>
    %add3A_862 = arith.addi %add3A_843, %select_n3A_861 : vector<16xi32>
    %get3A_863 = arith.constant 5 : i32
    %get3A_864 = arith.index_cast %get3A_863 : i32 to index
    %get3A_865 = arith.constant 80 : index
    %get3A_866 = tpu.vector_load %arg8[%get3A_864, %get3A_865] {strides = array<i32>} : memref<8x128xi32, #tpu.memory_space<vmem>>, vector<16xi32>,
    %add3A_867 = arith.constant 720 : i32
    %add3A_868 = vector.broadcast %add3A_867 : i32 to vector<16xi32>
    %add3A_869 = arith.addi %iota3A, %add3A_868 : vector<16xi32>
    %eq3A_870 = vector.broadcast %add3A_7 : i32 to vector<16xi32>
    %eq3A_871 = arith.cmpi eq, %get3A_866, %eq3A_870 : vector<16xi32>
    %jit3A_872 = arith.constant 0 : i32
    %broadcast_in_dim3A_873 = vector.broadcast %jit3A_872 : i32 to vector<16xi32>
    %select_n3A_874 = arith.select %eq3A_871, %add3A_869, %broadcast_in_dim3A_873 : vector<16xi1>, vector<16xi32>
    %add3A_875 = arith.addi %add3A_856, %select_n3A_874 : vector<16xi32>
    %eq3A_876 = vector.broadcast %add3A_11 : i32 to vector<16xi32>
    %eq3A_877 = arith.cmpi eq, %get3A_866, %eq3A_876 : vector<16xi32>
    %jit3A_878 = arith.constant 0 : i32
    %broadcast_in_dim3A_879 = vector.broadcast %jit3A_878 : i32 to vector<16xi32>
    %select_n3A_880 = arith.select %eq3A_877, %add3A_869, %broadcast_in_dim3A_879 : vector<16xi1>, vector<16xi32>
    %add3A_881 = arith.addi %add3A_862, %select_n3A_880 : vector<16xi32>
    %get3A_882 = arith.constant 5 : i32
    %get3A_883 = arith.index_cast %get3A_882 : i32 to index
    %get3A_884 = arith.constant 96 : index
    %get3A_885 = tpu.vector_load %arg8[%get3A_883, %get3A_884] {strides = array<i32>} : memref<8x128xi32, #tpu.memory_space<vmem>>, vector<16xi32>,
    %add3A_886 = arith.constant 736 : i32
    %add3A_887 = vector.broadcast %add3A_886 : i32 to vector<16xi32>
    %add3A_888 = arith.addi %iota3A, %add3A_887 : vector<16xi32>
    %eq3A_889 = vector.broadcast %add3A_7 : i32 to vector<16xi32>
    %eq3A_890 = arith.cmpi eq, %get3A_885, %eq3A_889 : vector<16xi32>
    %jit3A_891 = arith.constant 0 : i32
    %broadcast_in_dim3A_892 = vector.broadcast %jit3A_891 : i32 to vector<16xi32>
    %select_n3A_893 = arith.select %eq3A_890, %add3A_888, %broadcast_in_dim3A_892 : vector<16xi1>, vector<16xi32>
    %add3A_894 = arith.addi %add3A_875, %select_n3A_893 : vector<16xi32>
    %eq3A_895 = vector.broadcast %add3A_11 : i32 to vector<16xi32>
    %eq3A_896 = arith.cmpi eq, %get3A_885, %eq3A_895 : vector<16xi32>
    %jit3A_897 = arith.constant 0 : i32
    %broadcast_in_dim3A_898 = vector.broadcast %jit3A_897 : i32 to vector<16xi32>
    %select_n3A_899 = arith.select %eq3A_896, %add3A_888, %broadcast_in_dim3A_898 : vector<16xi1>, vector<16xi32>
    %add3A_900 = arith.addi %add3A_881, %select_n3A_899 : vector<16xi32>
    %get3A_901 = arith.constant 5 : i32
    %get3A_902 = arith.index_cast %get3A_901 : i32 to index
    %get3A_903 = arith.constant 112 : index
    %get3A_904 = tpu.vector_load %arg8[%get3A_902, %get3A_903] {strides = array<i32>} : memref<8x128xi32, #tpu.memory_space<vmem>>, vector<16xi32>,
    %add3A_905 = arith.constant 752 : i32
    %add3A_906 = vector.broadcast %add3A_905 : i32 to vector<16xi32>
    %add3A_907 = arith.addi %iota3A, %add3A_906 : vector<16xi32>
    %eq3A_908 = vector.broadcast %add3A_7 : i32 to vector<16xi32>
    %eq3A_909 = arith.cmpi eq, %get3A_904, %eq3A_908 : vector<16xi32>
    %jit3A_910 = arith.constant 0 : i32
    %broadcast_in_dim3A_911 = vector.broadcast %jit3A_910 : i32 to vector<16xi32>
    %select_n3A_912 = arith.select %eq3A_909, %add3A_907, %broadcast_in_dim3A_911 : vector<16xi1>, vector<16xi32>
    %add3A_913 = arith.addi %add3A_894, %select_n3A_912 : vector<16xi32>
    %eq3A_914 = vector.broadcast %add3A_11 : i32 to vector<16xi32>
    %eq3A_915 = arith.cmpi eq, %get3A_904, %eq3A_914 : vector<16xi32>
    %jit3A_916 = arith.constant 0 : i32
    %broadcast_in_dim3A_917 = vector.broadcast %jit3A_916 : i32 to vector<16xi32>
    %select_n3A_918 = arith.select %eq3A_915, %add3A_907, %broadcast_in_dim3A_917 : vector<16xi1>, vector<16xi32>
    %add3A_919 = arith.addi %add3A_900, %select_n3A_918 : vector<16xi32>
    %get3A_920 = arith.constant 6 : i32
    %get3A_921 = arith.index_cast %get3A_920 : i32 to index
    %get3A_922 = arith.constant 0 : index
    %get3A_923 = tpu.vector_load %arg8[%get3A_921, %get3A_922] {strides = array<i32>} : memref<8x128xi32, #tpu.memory_space<vmem>>, vector<16xi32>,
    %add3A_924 = arith.constant 768 : i32
    %add3A_925 = vector.broadcast %add3A_924 : i32 to vector<16xi32>
    %add3A_926 = arith.addi %iota3A, %add3A_925 : vector<16xi32>
    %eq3A_927 = vector.broadcast %add3A_7 : i32 to vector<16xi32>
    %eq3A_928 = arith.cmpi eq, %get3A_923, %eq3A_927 : vector<16xi32>
    %jit3A_929 = arith.constant 0 : i32
    %broadcast_in_dim3A_930 = vector.broadcast %jit3A_929 : i32 to vector<16xi32>
    %select_n3A_931 = arith.select %eq3A_928, %add3A_926, %broadcast_in_dim3A_930 : vector<16xi1>, vector<16xi32>
    %add3A_932 = arith.addi %add3A_913, %select_n3A_931 : vector<16xi32>
    %eq3A_933 = vector.broadcast %add3A_11 : i32 to vector<16xi32>
    %eq3A_934 = arith.cmpi eq, %get3A_923, %eq3A_933 : vector<16xi32>
    %jit3A_935 = arith.constant 0 : i32
    %broadcast_in_dim3A_936 = vector.broadcast %jit3A_935 : i32 to vector<16xi32>
    %select_n3A_937 = arith.select %eq3A_934, %add3A_926, %broadcast_in_dim3A_936 : vector<16xi1>, vector<16xi32>
    %add3A_938 = arith.addi %add3A_919, %select_n3A_937 : vector<16xi32>
    %get3A_939 = arith.constant 6 : i32
    %get3A_940 = arith.index_cast %get3A_939 : i32 to index
    %get3A_941 = arith.constant 16 : index
    %get3A_942 = tpu.vector_load %arg8[%get3A_940, %get3A_941] {strides = array<i32>} : memref<8x128xi32, #tpu.memory_space<vmem>>, vector<16xi32>,
    %add3A_943 = arith.constant 784 : i32
    %add3A_944 = vector.broadcast %add3A_943 : i32 to vector<16xi32>
    %add3A_945 = arith.addi %iota3A, %add3A_944 : vector<16xi32>
    %eq3A_946 = vector.broadcast %add3A_7 : i32 to vector<16xi32>
    %eq3A_947 = arith.cmpi eq, %get3A_942, %eq3A_946 : vector<16xi32>
    %jit3A_948 = arith.constant 0 : i32
    %broadcast_in_dim3A_949 = vector.broadcast %jit3A_948 : i32 to vector<16xi32>
    %select_n3A_950 = arith.select %eq3A_947, %add3A_945, %broadcast_in_dim3A_949 : vector<16xi1>, vector<16xi32>
    %add3A_951 = arith.addi %add3A_932, %select_n3A_950 : vector<16xi32>
    %eq3A_952 = vector.broadcast %add3A_11 : i32 to vector<16xi32>
    %eq3A_953 = arith.cmpi eq, %get3A_942, %eq3A_952 : vector<16xi32>
    %jit3A_954 = arith.constant 0 : i32
    %broadcast_in_dim3A_955 = vector.broadcast %jit3A_954 : i32 to vector<16xi32>
    %select_n3A_956 = arith.select %eq3A_953, %add3A_945, %broadcast_in_dim3A_955 : vector<16xi1>, vector<16xi32>
    %add3A_957 = arith.addi %add3A_938, %select_n3A_956 : vector<16xi32>
    %get3A_958 = arith.constant 6 : i32
    %get3A_959 = arith.index_cast %get3A_958 : i32 to index
    %get3A_960 = arith.constant 32 : index
    %get3A_961 = tpu.vector_load %arg8[%get3A_959, %get3A_960] {strides = array<i32>} : memref<8x128xi32, #tpu.memory_space<vmem>>, vector<16xi32>,
    %add3A_962 = arith.constant 800 : i32
    %add3A_963 = vector.broadcast %add3A_962 : i32 to vector<16xi32>
    %add3A_964 = arith.addi %iota3A, %add3A_963 : vector<16xi32>
    %eq3A_965 = vector.broadcast %add3A_7 : i32 to vector<16xi32>
    %eq3A_966 = arith.cmpi eq, %get3A_961, %eq3A_965 : vector<16xi32>
    %jit3A_967 = arith.constant 0 : i32
    %broadcast_in_dim3A_968 = vector.broadcast %jit3A_967 : i32 to vector<16xi32>
    %select_n3A_969 = arith.select %eq3A_966, %add3A_964, %broadcast_in_dim3A_968 : vector<16xi1>, vector<16xi32>
    %add3A_970 = arith.addi %add3A_951, %select_n3A_969 : vector<16xi32>
    %eq3A_971 = vector.broadcast %add3A_11 : i32 to vector<16xi32>
    %eq3A_972 = arith.cmpi eq, %get3A_961, %eq3A_971 : vector<16xi32>
    %jit3A_973 = arith.constant 0 : i32
    %broadcast_in_dim3A_974 = vector.broadcast %jit3A_973 : i32 to vector<16xi32>
    %select_n3A_975 = arith.select %eq3A_972, %add3A_964, %broadcast_in_dim3A_974 : vector<16xi1>, vector<16xi32>
    %add3A_976 = arith.addi %add3A_957, %select_n3A_975 : vector<16xi32>
    %get3A_977 = arith.constant 6 : i32
    %get3A_978 = arith.index_cast %get3A_977 : i32 to index
    %get3A_979 = arith.constant 48 : index
    %get3A_980 = tpu.vector_load %arg8[%get3A_978, %get3A_979] {strides = array<i32>} : memref<8x128xi32, #tpu.memory_space<vmem>>, vector<16xi32>,
    %add3A_981 = arith.constant 816 : i32
    %add3A_982 = vector.broadcast %add3A_981 : i32 to vector<16xi32>
    %add3A_983 = arith.addi %iota3A, %add3A_982 : vector<16xi32>
    %eq3A_984 = vector.broadcast %add3A_7 : i32 to vector<16xi32>
    %eq3A_985 = arith.cmpi eq, %get3A_980, %eq3A_984 : vector<16xi32>
    %jit3A_986 = arith.constant 0 : i32
    %broadcast_in_dim3A_987 = vector.broadcast %jit3A_986 : i32 to vector<16xi32>
    %select_n3A_988 = arith.select %eq3A_985, %add3A_983, %broadcast_in_dim3A_987 : vector<16xi1>, vector<16xi32>
    %add3A_989 = arith.addi %add3A_970, %select_n3A_988 : vector<16xi32>
    %eq3A_990 = vector.broadcast %add3A_11 : i32 to vector<16xi32>
    %eq3A_991 = arith.cmpi eq, %get3A_980, %eq3A_990 : vector<16xi32>
    %jit3A_992 = arith.constant 0 : i32
    %broadcast_in_dim3A_993 = vector.broadcast %jit3A_992 : i32 to vector<16xi32>
    %select_n3A_994 = arith.select %eq3A_991, %add3A_983, %broadcast_in_dim3A_993 : vector<16xi1>, vector<16xi32>
    %add3A_995 = arith.addi %add3A_976, %select_n3A_994 : vector<16xi32>
    %get3A_996 = arith.constant 6 : i32
    %get3A_997 = arith.index_cast %get3A_996 : i32 to index
    %get3A_998 = arith.constant 64 : index
    %get3A_999 = tpu.vector_load %arg8[%get3A_997, %get3A_998] {strides = array<i32>} : memref<8x128xi32, #tpu.memory_space<vmem>>, vector<16xi32>,
    %add3A_1000 = arith.constant 832 : i32
    %add3A_1001 = vector.broadcast %add3A_1000 : i32 to vector<16xi32>
    %add3A_1002 = arith.addi %iota3A, %add3A_1001 : vector<16xi32>
    %eq3A_1003 = vector.broadcast %add3A_7 : i32 to vector<16xi32>
    %eq3A_1004 = arith.cmpi eq, %get3A_999, %eq3A_1003 : vector<16xi32>
    %jit3A_1005 = arith.constant 0 : i32
    %broadcast_in_dim3A_1006 = vector.broadcast %jit3A_1005 : i32 to vector<16xi32>
    %select_n3A_1007 = arith.select %eq3A_1004, %add3A_1002, %broadcast_in_dim3A_1006 : vector<16xi1>, vector<16xi32>
    %add3A_1008 = arith.addi %add3A_989, %select_n3A_1007 : vector<16xi32>
    %eq3A_1009 = vector.broadcast %add3A_11 : i32 to vector<16xi32>
    %eq3A_1010 = arith.cmpi eq, %get3A_999, %eq3A_1009 : vector<16xi32>
    %jit3A_1011 = arith.constant 0 : i32
    %broadcast_in_dim3A_1012 = vector.broadcast %jit3A_1011 : i32 to vector<16xi32>
    %select_n3A_1013 = arith.select %eq3A_1010, %add3A_1002, %broadcast_in_dim3A_1012 : vector<16xi1>, vector<16xi32>
    %add3A_1014 = arith.addi %add3A_995, %select_n3A_1013 : vector<16xi32>
    %get3A_1015 = arith.constant 6 : i32
    %get3A_1016 = arith.index_cast %get3A_1015 : i32 to index
    %get3A_1017 = arith.constant 80 : index
    %get3A_1018 = tpu.vector_load %arg8[%get3A_1016, %get3A_1017] {strides = array<i32>} : memref<8x128xi32, #tpu.memory_space<vmem>>, vector<16xi32>,
    %add3A_1019 = arith.constant 848 : i32
    %add3A_1020 = vector.broadcast %add3A_1019 : i32 to vector<16xi32>
    %add3A_1021 = arith.addi %iota3A, %add3A_1020 : vector<16xi32>
    %eq3A_1022 = vector.broadcast %add3A_7 : i32 to vector<16xi32>
    %eq3A_1023 = arith.cmpi eq, %get3A_1018, %eq3A_1022 : vector<16xi32>
    %jit3A_1024 = arith.constant 0 : i32
    %broadcast_in_dim3A_1025 = vector.broadcast %jit3A_1024 : i32 to vector<16xi32>
    %select_n3A_1026 = arith.select %eq3A_1023, %add3A_1021, %broadcast_in_dim3A_1025 : vector<16xi1>, vector<16xi32>
    %add3A_1027 = arith.addi %add3A_1008, %select_n3A_1026 : vector<16xi32>
    %eq3A_1028 = vector.broadcast %add3A_11 : i32 to vector<16xi32>
    %eq3A_1029 = arith.cmpi eq, %get3A_1018, %eq3A_1028 : vector<16xi32>
    %jit3A_1030 = arith.constant 0 : i32
    %broadcast_in_dim3A_1031 = vector.broadcast %jit3A_1030 : i32 to vector<16xi32>
    %select_n3A_1032 = arith.select %eq3A_1029, %add3A_1021, %broadcast_in_dim3A_1031 : vector<16xi1>, vector<16xi32>
    %add3A_1033 = arith.addi %add3A_1014, %select_n3A_1032 : vector<16xi32>
    %get3A_1034 = arith.constant 6 : i32
    %get3A_1035 = arith.index_cast %get3A_1034 : i32 to index
    %get3A_1036 = arith.constant 96 : index
    %get3A_1037 = tpu.vector_load %arg8[%get3A_1035, %get3A_1036] {strides = array<i32>} : memref<8x128xi32, #tpu.memory_space<vmem>>, vector<16xi32>,
    %add3A_1038 = arith.constant 864 : i32
    %add3A_1039 = vector.broadcast %add3A_1038 : i32 to vector<16xi32>
    %add3A_1040 = arith.addi %iota3A, %add3A_1039 : vector<16xi32>
    %eq3A_1041 = vector.broadcast %add3A_7 : i32 to vector<16xi32>
    %eq3A_1042 = arith.cmpi eq, %get3A_1037, %eq3A_1041 : vector<16xi32>
    %jit3A_1043 = arith.constant 0 : i32
    %broadcast_in_dim3A_1044 = vector.broadcast %jit3A_1043 : i32 to vector<16xi32>
    %select_n3A_1045 = arith.select %eq3A_1042, %add3A_1040, %broadcast_in_dim3A_1044 : vector<16xi1>, vector<16xi32>
    %add3A_1046 = arith.addi %add3A_1027, %select_n3A_1045 : vector<16xi32>
    %eq3A_1047 = vector.broadcast %add3A_11 : i32 to vector<16xi32>
    %eq3A_1048 = arith.cmpi eq, %get3A_1037, %eq3A_1047 : vector<16xi32>
    %jit3A_1049 = arith.constant 0 : i32
    %broadcast_in_dim3A_1050 = vector.broadcast %jit3A_1049 : i32 to vector<16xi32>
    %select_n3A_1051 = arith.select %eq3A_1048, %add3A_1040, %broadcast_in_dim3A_1050 : vector<16xi1>, vector<16xi32>
    %add3A_1052 = arith.addi %add3A_1033, %select_n3A_1051 : vector<16xi32>
    %get3A_1053 = arith.constant 6 : i32
    %get3A_1054 = arith.index_cast %get3A_1053 : i32 to index
    %get3A_1055 = arith.constant 112 : index
    %get3A_1056 = tpu.vector_load %arg8[%get3A_1054, %get3A_1055] {strides = array<i32>} : memref<8x128xi32, #tpu.memory_space<vmem>>, vector<16xi32>,
    %add3A_1057 = arith.constant 880 : i32
    %add3A_1058 = vector.broadcast %add3A_1057 : i32 to vector<16xi32>
    %add3A_1059 = arith.addi %iota3A, %add3A_1058 : vector<16xi32>
    %eq3A_1060 = vector.broadcast %add3A_7 : i32 to vector<16xi32>
    %eq3A_1061 = arith.cmpi eq, %get3A_1056, %eq3A_1060 : vector<16xi32>
    %jit3A_1062 = arith.constant 0 : i32
    %broadcast_in_dim3A_1063 = vector.broadcast %jit3A_1062 : i32 to vector<16xi32>
    %select_n3A_1064 = arith.select %eq3A_1061, %add3A_1059, %broadcast_in_dim3A_1063 : vector<16xi1>, vector<16xi32>
    %add3A_1065 = arith.addi %add3A_1046, %select_n3A_1064 : vector<16xi32>
    %eq3A_1066 = vector.broadcast %add3A_11 : i32 to vector<16xi32>
    %eq3A_1067 = arith.cmpi eq, %get3A_1056, %eq3A_1066 : vector<16xi32>
    %jit3A_1068 = arith.constant 0 : i32
    %broadcast_in_dim3A_1069 = vector.broadcast %jit3A_1068 : i32 to vector<16xi32>
    %select_n3A_1070 = arith.select %eq3A_1067, %add3A_1059, %broadcast_in_dim3A_1069 : vector<16xi1>, vector<16xi32>
    %add3A_1071 = arith.addi %add3A_1052, %select_n3A_1070 : vector<16xi32>
    %get3A_1072 = arith.constant 7 : i32
    %get3A_1073 = arith.index_cast %get3A_1072 : i32 to index
    %get3A_1074 = arith.constant 0 : index
    %get3A_1075 = tpu.vector_load %arg8[%get3A_1073, %get3A_1074] {strides = array<i32>} : memref<8x128xi32, #tpu.memory_space<vmem>>, vector<16xi32>,
    %add3A_1076 = arith.constant 896 : i32
    %add3A_1077 = vector.broadcast %add3A_1076 : i32 to vector<16xi32>
    %add3A_1078 = arith.addi %iota3A, %add3A_1077 : vector<16xi32>
    %eq3A_1079 = vector.broadcast %add3A_7 : i32 to vector<16xi32>
    %eq3A_1080 = arith.cmpi eq, %get3A_1075, %eq3A_1079 : vector<16xi32>
    %jit3A_1081 = arith.constant 0 : i32
    %broadcast_in_dim3A_1082 = vector.broadcast %jit3A_1081 : i32 to vector<16xi32>
    %select_n3A_1083 = arith.select %eq3A_1080, %add3A_1078, %broadcast_in_dim3A_1082 : vector<16xi1>, vector<16xi32>
    %add3A_1084 = arith.addi %add3A_1065, %select_n3A_1083 : vector<16xi32>
    %eq3A_1085 = vector.broadcast %add3A_11 : i32 to vector<16xi32>
    %eq3A_1086 = arith.cmpi eq, %get3A_1075, %eq3A_1085 : vector<16xi32>
    %jit3A_1087 = arith.constant 0 : i32
    %broadcast_in_dim3A_1088 = vector.broadcast %jit3A_1087 : i32 to vector<16xi32>
    %select_n3A_1089 = arith.select %eq3A_1086, %add3A_1078, %broadcast_in_dim3A_1088 : vector<16xi1>, vector<16xi32>
    %add3A_1090 = arith.addi %add3A_1071, %select_n3A_1089 : vector<16xi32>
    %get3A_1091 = arith.constant 7 : i32
    %get3A_1092 = arith.index_cast %get3A_1091 : i32 to index
    %get3A_1093 = arith.constant 16 : index
    %get3A_1094 = tpu.vector_load %arg8[%get3A_1092, %get3A_1093] {strides = array<i32>} : memref<8x128xi32, #tpu.memory_space<vmem>>, vector<16xi32>,
    %add3A_1095 = arith.constant 912 : i32
    %add3A_1096 = vector.broadcast %add3A_1095 : i32 to vector<16xi32>
    %add3A_1097 = arith.addi %iota3A, %add3A_1096 : vector<16xi32>
    %eq3A_1098 = vector.broadcast %add3A_7 : i32 to vector<16xi32>
    %eq3A_1099 = arith.cmpi eq, %get3A_1094, %eq3A_1098 : vector<16xi32>
    %jit3A_1100 = arith.constant 0 : i32
    %broadcast_in_dim3A_1101 = vector.broadcast %jit3A_1100 : i32 to vector<16xi32>
    %select_n3A_1102 = arith.select %eq3A_1099, %add3A_1097, %broadcast_in_dim3A_1101 : vector<16xi1>, vector<16xi32>
    %add3A_1103 = arith.addi %add3A_1084, %select_n3A_1102 : vector<16xi32>
    %eq3A_1104 = vector.broadcast %add3A_11 : i32 to vector<16xi32>
    %eq3A_1105 = arith.cmpi eq, %get3A_1094, %eq3A_1104 : vector<16xi32>
    %jit3A_1106 = arith.constant 0 : i32
    %broadcast_in_dim3A_1107 = vector.broadcast %jit3A_1106 : i32 to vector<16xi32>
    %select_n3A_1108 = arith.select %eq3A_1105, %add3A_1097, %broadcast_in_dim3A_1107 : vector<16xi1>, vector<16xi32>
    %add3A_1109 = arith.addi %add3A_1090, %select_n3A_1108 : vector<16xi32>
    %get3A_1110 = arith.constant 7 : i32
    %get3A_1111 = arith.index_cast %get3A_1110 : i32 to index
    %get3A_1112 = arith.constant 32 : index
    %get3A_1113 = tpu.vector_load %arg8[%get3A_1111, %get3A_1112] {strides = array<i32>} : memref<8x128xi32, #tpu.memory_space<vmem>>, vector<16xi32>,
    %add3A_1114 = arith.constant 928 : i32
    %add3A_1115 = vector.broadcast %add3A_1114 : i32 to vector<16xi32>
    %add3A_1116 = arith.addi %iota3A, %add3A_1115 : vector<16xi32>
    %eq3A_1117 = vector.broadcast %add3A_7 : i32 to vector<16xi32>
    %eq3A_1118 = arith.cmpi eq, %get3A_1113, %eq3A_1117 : vector<16xi32>
    %jit3A_1119 = arith.constant 0 : i32
    %broadcast_in_dim3A_1120 = vector.broadcast %jit3A_1119 : i32 to vector<16xi32>
    %select_n3A_1121 = arith.select %eq3A_1118, %add3A_1116, %broadcast_in_dim3A_1120 : vector<16xi1>, vector<16xi32>
    %add3A_1122 = arith.addi %add3A_1103, %select_n3A_1121 : vector<16xi32>
    %eq3A_1123 = vector.broadcast %add3A_11 : i32 to vector<16xi32>
    %eq3A_1124 = arith.cmpi eq, %get3A_1113, %eq3A_1123 : vector<16xi32>
    %jit3A_1125 = arith.constant 0 : i32
    %broadcast_in_dim3A_1126 = vector.broadcast %jit3A_1125 : i32 to vector<16xi32>
    %select_n3A_1127 = arith.select %eq3A_1124, %add3A_1116, %broadcast_in_dim3A_1126 : vector<16xi1>, vector<16xi32>
    %add3A_1128 = arith.addi %add3A_1109, %select_n3A_1127 : vector<16xi32>
    %get3A_1129 = arith.constant 7 : i32
    %get3A_1130 = arith.index_cast %get3A_1129 : i32 to index
    %get3A_1131 = arith.constant 48 : index
    %get3A_1132 = tpu.vector_load %arg8[%get3A_1130, %get3A_1131] {strides = array<i32>} : memref<8x128xi32, #tpu.memory_space<vmem>>, vector<16xi32>,
    %add3A_1133 = arith.constant 944 : i32
    %add3A_1134 = vector.broadcast %add3A_1133 : i32 to vector<16xi32>
    %add3A_1135 = arith.addi %iota3A, %add3A_1134 : vector<16xi32>
    %eq3A_1136 = vector.broadcast %add3A_7 : i32 to vector<16xi32>
    %eq3A_1137 = arith.cmpi eq, %get3A_1132, %eq3A_1136 : vector<16xi32>
    %jit3A_1138 = arith.constant 0 : i32
    %broadcast_in_dim3A_1139 = vector.broadcast %jit3A_1138 : i32 to vector<16xi32>
    %select_n3A_1140 = arith.select %eq3A_1137, %add3A_1135, %broadcast_in_dim3A_1139 : vector<16xi1>, vector<16xi32>
    %add3A_1141 = arith.addi %add3A_1122, %select_n3A_1140 : vector<16xi32>
    %eq3A_1142 = vector.broadcast %add3A_11 : i32 to vector<16xi32>
    %eq3A_1143 = arith.cmpi eq, %get3A_1132, %eq3A_1142 : vector<16xi32>
    %jit3A_1144 = arith.constant 0 : i32
    %broadcast_in_dim3A_1145 = vector.broadcast %jit3A_1144 : i32 to vector<16xi32>
    %select_n3A_1146 = arith.select %eq3A_1143, %add3A_1135, %broadcast_in_dim3A_1145 : vector<16xi1>, vector<16xi32>
    %add3A_1147 = arith.addi %add3A_1128, %select_n3A_1146 : vector<16xi32>
    %get3A_1148 = arith.constant 7 : i32
    %get3A_1149 = arith.index_cast %get3A_1148 : i32 to index
    %get3A_1150 = arith.constant 64 : index
    %get3A_1151 = tpu.vector_load %arg8[%get3A_1149, %get3A_1150] {strides = array<i32>} : memref<8x128xi32, #tpu.memory_space<vmem>>, vector<16xi32>,
    %add3A_1152 = arith.constant 960 : i32
    %add3A_1153 = vector.broadcast %add3A_1152 : i32 to vector<16xi32>
    %add3A_1154 = arith.addi %iota3A, %add3A_1153 : vector<16xi32>
    %eq3A_1155 = vector.broadcast %add3A_7 : i32 to vector<16xi32>
    %eq3A_1156 = arith.cmpi eq, %get3A_1151, %eq3A_1155 : vector<16xi32>
    %jit3A_1157 = arith.constant 0 : i32
    %broadcast_in_dim3A_1158 = vector.broadcast %jit3A_1157 : i32 to vector<16xi32>
    %select_n3A_1159 = arith.select %eq3A_1156, %add3A_1154, %broadcast_in_dim3A_1158 : vector<16xi1>, vector<16xi32>
    %add3A_1160 = arith.addi %add3A_1141, %select_n3A_1159 : vector<16xi32>
    %eq3A_1161 = vector.broadcast %add3A_11 : i32 to vector<16xi32>
    %eq3A_1162 = arith.cmpi eq, %get3A_1151, %eq3A_1161 : vector<16xi32>
    %jit3A_1163 = arith.constant 0 : i32
    %broadcast_in_dim3A_1164 = vector.broadcast %jit3A_1163 : i32 to vector<16xi32>
    %select_n3A_1165 = arith.select %eq3A_1162, %add3A_1154, %broadcast_in_dim3A_1164 : vector<16xi1>, vector<16xi32>
    %add3A_1166 = arith.addi %add3A_1147, %select_n3A_1165 : vector<16xi32>
    %get3A_1167 = arith.constant 7 : i32
    %get3A_1168 = arith.index_cast %get3A_1167 : i32 to index
    %get3A_1169 = arith.constant 80 : index
    %get3A_1170 = tpu.vector_load %arg8[%get3A_1168, %get3A_1169] {strides = array<i32>} : memref<8x128xi32, #tpu.memory_space<vmem>>, vector<16xi32>,
    %add3A_1171 = arith.constant 976 : i32
    %add3A_1172 = vector.broadcast %add3A_1171 : i32 to vector<16xi32>
    %add3A_1173 = arith.addi %iota3A, %add3A_1172 : vector<16xi32>
    %eq3A_1174 = vector.broadcast %add3A_7 : i32 to vector<16xi32>
    %eq3A_1175 = arith.cmpi eq, %get3A_1170, %eq3A_1174 : vector<16xi32>
    %jit3A_1176 = arith.constant 0 : i32
    %broadcast_in_dim3A_1177 = vector.broadcast %jit3A_1176 : i32 to vector<16xi32>
    %select_n3A_1178 = arith.select %eq3A_1175, %add3A_1173, %broadcast_in_dim3A_1177 : vector<16xi1>, vector<16xi32>
    %add3A_1179 = arith.addi %add3A_1160, %select_n3A_1178 : vector<16xi32>
    %eq3A_1180 = vector.broadcast %add3A_11 : i32 to vector<16xi32>
    %eq3A_1181 = arith.cmpi eq, %get3A_1170, %eq3A_1180 : vector<16xi32>
    %jit3A_1182 = arith.constant 0 : i32
    %broadcast_in_dim3A_1183 = vector.broadcast %jit3A_1182 : i32 to vector<16xi32>
    %select_n3A_1184 = arith.select %eq3A_1181, %add3A_1173, %broadcast_in_dim3A_1183 : vector<16xi1>, vector<16xi32>
    %add3A_1185 = arith.addi %add3A_1166, %select_n3A_1184 : vector<16xi32>
    %get3A_1186 = arith.constant 7 : i32
    %get3A_1187 = arith.index_cast %get3A_1186 : i32 to index
    %get3A_1188 = arith.constant 96 : index
    %get3A_1189 = tpu.vector_load %arg8[%get3A_1187, %get3A_1188] {strides = array<i32>} : memref<8x128xi32, #tpu.memory_space<vmem>>, vector<16xi32>,
    %add3A_1190 = arith.constant 992 : i32
    %add3A_1191 = vector.broadcast %add3A_1190 : i32 to vector<16xi32>
    %add3A_1192 = arith.addi %iota3A, %add3A_1191 : vector<16xi32>
    %eq3A_1193 = vector.broadcast %add3A_7 : i32 to vector<16xi32>
    %eq3A_1194 = arith.cmpi eq, %get3A_1189, %eq3A_1193 : vector<16xi32>
    %jit3A_1195 = arith.constant 0 : i32
    %broadcast_in_dim3A_1196 = vector.broadcast %jit3A_1195 : i32 to vector<16xi32>
    %select_n3A_1197 = arith.select %eq3A_1194, %add3A_1192, %broadcast_in_dim3A_1196 : vector<16xi1>, vector<16xi32>
    %add3A_1198 = arith.addi %add3A_1179, %select_n3A_1197 : vector<16xi32>
    %eq3A_1199 = vector.broadcast %add3A_11 : i32 to vector<16xi32>
    %eq3A_1200 = arith.cmpi eq, %get3A_1189, %eq3A_1199 : vector<16xi32>
    %jit3A_1201 = arith.constant 0 : i32
    %broadcast_in_dim3A_1202 = vector.broadcast %jit3A_1201 : i32 to vector<16xi32>
    %select_n3A_1203 = arith.select %eq3A_1200, %add3A_1192, %broadcast_in_dim3A_1202 : vector<16xi1>, vector<16xi32>
    %add3A_1204 = arith.addi %add3A_1185, %select_n3A_1203 : vector<16xi32>
    %get3A_1205 = arith.constant 7 : i32
    %get3A_1206 = arith.index_cast %get3A_1205 : i32 to index
    %get3A_1207 = arith.constant 112 : index
    %get3A_1208 = tpu.vector_load %arg8[%get3A_1206, %get3A_1207] {strides = array<i32>} : memref<8x128xi32, #tpu.memory_space<vmem>>, vector<16xi32>,
    %add3A_1209 = arith.constant 1008 : i32
    %add3A_1210 = vector.broadcast %add3A_1209 : i32 to vector<16xi32>
    %add3A_1211 = arith.addi %iota3A, %add3A_1210 : vector<16xi32>
    %eq3A_1212 = vector.broadcast %add3A_7 : i32 to vector<16xi32>
    %eq3A_1213 = arith.cmpi eq, %get3A_1208, %eq3A_1212 : vector<16xi32>
    %jit3A_1214 = arith.constant 0 : i32
    %broadcast_in_dim3A_1215 = vector.broadcast %jit3A_1214 : i32 to vector<16xi32>
    %select_n3A_1216 = arith.select %eq3A_1213, %add3A_1211, %broadcast_in_dim3A_1215 : vector<16xi1>, vector<16xi32>
    %add3A_1217 = arith.addi %add3A_1198, %select_n3A_1216 : vector<16xi32>
    %eq3A_1218 = vector.broadcast %add3A_11 : i32 to vector<16xi32>
    %eq3A_1219 = arith.cmpi eq, %get3A_1208, %eq3A_1218 : vector<16xi32>
    %jit3A_1220 = arith.constant 0 : i32
    %broadcast_in_dim3A_1221 = vector.broadcast %jit3A_1220 : i32 to vector<16xi32>
    %select_n3A_1222 = arith.select %eq3A_1219, %add3A_1211, %broadcast_in_dim3A_1221 : vector<16xi1>, vector<16xi32>
    %add3A_1223 = arith.addi %add3A_1204, %select_n3A_1222 : vector<16xi32>
    %reduce_sum3A = arith.constant true
    %reduce_sum3A_1224 = vector.broadcast %reduce_sum3A : i1 to vector<16xi1>
    %reduce_sum3A_1225 = tpu.scan <sum>, %add3A_1217 masked %reduce_sum3A_1224 : vector<16xi32>, vector<16xi1> -> vector<16xi32>
    %reduce_sum3A_1226 = vector.extract %reduce_sum3A_1225[15] : i32 from vector<16xi32>
    %reduce_sum3A_1227 = arith.constant true
    %reduce_sum3A_1228 = vector.broadcast %reduce_sum3A_1227 : i1 to vector<16xi1>
    %reduce_sum3A_1229 = tpu.scan <sum>, %add3A_1223 masked %reduce_sum3A_1228 : vector<16xi32>, vector<16xi1> -> vector<16xi32>
    %reduce_sum3A_1230 = vector.extract %reduce_sum3A_1229[15] : i32 from vector<16xi32>
    %eq3A_1231 = arith.constant 0 : i32
    %eq3A_1232 = vector.broadcast %eq3A_1231 : i32 to vector<16xi32>
    %eq3A_1233 = arith.cmpi eq, %iota3A, %eq3A_1232 : vector<16xi32>
    %broadcast_in_dim3A_1234 = vector.broadcast %reduce_sum3A_1226 : i32 to vector<16xi32>
    %broadcast_in_dim3A_1235 = vector.broadcast %reduce_sum3A_1230 : i32 to vector<16xi32>
    %select_n3A_1236 = arith.select %eq3A_1233, %broadcast_in_dim3A_1234, %broadcast_in_dim3A_1235 : vector<16xi1>, vector<16xi32>
    %dma_start3A = arith.constant 0 : i32
    %dma_start3A_1237 = arith.constant 0 : i32
    %dma_start3A_1238 = tpu.memref_slice %arg3[%dma_start3A, %dma_start3A_1237] : memref<1024x128xi32, #tpu.memory_space<hbm>> -> memref<1024x128xi32, #tpu.memory_space<hbm>>
    tpu.enqueue_indirect_dma source(%dma_start3A_1238 : memref<1024x128xi32, #tpu.memory_space<hbm>>) target(%arg10 : memref<16x128xi32, #tpu.memory_space<vmem>>) offsets(%select_n3A_1236 : vector<16xi32>) semaphore(%arg16 : memref<!tpu.dma_semaphore, #tpu.memory_space<semaphore_mem>>)
    %dma_wait3A = arith.constant 0 : i32
    %dma_wait3A_1239 = arith.constant 0 : i32
    %dma_wait3A_1240 = tpu.memref_slice %arg3[%dma_wait3A, %dma_wait3A_1239] : memref<1024x128xi32, #tpu.memory_space<hbm>> -> memref<1024x128xi32, #tpu.memory_space<hbm>>
    tpu.wait_indirect_dma semaphore(%arg16 : memref<!tpu.dma_semaphore, #tpu.memory_space<semaphore_mem>>) src(%dma_wait3A_1240 : memref<1024x128xi32, #tpu.memory_space<hbm>>) dst(%arg10 : memref<16x128xi32, #tpu.memory_space<vmem>>)
    tpu.wait_dma2 semaphore(%arg19 : memref<!tpu.dma_semaphore, #tpu.memory_space<semaphore_mem>>) src(%arg5 : memref<2048xf32, #tpu.memory_space<hbm>>) dst(%arg9 : memref<2048xf32, #tpu.memory_space<vmem>>)
    %add3A_1241 = arith.constant 0 : i32
    %add3A_1242 = vector.broadcast %add3A_1241 : i32 to vector<16xi32>
    %add3A_1243 = arith.addi %iota3A, %add3A_1242 : vector<16xi32>
    %jit3A_1244 = arith.constant 100 : i32
    %div3A = vector.broadcast %jit3A_1244 : i32 to vector<16xi32>
    %div3A_1245 = arith.divsi %add3A_1243, %div3A : vector<16xi32>
    %sign3A = arith.constant 0 : i32
    %sign3A_1246 = vector.broadcast %sign3A : i32 to vector<16xi32>
    %sign3A_1247 = arith.cmpi sgt, %add3A_1243, %sign3A_1246 : vector<16xi32>
    %sign3A_1248 = arith.extui %sign3A_1247 : vector<16xi1> to vector<16xi32>
    %sign3A_1249 = arith.constant 0 : i32
    %sign3A_1250 = vector.broadcast %sign3A_1249 : i32 to vector<16xi32>
    %sign3A_1251 = arith.cmpi slt, %add3A_1243, %sign3A_1250 : vector<16xi32>
    %sign3A_1252 = arith.extui %sign3A_1251 : vector<16xi1> to vector<16xi32>
    %sign3A_1253 = arith.subi %sign3A_1248, %sign3A_1252 : vector<16xi32>
    %sign3A_1254 = arith.constant 0 : i32
    %sign3A_1255 = arith.cmpi sgt, %jit3A_1244, %sign3A_1254 : i32
    %sign3A_1256 = arith.extui %sign3A_1255 : i1 to i32
    %sign3A_1257 = arith.constant 0 : i32
    %sign3A_1258 = arith.cmpi slt, %jit3A_1244, %sign3A_1257 : i32
    %sign3A_1259 = arith.extui %sign3A_1258 : i1 to i32
    %sign3A_1260 = arith.subi %sign3A_1256, %sign3A_1259 : i32
    %ne3A = vector.broadcast %sign3A_1260 : i32 to vector<16xi32>
    %ne3A_1261 = arith.cmpi ne, %sign3A_1253, %ne3A : vector<16xi32>
    %rem3A = vector.broadcast %jit3A_1244 : i32 to vector<16xi32>
    %rem3A_1262 = arith.remsi %add3A_1243, %rem3A : vector<16xi32>
    %ne3A_1263 = arith.constant 0 : i32
    %ne3A_1264 = vector.broadcast %ne3A_1263 : i32 to vector<16xi32>
    %ne3A_1265 = arith.cmpi ne, %rem3A_1262, %ne3A_1264 : vector<16xi32>
    %and3A = arith.andi %ne3A_1261, %ne3A_1265 : vector<16xi1>
    %sub3A = arith.constant 1 : i32
    %sub3A_1266 = vector.broadcast %sub3A : i32 to vector<16xi32>
    %sub3A_1267 = arith.subi %div3A_1245, %sub3A_1266 : vector<16xi32>
    %select_n3A_1268 = arith.select %and3A, %sub3A_1267, %div3A_1245 : vector<16xi1>, vector<16xi32>
    %jit3A_1269 = arith.constant 100 : i32
    %eq3A_1270 = arith.constant 0 : i32
    %eq3A_1271 = arith.cmpi eq, %jit3A_1269, %eq3A_1270 : i32
    %jit3A_1272 = arith.constant 1 : i32
    %select_n3A_1273 = arith.select %eq3A_1271, %jit3A_1272, %jit3A_1269 : i32
    %rem3A_1274 = vector.broadcast %select_n3A_1273 : i32 to vector<16xi32>
    %rem3A_1275 = arith.remsi %add3A_1243, %rem3A_1274 : vector<16xi32>
    %ne3A_1276 = arith.constant 0 : i32
    %ne3A_1277 = vector.broadcast %ne3A_1276 : i32 to vector<16xi32>
    %ne3A_1278 = arith.cmpi ne, %rem3A_1275, %ne3A_1277 : vector<16xi32>
    %lt3A = arith.constant 0 : i32
    %lt3A_1279 = vector.broadcast %lt3A : i32 to vector<16xi32>
    %lt3A_1280 = arith.cmpi slt, %rem3A_1275, %lt3A_1279 : vector<16xi32>
    %lt3A_1281 = arith.constant 0 : i32
    %lt3A_1282 = arith.cmpi slt, %select_n3A_1273, %lt3A_1281 : i32
    %ne3A_1283 = vector.broadcast %lt3A_1282 : i1 to vector<16xi1>
    %ne3A_1284 = vector.broadcast %ne3A_1283 : vector<16xi1> to vector<16xi1>
    %ne3A_1285 = arith.xori %lt3A_1280, %ne3A_1284 : vector<16xi1>
    %and3A_1286 = arith.andi %ne3A_1285, %ne3A_1278 : vector<16xi1>
    %add3A_1287 = vector.broadcast %select_n3A_1273 : i32 to vector<16xi32>
    %add3A_1288 = arith.addi %rem3A_1275, %add3A_1287 : vector<16xi32>
    %select_n3A_1289 = arith.select %and3A_1286, %add3A_1288, %rem3A_1275 : vector<16xi1>, vector<16xi32>
    %gather3A = tpu.vector_load_idx %arg10[%select_n3A_1268, %select_n3A_1289] : memref<16x128xi32, #tpu.memory_space<vmem>>[vector<16xi32>, vector<16xi32>], vector<16xi32>,
    %dma_start3A_1290 = arith.constant 0 : i32
    %dma_start3A_1291 = arith.constant 0 : i32
    %dma_start3A_1292 = tpu.memref_slice %arg2[%dma_start3A_1290, %dma_start3A_1291] : memref<100000x2048xf32, #tpu.memory_space<hbm>> -> memref<100000x2048xf32, #tpu.memory_space<hbm>>
    tpu.enqueue_indirect_dma source(%dma_start3A_1292 : memref<100000x2048xf32, #tpu.memory_space<hbm>>) target(%arg11 : memref<16x2048xf32, #tpu.memory_space<vmem>>) offsets(%gather3A : vector<16xi32>) semaphore(%arg16 : memref<!tpu.dma_semaphore, #tpu.memory_space<semaphore_mem>>)
    %add3A_1293 = arith.constant 16 : i32
    %add3A_1294 = vector.broadcast %add3A_1293 : i32 to vector<16xi32>
    %add3A_1295 = arith.addi %iota3A, %add3A_1294 : vector<16xi32>
    %jit3A_1296 = arith.constant 100 : i32
    %div3A_1297 = vector.broadcast %jit3A_1296 : i32 to vector<16xi32>
    %div3A_1298 = arith.divsi %add3A_1295, %div3A_1297 : vector<16xi32>
    %sign3A_1299 = arith.constant 0 : i32
    %sign3A_1300 = vector.broadcast %sign3A_1299 : i32 to vector<16xi32>
    %sign3A_1301 = arith.cmpi sgt, %add3A_1295, %sign3A_1300 : vector<16xi32>
    %sign3A_1302 = arith.extui %sign3A_1301 : vector<16xi1> to vector<16xi32>
    %sign3A_1303 = arith.constant 0 : i32
    %sign3A_1304 = vector.broadcast %sign3A_1303 : i32 to vector<16xi32>
    %sign3A_1305 = arith.cmpi slt, %add3A_1295, %sign3A_1304 : vector<16xi32>
    %sign3A_1306 = arith.extui %sign3A_1305 : vector<16xi1> to vector<16xi32>
    %sign3A_1307 = arith.subi %sign3A_1302, %sign3A_1306 : vector<16xi32>
    %sign3A_1308 = arith.constant 0 : i32
    %sign3A_1309 = arith.cmpi sgt, %jit3A_1296, %sign3A_1308 : i32
    %sign3A_1310 = arith.extui %sign3A_1309 : i1 to i32
    %sign3A_1311 = arith.constant 0 : i32
    %sign3A_1312 = arith.cmpi slt, %jit3A_1296, %sign3A_1311 : i32
    %sign3A_1313 = arith.extui %sign3A_1312 : i1 to i32
    %sign3A_1314 = arith.subi %sign3A_1310, %sign3A_1313 : i32
    %ne3A_1315 = vector.broadcast %sign3A_1314 : i32 to vector<16xi32>
    %ne3A_1316 = arith.cmpi ne, %sign3A_1307, %ne3A_1315 : vector<16xi32>
    %rem3A_1317 = vector.broadcast %jit3A_1296 : i32 to vector<16xi32>
    %rem3A_1318 = arith.remsi %add3A_1295, %rem3A_1317 : vector<16xi32>
    %ne3A_1319 = arith.constant 0 : i32
    %ne3A_1320 = vector.broadcast %ne3A_1319 : i32 to vector<16xi32>
    %ne3A_1321 = arith.cmpi ne, %rem3A_1318, %ne3A_1320 : vector<16xi32>
    %and3A_1322 = arith.andi %ne3A_1316, %ne3A_1321 : vector<16xi1>
    %sub3A_1323 = arith.constant 1 : i32
    %sub3A_1324 = vector.broadcast %sub3A_1323 : i32 to vector<16xi32>
    %sub3A_1325 = arith.subi %div3A_1298, %sub3A_1324 : vector<16xi32>
    %select_n3A_1326 = arith.select %and3A_1322, %sub3A_1325, %div3A_1298 : vector<16xi1>, vector<16xi32>
    %jit3A_1327 = arith.constant 100 : i32
    %eq3A_1328 = arith.constant 0 : i32
    %eq3A_1329 = arith.cmpi eq, %jit3A_1327, %eq3A_1328 : i32
    %jit3A_1330 = arith.constant 1 : i32
    %select_n3A_1331 = arith.select %eq3A_1329, %jit3A_1330, %jit3A_1327 : i32
    %rem3A_1332 = vector.broadcast %select_n3A_1331 : i32 to vector<16xi32>
    %rem3A_1333 = arith.remsi %add3A_1295, %rem3A_1332 : vector<16xi32>
    %ne3A_1334 = arith.constant 0 : i32
    %ne3A_1335 = vector.broadcast %ne3A_1334 : i32 to vector<16xi32>
    %ne3A_1336 = arith.cmpi ne, %rem3A_1333, %ne3A_1335 : vector<16xi32>
    %lt3A_1337 = arith.constant 0 : i32
    %lt3A_1338 = vector.broadcast %lt3A_1337 : i32 to vector<16xi32>
    %lt3A_1339 = arith.cmpi slt, %rem3A_1333, %lt3A_1338 : vector<16xi32>
    %lt3A_1340 = arith.constant 0 : i32
    %lt3A_1341 = arith.cmpi slt, %select_n3A_1331, %lt3A_1340 : i32
    %ne3A_1342 = vector.broadcast %lt3A_1341 : i1 to vector<16xi1>
    %ne3A_1343 = vector.broadcast %ne3A_1342 : vector<16xi1> to vector<16xi1>
    %ne3A_1344 = arith.xori %lt3A_1339, %ne3A_1343 : vector<16xi1>
    %and3A_1345 = arith.andi %ne3A_1344, %ne3A_1336 : vector<16xi1>
    %add3A_1346 = vector.broadcast %select_n3A_1331 : i32 to vector<16xi32>
    %add3A_1347 = arith.addi %rem3A_1333, %add3A_1346 : vector<16xi32>
    %select_n3A_1348 = arith.select %and3A_1345, %add3A_1347, %rem3A_1333 : vector<16xi1>, vector<16xi32>
    %gather3A_1349 = tpu.vector_load_idx %arg10[%select_n3A_1326, %select_n3A_1348] : memref<16x128xi32, #tpu.memory_space<vmem>>[vector<16xi32>, vector<16xi32>], vector<16xi32>,
    %dma_start3A_1350 = arith.constant 0 : i32
    %dma_start3A_1351 = arith.constant 0 : i32
    %dma_start3A_1352 = tpu.memref_slice %arg2[%dma_start3A_1350, %dma_start3A_1351] : memref<100000x2048xf32, #tpu.memory_space<hbm>> -> memref<100000x2048xf32, #tpu.memory_space<hbm>>
    tpu.enqueue_indirect_dma source(%dma_start3A_1352 : memref<100000x2048xf32, #tpu.memory_space<hbm>>) target(%arg12 : memref<16x2048xf32, #tpu.memory_space<vmem>>) offsets(%gather3A_1349 : vector<16xi32>) semaphore(%arg17 : memref<!tpu.dma_semaphore, #tpu.memory_space<semaphore_mem>>)
    %scan3A = arith.constant 0 : i32
    %scan3A_1353 = arith.constant 0 : i32
    %scan3A_1354 = arith.constant 5 : i32
    %scan3A_1355 = arith.addi %scan3A_1353, %scan3A_1354 : i32
    %scan3A_1356 = arith.constant 1 : i32
    scf.for %scan3A_1358 = %scan3A_1353 to %scan3A_1355 step %scan3A_1356  : i32 {
      %mul3A_1359 = arith.constant 3 : i32
      %mul3A_1360 = arith.muli %mul3A_1359, %scan3A_1358 : i32
      %add3A_1361 = arith.constant 0 : i32
      %add3A_1362 = arith.addi %mul3A_1360, %add3A_1361 : i32
      %add3A_1363 = arith.constant 2 : i32
      %add3A_1364 = arith.addi %add3A_1362, %add3A_1363 : i32
      %lt3A_1365 = arith.constant 13 : i32
      %lt3A_1366 = arith.cmpi slt, %add3A_1364, %lt3A_1365 : i32
      %convert_element_type3A = arith.extui %lt3A_1366 : i1 to i32
      %cond3A = arith.constant 0 : i32
      %cond3A_1367 = arith.cmpi ne, %convert_element_type3A, %cond3A : i32
      scf.if %cond3A_1367 {
        %add3A_1405 = arith.constant 2 : i32
        %add3A_1406 = arith.addi %add3A_1362, %add3A_1405 : i32
        %mul3A_1407 = arith.constant 16 : i32
        %mul3A_1408 = arith.muli %add3A_1406, %mul3A_1407 : i32
        %add3A_1409 = vector.broadcast %mul3A_1408 : i32 to vector<16xi32>
        %add3A_1410 = arith.addi %iota3A, %add3A_1409 : vector<16xi32>
        %jit3A_1411 = arith.constant 100 : i32
        %div3A_1412 = vector.broadcast %jit3A_1411 : i32 to vector<16xi32>
        %div3A_1413 = arith.divsi %add3A_1410, %div3A_1412 : vector<16xi32>
        %sign3A_1414 = arith.constant 0 : i32
        %sign3A_1415 = vector.broadcast %sign3A_1414 : i32 to vector<16xi32>
        %sign3A_1416 = arith.cmpi sgt, %add3A_1410, %sign3A_1415 : vector<16xi32>
        %sign3A_1417 = arith.extui %sign3A_1416 : vector<16xi1> to vector<16xi32>
        %sign3A_1418 = arith.constant 0 : i32
        %sign3A_1419 = vector.broadcast %sign3A_1418 : i32 to vector<16xi32>
        %sign3A_1420 = arith.cmpi slt, %add3A_1410, %sign3A_1419 : vector<16xi32>
        %sign3A_1421 = arith.extui %sign3A_1420 : vector<16xi1> to vector<16xi32>
        %sign3A_1422 = arith.subi %sign3A_1417, %sign3A_1421 : vector<16xi32>
        %sign3A_1423 = arith.constant 0 : i32
        %sign3A_1424 = arith.cmpi sgt, %jit3A_1411, %sign3A_1423 : i32
        %sign3A_1425 = arith.extui %sign3A_1424 : i1 to i32
        %sign3A_1426 = arith.constant 0 : i32
        %sign3A_1427 = arith.cmpi slt, %jit3A_1411, %sign3A_1426 : i32
        %sign3A_1428 = arith.extui %sign3A_1427 : i1 to i32
        %sign3A_1429 = arith.subi %sign3A_1425, %sign3A_1428 : i32
        %ne3A_1430 = vector.broadcast %sign3A_1429 : i32 to vector<16xi32>
        %ne3A_1431 = arith.cmpi ne, %sign3A_1422, %ne3A_1430 : vector<16xi32>
        %rem3A_1432 = vector.broadcast %jit3A_1411 : i32 to vector<16xi32>
        %rem3A_1433 = arith.remsi %add3A_1410, %rem3A_1432 : vector<16xi32>
        %ne3A_1434 = arith.constant 0 : i32
        %ne3A_1435 = vector.broadcast %ne3A_1434 : i32 to vector<16xi32>
        %ne3A_1436 = arith.cmpi ne, %rem3A_1433, %ne3A_1435 : vector<16xi32>
        %and3A_1437 = arith.andi %ne3A_1431, %ne3A_1436 : vector<16xi1>
        %sub3A_1438 = arith.constant 1 : i32
        %sub3A_1439 = vector.broadcast %sub3A_1438 : i32 to vector<16xi32>
        %sub3A_1440 = arith.subi %div3A_1413, %sub3A_1439 : vector<16xi32>
        %select_n3A_1441 = arith.select %and3A_1437, %sub3A_1440, %div3A_1413 : vector<16xi1>, vector<16xi32>
        %jit3A_1442 = arith.constant 100 : i32
        %eq3A_1443 = arith.constant 0 : i32
        %eq3A_1444 = arith.cmpi eq, %jit3A_1442, %eq3A_1443 : i32
        %jit3A_1445 = arith.constant 1 : i32
        %select_n3A_1446 = arith.select %eq3A_1444, %jit3A_1445, %jit3A_1442 : i32
        %rem3A_1447 = vector.broadcast %select_n3A_1446 : i32 to vector<16xi32>
        %rem3A_1448 = arith.remsi %add3A_1410, %rem3A_1447 : vector<16xi32>
        %ne3A_1449 = arith.constant 0 : i32
        %ne3A_1450 = vector.broadcast %ne3A_1449 : i32 to vector<16xi32>
        %ne3A_1451 = arith.cmpi ne, %rem3A_1448, %ne3A_1450 : vector<16xi32>
        %lt3A_1452 = arith.constant 0 : i32
        %lt3A_1453 = vector.broadcast %lt3A_1452 : i32 to vector<16xi32>
        %lt3A_1454 = arith.cmpi slt, %rem3A_1448, %lt3A_1453 : vector<16xi32>
        %lt3A_1455 = arith.constant 0 : i32
        %lt3A_1456 = arith.cmpi slt, %select_n3A_1446, %lt3A_1455 : i32
        %ne3A_1457 = vector.broadcast %lt3A_1456 : i1 to vector<16xi1>
        %ne3A_1458 = vector.broadcast %ne3A_1457 : vector<16xi1> to vector<16xi1>
        %ne3A_1459 = arith.xori %lt3A_1454, %ne3A_1458 : vector<16xi1>
        %and3A_1460 = arith.andi %ne3A_1459, %ne3A_1451 : vector<16xi1>
        %add3A_1461 = vector.broadcast %select_n3A_1446 : i32 to vector<16xi32>
        %add3A_1462 = arith.addi %rem3A_1448, %add3A_1461 : vector<16xi32>
        %select_n3A_1463 = arith.select %and3A_1460, %add3A_1462, %rem3A_1448 : vector<16xi1>, vector<16xi32>
        %gather3A_1464 = tpu.vector_load_idx %arg10[%select_n3A_1441, %select_n3A_1463] : memref<16x128xi32, #tpu.memory_space<vmem>>[vector<16xi32>, vector<16xi32>], vector<16xi32>,
        %dma_start3A_1465 = arith.constant 0 : i32
        %dma_start3A_1466 = arith.constant 0 : i32
        %dma_start3A_1467 = tpu.memref_slice %arg2[%dma_start3A_1465, %dma_start3A_1466] : memref<100000x2048xf32, #tpu.memory_space<hbm>> -> memref<100000x2048xf32, #tpu.memory_space<hbm>>
        tpu.enqueue_indirect_dma source(%dma_start3A_1467 : memref<100000x2048xf32, #tpu.memory_space<hbm>>) target(%arg13 : memref<16x2048xf32, #tpu.memory_space<vmem>>) offsets(%gather3A_1464 : vector<16xi32>) semaphore(%arg18 : memref<!tpu.dma_semaphore, #tpu.memory_space<semaphore_mem>>)
      } else {
      }
      %lt3A_1368 = arith.constant 13 : i32
      %lt3A_1369 = arith.cmpi slt, %add3A_1362, %lt3A_1368 : i32
      %convert_element_type3A_1370 = arith.extui %lt3A_1369 : i1 to i32
      %cond3A_1371 = arith.constant 0 : i32
      %cond3A_1372 = arith.cmpi ne, %convert_element_type3A_1370, %cond3A_1371 : i32
      scf.if %cond3A_1372 {
        %mul3A_1405 = arith.constant 16 : i32
        %mul3A_1406 = arith.muli %add3A_1362, %mul3A_1405 : i32
        %add3A_1407 = vector.broadcast %mul3A_1406 : i32 to vector<16xi32>
        %add3A_1408 = arith.addi %iota3A, %add3A_1407 : vector<16xi32>
        %jit3A_1409 = arith.constant 100 : i32
        %div3A_1410 = vector.broadcast %jit3A_1409 : i32 to vector<16xi32>
        %div3A_1411 = arith.divsi %add3A_1408, %div3A_1410 : vector<16xi32>
        %sign3A_1412 = arith.constant 0 : i32
        %sign3A_1413 = vector.broadcast %sign3A_1412 : i32 to vector<16xi32>
        %sign3A_1414 = arith.cmpi sgt, %add3A_1408, %sign3A_1413 : vector<16xi32>
        %sign3A_1415 = arith.extui %sign3A_1414 : vector<16xi1> to vector<16xi32>
        %sign3A_1416 = arith.constant 0 : i32
        %sign3A_1417 = vector.broadcast %sign3A_1416 : i32 to vector<16xi32>
        %sign3A_1418 = arith.cmpi slt, %add3A_1408, %sign3A_1417 : vector<16xi32>
        %sign3A_1419 = arith.extui %sign3A_1418 : vector<16xi1> to vector<16xi32>
        %sign3A_1420 = arith.subi %sign3A_1415, %sign3A_1419 : vector<16xi32>
        %sign3A_1421 = arith.constant 0 : i32
        %sign3A_1422 = arith.cmpi sgt, %jit3A_1409, %sign3A_1421 : i32
        %sign3A_1423 = arith.extui %sign3A_1422 : i1 to i32
        %sign3A_1424 = arith.constant 0 : i32
        %sign3A_1425 = arith.cmpi slt, %jit3A_1409, %sign3A_1424 : i32
        %sign3A_1426 = arith.extui %sign3A_1425 : i1 to i32
        %sign3A_1427 = arith.subi %sign3A_1423, %sign3A_1426 : i32
        %ne3A_1428 = vector.broadcast %sign3A_1427 : i32 to vector<16xi32>
        %ne3A_1429 = arith.cmpi ne, %sign3A_1420, %ne3A_1428 : vector<16xi32>
        %rem3A_1430 = vector.broadcast %jit3A_1409 : i32 to vector<16xi32>
        %rem3A_1431 = arith.remsi %add3A_1408, %rem3A_1430 : vector<16xi32>
        %ne3A_1432 = arith.constant 0 : i32
        %ne3A_1433 = vector.broadcast %ne3A_1432 : i32 to vector<16xi32>
        %ne3A_1434 = arith.cmpi ne, %rem3A_1431, %ne3A_1433 : vector<16xi32>
        %and3A_1435 = arith.andi %ne3A_1429, %ne3A_1434 : vector<16xi1>
        %sub3A_1436 = arith.constant 1 : i32
        %sub3A_1437 = vector.broadcast %sub3A_1436 : i32 to vector<16xi32>
        %sub3A_1438 = arith.subi %div3A_1411, %sub3A_1437 : vector<16xi32>
        %select_n3A_1439 = arith.select %and3A_1435, %sub3A_1438, %div3A_1411 : vector<16xi1>, vector<16xi32>
        %jit3A_1440 = arith.constant 100 : i32
        %eq3A_1441 = arith.constant 0 : i32
        %eq3A_1442 = arith.cmpi eq, %jit3A_1440, %eq3A_1441 : i32
        %jit3A_1443 = arith.constant 1 : i32
        %select_n3A_1444 = arith.select %eq3A_1442, %jit3A_1443, %jit3A_1440 : i32
        %rem3A_1445 = vector.broadcast %select_n3A_1444 : i32 to vector<16xi32>
        %rem3A_1446 = arith.remsi %add3A_1408, %rem3A_1445 : vector<16xi32>
        %ne3A_1447 = arith.constant 0 : i32
        %ne3A_1448 = vector.broadcast %ne3A_1447 : i32 to vector<16xi32>
        %ne3A_1449 = arith.cmpi ne, %rem3A_1446, %ne3A_1448 : vector<16xi32>
        %lt3A_1450 = arith.constant 0 : i32
        %lt3A_1451 = vector.broadcast %lt3A_1450 : i32 to vector<16xi32>
        %lt3A_1452 = arith.cmpi slt, %rem3A_1446, %lt3A_1451 : vector<16xi32>
        %lt3A_1453 = arith.constant 0 : i32
        %lt3A_1454 = arith.cmpi slt, %select_n3A_1444, %lt3A_1453 : i32
        %ne3A_1455 = vector.broadcast %lt3A_1454 : i1 to vector<16xi1>
        %ne3A_1456 = vector.broadcast %ne3A_1455 : vector<16xi1> to vector<16xi1>
        %ne3A_1457 = arith.xori %lt3A_1452, %ne3A_1456 : vector<16xi1>
        %and3A_1458 = arith.andi %ne3A_1457, %ne3A_1449 : vector<16xi1>
        %add3A_1459 = vector.broadcast %select_n3A_1444 : i32 to vector<16xi32>
        %add3A_1460 = arith.addi %rem3A_1446, %add3A_1459 : vector<16xi32>
        %select_n3A_1461 = arith.select %and3A_1458, %add3A_1460, %rem3A_1446 : vector<16xi1>, vector<16xi32>
        %gather3A_1462 = tpu.vector_load_idx %arg10[%select_n3A_1439, %select_n3A_1461] : memref<16x128xi32, #tpu.memory_space<vmem>>[vector<16xi32>, vector<16xi32>], vector<16xi32>,
        %dma_wait3A_1463 = arith.constant 0 : i32
        %dma_wait3A_1464 = arith.constant 0 : i32
        %dma_wait3A_1465 = tpu.memref_slice %arg2[%dma_wait3A_1463, %dma_wait3A_1464] : memref<100000x2048xf32, #tpu.memory_space<hbm>> -> memref<100000x2048xf32, #tpu.memory_space<hbm>>
        tpu.wait_indirect_dma semaphore(%arg16 : memref<!tpu.dma_semaphore, #tpu.memory_space<semaphore_mem>>) src(%dma_wait3A_1465 : memref<100000x2048xf32, #tpu.memory_space<hbm>>) dst(%arg11 : memref<16x2048xf32, #tpu.memory_space<vmem>>)
        %broadcast_in_dim3A_1466 = arith.constant 0.000000e+00 : f32
        %broadcast_in_dim3A_1467 = vector.broadcast %broadcast_in_dim3A_1466 : f32 to vector<16xf32>
        %broadcast_in_dim3A_1468 = arith.constant 0.000000e+00 : f32
        %broadcast_in_dim3A_1469 = vector.broadcast %broadcast_in_dim3A_1468 : f32 to vector<16xf32>
        %broadcast_in_dim3A_1470 = arith.constant 0.000000e+00 : f32
        %broadcast_in_dim3A_1471 = vector.broadcast %broadcast_in_dim3A_1470 : f32 to vector<16xf32>
        %broadcast_in_dim3A_1472 = arith.constant 0.000000e+00 : f32
        %broadcast_in_dim3A_1473 = vector.broadcast %broadcast_in_dim3A_1472 : f32 to vector<16xf32>
        %broadcast_in_dim3A_1474 = arith.constant 0.000000e+00 : f32
        %broadcast_in_dim3A_1475 = vector.broadcast %broadcast_in_dim3A_1474 : f32 to vector<16xf32>
        %broadcast_in_dim3A_1476 = arith.constant 0.000000e+00 : f32
        %broadcast_in_dim3A_1477 = vector.broadcast %broadcast_in_dim3A_1476 : f32 to vector<16xf32>
        %broadcast_in_dim3A_1478 = arith.constant 0.000000e+00 : f32
        %broadcast_in_dim3A_1479 = vector.broadcast %broadcast_in_dim3A_1478 : f32 to vector<16xf32>
        %broadcast_in_dim3A_1480 = arith.constant 0.000000e+00 : f32
        %broadcast_in_dim3A_1481 = vector.broadcast %broadcast_in_dim3A_1480 : f32 to vector<16xf32>
        %broadcast_in_dim3A_1482 = arith.constant 0.000000e+00 : f32
        %broadcast_in_dim3A_1483 = vector.broadcast %broadcast_in_dim3A_1482 : f32 to vector<16xf32>
        %broadcast_in_dim3A_1484 = arith.constant 0.000000e+00 : f32
        %broadcast_in_dim3A_1485 = vector.broadcast %broadcast_in_dim3A_1484 : f32 to vector<16xf32>
        %broadcast_in_dim3A_1486 = arith.constant 0.000000e+00 : f32
        %broadcast_in_dim3A_1487 = vector.broadcast %broadcast_in_dim3A_1486 : f32 to vector<16xf32>
        %broadcast_in_dim3A_1488 = arith.constant 0.000000e+00 : f32
        %broadcast_in_dim3A_1489 = vector.broadcast %broadcast_in_dim3A_1488 : f32 to vector<16xf32>
        %broadcast_in_dim3A_1490 = arith.constant 0.000000e+00 : f32
        %broadcast_in_dim3A_1491 = vector.broadcast %broadcast_in_dim3A_1490 : f32 to vector<16xf32>
        %broadcast_in_dim3A_1492 = arith.constant 0.000000e+00 : f32
        %broadcast_in_dim3A_1493 = vector.broadcast %broadcast_in_dim3A_1492 : f32 to vector<16xf32>
        %broadcast_in_dim3A_1494 = arith.constant 0.000000e+00 : f32
        %broadcast_in_dim3A_1495 = vector.broadcast %broadcast_in_dim3A_1494 : f32 to vector<16xf32>
        %broadcast_in_dim3A_1496 = arith.constant 0.000000e+00 : f32
        %broadcast_in_dim3A_1497 = vector.broadcast %broadcast_in_dim3A_1496 : f32 to vector<16xf32>
        %scan3A_1498 = arith.constant 0 : i32
        %scan3A_1499 = arith.constant 128 : i32
        %scan3A_1500 = arith.addi %scan3A_1498, %scan3A_1499 : i32
        %scan3A_1501 = arith.constant 4 : i32
        %scan3A_1502:16 = scf.for %scan3A_1715 = %scan3A_1498 to %scan3A_1500 step %scan3A_1501 iter_args(%scan3A_1716 = %broadcast_in_dim3A_1467, %scan3A_1717 = %broadcast_in_dim3A_1469, %scan3A_1718 = %broadcast_in_dim3A_1471, %scan3A_1719 = %broadcast_in_dim3A_1473, %scan3A_1720 = %broadcast_in_dim3A_1475, %scan3A_1721 = %broadcast_in_dim3A_1477, %scan3A_1722 = %broadcast_in_dim3A_1479, %scan3A_1723 = %broadcast_in_dim3A_1481, %scan3A_1724 = %broadcast_in_dim3A_1483, %scan3A_1725 = %broadcast_in_dim3A_1485, %scan3A_1726 = %broadcast_in_dim3A_1487, %scan3A_1727 = %broadcast_in_dim3A_1489, %scan3A_1728 = %broadcast_in_dim3A_1491, %scan3A_1729 = %broadcast_in_dim3A_1493, %scan3A_1730 = %broadcast_in_dim3A_1495, %scan3A_1731 = %broadcast_in_dim3A_1497) -> (vector<16xf32>, vector<16xf32>, vector<16xf32>, vector<16xf32>, vector<16xf32>, vector<16xf32>, vector<16xf32>, vector<16xf32>, vector<16xf32>, vector<16xf32>, vector<16xf32>, vector<16xf32>, vector<16xf32>, vector<16xf32>, vector<16xf32>, vector<16xf32>)  : i32 {
          %mul3A_1732 = arith.constant 16 : i32
          %mul3A_1733 = arith.muli %scan3A_1715, %mul3A_1732 : i32
          %get3A_1734 = arith.index_cast %mul3A_1733 : i32 to index
          %get3A_1735 = tpu.vector_load %arg9[%get3A_1734] {strides = array<i32>} : memref<2048xf32, #tpu.memory_space<vmem>>, vector<16xf32>,
          %mul3A_1736 = arith.constant 16 : i32
          %mul3A_1737 = arith.muli %scan3A_1715, %mul3A_1736 : i32
          %get3A_1738 = arith.constant 0 : i32
          %get3A_1739 = arith.index_cast %get3A_1738 : i32 to index
          %get3A_1740 = arith.index_cast %mul3A_1737 : i32 to index
          %get3A_1741 = tpu.vector_load %arg11[%get3A_1739, %get3A_1740] {strides = array<i32>} : memref<16x2048xf32, #tpu.memory_space<vmem>>, vector<16xf32>,
          %mul3A_1742 = arith.mulf %get3A_1741, %get3A_1735 : vector<16xf32>
          %add3A_1743 = arith.addf %scan3A_1716, %mul3A_1742 : vector<16xf32>
          %mul3A_1744 = arith.constant 16 : i32
          %mul3A_1745 = arith.muli %scan3A_1715, %mul3A_1744 : i32
          %get3A_1746 = arith.constant 1 : i32
          %get3A_1747 = arith.index_cast %get3A_1746 : i32 to index
          %get3A_1748 = arith.index_cast %mul3A_1745 : i32 to index
          %get3A_1749 = tpu.vector_load %arg11[%get3A_1747, %get3A_1748] {strides = array<i32>} : memref<16x2048xf32, #tpu.memory_space<vmem>>, vector<16xf32>,
          %mul3A_1750 = arith.mulf %get3A_1749, %get3A_1735 : vector<16xf32>
          %add3A_1751 = arith.addf %scan3A_1717, %mul3A_1750 : vector<16xf32>
          %mul3A_1752 = arith.constant 16 : i32
          %mul3A_1753 = arith.muli %scan3A_1715, %mul3A_1752 : i32
          %get3A_1754 = arith.constant 2 : i32
          %get3A_1755 = arith.index_cast %get3A_1754 : i32 to index
          %get3A_1756 = arith.index_cast %mul3A_1753 : i32 to index
          %get3A_1757 = tpu.vector_load %arg11[%get3A_1755, %get3A_1756] {strides = array<i32>} : memref<16x2048xf32, #tpu.memory_space<vmem>>, vector<16xf32>,
          %mul3A_1758 = arith.mulf %get3A_1757, %get3A_1735 : vector<16xf32>
          %add3A_1759 = arith.addf %scan3A_1718, %mul3A_1758 : vector<16xf32>
          %mul3A_1760 = arith.constant 16 : i32
          %mul3A_1761 = arith.muli %scan3A_1715, %mul3A_1760 : i32
          %get3A_1762 = arith.constant 3 : i32
          %get3A_1763 = arith.index_cast %get3A_1762 : i32 to index
          %get3A_1764 = arith.index_cast %mul3A_1761 : i32 to index
          %get3A_1765 = tpu.vector_load %arg11[%get3A_1763, %get3A_1764] {strides = array<i32>} : memref<16x2048xf32, #tpu.memory_space<vmem>>, vector<16xf32>,
          %mul3A_1766 = arith.mulf %get3A_1765, %get3A_1735 : vector<16xf32>
          %add3A_1767 = arith.addf %scan3A_1719, %mul3A_1766 : vector<16xf32>
          %mul3A_1768 = arith.constant 16 : i32
          %mul3A_1769 = arith.muli %scan3A_1715, %mul3A_1768 : i32
          %get3A_1770 = arith.constant 4 : i32
          %get3A_1771 = arith.index_cast %get3A_1770 : i32 to index
          %get3A_1772 = arith.index_cast %mul3A_1769 : i32 to index
          %get3A_1773 = tpu.vector_load %arg11[%get3A_1771, %get3A_1772] {strides = array<i32>} : memref<16x2048xf32, #tpu.memory_space<vmem>>, vector<16xf32>,
          %mul3A_1774 = arith.mulf %get3A_1773, %get3A_1735 : vector<16xf32>
          %add3A_1775 = arith.addf %scan3A_1720, %mul3A_1774 : vector<16xf32>
          %mul3A_1776 = arith.constant 16 : i32
          %mul3A_1777 = arith.muli %scan3A_1715, %mul3A_1776 : i32
          %get3A_1778 = arith.constant 5 : i32
          %get3A_1779 = arith.index_cast %get3A_1778 : i32 to index
          %get3A_1780 = arith.index_cast %mul3A_1777 : i32 to index
          %get3A_1781 = tpu.vector_load %arg11[%get3A_1779, %get3A_1780] {strides = array<i32>} : memref<16x2048xf32, #tpu.memory_space<vmem>>, vector<16xf32>,
          %mul3A_1782 = arith.mulf %get3A_1781, %get3A_1735 : vector<16xf32>
          %add3A_1783 = arith.addf %scan3A_1721, %mul3A_1782 : vector<16xf32>
          %mul3A_1784 = arith.constant 16 : i32
          %mul3A_1785 = arith.muli %scan3A_1715, %mul3A_1784 : i32
          %get3A_1786 = arith.constant 6 : i32
          %get3A_1787 = arith.index_cast %get3A_1786 : i32 to index
          %get3A_1788 = arith.index_cast %mul3A_1785 : i32 to index
          %get3A_1789 = tpu.vector_load %arg11[%get3A_1787, %get3A_1788] {strides = array<i32>} : memref<16x2048xf32, #tpu.memory_space<vmem>>, vector<16xf32>,
          %mul3A_1790 = arith.mulf %get3A_1789, %get3A_1735 : vector<16xf32>
          %add3A_1791 = arith.addf %scan3A_1722, %mul3A_1790 : vector<16xf32>
          %mul3A_1792 = arith.constant 16 : i32
          %mul3A_1793 = arith.muli %scan3A_1715, %mul3A_1792 : i32
          %get3A_1794 = arith.constant 7 : i32
          %get3A_1795 = arith.index_cast %get3A_1794 : i32 to index
          %get3A_1796 = arith.index_cast %mul3A_1793 : i32 to index
          %get3A_1797 = tpu.vector_load %arg11[%get3A_1795, %get3A_1796] {strides = array<i32>} : memref<16x2048xf32, #tpu.memory_space<vmem>>, vector<16xf32>,
          %mul3A_1798 = arith.mulf %get3A_1797, %get3A_1735 : vector<16xf32>
          %add3A_1799 = arith.addf %scan3A_1723, %mul3A_1798 : vector<16xf32>
          %mul3A_1800 = arith.constant 16 : i32
          %mul3A_1801 = arith.muli %scan3A_1715, %mul3A_1800 : i32
          %get3A_1802 = arith.constant 8 : i32
          %get3A_1803 = arith.index_cast %get3A_1802 : i32 to index
          %get3A_1804 = arith.index_cast %mul3A_1801 : i32 to index
          %get3A_1805 = tpu.vector_load %arg11[%get3A_1803, %get3A_1804] {strides = array<i32>} : memref<16x2048xf32, #tpu.memory_space<vmem>>, vector<16xf32>,
          %mul3A_1806 = arith.mulf %get3A_1805, %get3A_1735 : vector<16xf32>
          %add3A_1807 = arith.addf %scan3A_1724, %mul3A_1806 : vector<16xf32>
          %mul3A_1808 = arith.constant 16 : i32
          %mul3A_1809 = arith.muli %scan3A_1715, %mul3A_1808 : i32
          %get3A_1810 = arith.constant 9 : i32
          %get3A_1811 = arith.index_cast %get3A_1810 : i32 to index
          %get3A_1812 = arith.index_cast %mul3A_1809 : i32 to index
          %get3A_1813 = tpu.vector_load %arg11[%get3A_1811, %get3A_1812] {strides = array<i32>} : memref<16x2048xf32, #tpu.memory_space<vmem>>, vector<16xf32>,
          %mul3A_1814 = arith.mulf %get3A_1813, %get3A_1735 : vector<16xf32>
          %add3A_1815 = arith.addf %scan3A_1725, %mul3A_1814 : vector<16xf32>
          %mul3A_1816 = arith.constant 16 : i32
          %mul3A_1817 = arith.muli %scan3A_1715, %mul3A_1816 : i32
          %get3A_1818 = arith.constant 10 : i32
          %get3A_1819 = arith.index_cast %get3A_1818 : i32 to index
          %get3A_1820 = arith.index_cast %mul3A_1817 : i32 to index
          %get3A_1821 = tpu.vector_load %arg11[%get3A_1819, %get3A_1820] {strides = array<i32>} : memref<16x2048xf32, #tpu.memory_space<vmem>>, vector<16xf32>,
          %mul3A_1822 = arith.mulf %get3A_1821, %get3A_1735 : vector<16xf32>
          %add3A_1823 = arith.addf %scan3A_1726, %mul3A_1822 : vector<16xf32>
          %mul3A_1824 = arith.constant 16 : i32
          %mul3A_1825 = arith.muli %scan3A_1715, %mul3A_1824 : i32
          %get3A_1826 = arith.constant 11 : i32
          %get3A_1827 = arith.index_cast %get3A_1826 : i32 to index
          %get3A_1828 = arith.index_cast %mul3A_1825 : i32 to index
          %get3A_1829 = tpu.vector_load %arg11[%get3A_1827, %get3A_1828] {strides = array<i32>} : memref<16x2048xf32, #tpu.memory_space<vmem>>, vector<16xf32>,
          %mul3A_1830 = arith.mulf %get3A_1829, %get3A_1735 : vector<16xf32>
          %add3A_1831 = arith.addf %scan3A_1727, %mul3A_1830 : vector<16xf32>
          %mul3A_1832 = arith.constant 16 : i32
          %mul3A_1833 = arith.muli %scan3A_1715, %mul3A_1832 : i32
          %get3A_1834 = arith.constant 12 : i32
          %get3A_1835 = arith.index_cast %get3A_1834 : i32 to index
          %get3A_1836 = arith.index_cast %mul3A_1833 : i32 to index
          %get3A_1837 = tpu.vector_load %arg11[%get3A_1835, %get3A_1836] {strides = array<i32>} : memref<16x2048xf32, #tpu.memory_space<vmem>>, vector<16xf32>,
          %mul3A_1838 = arith.mulf %get3A_1837, %get3A_1735 : vector<16xf32>
          %add3A_1839 = arith.addf %scan3A_1728, %mul3A_1838 : vector<16xf32>
          %mul3A_1840 = arith.constant 16 : i32
          %mul3A_1841 = arith.muli %scan3A_1715, %mul3A_1840 : i32
          %get3A_1842 = arith.constant 13 : i32
          %get3A_1843 = arith.index_cast %get3A_1842 : i32 to index
          %get3A_1844 = arith.index_cast %mul3A_1841 : i32 to index
          %get3A_1845 = tpu.vector_load %arg11[%get3A_1843, %get3A_1844] {strides = array<i32>} : memref<16x2048xf32, #tpu.memory_space<vmem>>, vector<16xf32>,
          %mul3A_1846 = arith.mulf %get3A_1845, %get3A_1735 : vector<16xf32>
          %add3A_1847 = arith.addf %scan3A_1729, %mul3A_1846 : vector<16xf32>
          %mul3A_1848 = arith.constant 16 : i32
          %mul3A_1849 = arith.muli %scan3A_1715, %mul3A_1848 : i32
          %get3A_1850 = arith.constant 14 : i32
          %get3A_1851 = arith.index_cast %get3A_1850 : i32 to index
          %get3A_1852 = arith.index_cast %mul3A_1849 : i32 to index
          %get3A_1853 = tpu.vector_load %arg11[%get3A_1851, %get3A_1852] {strides = array<i32>} : memref<16x2048xf32, #tpu.memory_space<vmem>>, vector<16xf32>,
          %mul3A_1854 = arith.mulf %get3A_1853, %get3A_1735 : vector<16xf32>
          %add3A_1855 = arith.addf %scan3A_1730, %mul3A_1854 : vector<16xf32>
          %mul3A_1856 = arith.constant 16 : i32
          %mul3A_1857 = arith.muli %scan3A_1715, %mul3A_1856 : i32
          %get3A_1858 = arith.constant 15 : i32
          %get3A_1859 = arith.index_cast %get3A_1858 : i32 to index
          %get3A_1860 = arith.index_cast %mul3A_1857 : i32 to index
          %get3A_1861 = tpu.vector_load %arg11[%get3A_1859, %get3A_1860] {strides = array<i32>} : memref<16x2048xf32, #tpu.memory_space<vmem>>, vector<16xf32>,
          %mul3A_1862 = arith.mulf %get3A_1861, %get3A_1735 : vector<16xf32>
          %add3A_1863 = arith.addf %scan3A_1731, %mul3A_1862 : vector<16xf32>
          %scan3A_1864 = arith.constant 1 : i32
          %scan3A_1865 = arith.addi %scan3A_1715, %scan3A_1864 : i32
          %mul3A_1866 = arith.constant 16 : i32
          %mul3A_1867 = arith.muli %scan3A_1865, %mul3A_1866 : i32
          %get3A_1868 = arith.index_cast %mul3A_1867 : i32 to index
          %get3A_1869 = tpu.vector_load %arg9[%get3A_1868] {strides = array<i32>} : memref<2048xf32, #tpu.memory_space<vmem>>, vector<16xf32>,
          %mul3A_1870 = arith.constant 16 : i32
          %mul3A_1871 = arith.muli %scan3A_1865, %mul3A_1870 : i32
          %get3A_1872 = arith.constant 0 : i32
          %get3A_1873 = arith.index_cast %get3A_1872 : i32 to index
          %get3A_1874 = arith.index_cast %mul3A_1871 : i32 to index
          %get3A_1875 = tpu.vector_load %arg11[%get3A_1873, %get3A_1874] {strides = array<i32>} : memref<16x2048xf32, #tpu.memory_space<vmem>>, vector<16xf32>,
          %mul3A_1876 = arith.mulf %get3A_1875, %get3A_1869 : vector<16xf32>
          %add3A_1877 = arith.addf %add3A_1743, %mul3A_1876 : vector<16xf32>
          %mul3A_1878 = arith.constant 16 : i32
          %mul3A_1879 = arith.muli %scan3A_1865, %mul3A_1878 : i32
          %get3A_1880 = arith.constant 1 : i32
          %get3A_1881 = arith.index_cast %get3A_1880 : i32 to index
          %get3A_1882 = arith.index_cast %mul3A_1879 : i32 to index
          %get3A_1883 = tpu.vector_load %arg11[%get3A_1881, %get3A_1882] {strides = array<i32>} : memref<16x2048xf32, #tpu.memory_space<vmem>>, vector<16xf32>,
          %mul3A_1884 = arith.mulf %get3A_1883, %get3A_1869 : vector<16xf32>
          %add3A_1885 = arith.addf %add3A_1751, %mul3A_1884 : vector<16xf32>
          %mul3A_1886 = arith.constant 16 : i32
          %mul3A_1887 = arith.muli %scan3A_1865, %mul3A_1886 : i32
          %get3A_1888 = arith.constant 2 : i32
          %get3A_1889 = arith.index_cast %get3A_1888 : i32 to index
          %get3A_1890 = arith.index_cast %mul3A_1887 : i32 to index
          %get3A_1891 = tpu.vector_load %arg11[%get3A_1889, %get3A_1890] {strides = array<i32>} : memref<16x2048xf32, #tpu.memory_space<vmem>>, vector<16xf32>,
          %mul3A_1892 = arith.mulf %get3A_1891, %get3A_1869 : vector<16xf32>
          %add3A_1893 = arith.addf %add3A_1759, %mul3A_1892 : vector<16xf32>
          %mul3A_1894 = arith.constant 16 : i32
          %mul3A_1895 = arith.muli %scan3A_1865, %mul3A_1894 : i32
          %get3A_1896 = arith.constant 3 : i32
          %get3A_1897 = arith.index_cast %get3A_1896 : i32 to index
          %get3A_1898 = arith.index_cast %mul3A_1895 : i32 to index
          %get3A_1899 = tpu.vector_load %arg11[%get3A_1897, %get3A_1898] {strides = array<i32>} : memref<16x2048xf32, #tpu.memory_space<vmem>>, vector<16xf32>,
          %mul3A_1900 = arith.mulf %get3A_1899, %get3A_1869 : vector<16xf32>
          %add3A_1901 = arith.addf %add3A_1767, %mul3A_1900 : vector<16xf32>
          %mul3A_1902 = arith.constant 16 : i32
          %mul3A_1903 = arith.muli %scan3A_1865, %mul3A_1902 : i32
          %get3A_1904 = arith.constant 4 : i32
          %get3A_1905 = arith.index_cast %get3A_1904 : i32 to index
          %get3A_1906 = arith.index_cast %mul3A_1903 : i32 to index
          %get3A_1907 = tpu.vector_load %arg11[%get3A_1905, %get3A_1906] {strides = array<i32>} : memref<16x2048xf32, #tpu.memory_space<vmem>>, vector<16xf32>,
          %mul3A_1908 = arith.mulf %get3A_1907, %get3A_1869 : vector<16xf32>
          %add3A_1909 = arith.addf %add3A_1775, %mul3A_1908 : vector<16xf32>
          %mul3A_1910 = arith.constant 16 : i32
          %mul3A_1911 = arith.muli %scan3A_1865, %mul3A_1910 : i32
          %get3A_1912 = arith.constant 5 : i32
          %get3A_1913 = arith.index_cast %get3A_1912 : i32 to index
          %get3A_1914 = arith.index_cast %mul3A_1911 : i32 to index
          %get3A_1915 = tpu.vector_load %arg11[%get3A_1913, %get3A_1914] {strides = array<i32>} : memref<16x2048xf32, #tpu.memory_space<vmem>>, vector<16xf32>,
          %mul3A_1916 = arith.mulf %get3A_1915, %get3A_1869 : vector<16xf32>
          %add3A_1917 = arith.addf %add3A_1783, %mul3A_1916 : vector<16xf32>
          %mul3A_1918 = arith.constant 16 : i32
          %mul3A_1919 = arith.muli %scan3A_1865, %mul3A_1918 : i32
          %get3A_1920 = arith.constant 6 : i32
          %get3A_1921 = arith.index_cast %get3A_1920 : i32 to index
          %get3A_1922 = arith.index_cast %mul3A_1919 : i32 to index
          %get3A_1923 = tpu.vector_load %arg11[%get3A_1921, %get3A_1922] {strides = array<i32>} : memref<16x2048xf32, #tpu.memory_space<vmem>>, vector<16xf32>,
          %mul3A_1924 = arith.mulf %get3A_1923, %get3A_1869 : vector<16xf32>
          %add3A_1925 = arith.addf %add3A_1791, %mul3A_1924 : vector<16xf32>
          %mul3A_1926 = arith.constant 16 : i32
          %mul3A_1927 = arith.muli %scan3A_1865, %mul3A_1926 : i32
          %get3A_1928 = arith.constant 7 : i32
          %get3A_1929 = arith.index_cast %get3A_1928 : i32 to index
          %get3A_1930 = arith.index_cast %mul3A_1927 : i32 to index
          %get3A_1931 = tpu.vector_load %arg11[%get3A_1929, %get3A_1930] {strides = array<i32>} : memref<16x2048xf32, #tpu.memory_space<vmem>>, vector<16xf32>,
          %mul3A_1932 = arith.mulf %get3A_1931, %get3A_1869 : vector<16xf32>
          %add3A_1933 = arith.addf %add3A_1799, %mul3A_1932 : vector<16xf32>
          %mul3A_1934 = arith.constant 16 : i32
          %mul3A_1935 = arith.muli %scan3A_1865, %mul3A_1934 : i32
          %get3A_1936 = arith.constant 8 : i32
          %get3A_1937 = arith.index_cast %get3A_1936 : i32 to index
          %get3A_1938 = arith.index_cast %mul3A_1935 : i32 to index
          %get3A_1939 = tpu.vector_load %arg11[%get3A_1937, %get3A_1938] {strides = array<i32>} : memref<16x2048xf32, #tpu.memory_space<vmem>>, vector<16xf32>,
          %mul3A_1940 = arith.mulf %get3A_1939, %get3A_1869 : vector<16xf32>
          %add3A_1941 = arith.addf %add3A_1807, %mul3A_1940 : vector<16xf32>
          %mul3A_1942 = arith.constant 16 : i32
          %mul3A_1943 = arith.muli %scan3A_1865, %mul3A_1942 : i32
          %get3A_1944 = arith.constant 9 : i32
          %get3A_1945 = arith.index_cast %get3A_1944 : i32 to index
          %get3A_1946 = arith.index_cast %mul3A_1943 : i32 to index
          %get3A_1947 = tpu.vector_load %arg11[%get3A_1945, %get3A_1946] {strides = array<i32>} : memref<16x2048xf32, #tpu.memory_space<vmem>>, vector<16xf32>,
          %mul3A_1948 = arith.mulf %get3A_1947, %get3A_1869 : vector<16xf32>
          %add3A_1949 = arith.addf %add3A_1815, %mul3A_1948 : vector<16xf32>
          %mul3A_1950 = arith.constant 16 : i32
          %mul3A_1951 = arith.muli %scan3A_1865, %mul3A_1950 : i32
          %get3A_1952 = arith.constant 10 : i32
          %get3A_1953 = arith.index_cast %get3A_1952 : i32 to index
          %get3A_1954 = arith.index_cast %mul3A_1951 : i32 to index
          %get3A_1955 = tpu.vector_load %arg11[%get3A_1953, %get3A_1954] {strides = array<i32>} : memref<16x2048xf32, #tpu.memory_space<vmem>>, vector<16xf32>,
          %mul3A_1956 = arith.mulf %get3A_1955, %get3A_1869 : vector<16xf32>
          %add3A_1957 = arith.addf %add3A_1823, %mul3A_1956 : vector<16xf32>
          %mul3A_1958 = arith.constant 16 : i32
          %mul3A_1959 = arith.muli %scan3A_1865, %mul3A_1958 : i32
          %get3A_1960 = arith.constant 11 : i32
          %get3A_1961 = arith.index_cast %get3A_1960 : i32 to index
          %get3A_1962 = arith.index_cast %mul3A_1959 : i32 to index
          %get3A_1963 = tpu.vector_load %arg11[%get3A_1961, %get3A_1962] {strides = array<i32>} : memref<16x2048xf32, #tpu.memory_space<vmem>>, vector<16xf32>,
          %mul3A_1964 = arith.mulf %get3A_1963, %get3A_1869 : vector<16xf32>
          %add3A_1965 = arith.addf %add3A_1831, %mul3A_1964 : vector<16xf32>
          %mul3A_1966 = arith.constant 16 : i32
          %mul3A_1967 = arith.muli %scan3A_1865, %mul3A_1966 : i32
          %get3A_1968 = arith.constant 12 : i32
          %get3A_1969 = arith.index_cast %get3A_1968 : i32 to index
          %get3A_1970 = arith.index_cast %mul3A_1967 : i32 to index
          %get3A_1971 = tpu.vector_load %arg11[%get3A_1969, %get3A_1970] {strides = array<i32>} : memref<16x2048xf32, #tpu.memory_space<vmem>>, vector<16xf32>,
          %mul3A_1972 = arith.mulf %get3A_1971, %get3A_1869 : vector<16xf32>
          %add3A_1973 = arith.addf %add3A_1839, %mul3A_1972 : vector<16xf32>
          %mul3A_1974 = arith.constant 16 : i32
          %mul3A_1975 = arith.muli %scan3A_1865, %mul3A_1974 : i32
          %get3A_1976 = arith.constant 13 : i32
          %get3A_1977 = arith.index_cast %get3A_1976 : i32 to index
          %get3A_1978 = arith.index_cast %mul3A_1975 : i32 to index
          %get3A_1979 = tpu.vector_load %arg11[%get3A_1977, %get3A_1978] {strides = array<i32>} : memref<16x2048xf32, #tpu.memory_space<vmem>>, vector<16xf32>,
          %mul3A_1980 = arith.mulf %get3A_1979, %get3A_1869 : vector<16xf32>
          %add3A_1981 = arith.addf %add3A_1847, %mul3A_1980 : vector<16xf32>
          %mul3A_1982 = arith.constant 16 : i32
          %mul3A_1983 = arith.muli %scan3A_1865, %mul3A_1982 : i32
          %get3A_1984 = arith.constant 14 : i32
          %get3A_1985 = arith.index_cast %get3A_1984 : i32 to index
          %get3A_1986 = arith.index_cast %mul3A_1983 : i32 to index
          %get3A_1987 = tpu.vector_load %arg11[%get3A_1985, %get3A_1986] {strides = array<i32>} : memref<16x2048xf32, #tpu.memory_space<vmem>>, vector<16xf32>,
          %mul3A_1988 = arith.mulf %get3A_1987, %get3A_1869 : vector<16xf32>
          %add3A_1989 = arith.addf %add3A_1855, %mul3A_1988 : vector<16xf32>
          %mul3A_1990 = arith.constant 16 : i32
          %mul3A_1991 = arith.muli %scan3A_1865, %mul3A_1990 : i32
          %get3A_1992 = arith.constant 15 : i32
          %get3A_1993 = arith.index_cast %get3A_1992 : i32 to index
          %get3A_1994 = arith.index_cast %mul3A_1991 : i32 to index
          %get3A_1995 = tpu.vector_load %arg11[%get3A_1993, %get3A_1994] {strides = array<i32>} : memref<16x2048xf32, #tpu.memory_space<vmem>>, vector<16xf32>,
          %mul3A_1996 = arith.mulf %get3A_1995, %get3A_1869 : vector<16xf32>
          %add3A_1997 = arith.addf %add3A_1863, %mul3A_1996 : vector<16xf32>
          %scan3A_1998 = arith.constant 2 : i32
          %scan3A_1999 = arith.addi %scan3A_1715, %scan3A_1998 : i32
          %mul3A_2000 = arith.constant 16 : i32
          %mul3A_2001 = arith.muli %scan3A_1999, %mul3A_2000 : i32
          %get3A_2002 = arith.index_cast %mul3A_2001 : i32 to index
          %get3A_2003 = tpu.vector_load %arg9[%get3A_2002] {strides = array<i32>} : memref<2048xf32, #tpu.memory_space<vmem>>, vector<16xf32>,
          %mul3A_2004 = arith.constant 16 : i32
          %mul3A_2005 = arith.muli %scan3A_1999, %mul3A_2004 : i32
          %get3A_2006 = arith.constant 0 : i32
          %get3A_2007 = arith.index_cast %get3A_2006 : i32 to index
          %get3A_2008 = arith.index_cast %mul3A_2005 : i32 to index
          %get3A_2009 = tpu.vector_load %arg11[%get3A_2007, %get3A_2008] {strides = array<i32>} : memref<16x2048xf32, #tpu.memory_space<vmem>>, vector<16xf32>,
          %mul3A_2010 = arith.mulf %get3A_2009, %get3A_2003 : vector<16xf32>
          %add3A_2011 = arith.addf %add3A_1877, %mul3A_2010 : vector<16xf32>
          %mul3A_2012 = arith.constant 16 : i32
          %mul3A_2013 = arith.muli %scan3A_1999, %mul3A_2012 : i32
          %get3A_2014 = arith.constant 1 : i32
          %get3A_2015 = arith.index_cast %get3A_2014 : i32 to index
          %get3A_2016 = arith.index_cast %mul3A_2013 : i32 to index
          %get3A_2017 = tpu.vector_load %arg11[%get3A_2015, %get3A_2016] {strides = array<i32>} : memref<16x2048xf32, #tpu.memory_space<vmem>>, vector<16xf32>,
          %mul3A_2018 = arith.mulf %get3A_2017, %get3A_2003 : vector<16xf32>
          %add3A_2019 = arith.addf %add3A_1885, %mul3A_2018 : vector<16xf32>
          %mul3A_2020 = arith.constant 16 : i32
          %mul3A_2021 = arith.muli %scan3A_1999, %mul3A_2020 : i32
          %get3A_2022 = arith.constant 2 : i32
          %get3A_2023 = arith.index_cast %get3A_2022 : i32 to index
          %get3A_2024 = arith.index_cast %mul3A_2021 : i32 to index
          %get3A_2025 = tpu.vector_load %arg11[%get3A_2023, %get3A_2024] {strides = array<i32>} : memref<16x2048xf32, #tpu.memory_space<vmem>>, vector<16xf32>,
          %mul3A_2026 = arith.mulf %get3A_2025, %get3A_2003 : vector<16xf32>
          %add3A_2027 = arith.addf %add3A_1893, %mul3A_2026 : vector<16xf32>
          %mul3A_2028 = arith.constant 16 : i32
          %mul3A_2029 = arith.muli %scan3A_1999, %mul3A_2028 : i32
          %get3A_2030 = arith.constant 3 : i32
          %get3A_2031 = arith.index_cast %get3A_2030 : i32 to index
          %get3A_2032 = arith.index_cast %mul3A_2029 : i32 to index
          %get3A_2033 = tpu.vector_load %arg11[%get3A_2031, %get3A_2032] {strides = array<i32>} : memref<16x2048xf32, #tpu.memory_space<vmem>>, vector<16xf32>,
          %mul3A_2034 = arith.mulf %get3A_2033, %get3A_2003 : vector<16xf32>
          %add3A_2035 = arith.addf %add3A_1901, %mul3A_2034 : vector<16xf32>
          %mul3A_2036 = arith.constant 16 : i32
          %mul3A_2037 = arith.muli %scan3A_1999, %mul3A_2036 : i32
          %get3A_2038 = arith.constant 4 : i32
          %get3A_2039 = arith.index_cast %get3A_2038 : i32 to index
          %get3A_2040 = arith.index_cast %mul3A_2037 : i32 to index
          %get3A_2041 = tpu.vector_load %arg11[%get3A_2039, %get3A_2040] {strides = array<i32>} : memref<16x2048xf32, #tpu.memory_space<vmem>>, vector<16xf32>,
          %mul3A_2042 = arith.mulf %get3A_2041, %get3A_2003 : vector<16xf32>
          %add3A_2043 = arith.addf %add3A_1909, %mul3A_2042 : vector<16xf32>
          %mul3A_2044 = arith.constant 16 : i32
          %mul3A_2045 = arith.muli %scan3A_1999, %mul3A_2044 : i32
          %get3A_2046 = arith.constant 5 : i32
          %get3A_2047 = arith.index_cast %get3A_2046 : i32 to index
          %get3A_2048 = arith.index_cast %mul3A_2045 : i32 to index
          %get3A_2049 = tpu.vector_load %arg11[%get3A_2047, %get3A_2048] {strides = array<i32>} : memref<16x2048xf32, #tpu.memory_space<vmem>>, vector<16xf32>,
          %mul3A_2050 = arith.mulf %get3A_2049, %get3A_2003 : vector<16xf32>
          %add3A_2051 = arith.addf %add3A_1917, %mul3A_2050 : vector<16xf32>
          %mul3A_2052 = arith.constant 16 : i32
          %mul3A_2053 = arith.muli %scan3A_1999, %mul3A_2052 : i32
          %get3A_2054 = arith.constant 6 : i32
          %get3A_2055 = arith.index_cast %get3A_2054 : i32 to index
          %get3A_2056 = arith.index_cast %mul3A_2053 : i32 to index
          %get3A_2057 = tpu.vector_load %arg11[%get3A_2055, %get3A_2056] {strides = array<i32>} : memref<16x2048xf32, #tpu.memory_space<vmem>>, vector<16xf32>,
          %mul3A_2058 = arith.mulf %get3A_2057, %get3A_2003 : vector<16xf32>
          %add3A_2059 = arith.addf %add3A_1925, %mul3A_2058 : vector<16xf32>
          %mul3A_2060 = arith.constant 16 : i32
          %mul3A_2061 = arith.muli %scan3A_1999, %mul3A_2060 : i32
          %get3A_2062 = arith.constant 7 : i32
          %get3A_2063 = arith.index_cast %get3A_2062 : i32 to index
          %get3A_2064 = arith.index_cast %mul3A_2061 : i32 to index
          %get3A_2065 = tpu.vector_load %arg11[%get3A_2063, %get3A_2064] {strides = array<i32>} : memref<16x2048xf32, #tpu.memory_space<vmem>>, vector<16xf32>,
          %mul3A_2066 = arith.mulf %get3A_2065, %get3A_2003 : vector<16xf32>
          %add3A_2067 = arith.addf %add3A_1933, %mul3A_2066 : vector<16xf32>
          %mul3A_2068 = arith.constant 16 : i32
          %mul3A_2069 = arith.muli %scan3A_1999, %mul3A_2068 : i32
          %get3A_2070 = arith.constant 8 : i32
          %get3A_2071 = arith.index_cast %get3A_2070 : i32 to index
          %get3A_2072 = arith.index_cast %mul3A_2069 : i32 to index
          %get3A_2073 = tpu.vector_load %arg11[%get3A_2071, %get3A_2072] {strides = array<i32>} : memref<16x2048xf32, #tpu.memory_space<vmem>>, vector<16xf32>,
          %mul3A_2074 = arith.mulf %get3A_2073, %get3A_2003 : vector<16xf32>
          %add3A_2075 = arith.addf %add3A_1941, %mul3A_2074 : vector<16xf32>
          %mul3A_2076 = arith.constant 16 : i32
          %mul3A_2077 = arith.muli %scan3A_1999, %mul3A_2076 : i32
          %get3A_2078 = arith.constant 9 : i32
          %get3A_2079 = arith.index_cast %get3A_2078 : i32 to index
          %get3A_2080 = arith.index_cast %mul3A_2077 : i32 to index
          %get3A_2081 = tpu.vector_load %arg11[%get3A_2079, %get3A_2080] {strides = array<i32>} : memref<16x2048xf32, #tpu.memory_space<vmem>>, vector<16xf32>,
          %mul3A_2082 = arith.mulf %get3A_2081, %get3A_2003 : vector<16xf32>
          %add3A_2083 = arith.addf %add3A_1949, %mul3A_2082 : vector<16xf32>
          %mul3A_2084 = arith.constant 16 : i32
          %mul3A_2085 = arith.muli %scan3A_1999, %mul3A_2084 : i32
          %get3A_2086 = arith.constant 10 : i32
          %get3A_2087 = arith.index_cast %get3A_2086 : i32 to index
          %get3A_2088 = arith.index_cast %mul3A_2085 : i32 to index
          %get3A_2089 = tpu.vector_load %arg11[%get3A_2087, %get3A_2088] {strides = array<i32>} : memref<16x2048xf32, #tpu.memory_space<vmem>>, vector<16xf32>,
          %mul3A_2090 = arith.mulf %get3A_2089, %get3A_2003 : vector<16xf32>
          %add3A_2091 = arith.addf %add3A_1957, %mul3A_2090 : vector<16xf32>
          %mul3A_2092 = arith.constant 16 : i32
          %mul3A_2093 = arith.muli %scan3A_1999, %mul3A_2092 : i32
          %get3A_2094 = arith.constant 11 : i32
          %get3A_2095 = arith.index_cast %get3A_2094 : i32 to index
          %get3A_2096 = arith.index_cast %mul3A_2093 : i32 to index
          %get3A_2097 = tpu.vector_load %arg11[%get3A_2095, %get3A_2096] {strides = array<i32>} : memref<16x2048xf32, #tpu.memory_space<vmem>>, vector<16xf32>,
          %mul3A_2098 = arith.mulf %get3A_2097, %get3A_2003 : vector<16xf32>
          %add3A_2099 = arith.addf %add3A_1965, %mul3A_2098 : vector<16xf32>
          %mul3A_2100 = arith.constant 16 : i32
          %mul3A_2101 = arith.muli %scan3A_1999, %mul3A_2100 : i32
          %get3A_2102 = arith.constant 12 : i32
          %get3A_2103 = arith.index_cast %get3A_2102 : i32 to index
          %get3A_2104 = arith.index_cast %mul3A_2101 : i32 to index
          %get3A_2105 = tpu.vector_load %arg11[%get3A_2103, %get3A_2104] {strides = array<i32>} : memref<16x2048xf32, #tpu.memory_space<vmem>>, vector<16xf32>,
          %mul3A_2106 = arith.mulf %get3A_2105, %get3A_2003 : vector<16xf32>
          %add3A_2107 = arith.addf %add3A_1973, %mul3A_2106 : vector<16xf32>
          %mul3A_2108 = arith.constant 16 : i32
          %mul3A_2109 = arith.muli %scan3A_1999, %mul3A_2108 : i32
          %get3A_2110 = arith.constant 13 : i32
          %get3A_2111 = arith.index_cast %get3A_2110 : i32 to index
          %get3A_2112 = arith.index_cast %mul3A_2109 : i32 to index
          %get3A_2113 = tpu.vector_load %arg11[%get3A_2111, %get3A_2112] {strides = array<i32>} : memref<16x2048xf32, #tpu.memory_space<vmem>>, vector<16xf32>,
          %mul3A_2114 = arith.mulf %get3A_2113, %get3A_2003 : vector<16xf32>
          %add3A_2115 = arith.addf %add3A_1981, %mul3A_2114 : vector<16xf32>
          %mul3A_2116 = arith.constant 16 : i32
          %mul3A_2117 = arith.muli %scan3A_1999, %mul3A_2116 : i32
          %get3A_2118 = arith.constant 14 : i32
          %get3A_2119 = arith.index_cast %get3A_2118 : i32 to index
          %get3A_2120 = arith.index_cast %mul3A_2117 : i32 to index
          %get3A_2121 = tpu.vector_load %arg11[%get3A_2119, %get3A_2120] {strides = array<i32>} : memref<16x2048xf32, #tpu.memory_space<vmem>>, vector<16xf32>,
          %mul3A_2122 = arith.mulf %get3A_2121, %get3A_2003 : vector<16xf32>
          %add3A_2123 = arith.addf %add3A_1989, %mul3A_2122 : vector<16xf32>
          %mul3A_2124 = arith.constant 16 : i32
          %mul3A_2125 = arith.muli %scan3A_1999, %mul3A_2124 : i32
          %get3A_2126 = arith.constant 15 : i32
          %get3A_2127 = arith.index_cast %get3A_2126 : i32 to index
          %get3A_2128 = arith.index_cast %mul3A_2125 : i32 to index
          %get3A_2129 = tpu.vector_load %arg11[%get3A_2127, %get3A_2128] {strides = array<i32>} : memref<16x2048xf32, #tpu.memory_space<vmem>>, vector<16xf32>,
          %mul3A_2130 = arith.mulf %get3A_2129, %get3A_2003 : vector<16xf32>
          %add3A_2131 = arith.addf %add3A_1997, %mul3A_2130 : vector<16xf32>
          %scan3A_2132 = arith.constant 3 : i32
          %scan3A_2133 = arith.addi %scan3A_1715, %scan3A_2132 : i32
          %mul3A_2134 = arith.constant 16 : i32
          %mul3A_2135 = arith.muli %scan3A_2133, %mul3A_2134 : i32
          %get3A_2136 = arith.index_cast %mul3A_2135 : i32 to index
          %get3A_2137 = tpu.vector_load %arg9[%get3A_2136] {strides = array<i32>} : memref<2048xf32, #tpu.memory_space<vmem>>, vector<16xf32>,
          %mul3A_2138 = arith.constant 16 : i32
          %mul3A_2139 = arith.muli %scan3A_2133, %mul3A_2138 : i32
          %get3A_2140 = arith.constant 0 : i32
          %get3A_2141 = arith.index_cast %get3A_2140 : i32 to index
          %get3A_2142 = arith.index_cast %mul3A_2139 : i32 to index
          %get3A_2143 = tpu.vector_load %arg11[%get3A_2141, %get3A_2142] {strides = array<i32>} : memref<16x2048xf32, #tpu.memory_space<vmem>>, vector<16xf32>,
          %mul3A_2144 = arith.mulf %get3A_2143, %get3A_2137 : vector<16xf32>
          %add3A_2145 = arith.addf %add3A_2011, %mul3A_2144 : vector<16xf32>
          %mul3A_2146 = arith.constant 16 : i32
          %mul3A_2147 = arith.muli %scan3A_2133, %mul3A_2146 : i32
          %get3A_2148 = arith.constant 1 : i32
          %get3A_2149 = arith.index_cast %get3A_2148 : i32 to index
          %get3A_2150 = arith.index_cast %mul3A_2147 : i32 to index
          %get3A_2151 = tpu.vector_load %arg11[%get3A_2149, %get3A_2150] {strides = array<i32>} : memref<16x2048xf32, #tpu.memory_space<vmem>>, vector<16xf32>,
          %mul3A_2152 = arith.mulf %get3A_2151, %get3A_2137 : vector<16xf32>
          %add3A_2153 = arith.addf %add3A_2019, %mul3A_2152 : vector<16xf32>
          %mul3A_2154 = arith.constant 16 : i32
          %mul3A_2155 = arith.muli %scan3A_2133, %mul3A_2154 : i32
          %get3A_2156 = arith.constant 2 : i32
          %get3A_2157 = arith.index_cast %get3A_2156 : i32 to index
          %get3A_2158 = arith.index_cast %mul3A_2155 : i32 to index
          %get3A_2159 = tpu.vector_load %arg11[%get3A_2157, %get3A_2158] {strides = array<i32>} : memref<16x2048xf32, #tpu.memory_space<vmem>>, vector<16xf32>,
          %mul3A_2160 = arith.mulf %get3A_2159, %get3A_2137 : vector<16xf32>
          %add3A_2161 = arith.addf %add3A_2027, %mul3A_2160 : vector<16xf32>
          %mul3A_2162 = arith.constant 16 : i32
          %mul3A_2163 = arith.muli %scan3A_2133, %mul3A_2162 : i32
          %get3A_2164 = arith.constant 3 : i32
          %get3A_2165 = arith.index_cast %get3A_2164 : i32 to index
          %get3A_2166 = arith.index_cast %mul3A_2163 : i32 to index
          %get3A_2167 = tpu.vector_load %arg11[%get3A_2165, %get3A_2166] {strides = array<i32>} : memref<16x2048xf32, #tpu.memory_space<vmem>>, vector<16xf32>,
          %mul3A_2168 = arith.mulf %get3A_2167, %get3A_2137 : vector<16xf32>
          %add3A_2169 = arith.addf %add3A_2035, %mul3A_2168 : vector<16xf32>
          %mul3A_2170 = arith.constant 16 : i32
          %mul3A_2171 = arith.muli %scan3A_2133, %mul3A_2170 : i32
          %get3A_2172 = arith.constant 4 : i32
          %get3A_2173 = arith.index_cast %get3A_2172 : i32 to index
          %get3A_2174 = arith.index_cast %mul3A_2171 : i32 to index
          %get3A_2175 = tpu.vector_load %arg11[%get3A_2173, %get3A_2174] {strides = array<i32>} : memref<16x2048xf32, #tpu.memory_space<vmem>>, vector<16xf32>,
          %mul3A_2176 = arith.mulf %get3A_2175, %get3A_2137 : vector<16xf32>
          %add3A_2177 = arith.addf %add3A_2043, %mul3A_2176 : vector<16xf32>
          %mul3A_2178 = arith.constant 16 : i32
          %mul3A_2179 = arith.muli %scan3A_2133, %mul3A_2178 : i32
          %get3A_2180 = arith.constant 5 : i32
          %get3A_2181 = arith.index_cast %get3A_2180 : i32 to index
          %get3A_2182 = arith.index_cast %mul3A_2179 : i32 to index
          %get3A_2183 = tpu.vector_load %arg11[%get3A_2181, %get3A_2182] {strides = array<i32>} : memref<16x2048xf32, #tpu.memory_space<vmem>>, vector<16xf32>,
          %mul3A_2184 = arith.mulf %get3A_2183, %get3A_2137 : vector<16xf32>
          %add3A_2185 = arith.addf %add3A_2051, %mul3A_2184 : vector<16xf32>
          %mul3A_2186 = arith.constant 16 : i32
          %mul3A_2187 = arith.muli %scan3A_2133, %mul3A_2186 : i32
          %get3A_2188 = arith.constant 6 : i32
          %get3A_2189 = arith.index_cast %get3A_2188 : i32 to index
          %get3A_2190 = arith.index_cast %mul3A_2187 : i32 to index
          %get3A_2191 = tpu.vector_load %arg11[%get3A_2189, %get3A_2190] {strides = array<i32>} : memref<16x2048xf32, #tpu.memory_space<vmem>>, vector<16xf32>,
          %mul3A_2192 = arith.mulf %get3A_2191, %get3A_2137 : vector<16xf32>
          %add3A_2193 = arith.addf %add3A_2059, %mul3A_2192 : vector<16xf32>
          %mul3A_2194 = arith.constant 16 : i32
          %mul3A_2195 = arith.muli %scan3A_2133, %mul3A_2194 : i32
          %get3A_2196 = arith.constant 7 : i32
          %get3A_2197 = arith.index_cast %get3A_2196 : i32 to index
          %get3A_2198 = arith.index_cast %mul3A_2195 : i32 to index
          %get3A_2199 = tpu.vector_load %arg11[%get3A_2197, %get3A_2198] {strides = array<i32>} : memref<16x2048xf32, #tpu.memory_space<vmem>>, vector<16xf32>,
          %mul3A_2200 = arith.mulf %get3A_2199, %get3A_2137 : vector<16xf32>
          %add3A_2201 = arith.addf %add3A_2067, %mul3A_2200 : vector<16xf32>
          %mul3A_2202 = arith.constant 16 : i32
          %mul3A_2203 = arith.muli %scan3A_2133, %mul3A_2202 : i32
          %get3A_2204 = arith.constant 8 : i32
          %get3A_2205 = arith.index_cast %get3A_2204 : i32 to index
          %get3A_2206 = arith.index_cast %mul3A_2203 : i32 to index
          %get3A_2207 = tpu.vector_load %arg11[%get3A_2205, %get3A_2206] {strides = array<i32>} : memref<16x2048xf32, #tpu.memory_space<vmem>>, vector<16xf32>,
          %mul3A_2208 = arith.mulf %get3A_2207, %get3A_2137 : vector<16xf32>
          %add3A_2209 = arith.addf %add3A_2075, %mul3A_2208 : vector<16xf32>
          %mul3A_2210 = arith.constant 16 : i32
          %mul3A_2211 = arith.muli %scan3A_2133, %mul3A_2210 : i32
          %get3A_2212 = arith.constant 9 : i32
          %get3A_2213 = arith.index_cast %get3A_2212 : i32 to index
          %get3A_2214 = arith.index_cast %mul3A_2211 : i32 to index
          %get3A_2215 = tpu.vector_load %arg11[%get3A_2213, %get3A_2214] {strides = array<i32>} : memref<16x2048xf32, #tpu.memory_space<vmem>>, vector<16xf32>,
          %mul3A_2216 = arith.mulf %get3A_2215, %get3A_2137 : vector<16xf32>
          %add3A_2217 = arith.addf %add3A_2083, %mul3A_2216 : vector<16xf32>
          %mul3A_2218 = arith.constant 16 : i32
          %mul3A_2219 = arith.muli %scan3A_2133, %mul3A_2218 : i32
          %get3A_2220 = arith.constant 10 : i32
          %get3A_2221 = arith.index_cast %get3A_2220 : i32 to index
          %get3A_2222 = arith.index_cast %mul3A_2219 : i32 to index
          %get3A_2223 = tpu.vector_load %arg11[%get3A_2221, %get3A_2222] {strides = array<i32>} : memref<16x2048xf32, #tpu.memory_space<vmem>>, vector<16xf32>,
          %mul3A_2224 = arith.mulf %get3A_2223, %get3A_2137 : vector<16xf32>
          %add3A_2225 = arith.addf %add3A_2091, %mul3A_2224 : vector<16xf32>
          %mul3A_2226 = arith.constant 16 : i32
          %mul3A_2227 = arith.muli %scan3A_2133, %mul3A_2226 : i32
          %get3A_2228 = arith.constant 11 : i32
          %get3A_2229 = arith.index_cast %get3A_2228 : i32 to index
          %get3A_2230 = arith.index_cast %mul3A_2227 : i32 to index
          %get3A_2231 = tpu.vector_load %arg11[%get3A_2229, %get3A_2230] {strides = array<i32>} : memref<16x2048xf32, #tpu.memory_space<vmem>>, vector<16xf32>,
          %mul3A_2232 = arith.mulf %get3A_2231, %get3A_2137 : vector<16xf32>
          %add3A_2233 = arith.addf %add3A_2099, %mul3A_2232 : vector<16xf32>
          %mul3A_2234 = arith.constant 16 : i32
          %mul3A_2235 = arith.muli %scan3A_2133, %mul3A_2234 : i32
          %get3A_2236 = arith.constant 12 : i32
          %get3A_2237 = arith.index_cast %get3A_2236 : i32 to index
          %get3A_2238 = arith.index_cast %mul3A_2235 : i32 to index
          %get3A_2239 = tpu.vector_load %arg11[%get3A_2237, %get3A_2238] {strides = array<i32>} : memref<16x2048xf32, #tpu.memory_space<vmem>>, vector<16xf32>,
          %mul3A_2240 = arith.mulf %get3A_2239, %get3A_2137 : vector<16xf32>
          %add3A_2241 = arith.addf %add3A_2107, %mul3A_2240 : vector<16xf32>
          %mul3A_2242 = arith.constant 16 : i32
          %mul3A_2243 = arith.muli %scan3A_2133, %mul3A_2242 : i32
          %get3A_2244 = arith.constant 13 : i32
          %get3A_2245 = arith.index_cast %get3A_2244 : i32 to index
          %get3A_2246 = arith.index_cast %mul3A_2243 : i32 to index
          %get3A_2247 = tpu.vector_load %arg11[%get3A_2245, %get3A_2246] {strides = array<i32>} : memref<16x2048xf32, #tpu.memory_space<vmem>>, vector<16xf32>,
          %mul3A_2248 = arith.mulf %get3A_2247, %get3A_2137 : vector<16xf32>
          %add3A_2249 = arith.addf %add3A_2115, %mul3A_2248 : vector<16xf32>
          %mul3A_2250 = arith.constant 16 : i32
          %mul3A_2251 = arith.muli %scan3A_2133, %mul3A_2250 : i32
          %get3A_2252 = arith.constant 14 : i32
          %get3A_2253 = arith.index_cast %get3A_2252 : i32 to index
          %get3A_2254 = arith.index_cast %mul3A_2251 : i32 to index
          %get3A_2255 = tpu.vector_load %arg11[%get3A_2253, %get3A_2254] {strides = array<i32>} : memref<16x2048xf32, #tpu.memory_space<vmem>>, vector<16xf32>,
          %mul3A_2256 = arith.mulf %get3A_2255, %get3A_2137 : vector<16xf32>
          %add3A_2257 = arith.addf %add3A_2123, %mul3A_2256 : vector<16xf32>
          %mul3A_2258 = arith.constant 16 : i32
          %mul3A_2259 = arith.muli %scan3A_2133, %mul3A_2258 : i32
          %get3A_2260 = arith.constant 15 : i32
          %get3A_2261 = arith.index_cast %get3A_2260 : i32 to index
          %get3A_2262 = arith.index_cast %mul3A_2259 : i32 to index
          %get3A_2263 = tpu.vector_load %arg11[%get3A_2261, %get3A_2262] {strides = array<i32>} : memref<16x2048xf32, #tpu.memory_space<vmem>>, vector<16xf32>,
          %mul3A_2264 = arith.mulf %get3A_2263, %get3A_2137 : vector<16xf32>
          %add3A_2265 = arith.addf %add3A_2131, %mul3A_2264 : vector<16xf32>
          scf.yield %add3A_2145, %add3A_2153, %add3A_2161, %add3A_2169, %add3A_2177, %add3A_2185, %add3A_2193, %add3A_2201, %add3A_2209, %add3A_2217, %add3A_2225, %add3A_2233, %add3A_2241, %add3A_2249, %add3A_2257, %add3A_2265 : vector<16xf32>, vector<16xf32>, vector<16xf32>, vector<16xf32>, vector<16xf32>, vector<16xf32>, vector<16xf32>, vector<16xf32>, vector<16xf32>, vector<16xf32>, vector<16xf32>, vector<16xf32>, vector<16xf32>, vector<16xf32>, vector<16xf32>, vector<16xf32>
        }
        %scan3A_1503 = arith.constant 128 : i32
        %broadcast_in_dim3A_1504 = arith.constant 0.000000e+00 : f32
        %broadcast_in_dim3A_1505 = vector.broadcast %broadcast_in_dim3A_1504 : f32 to vector<16xf32>
        %eq3A_1506 = arith.constant 0 : i32
        %eq3A_1507 = vector.broadcast %eq3A_1506 : i32 to vector<16xi32>
        %eq3A_1508 = arith.cmpi eq, %iota3A, %eq3A_1507 : vector<16xi32>
        %reduce_sum3A_1509 = arith.constant true
        %reduce_sum3A_1510 = vector.broadcast %reduce_sum3A_1509 : i1 to vector<16xi1>
        %reduce_sum3A_1511 = tpu.scan <sum>, %scan3A_1502#0 masked %reduce_sum3A_1510 : vector<16xf32>, vector<16xi1> -> vector<16xf32>
        %reduce_sum3A_1512 = vector.extract %reduce_sum3A_1511[15] : f32 from vector<16xf32>
        %broadcast_in_dim3A_1513 = vector.broadcast %reduce_sum3A_1512 : f32 to vector<16xf32>
        %select_n3A_1514 = arith.select %eq3A_1508, %broadcast_in_dim3A_1513, %broadcast_in_dim3A_1505 : vector<16xi1>, vector<16xf32>
        %eq3A_1515 = arith.constant 1 : i32
        %eq3A_1516 = vector.broadcast %eq3A_1515 : i32 to vector<16xi32>
        %eq3A_1517 = arith.cmpi eq, %iota3A, %eq3A_1516 : vector<16xi32>
        %reduce_sum3A_1518 = arith.constant true
        %reduce_sum3A_1519 = vector.broadcast %reduce_sum3A_1518 : i1 to vector<16xi1>
        %reduce_sum3A_1520 = tpu.scan <sum>, %scan3A_1502#1 masked %reduce_sum3A_1519 : vector<16xf32>, vector<16xi1> -> vector<16xf32>
        %reduce_sum3A_1521 = vector.extract %reduce_sum3A_1520[15] : f32 from vector<16xf32>
        %broadcast_in_dim3A_1522 = vector.broadcast %reduce_sum3A_1521 : f32 to vector<16xf32>
        %select_n3A_1523 = arith.select %eq3A_1517, %broadcast_in_dim3A_1522, %select_n3A_1514 : vector<16xi1>, vector<16xf32>
        %eq3A_1524 = arith.constant 2 : i32
        %eq3A_1525 = vector.broadcast %eq3A_1524 : i32 to vector<16xi32>
        %eq3A_1526 = arith.cmpi eq, %iota3A, %eq3A_1525 : vector<16xi32>
        %reduce_sum3A_1527 = arith.constant true
        %reduce_sum3A_1528 = vector.broadcast %reduce_sum3A_1527 : i1 to vector<16xi1>
        %reduce_sum3A_1529 = tpu.scan <sum>, %scan3A_1502#2 masked %reduce_sum3A_1528 : vector<16xf32>, vector<16xi1> -> vector<16xf32>
        %reduce_sum3A_1530 = vector.extract %reduce_sum3A_1529[15] : f32 from vector<16xf32>
        %broadcast_in_dim3A_1531 = vector.broadcast %reduce_sum3A_1530 : f32 to vector<16xf32>
        %select_n3A_1532 = arith.select %eq3A_1526, %broadcast_in_dim3A_1531, %select_n3A_1523 : vector<16xi1>, vector<16xf32>
        %eq3A_1533 = arith.constant 3 : i32
        %eq3A_1534 = vector.broadcast %eq3A_1533 : i32 to vector<16xi32>
        %eq3A_1535 = arith.cmpi eq, %iota3A, %eq3A_1534 : vector<16xi32>
        %reduce_sum3A_1536 = arith.constant true
        %reduce_sum3A_1537 = vector.broadcast %reduce_sum3A_1536 : i1 to vector<16xi1>
        %reduce_sum3A_1538 = tpu.scan <sum>, %scan3A_1502#3 masked %reduce_sum3A_1537 : vector<16xf32>, vector<16xi1> -> vector<16xf32>
        %reduce_sum3A_1539 = vector.extract %reduce_sum3A_1538[15] : f32 from vector<16xf32>
        %broadcast_in_dim3A_1540 = vector.broadcast %reduce_sum3A_1539 : f32 to vector<16xf32>
        %select_n3A_1541 = arith.select %eq3A_1535, %broadcast_in_dim3A_1540, %select_n3A_1532 : vector<16xi1>, vector<16xf32>
        %eq3A_1542 = arith.constant 4 : i32
        %eq3A_1543 = vector.broadcast %eq3A_1542 : i32 to vector<16xi32>
        %eq3A_1544 = arith.cmpi eq, %iota3A, %eq3A_1543 : vector<16xi32>
        %reduce_sum3A_1545 = arith.constant true
        %reduce_sum3A_1546 = vector.broadcast %reduce_sum3A_1545 : i1 to vector<16xi1>
        %reduce_sum3A_1547 = tpu.scan <sum>, %scan3A_1502#4 masked %reduce_sum3A_1546 : vector<16xf32>, vector<16xi1> -> vector<16xf32>
        %reduce_sum3A_1548 = vector.extract %reduce_sum3A_1547[15] : f32 from vector<16xf32>
        %broadcast_in_dim3A_1549 = vector.broadcast %reduce_sum3A_1548 : f32 to vector<16xf32>
        %select_n3A_1550 = arith.select %eq3A_1544, %broadcast_in_dim3A_1549, %select_n3A_1541 : vector<16xi1>, vector<16xf32>
        %eq3A_1551 = arith.constant 5 : i32
        %eq3A_1552 = vector.broadcast %eq3A_1551 : i32 to vector<16xi32>
        %eq3A_1553 = arith.cmpi eq, %iota3A, %eq3A_1552 : vector<16xi32>
        %reduce_sum3A_1554 = arith.constant true
        %reduce_sum3A_1555 = vector.broadcast %reduce_sum3A_1554 : i1 to vector<16xi1>
        %reduce_sum3A_1556 = tpu.scan <sum>, %scan3A_1502#5 masked %reduce_sum3A_1555 : vector<16xf32>, vector<16xi1> -> vector<16xf32>
        %reduce_sum3A_1557 = vector.extract %reduce_sum3A_1556[15] : f32 from vector<16xf32>
        %broadcast_in_dim3A_1558 = vector.broadcast %reduce_sum3A_1557 : f32 to vector<16xf32>
        %select_n3A_1559 = arith.select %eq3A_1553, %broadcast_in_dim3A_1558, %select_n3A_1550 : vector<16xi1>, vector<16xf32>
        %eq3A_1560 = arith.constant 6 : i32
        %eq3A_1561 = vector.broadcast %eq3A_1560 : i32 to vector<16xi32>
        %eq3A_1562 = arith.cmpi eq, %iota3A, %eq3A_1561 : vector<16xi32>
        %reduce_sum3A_1563 = arith.constant true
        %reduce_sum3A_1564 = vector.broadcast %reduce_sum3A_1563 : i1 to vector<16xi1>
        %reduce_sum3A_1565 = tpu.scan <sum>, %scan3A_1502#6 masked %reduce_sum3A_1564 : vector<16xf32>, vector<16xi1> -> vector<16xf32>
        %reduce_sum3A_1566 = vector.extract %reduce_sum3A_1565[15] : f32 from vector<16xf32>
        %broadcast_in_dim3A_1567 = vector.broadcast %reduce_sum3A_1566 : f32 to vector<16xf32>
        %select_n3A_1568 = arith.select %eq3A_1562, %broadcast_in_dim3A_1567, %select_n3A_1559 : vector<16xi1>, vector<16xf32>
        %eq3A_1569 = arith.constant 7 : i32
        %eq3A_1570 = vector.broadcast %eq3A_1569 : i32 to vector<16xi32>
        %eq3A_1571 = arith.cmpi eq, %iota3A, %eq3A_1570 : vector<16xi32>
        %reduce_sum3A_1572 = arith.constant true
        %reduce_sum3A_1573 = vector.broadcast %reduce_sum3A_1572 : i1 to vector<16xi1>
        %reduce_sum3A_1574 = tpu.scan <sum>, %scan3A_1502#7 masked %reduce_sum3A_1573 : vector<16xf32>, vector<16xi1> -> vector<16xf32>
        %reduce_sum3A_1575 = vector.extract %reduce_sum3A_1574[15] : f32 from vector<16xf32>
        %broadcast_in_dim3A_1576 = vector.broadcast %reduce_sum3A_1575 : f32 to vector<16xf32>
        %select_n3A_1577 = arith.select %eq3A_1571, %broadcast_in_dim3A_1576, %select_n3A_1568 : vector<16xi1>, vector<16xf32>
        %eq3A_1578 = arith.constant 8 : i32
        %eq3A_1579 = vector.broadcast %eq3A_1578 : i32 to vector<16xi32>
        %eq3A_1580 = arith.cmpi eq, %iota3A, %eq3A_1579 : vector<16xi32>
        %reduce_sum3A_1581 = arith.constant true
        %reduce_sum3A_1582 = vector.broadcast %reduce_sum3A_1581 : i1 to vector<16xi1>
        %reduce_sum3A_1583 = tpu.scan <sum>, %scan3A_1502#8 masked %reduce_sum3A_1582 : vector<16xf32>, vector<16xi1> -> vector<16xf32>
        %reduce_sum3A_1584 = vector.extract %reduce_sum3A_1583[15] : f32 from vector<16xf32>
        %broadcast_in_dim3A_1585 = vector.broadcast %reduce_sum3A_1584 : f32 to vector<16xf32>
        %select_n3A_1586 = arith.select %eq3A_1580, %broadcast_in_dim3A_1585, %select_n3A_1577 : vector<16xi1>, vector<16xf32>
        %eq3A_1587 = arith.constant 9 : i32
        %eq3A_1588 = vector.broadcast %eq3A_1587 : i32 to vector<16xi32>
        %eq3A_1589 = arith.cmpi eq, %iota3A, %eq3A_1588 : vector<16xi32>
        %reduce_sum3A_1590 = arith.constant true
        %reduce_sum3A_1591 = vector.broadcast %reduce_sum3A_1590 : i1 to vector<16xi1>
        %reduce_sum3A_1592 = tpu.scan <sum>, %scan3A_1502#9 masked %reduce_sum3A_1591 : vector<16xf32>, vector<16xi1> -> vector<16xf32>
        %reduce_sum3A_1593 = vector.extract %reduce_sum3A_1592[15] : f32 from vector<16xf32>
        %broadcast_in_dim3A_1594 = vector.broadcast %reduce_sum3A_1593 : f32 to vector<16xf32>
        %select_n3A_1595 = arith.select %eq3A_1589, %broadcast_in_dim3A_1594, %select_n3A_1586 : vector<16xi1>, vector<16xf32>
        %eq3A_1596 = arith.constant 10 : i32
        %eq3A_1597 = vector.broadcast %eq3A_1596 : i32 to vector<16xi32>
        %eq3A_1598 = arith.cmpi eq, %iota3A, %eq3A_1597 : vector<16xi32>
        %reduce_sum3A_1599 = arith.constant true
        %reduce_sum3A_1600 = vector.broadcast %reduce_sum3A_1599 : i1 to vector<16xi1>
        %reduce_sum3A_1601 = tpu.scan <sum>, %scan3A_1502#10 masked %reduce_sum3A_1600 : vector<16xf32>, vector<16xi1> -> vector<16xf32>
        %reduce_sum3A_1602 = vector.extract %reduce_sum3A_1601[15] : f32 from vector<16xf32>
        %broadcast_in_dim3A_1603 = vector.broadcast %reduce_sum3A_1602 : f32 to vector<16xf32>
        %select_n3A_1604 = arith.select %eq3A_1598, %broadcast_in_dim3A_1603, %select_n3A_1595 : vector<16xi1>, vector<16xf32>
        %eq3A_1605 = arith.constant 11 : i32
        %eq3A_1606 = vector.broadcast %eq3A_1605 : i32 to vector<16xi32>
        %eq3A_1607 = arith.cmpi eq, %iota3A, %eq3A_1606 : vector<16xi32>
        %reduce_sum3A_1608 = arith.constant true
        %reduce_sum3A_1609 = vector.broadcast %reduce_sum3A_1608 : i1 to vector<16xi1>
        %reduce_sum3A_1610 = tpu.scan <sum>, %scan3A_1502#11 masked %reduce_sum3A_1609 : vector<16xf32>, vector<16xi1> -> vector<16xf32>
        %reduce_sum3A_1611 = vector.extract %reduce_sum3A_1610[15] : f32 from vector<16xf32>
        %broadcast_in_dim3A_1612 = vector.broadcast %reduce_sum3A_1611 : f32 to vector<16xf32>
        %select_n3A_1613 = arith.select %eq3A_1607, %broadcast_in_dim3A_1612, %select_n3A_1604 : vector<16xi1>, vector<16xf32>
        %eq3A_1614 = arith.constant 12 : i32
        %eq3A_1615 = vector.broadcast %eq3A_1614 : i32 to vector<16xi32>
        %eq3A_1616 = arith.cmpi eq, %iota3A, %eq3A_1615 : vector<16xi32>
        %reduce_sum3A_1617 = arith.constant true
        %reduce_sum3A_1618 = vector.broadcast %reduce_sum3A_1617 : i1 to vector<16xi1>
        %reduce_sum3A_1619 = tpu.scan <sum>, %scan3A_1502#12 masked %reduce_sum3A_1618 : vector<16xf32>, vector<16xi1> -> vector<16xf32>
        %reduce_sum3A_1620 = vector.extract %reduce_sum3A_1619[15] : f32 from vector<16xf32>
        %broadcast_in_dim3A_1621 = vector.broadcast %reduce_sum3A_1620 : f32 to vector<16xf32>
        %select_n3A_1622 = arith.select %eq3A_1616, %broadcast_in_dim3A_1621, %select_n3A_1613 : vector<16xi1>, vector<16xf32>
        %eq3A_1623 = arith.constant 13 : i32
        %eq3A_1624 = vector.broadcast %eq3A_1623 : i32 to vector<16xi32>
        %eq3A_1625 = arith.cmpi eq, %iota3A, %eq3A_1624 : vector<16xi32>
        %reduce_sum3A_1626 = arith.constant true
        %reduce_sum3A_1627 = vector.broadcast %reduce_sum3A_1626 : i1 to vector<16xi1>
        %reduce_sum3A_1628 = tpu.scan <sum>, %scan3A_1502#13 masked %reduce_sum3A_1627 : vector<16xf32>, vector<16xi1> -> vector<16xf32>
        %reduce_sum3A_1629 = vector.extract %reduce_sum3A_1628[15] : f32 from vector<16xf32>
        %broadcast_in_dim3A_1630 = vector.broadcast %reduce_sum3A_1629 : f32 to vector<16xf32>
        %select_n3A_1631 = arith.select %eq3A_1625, %broadcast_in_dim3A_1630, %select_n3A_1622 : vector<16xi1>, vector<16xf32>
        %eq3A_1632 = arith.constant 14 : i32
        %eq3A_1633 = vector.broadcast %eq3A_1632 : i32 to vector<16xi32>
        %eq3A_1634 = arith.cmpi eq, %iota3A, %eq3A_1633 : vector<16xi32>
        %reduce_sum3A_1635 = arith.constant true
        %reduce_sum3A_1636 = vector.broadcast %reduce_sum3A_1635 : i1 to vector<16xi1>
        %reduce_sum3A_1637 = tpu.scan <sum>, %scan3A_1502#14 masked %reduce_sum3A_1636 : vector<16xf32>, vector<16xi1> -> vector<16xf32>
        %reduce_sum3A_1638 = vector.extract %reduce_sum3A_1637[15] : f32 from vector<16xf32>
        %broadcast_in_dim3A_1639 = vector.broadcast %reduce_sum3A_1638 : f32 to vector<16xf32>
        %select_n3A_1640 = arith.select %eq3A_1634, %broadcast_in_dim3A_1639, %select_n3A_1631 : vector<16xi1>, vector<16xf32>
        %eq3A_1641 = arith.constant 15 : i32
        %eq3A_1642 = vector.broadcast %eq3A_1641 : i32 to vector<16xi32>
        %eq3A_1643 = arith.cmpi eq, %iota3A, %eq3A_1642 : vector<16xi32>
        %reduce_sum3A_1644 = arith.constant true
        %reduce_sum3A_1645 = vector.broadcast %reduce_sum3A_1644 : i1 to vector<16xi1>
        %reduce_sum3A_1646 = tpu.scan <sum>, %scan3A_1502#15 masked %reduce_sum3A_1645 : vector<16xf32>, vector<16xi1> -> vector<16xf32>
        %reduce_sum3A_1647 = vector.extract %reduce_sum3A_1646[15] : f32 from vector<16xf32>
        %broadcast_in_dim3A_1648 = vector.broadcast %reduce_sum3A_1647 : f32 to vector<16xf32>
        %select_n3A_1649 = arith.select %eq3A_1643, %broadcast_in_dim3A_1648, %select_n3A_1640 : vector<16xi1>, vector<16xf32>
        %mul3A_1650 = arith.constant 16 : i32
        %mul3A_1651 = arith.muli %add3A_1362, %mul3A_1650 : i32
        %swap3A = arith.index_cast %mul3A_1651 : i32 to index
        %swap3A_1652 = tpu.vector_load %arg14[%swap3A] {strides = array<i32>} : memref<208xf32, #tpu.memory_space<vmem>>, vector<16xf32>,
        tpu.vector_store %arg14[%swap3A], %select_n3A_1649 {strides = array<i32>} : memref<208xf32, #tpu.memory_space<vmem>>, vector<16xf32>,
        %mul3A_1653 = arith.constant 16 : i32
        %mul3A_1654 = arith.muli %add3A_1362, %mul3A_1653 : i32
        %add3A_1655 = vector.broadcast %mul3A_1654 : i32 to vector<16xi32>
        %add3A_1656 = arith.addi %iota3A, %add3A_1655 : vector<16xi32>
        %jit3A_1657 = arith.constant 100 : i32
        %div3A_1658 = vector.broadcast %jit3A_1657 : i32 to vector<16xi32>
        %div3A_1659 = arith.divsi %add3A_1656, %div3A_1658 : vector<16xi32>
        %sign3A_1660 = arith.constant 0 : i32
        %sign3A_1661 = vector.broadcast %sign3A_1660 : i32 to vector<16xi32>
        %sign3A_1662 = arith.cmpi sgt, %add3A_1656, %sign3A_1661 : vector<16xi32>
        %sign3A_1663 = arith.extui %sign3A_1662 : vector<16xi1> to vector<16xi32>
        %sign3A_1664 = arith.constant 0 : i32
        %sign3A_1665 = vector.broadcast %sign3A_1664 : i32 to vector<16xi32>
        %sign3A_1666 = arith.cmpi slt, %add3A_1656, %sign3A_1665 : vector<16xi32>
        %sign3A_1667 = arith.extui %sign3A_1666 : vector<16xi1> to vector<16xi32>
        %sign3A_1668 = arith.subi %sign3A_1663, %sign3A_1667 : vector<16xi32>
        %sign3A_1669 = arith.constant 0 : i32
        %sign3A_1670 = arith.cmpi sgt, %jit3A_1657, %sign3A_1669 : i32
        %sign3A_1671 = arith.extui %sign3A_1670 : i1 to i32
        %sign3A_1672 = arith.constant 0 : i32
        %sign3A_1673 = arith.cmpi slt, %jit3A_1657, %sign3A_1672 : i32
        %sign3A_1674 = arith.extui %sign3A_1673 : i1 to i32
        %sign3A_1675 = arith.subi %sign3A_1671, %sign3A_1674 : i32
        %ne3A_1676 = vector.broadcast %sign3A_1675 : i32 to vector<16xi32>
        %ne3A_1677 = arith.cmpi ne, %sign3A_1668, %ne3A_1676 : vector<16xi32>
        %rem3A_1678 = vector.broadcast %jit3A_1657 : i32 to vector<16xi32>
        %rem3A_1679 = arith.remsi %add3A_1656, %rem3A_1678 : vector<16xi32>
        %ne3A_1680 = arith.constant 0 : i32
        %ne3A_1681 = vector.broadcast %ne3A_1680 : i32 to vector<16xi32>
        %ne3A_1682 = arith.cmpi ne, %rem3A_1679, %ne3A_1681 : vector<16xi32>
        %and3A_1683 = arith.andi %ne3A_1677, %ne3A_1682 : vector<16xi1>
        %sub3A_1684 = arith.constant 1 : i32
        %sub3A_1685 = vector.broadcast %sub3A_1684 : i32 to vector<16xi32>
        %sub3A_1686 = arith.subi %div3A_1659, %sub3A_1685 : vector<16xi32>
        %select_n3A_1687 = arith.select %and3A_1683, %sub3A_1686, %div3A_1659 : vector<16xi1>, vector<16xi32>
        %jit3A_1688 = arith.constant 100 : i32
        %eq3A_1689 = arith.constant 0 : i32
        %eq3A_1690 = arith.cmpi eq, %jit3A_1688, %eq3A_1689 : i32
        %jit3A_1691 = arith.constant 1 : i32
        %select_n3A_1692 = arith.select %eq3A_1690, %jit3A_1691, %jit3A_1688 : i32
        %rem3A_1693 = vector.broadcast %select_n3A_1692 : i32 to vector<16xi32>
        %rem3A_1694 = arith.remsi %add3A_1656, %rem3A_1693 : vector<16xi32>
        %ne3A_1695 = arith.constant 0 : i32
        %ne3A_1696 = vector.broadcast %ne3A_1695 : i32 to vector<16xi32>
        %ne3A_1697 = arith.cmpi ne, %rem3A_1694, %ne3A_1696 : vector<16xi32>
        %lt3A_1698 = arith.constant 0 : i32
        %lt3A_1699 = vector.broadcast %lt3A_1698 : i32 to vector<16xi32>
        %lt3A_1700 = arith.cmpi slt, %rem3A_1694, %lt3A_1699 : vector<16xi32>
        %lt3A_1701 = arith.constant 0 : i32
        %lt3A_1702 = arith.cmpi slt, %select_n3A_1692, %lt3A_1701 : i32
        %ne3A_1703 = vector.broadcast %lt3A_1702 : i1 to vector<16xi1>
        %ne3A_1704 = vector.broadcast %ne3A_1703 : vector<16xi1> to vector<16xi1>
        %ne3A_1705 = arith.xori %lt3A_1700, %ne3A_1704 : vector<16xi1>
        %and3A_1706 = arith.andi %ne3A_1705, %ne3A_1697 : vector<16xi1>
        %add3A_1707 = vector.broadcast %select_n3A_1692 : i32 to vector<16xi32>
        %add3A_1708 = arith.addi %rem3A_1694, %add3A_1707 : vector<16xi32>
        %select_n3A_1709 = arith.select %and3A_1706, %add3A_1708, %rem3A_1694 : vector<16xi1>, vector<16xi32>
        %gather3A_1710 = tpu.vector_load_idx %arg10[%select_n3A_1687, %select_n3A_1709] : memref<16x128xi32, #tpu.memory_space<vmem>>[vector<16xi32>, vector<16xi32>], vector<16xi32>,
        %mul3A_1711 = arith.constant 16 : i32
        %mul3A_1712 = arith.muli %add3A_1362, %mul3A_1711 : i32
        %swap3A_1713 = arith.index_cast %mul3A_1712 : i32 to index
        %swap3A_1714 = tpu.vector_load %arg15[%swap3A_1713] {strides = array<i32>} : memref<208xi32, #tpu.memory_space<vmem>>, vector<16xi32>,
        tpu.vector_store %arg15[%swap3A_1713], %gather3A_1710 {strides = array<i32>} : memref<208xi32, #tpu.memory_space<vmem>>, vector<16xi32>,
      } else {
      }
      %mul3A_1373 = arith.constant 3 : i32
      %mul3A_1374 = arith.muli %mul3A_1373, %scan3A_1358 : i32
      %add3A_1375 = arith.constant 1 : i32
      %add3A_1376 = arith.addi %mul3A_1374, %add3A_1375 : i32
      %add3A_1377 = arith.constant 2 : i32
      %add3A_1378 = arith.addi %add3A_1376, %add3A_1377 : i32
      %lt3A_1379 = arith.constant 13 : i32
      %lt3A_1380 = arith.cmpi slt, %add3A_1378, %lt3A_1379 : i32
      %convert_element_type3A_1381 = arith.extui %lt3A_1380 : i1 to i32
      %cond3A_1382 = arith.constant 0 : i32
      %cond3A_1383 = arith.cmpi ne, %convert_element_type3A_1381, %cond3A_1382 : i32
      scf.if %cond3A_1383 {
        %add3A_1405 = arith.constant 2 : i32
        %add3A_1406 = arith.addi %add3A_1376, %add3A_1405 : i32
        %mul3A_1407 = arith.constant 16 : i32
        %mul3A_1408 = arith.muli %add3A_1406, %mul3A_1407 : i32
        %add3A_1409 = vector.broadcast %mul3A_1408 : i32 to vector<16xi32>
        %add3A_1410 = arith.addi %iota3A, %add3A_1409 : vector<16xi32>
        %jit3A_1411 = arith.constant 100 : i32
        %div3A_1412 = vector.broadcast %jit3A_1411 : i32 to vector<16xi32>
        %div3A_1413 = arith.divsi %add3A_1410, %div3A_1412 : vector<16xi32>
        %sign3A_1414 = arith.constant 0 : i32
        %sign3A_1415 = vector.broadcast %sign3A_1414 : i32 to vector<16xi32>
        %sign3A_1416 = arith.cmpi sgt, %add3A_1410, %sign3A_1415 : vector<16xi32>
        %sign3A_1417 = arith.extui %sign3A_1416 : vector<16xi1> to vector<16xi32>
        %sign3A_1418 = arith.constant 0 : i32
        %sign3A_1419 = vector.broadcast %sign3A_1418 : i32 to vector<16xi32>
        %sign3A_1420 = arith.cmpi slt, %add3A_1410, %sign3A_1419 : vector<16xi32>
        %sign3A_1421 = arith.extui %sign3A_1420 : vector<16xi1> to vector<16xi32>
        %sign3A_1422 = arith.subi %sign3A_1417, %sign3A_1421 : vector<16xi32>
        %sign3A_1423 = arith.constant 0 : i32
        %sign3A_1424 = arith.cmpi sgt, %jit3A_1411, %sign3A_1423 : i32
        %sign3A_1425 = arith.extui %sign3A_1424 : i1 to i32
        %sign3A_1426 = arith.constant 0 : i32
        %sign3A_1427 = arith.cmpi slt, %jit3A_1411, %sign3A_1426 : i32
        %sign3A_1428 = arith.extui %sign3A_1427 : i1 to i32
        %sign3A_1429 = arith.subi %sign3A_1425, %sign3A_1428 : i32
        %ne3A_1430 = vector.broadcast %sign3A_1429 : i32 to vector<16xi32>
        %ne3A_1431 = arith.cmpi ne, %sign3A_1422, %ne3A_1430 : vector<16xi32>
        %rem3A_1432 = vector.broadcast %jit3A_1411 : i32 to vector<16xi32>
        %rem3A_1433 = arith.remsi %add3A_1410, %rem3A_1432 : vector<16xi32>
        %ne3A_1434 = arith.constant 0 : i32
        %ne3A_1435 = vector.broadcast %ne3A_1434 : i32 to vector<16xi32>
        %ne3A_1436 = arith.cmpi ne, %rem3A_1433, %ne3A_1435 : vector<16xi32>
        %and3A_1437 = arith.andi %ne3A_1431, %ne3A_1436 : vector<16xi1>
        %sub3A_1438 = arith.constant 1 : i32
        %sub3A_1439 = vector.broadcast %sub3A_1438 : i32 to vector<16xi32>
        %sub3A_1440 = arith.subi %div3A_1413, %sub3A_1439 : vector<16xi32>
        %select_n3A_1441 = arith.select %and3A_1437, %sub3A_1440, %div3A_1413 : vector<16xi1>, vector<16xi32>
        %jit3A_1442 = arith.constant 100 : i32
        %eq3A_1443 = arith.constant 0 : i32
        %eq3A_1444 = arith.cmpi eq, %jit3A_1442, %eq3A_1443 : i32
        %jit3A_1445 = arith.constant 1 : i32
        %select_n3A_1446 = arith.select %eq3A_1444, %jit3A_1445, %jit3A_1442 : i32
        %rem3A_1447 = vector.broadcast %select_n3A_1446 : i32 to vector<16xi32>
        %rem3A_1448 = arith.remsi %add3A_1410, %rem3A_1447 : vector<16xi32>
        %ne3A_1449 = arith.constant 0 : i32
        %ne3A_1450 = vector.broadcast %ne3A_1449 : i32 to vector<16xi32>
        %ne3A_1451 = arith.cmpi ne, %rem3A_1448, %ne3A_1450 : vector<16xi32>
        %lt3A_1452 = arith.constant 0 : i32
        %lt3A_1453 = vector.broadcast %lt3A_1452 : i32 to vector<16xi32>
        %lt3A_1454 = arith.cmpi slt, %rem3A_1448, %lt3A_1453 : vector<16xi32>
        %lt3A_1455 = arith.constant 0 : i32
        %lt3A_1456 = arith.cmpi slt, %select_n3A_1446, %lt3A_1455 : i32
        %ne3A_1457 = vector.broadcast %lt3A_1456 : i1 to vector<16xi1>
        %ne3A_1458 = vector.broadcast %ne3A_1457 : vector<16xi1> to vector<16xi1>
        %ne3A_1459 = arith.xori %lt3A_1454, %ne3A_1458 : vector<16xi1>
        %and3A_1460 = arith.andi %ne3A_1459, %ne3A_1451 : vector<16xi1>
        %add3A_1461 = vector.broadcast %select_n3A_1446 : i32 to vector<16xi32>
        %add3A_1462 = arith.addi %rem3A_1448, %add3A_1461 : vector<16xi32>
        %select_n3A_1463 = arith.select %and3A_1460, %add3A_1462, %rem3A_1448 : vector<16xi1>, vector<16xi32>
        %gather3A_1464 = tpu.vector_load_idx %arg10[%select_n3A_1441, %select_n3A_1463] : memref<16x128xi32, #tpu.memory_space<vmem>>[vector<16xi32>, vector<16xi32>], vector<16xi32>,
        %dma_start3A_1465 = arith.constant 0 : i32
        %dma_start3A_1466 = arith.constant 0 : i32
        %dma_start3A_1467 = tpu.memref_slice %arg2[%dma_start3A_1465, %dma_start3A_1466] : memref<100000x2048xf32, #tpu.memory_space<hbm>> -> memref<100000x2048xf32, #tpu.memory_space<hbm>>
        tpu.enqueue_indirect_dma source(%dma_start3A_1467 : memref<100000x2048xf32, #tpu.memory_space<hbm>>) target(%arg11 : memref<16x2048xf32, #tpu.memory_space<vmem>>) offsets(%gather3A_1464 : vector<16xi32>) semaphore(%arg16 : memref<!tpu.dma_semaphore, #tpu.memory_space<semaphore_mem>>)
      } else {
      }
      %lt3A_1384 = arith.constant 13 : i32
      %lt3A_1385 = arith.cmpi slt, %add3A_1376, %lt3A_1384 : i32
      %convert_element_type3A_1386 = arith.extui %lt3A_1385 : i1 to i32
      %cond3A_1387 = arith.constant 0 : i32
      %cond3A_1388 = arith.cmpi ne, %convert_element_type3A_1386, %cond3A_1387 : i32
      scf.if %cond3A_1388 {
        %mul3A_1405 = arith.constant 16 : i32
        %mul3A_1406 = arith.muli %add3A_1376, %mul3A_1405 : i32
        %add3A_1407 = vector.broadcast %mul3A_1406 : i32 to vector<16xi32>
        %add3A_1408 = arith.addi %iota3A, %add3A_1407 : vector<16xi32>
        %jit3A_1409 = arith.constant 100 : i32
        %div3A_1410 = vector.broadcast %jit3A_1409 : i32 to vector<16xi32>
        %div3A_1411 = arith.divsi %add3A_1408, %div3A_1410 : vector<16xi32>
        %sign3A_1412 = arith.constant 0 : i32
        %sign3A_1413 = vector.broadcast %sign3A_1412 : i32 to vector<16xi32>
        %sign3A_1414 = arith.cmpi sgt, %add3A_1408, %sign3A_1413 : vector<16xi32>
        %sign3A_1415 = arith.extui %sign3A_1414 : vector<16xi1> to vector<16xi32>
        %sign3A_1416 = arith.constant 0 : i32
        %sign3A_1417 = vector.broadcast %sign3A_1416 : i32 to vector<16xi32>
        %sign3A_1418 = arith.cmpi slt, %add3A_1408, %sign3A_1417 : vector<16xi32>
        %sign3A_1419 = arith.extui %sign3A_1418 : vector<16xi1> to vector<16xi32>
        %sign3A_1420 = arith.subi %sign3A_1415, %sign3A_1419 : vector<16xi32>
        %sign3A_1421 = arith.constant 0 : i32
        %sign3A_1422 = arith.cmpi sgt, %jit3A_1409, %sign3A_1421 : i32
        %sign3A_1423 = arith.extui %sign3A_1422 : i1 to i32
        %sign3A_1424 = arith.constant 0 : i32
        %sign3A_1425 = arith.cmpi slt, %jit3A_1409, %sign3A_1424 : i32
        %sign3A_1426 = arith.extui %sign3A_1425 : i1 to i32
        %sign3A_1427 = arith.subi %sign3A_1423, %sign3A_1426 : i32
        %ne3A_1428 = vector.broadcast %sign3A_1427 : i32 to vector<16xi32>
        %ne3A_1429 = arith.cmpi ne, %sign3A_1420, %ne3A_1428 : vector<16xi32>
        %rem3A_1430 = vector.broadcast %jit3A_1409 : i32 to vector<16xi32>
        %rem3A_1431 = arith.remsi %add3A_1408, %rem3A_1430 : vector<16xi32>
        %ne3A_1432 = arith.constant 0 : i32
        %ne3A_1433 = vector.broadcast %ne3A_1432 : i32 to vector<16xi32>
        %ne3A_1434 = arith.cmpi ne, %rem3A_1431, %ne3A_1433 : vector<16xi32>
        %and3A_1435 = arith.andi %ne3A_1429, %ne3A_1434 : vector<16xi1>
        %sub3A_1436 = arith.constant 1 : i32
        %sub3A_1437 = vector.broadcast %sub3A_1436 : i32 to vector<16xi32>
        %sub3A_1438 = arith.subi %div3A_1411, %sub3A_1437 : vector<16xi32>
        %select_n3A_1439 = arith.select %and3A_1435, %sub3A_1438, %div3A_1411 : vector<16xi1>, vector<16xi32>
        %jit3A_1440 = arith.constant 100 : i32
        %eq3A_1441 = arith.constant 0 : i32
        %eq3A_1442 = arith.cmpi eq, %jit3A_1440, %eq3A_1441 : i32
        %jit3A_1443 = arith.constant 1 : i32
        %select_n3A_1444 = arith.select %eq3A_1442, %jit3A_1443, %jit3A_1440 : i32
        %rem3A_1445 = vector.broadcast %select_n3A_1444 : i32 to vector<16xi32>
        %rem3A_1446 = arith.remsi %add3A_1408, %rem3A_1445 : vector<16xi32>
        %ne3A_1447 = arith.constant 0 : i32
        %ne3A_1448 = vector.broadcast %ne3A_1447 : i32 to vector<16xi32>
        %ne3A_1449 = arith.cmpi ne, %rem3A_1446, %ne3A_1448 : vector<16xi32>
        %lt3A_1450 = arith.constant 0 : i32
        %lt3A_1451 = vector.broadcast %lt3A_1450 : i32 to vector<16xi32>
        %lt3A_1452 = arith.cmpi slt, %rem3A_1446, %lt3A_1451 : vector<16xi32>
        %lt3A_1453 = arith.constant 0 : i32
        %lt3A_1454 = arith.cmpi slt, %select_n3A_1444, %lt3A_1453 : i32
        %ne3A_1455 = vector.broadcast %lt3A_1454 : i1 to vector<16xi1>
        %ne3A_1456 = vector.broadcast %ne3A_1455 : vector<16xi1> to vector<16xi1>
        %ne3A_1457 = arith.xori %lt3A_1452, %ne3A_1456 : vector<16xi1>
        %and3A_1458 = arith.andi %ne3A_1457, %ne3A_1449 : vector<16xi1>
        %add3A_1459 = vector.broadcast %select_n3A_1444 : i32 to vector<16xi32>
        %add3A_1460 = arith.addi %rem3A_1446, %add3A_1459 : vector<16xi32>
        %select_n3A_1461 = arith.select %and3A_1458, %add3A_1460, %rem3A_1446 : vector<16xi1>, vector<16xi32>
        %gather3A_1462 = tpu.vector_load_idx %arg10[%select_n3A_1439, %select_n3A_1461] : memref<16x128xi32, #tpu.memory_space<vmem>>[vector<16xi32>, vector<16xi32>], vector<16xi32>,
        %dma_wait3A_1463 = arith.constant 0 : i32
        %dma_wait3A_1464 = arith.constant 0 : i32
        %dma_wait3A_1465 = tpu.memref_slice %arg2[%dma_wait3A_1463, %dma_wait3A_1464] : memref<100000x2048xf32, #tpu.memory_space<hbm>> -> memref<100000x2048xf32, #tpu.memory_space<hbm>>
        tpu.wait_indirect_dma semaphore(%arg17 : memref<!tpu.dma_semaphore, #tpu.memory_space<semaphore_mem>>) src(%dma_wait3A_1465 : memref<100000x2048xf32, #tpu.memory_space<hbm>>) dst(%arg12 : memref<16x2048xf32, #tpu.memory_space<vmem>>)
        %broadcast_in_dim3A_1466 = arith.constant 0.000000e+00 : f32
        %broadcast_in_dim3A_1467 = vector.broadcast %broadcast_in_dim3A_1466 : f32 to vector<16xf32>
        %broadcast_in_dim3A_1468 = arith.constant 0.000000e+00 : f32
        %broadcast_in_dim3A_1469 = vector.broadcast %broadcast_in_dim3A_1468 : f32 to vector<16xf32>
        %broadcast_in_dim3A_1470 = arith.constant 0.000000e+00 : f32
        %broadcast_in_dim3A_1471 = vector.broadcast %broadcast_in_dim3A_1470 : f32 to vector<16xf32>
        %broadcast_in_dim3A_1472 = arith.constant 0.000000e+00 : f32
        %broadcast_in_dim3A_1473 = vector.broadcast %broadcast_in_dim3A_1472 : f32 to vector<16xf32>
        %broadcast_in_dim3A_1474 = arith.constant 0.000000e+00 : f32
        %broadcast_in_dim3A_1475 = vector.broadcast %broadcast_in_dim3A_1474 : f32 to vector<16xf32>
        %broadcast_in_dim3A_1476 = arith.constant 0.000000e+00 : f32
        %broadcast_in_dim3A_1477 = vector.broadcast %broadcast_in_dim3A_1476 : f32 to vector<16xf32>
        %broadcast_in_dim3A_1478 = arith.constant 0.000000e+00 : f32
        %broadcast_in_dim3A_1479 = vector.broadcast %broadcast_in_dim3A_1478 : f32 to vector<16xf32>
        %broadcast_in_dim3A_1480 = arith.constant 0.000000e+00 : f32
        %broadcast_in_dim3A_1481 = vector.broadcast %broadcast_in_dim3A_1480 : f32 to vector<16xf32>
        %broadcast_in_dim3A_1482 = arith.constant 0.000000e+00 : f32
        %broadcast_in_dim3A_1483 = vector.broadcast %broadcast_in_dim3A_1482 : f32 to vector<16xf32>
        %broadcast_in_dim3A_1484 = arith.constant 0.000000e+00 : f32
        %broadcast_in_dim3A_1485 = vector.broadcast %broadcast_in_dim3A_1484 : f32 to vector<16xf32>
        %broadcast_in_dim3A_1486 = arith.constant 0.000000e+00 : f32
        %broadcast_in_dim3A_1487 = vector.broadcast %broadcast_in_dim3A_1486 : f32 to vector<16xf32>
        %broadcast_in_dim3A_1488 = arith.constant 0.000000e+00 : f32
        %broadcast_in_dim3A_1489 = vector.broadcast %broadcast_in_dim3A_1488 : f32 to vector<16xf32>
        %broadcast_in_dim3A_1490 = arith.constant 0.000000e+00 : f32
        %broadcast_in_dim3A_1491 = vector.broadcast %broadcast_in_dim3A_1490 : f32 to vector<16xf32>
        %broadcast_in_dim3A_1492 = arith.constant 0.000000e+00 : f32
        %broadcast_in_dim3A_1493 = vector.broadcast %broadcast_in_dim3A_1492 : f32 to vector<16xf32>
        %broadcast_in_dim3A_1494 = arith.constant 0.000000e+00 : f32
        %broadcast_in_dim3A_1495 = vector.broadcast %broadcast_in_dim3A_1494 : f32 to vector<16xf32>
        %broadcast_in_dim3A_1496 = arith.constant 0.000000e+00 : f32
        %broadcast_in_dim3A_1497 = vector.broadcast %broadcast_in_dim3A_1496 : f32 to vector<16xf32>
        %scan3A_1498 = arith.constant 0 : i32
        %scan3A_1499 = arith.constant 128 : i32
        %scan3A_1500 = arith.addi %scan3A_1498, %scan3A_1499 : i32
        %scan3A_1501 = arith.constant 4 : i32
        %scan3A_1502:16 = scf.for %scan3A_1715 = %scan3A_1498 to %scan3A_1500 step %scan3A_1501 iter_args(%scan3A_1716 = %broadcast_in_dim3A_1467, %scan3A_1717 = %broadcast_in_dim3A_1469, %scan3A_1718 = %broadcast_in_dim3A_1471, %scan3A_1719 = %broadcast_in_dim3A_1473, %scan3A_1720 = %broadcast_in_dim3A_1475, %scan3A_1721 = %broadcast_in_dim3A_1477, %scan3A_1722 = %broadcast_in_dim3A_1479, %scan3A_1723 = %broadcast_in_dim3A_1481, %scan3A_1724 = %broadcast_in_dim3A_1483, %scan3A_1725 = %broadcast_in_dim3A_1485, %scan3A_1726 = %broadcast_in_dim3A_1487, %scan3A_1727 = %broadcast_in_dim3A_1489, %scan3A_1728 = %broadcast_in_dim3A_1491, %scan3A_1729 = %broadcast_in_dim3A_1493, %scan3A_1730 = %broadcast_in_dim3A_1495, %scan3A_1731 = %broadcast_in_dim3A_1497) -> (vector<16xf32>, vector<16xf32>, vector<16xf32>, vector<16xf32>, vector<16xf32>, vector<16xf32>, vector<16xf32>, vector<16xf32>, vector<16xf32>, vector<16xf32>, vector<16xf32>, vector<16xf32>, vector<16xf32>, vector<16xf32>, vector<16xf32>, vector<16xf32>)  : i32 {
          %mul3A_1732 = arith.constant 16 : i32
          %mul3A_1733 = arith.muli %scan3A_1715, %mul3A_1732 : i32
          %get3A_1734 = arith.index_cast %mul3A_1733 : i32 to index
          %get3A_1735 = tpu.vector_load %arg9[%get3A_1734] {strides = array<i32>} : memref<2048xf32, #tpu.memory_space<vmem>>, vector<16xf32>,
          %mul3A_1736 = arith.constant 16 : i32
          %mul3A_1737 = arith.muli %scan3A_1715, %mul3A_1736 : i32
          %get3A_1738 = arith.constant 0 : i32
          %get3A_1739 = arith.index_cast %get3A_1738 : i32 to index
          %get3A_1740 = arith.index_cast %mul3A_1737 : i32 to index
          %get3A_1741 = tpu.vector_load %arg12[%get3A_1739, %get3A_1740] {strides = array<i32>} : memref<16x2048xf32, #tpu.memory_space<vmem>>, vector<16xf32>,
          %mul3A_1742 = arith.mulf %get3A_1741, %get3A_1735 : vector<16xf32>
          %add3A_1743 = arith.addf %scan3A_1716, %mul3A_1742 : vector<16xf32>
          %mul3A_1744 = arith.constant 16 : i32
          %mul3A_1745 = arith.muli %scan3A_1715, %mul3A_1744 : i32
          %get3A_1746 = arith.constant 1 : i32
          %get3A_1747 = arith.index_cast %get3A_1746 : i32 to index
          %get3A_1748 = arith.index_cast %mul3A_1745 : i32 to index
          %get3A_1749 = tpu.vector_load %arg12[%get3A_1747, %get3A_1748] {strides = array<i32>} : memref<16x2048xf32, #tpu.memory_space<vmem>>, vector<16xf32>,
          %mul3A_1750 = arith.mulf %get3A_1749, %get3A_1735 : vector<16xf32>
          %add3A_1751 = arith.addf %scan3A_1717, %mul3A_1750 : vector<16xf32>
          %mul3A_1752 = arith.constant 16 : i32
          %mul3A_1753 = arith.muli %scan3A_1715, %mul3A_1752 : i32
          %get3A_1754 = arith.constant 2 : i32
          %get3A_1755 = arith.index_cast %get3A_1754 : i32 to index
          %get3A_1756 = arith.index_cast %mul3A_1753 : i32 to index
          %get3A_1757 = tpu.vector_load %arg12[%get3A_1755, %get3A_1756] {strides = array<i32>} : memref<16x2048xf32, #tpu.memory_space<vmem>>, vector<16xf32>,
          %mul3A_1758 = arith.mulf %get3A_1757, %get3A_1735 : vector<16xf32>
          %add3A_1759 = arith.addf %scan3A_1718, %mul3A_1758 : vector<16xf32>
          %mul3A_1760 = arith.constant 16 : i32
          %mul3A_1761 = arith.muli %scan3A_1715, %mul3A_1760 : i32
          %get3A_1762 = arith.constant 3 : i32
          %get3A_1763 = arith.index_cast %get3A_1762 : i32 to index
          %get3A_1764 = arith.index_cast %mul3A_1761 : i32 to index
          %get3A_1765 = tpu.vector_load %arg12[%get3A_1763, %get3A_1764] {strides = array<i32>} : memref<16x2048xf32, #tpu.memory_space<vmem>>, vector<16xf32>,
          %mul3A_1766 = arith.mulf %get3A_1765, %get3A_1735 : vector<16xf32>
          %add3A_1767 = arith.addf %scan3A_1719, %mul3A_1766 : vector<16xf32>
          %mul3A_1768 = arith.constant 16 : i32
          %mul3A_1769 = arith.muli %scan3A_1715, %mul3A_1768 : i32
          %get3A_1770 = arith.constant 4 : i32
          %get3A_1771 = arith.index_cast %get3A_1770 : i32 to index
          %get3A_1772 = arith.index_cast %mul3A_1769 : i32 to index
          %get3A_1773 = tpu.vector_load %arg12[%get3A_1771, %get3A_1772] {strides = array<i32>} : memref<16x2048xf32, #tpu.memory_space<vmem>>, vector<16xf32>,
          %mul3A_1774 = arith.mulf %get3A_1773, %get3A_1735 : vector<16xf32>
          %add3A_1775 = arith.addf %scan3A_1720, %mul3A_1774 : vector<16xf32>
          %mul3A_1776 = arith.constant 16 : i32
          %mul3A_1777 = arith.muli %scan3A_1715, %mul3A_1776 : i32
          %get3A_1778 = arith.constant 5 : i32
          %get3A_1779 = arith.index_cast %get3A_1778 : i32 to index
          %get3A_1780 = arith.index_cast %mul3A_1777 : i32 to index
          %get3A_1781 = tpu.vector_load %arg12[%get3A_1779, %get3A_1780] {strides = array<i32>} : memref<16x2048xf32, #tpu.memory_space<vmem>>, vector<16xf32>,
          %mul3A_1782 = arith.mulf %get3A_1781, %get3A_1735 : vector<16xf32>
          %add3A_1783 = arith.addf %scan3A_1721, %mul3A_1782 : vector<16xf32>
          %mul3A_1784 = arith.constant 16 : i32
          %mul3A_1785 = arith.muli %scan3A_1715, %mul3A_1784 : i32
          %get3A_1786 = arith.constant 6 : i32
          %get3A_1787 = arith.index_cast %get3A_1786 : i32 to index
          %get3A_1788 = arith.index_cast %mul3A_1785 : i32 to index
          %get3A_1789 = tpu.vector_load %arg12[%get3A_1787, %get3A_1788] {strides = array<i32>} : memref<16x2048xf32, #tpu.memory_space<vmem>>, vector<16xf32>,
          %mul3A_1790 = arith.mulf %get3A_1789, %get3A_1735 : vector<16xf32>
          %add3A_1791 = arith.addf %scan3A_1722, %mul3A_1790 : vector<16xf32>
          %mul3A_1792 = arith.constant 16 : i32
          %mul3A_1793 = arith.muli %scan3A_1715, %mul3A_1792 : i32
          %get3A_1794 = arith.constant 7 : i32
          %get3A_1795 = arith.index_cast %get3A_1794 : i32 to index
          %get3A_1796 = arith.index_cast %mul3A_1793 : i32 to index
          %get3A_1797 = tpu.vector_load %arg12[%get3A_1795, %get3A_1796] {strides = array<i32>} : memref<16x2048xf32, #tpu.memory_space<vmem>>, vector<16xf32>,
          %mul3A_1798 = arith.mulf %get3A_1797, %get3A_1735 : vector<16xf32>
          %add3A_1799 = arith.addf %scan3A_1723, %mul3A_1798 : vector<16xf32>
          %mul3A_1800 = arith.constant 16 : i32
          %mul3A_1801 = arith.muli %scan3A_1715, %mul3A_1800 : i32
          %get3A_1802 = arith.constant 8 : i32
          %get3A_1803 = arith.index_cast %get3A_1802 : i32 to index
          %get3A_1804 = arith.index_cast %mul3A_1801 : i32 to index
          %get3A_1805 = tpu.vector_load %arg12[%get3A_1803, %get3A_1804] {strides = array<i32>} : memref<16x2048xf32, #tpu.memory_space<vmem>>, vector<16xf32>,
          %mul3A_1806 = arith.mulf %get3A_1805, %get3A_1735 : vector<16xf32>
          %add3A_1807 = arith.addf %scan3A_1724, %mul3A_1806 : vector<16xf32>
          %mul3A_1808 = arith.constant 16 : i32
          %mul3A_1809 = arith.muli %scan3A_1715, %mul3A_1808 : i32
          %get3A_1810 = arith.constant 9 : i32
          %get3A_1811 = arith.index_cast %get3A_1810 : i32 to index
          %get3A_1812 = arith.index_cast %mul3A_1809 : i32 to index
          %get3A_1813 = tpu.vector_load %arg12[%get3A_1811, %get3A_1812] {strides = array<i32>} : memref<16x2048xf32, #tpu.memory_space<vmem>>, vector<16xf32>,
          %mul3A_1814 = arith.mulf %get3A_1813, %get3A_1735 : vector<16xf32>
          %add3A_1815 = arith.addf %scan3A_1725, %mul3A_1814 : vector<16xf32>
          %mul3A_1816 = arith.constant 16 : i32
          %mul3A_1817 = arith.muli %scan3A_1715, %mul3A_1816 : i32
          %get3A_1818 = arith.constant 10 : i32
          %get3A_1819 = arith.index_cast %get3A_1818 : i32 to index
          %get3A_1820 = arith.index_cast %mul3A_1817 : i32 to index
          %get3A_1821 = tpu.vector_load %arg12[%get3A_1819, %get3A_1820] {strides = array<i32>} : memref<16x2048xf32, #tpu.memory_space<vmem>>, vector<16xf32>,
          %mul3A_1822 = arith.mulf %get3A_1821, %get3A_1735 : vector<16xf32>
          %add3A_1823 = arith.addf %scan3A_1726, %mul3A_1822 : vector<16xf32>
          %mul3A_1824 = arith.constant 16 : i32
          %mul3A_1825 = arith.muli %scan3A_1715, %mul3A_1824 : i32
          %get3A_1826 = arith.constant 11 : i32
          %get3A_1827 = arith.index_cast %get3A_1826 : i32 to index
          %get3A_1828 = arith.index_cast %mul3A_1825 : i32 to index
          %get3A_1829 = tpu.vector_load %arg12[%get3A_1827, %get3A_1828] {strides = array<i32>} : memref<16x2048xf32, #tpu.memory_space<vmem>>, vector<16xf32>,
          %mul3A_1830 = arith.mulf %get3A_1829, %get3A_1735 : vector<16xf32>
          %add3A_1831 = arith.addf %scan3A_1727, %mul3A_1830 : vector<16xf32>
          %mul3A_1832 = arith.constant 16 : i32
          %mul3A_1833 = arith.muli %scan3A_1715, %mul3A_1832 : i32
          %get3A_1834 = arith.constant 12 : i32
          %get3A_1835 = arith.index_cast %get3A_1834 : i32 to index
          %get3A_1836 = arith.index_cast %mul3A_1833 : i32 to index
          %get3A_1837 = tpu.vector_load %arg12[%get3A_1835, %get3A_1836] {strides = array<i32>} : memref<16x2048xf32, #tpu.memory_space<vmem>>, vector<16xf32>,
          %mul3A_1838 = arith.mulf %get3A_1837, %get3A_1735 : vector<16xf32>
          %add3A_1839 = arith.addf %scan3A_1728, %mul3A_1838 : vector<16xf32>
          %mul3A_1840 = arith.constant 16 : i32
          %mul3A_1841 = arith.muli %scan3A_1715, %mul3A_1840 : i32
          %get3A_1842 = arith.constant 13 : i32
          %get3A_1843 = arith.index_cast %get3A_1842 : i32 to index
          %get3A_1844 = arith.index_cast %mul3A_1841 : i32 to index
          %get3A_1845 = tpu.vector_load %arg12[%get3A_1843, %get3A_1844] {strides = array<i32>} : memref<16x2048xf32, #tpu.memory_space<vmem>>, vector<16xf32>,
          %mul3A_1846 = arith.mulf %get3A_1845, %get3A_1735 : vector<16xf32>
          %add3A_1847 = arith.addf %scan3A_1729, %mul3A_1846 : vector<16xf32>
          %mul3A_1848 = arith.constant 16 : i32
          %mul3A_1849 = arith.muli %scan3A_1715, %mul3A_1848 : i32
          %get3A_1850 = arith.constant 14 : i32
          %get3A_1851 = arith.index_cast %get3A_1850 : i32 to index
          %get3A_1852 = arith.index_cast %mul3A_1849 : i32 to index
          %get3A_1853 = tpu.vector_load %arg12[%get3A_1851, %get3A_1852] {strides = array<i32>} : memref<16x2048xf32, #tpu.memory_space<vmem>>, vector<16xf32>,
          %mul3A_1854 = arith.mulf %get3A_1853, %get3A_1735 : vector<16xf32>
          %add3A_1855 = arith.addf %scan3A_1730, %mul3A_1854 : vector<16xf32>
          %mul3A_1856 = arith.constant 16 : i32
          %mul3A_1857 = arith.muli %scan3A_1715, %mul3A_1856 : i32
          %get3A_1858 = arith.constant 15 : i32
          %get3A_1859 = arith.index_cast %get3A_1858 : i32 to index
          %get3A_1860 = arith.index_cast %mul3A_1857 : i32 to index
          %get3A_1861 = tpu.vector_load %arg12[%get3A_1859, %get3A_1860] {strides = array<i32>} : memref<16x2048xf32, #tpu.memory_space<vmem>>, vector<16xf32>,
          %mul3A_1862 = arith.mulf %get3A_1861, %get3A_1735 : vector<16xf32>
          %add3A_1863 = arith.addf %scan3A_1731, %mul3A_1862 : vector<16xf32>
          %scan3A_1864 = arith.constant 1 : i32
          %scan3A_1865 = arith.addi %scan3A_1715, %scan3A_1864 : i32
          %mul3A_1866 = arith.constant 16 : i32
          %mul3A_1867 = arith.muli %scan3A_1865, %mul3A_1866 : i32
          %get3A_1868 = arith.index_cast %mul3A_1867 : i32 to index
          %get3A_1869 = tpu.vector_load %arg9[%get3A_1868] {strides = array<i32>} : memref<2048xf32, #tpu.memory_space<vmem>>, vector<16xf32>,
          %mul3A_1870 = arith.constant 16 : i32
          %mul3A_1871 = arith.muli %scan3A_1865, %mul3A_1870 : i32
          %get3A_1872 = arith.constant 0 : i32
          %get3A_1873 = arith.index_cast %get3A_1872 : i32 to index
          %get3A_1874 = arith.index_cast %mul3A_1871 : i32 to index
          %get3A_1875 = tpu.vector_load %arg12[%get3A_1873, %get3A_1874] {strides = array<i32>} : memref<16x2048xf32, #tpu.memory_space<vmem>>, vector<16xf32>,
          %mul3A_1876 = arith.mulf %get3A_1875, %get3A_1869 : vector<16xf32>
          %add3A_1877 = arith.addf %add3A_1743, %mul3A_1876 : vector<16xf32>
          %mul3A_1878 = arith.constant 16 : i32
          %mul3A_1879 = arith.muli %scan3A_1865, %mul3A_1878 : i32
          %get3A_1880 = arith.constant 1 : i32
          %get3A_1881 = arith.index_cast %get3A_1880 : i32 to index
          %get3A_1882 = arith.index_cast %mul3A_1879 : i32 to index
          %get3A_1883 = tpu.vector_load %arg12[%get3A_1881, %get3A_1882] {strides = array<i32>} : memref<16x2048xf32, #tpu.memory_space<vmem>>, vector<16xf32>,
          %mul3A_1884 = arith.mulf %get3A_1883, %get3A_1869 : vector<16xf32>
          %add3A_1885 = arith.addf %add3A_1751, %mul3A_1884 : vector<16xf32>
          %mul3A_1886 = arith.constant 16 : i32
          %mul3A_1887 = arith.muli %scan3A_1865, %mul3A_1886 : i32
          %get3A_1888 = arith.constant 2 : i32
          %get3A_1889 = arith.index_cast %get3A_1888 : i32 to index
          %get3A_1890 = arith.index_cast %mul3A_1887 : i32 to index
          %get3A_1891 = tpu.vector_load %arg12[%get3A_1889, %get3A_1890] {strides = array<i32>} : memref<16x2048xf32, #tpu.memory_space<vmem>>, vector<16xf32>,
          %mul3A_1892 = arith.mulf %get3A_1891, %get3A_1869 : vector<16xf32>
          %add3A_1893 = arith.addf %add3A_1759, %mul3A_1892 : vector<16xf32>
          %mul3A_1894 = arith.constant 16 : i32
          %mul3A_1895 = arith.muli %scan3A_1865, %mul3A_1894 : i32
          %get3A_1896 = arith.constant 3 : i32
          %get3A_1897 = arith.index_cast %get3A_1896 : i32 to index
          %get3A_1898 = arith.index_cast %mul3A_1895 : i32 to index
          %get3A_1899 = tpu.vector_load %arg12[%get3A_1897, %get3A_1898] {strides = array<i32>} : memref<16x2048xf32, #tpu.memory_space<vmem>>, vector<16xf32>,
          %mul3A_1900 = arith.mulf %get3A_1899, %get3A_1869 : vector<16xf32>
          %add3A_1901 = arith.addf %add3A_1767, %mul3A_1900 : vector<16xf32>
          %mul3A_1902 = arith.constant 16 : i32
          %mul3A_1903 = arith.muli %scan3A_1865, %mul3A_1902 : i32
          %get3A_1904 = arith.constant 4 : i32
          %get3A_1905 = arith.index_cast %get3A_1904 : i32 to index
          %get3A_1906 = arith.index_cast %mul3A_1903 : i32 to index
          %get3A_1907 = tpu.vector_load %arg12[%get3A_1905, %get3A_1906] {strides = array<i32>} : memref<16x2048xf32, #tpu.memory_space<vmem>>, vector<16xf32>,
          %mul3A_1908 = arith.mulf %get3A_1907, %get3A_1869 : vector<16xf32>
          %add3A_1909 = arith.addf %add3A_1775, %mul3A_1908 : vector<16xf32>
          %mul3A_1910 = arith.constant 16 : i32
          %mul3A_1911 = arith.muli %scan3A_1865, %mul3A_1910 : i32
          %get3A_1912 = arith.constant 5 : i32
          %get3A_1913 = arith.index_cast %get3A_1912 : i32 to index
          %get3A_1914 = arith.index_cast %mul3A_1911 : i32 to index
          %get3A_1915 = tpu.vector_load %arg12[%get3A_1913, %get3A_1914] {strides = array<i32>} : memref<16x2048xf32, #tpu.memory_space<vmem>>, vector<16xf32>,
          %mul3A_1916 = arith.mulf %get3A_1915, %get3A_1869 : vector<16xf32>
          %add3A_1917 = arith.addf %add3A_1783, %mul3A_1916 : vector<16xf32>
          %mul3A_1918 = arith.constant 16 : i32
          %mul3A_1919 = arith.muli %scan3A_1865, %mul3A_1918 : i32
          %get3A_1920 = arith.constant 6 : i32
          %get3A_1921 = arith.index_cast %get3A_1920 : i32 to index
          %get3A_1922 = arith.index_cast %mul3A_1919 : i32 to index
          %get3A_1923 = tpu.vector_load %arg12[%get3A_1921, %get3A_1922] {strides = array<i32>} : memref<16x2048xf32, #tpu.memory_space<vmem>>, vector<16xf32>,
          %mul3A_1924 = arith.mulf %get3A_1923, %get3A_1869 : vector<16xf32>
          %add3A_1925 = arith.addf %add3A_1791, %mul3A_1924 : vector<16xf32>
          %mul3A_1926 = arith.constant 16 : i32
          %mul3A_1927 = arith.muli %scan3A_1865, %mul3A_1926 : i32
          %get3A_1928 = arith.constant 7 : i32
          %get3A_1929 = arith.index_cast %get3A_1928 : i32 to index
          %get3A_1930 = arith.index_cast %mul3A_1927 : i32 to index
          %get3A_1931 = tpu.vector_load %arg12[%get3A_1929, %get3A_1930] {strides = array<i32>} : memref<16x2048xf32, #tpu.memory_space<vmem>>, vector<16xf32>,
          %mul3A_1932 = arith.mulf %get3A_1931, %get3A_1869 : vector<16xf32>
          %add3A_1933 = arith.addf %add3A_1799, %mul3A_1932 : vector<16xf32>
          %mul3A_1934 = arith.constant 16 : i32
          %mul3A_1935 = arith.muli %scan3A_1865, %mul3A_1934 : i32
          %get3A_1936 = arith.constant 8 : i32
          %get3A_1937 = arith.index_cast %get3A_1936 : i32 to index
          %get3A_1938 = arith.index_cast %mul3A_1935 : i32 to index
          %get3A_1939 = tpu.vector_load %arg12[%get3A_1937, %get3A_1938] {strides = array<i32>} : memref<16x2048xf32, #tpu.memory_space<vmem>>, vector<16xf32>,
          %mul3A_1940 = arith.mulf %get3A_1939, %get3A_1869 : vector<16xf32>
          %add3A_1941 = arith.addf %add3A_1807, %mul3A_1940 : vector<16xf32>
          %mul3A_1942 = arith.constant 16 : i32
          %mul3A_1943 = arith.muli %scan3A_1865, %mul3A_1942 : i32
          %get3A_1944 = arith.constant 9 : i32
          %get3A_1945 = arith.index_cast %get3A_1944 : i32 to index
          %get3A_1946 = arith.index_cast %mul3A_1943 : i32 to index
          %get3A_1947 = tpu.vector_load %arg12[%get3A_1945, %get3A_1946] {strides = array<i32>} : memref<16x2048xf32, #tpu.memory_space<vmem>>, vector<16xf32>,
          %mul3A_1948 = arith.mulf %get3A_1947, %get3A_1869 : vector<16xf32>
          %add3A_1949 = arith.addf %add3A_1815, %mul3A_1948 : vector<16xf32>
          %mul3A_1950 = arith.constant 16 : i32
          %mul3A_1951 = arith.muli %scan3A_1865, %mul3A_1950 : i32
          %get3A_1952 = arith.constant 10 : i32
          %get3A_1953 = arith.index_cast %get3A_1952 : i32 to index
          %get3A_1954 = arith.index_cast %mul3A_1951 : i32 to index
          %get3A_1955 = tpu.vector_load %arg12[%get3A_1953, %get3A_1954] {strides = array<i32>} : memref<16x2048xf32, #tpu.memory_space<vmem>>, vector<16xf32>,
          %mul3A_1956 = arith.mulf %get3A_1955, %get3A_1869 : vector<16xf32>
          %add3A_1957 = arith.addf %add3A_1823, %mul3A_1956 : vector<16xf32>
          %mul3A_1958 = arith.constant 16 : i32
          %mul3A_1959 = arith.muli %scan3A_1865, %mul3A_1958 : i32
          %get3A_1960 = arith.constant 11 : i32
          %get3A_1961 = arith.index_cast %get3A_1960 : i32 to index
          %get3A_1962 = arith.index_cast %mul3A_1959 : i32 to index
          %get3A_1963 = tpu.vector_load %arg12[%get3A_1961, %get3A_1962] {strides = array<i32>} : memref<16x2048xf32, #tpu.memory_space<vmem>>, vector<16xf32>,
          %mul3A_1964 = arith.mulf %get3A_1963, %get3A_1869 : vector<16xf32>
          %add3A_1965 = arith.addf %add3A_1831, %mul3A_1964 : vector<16xf32>
          %mul3A_1966 = arith.constant 16 : i32
          %mul3A_1967 = arith.muli %scan3A_1865, %mul3A_1966 : i32
          %get3A_1968 = arith.constant 12 : i32
          %get3A_1969 = arith.index_cast %get3A_1968 : i32 to index
          %get3A_1970 = arith.index_cast %mul3A_1967 : i32 to index
          %get3A_1971 = tpu.vector_load %arg12[%get3A_1969, %get3A_1970] {strides = array<i32>} : memref<16x2048xf32, #tpu.memory_space<vmem>>, vector<16xf32>,
          %mul3A_1972 = arith.mulf %get3A_1971, %get3A_1869 : vector<16xf32>
          %add3A_1973 = arith.addf %add3A_1839, %mul3A_1972 : vector<16xf32>
          %mul3A_1974 = arith.constant 16 : i32
          %mul3A_1975 = arith.muli %scan3A_1865, %mul3A_1974 : i32
          %get3A_1976 = arith.constant 13 : i32
          %get3A_1977 = arith.index_cast %get3A_1976 : i32 to index
          %get3A_1978 = arith.index_cast %mul3A_1975 : i32 to index
          %get3A_1979 = tpu.vector_load %arg12[%get3A_1977, %get3A_1978] {strides = array<i32>} : memref<16x2048xf32, #tpu.memory_space<vmem>>, vector<16xf32>,
          %mul3A_1980 = arith.mulf %get3A_1979, %get3A_1869 : vector<16xf32>
          %add3A_1981 = arith.addf %add3A_1847, %mul3A_1980 : vector<16xf32>
          %mul3A_1982 = arith.constant 16 : i32
          %mul3A_1983 = arith.muli %scan3A_1865, %mul3A_1982 : i32
          %get3A_1984 = arith.constant 14 : i32
          %get3A_1985 = arith.index_cast %get3A_1984 : i32 to index
          %get3A_1986 = arith.index_cast %mul3A_1983 : i32 to index
          %get3A_1987 = tpu.vector_load %arg12[%get3A_1985, %get3A_1986] {strides = array<i32>} : memref<16x2048xf32, #tpu.memory_space<vmem>>, vector<16xf32>,
          %mul3A_1988 = arith.mulf %get3A_1987, %get3A_1869 : vector<16xf32>
          %add3A_1989 = arith.addf %add3A_1855, %mul3A_1988 : vector<16xf32>
          %mul3A_1990 = arith.constant 16 : i32
          %mul3A_1991 = arith.muli %scan3A_1865, %mul3A_1990 : i32
          %get3A_1992 = arith.constant 15 : i32
          %get3A_1993 = arith.index_cast %get3A_1992 : i32 to index
          %get3A_1994 = arith.index_cast %mul3A_1991 : i32 to index
          %get3A_1995 = tpu.vector_load %arg12[%get3A_1993, %get3A_1994] {strides = array<i32>} : memref<16x2048xf32, #tpu.memory_space<vmem>>, vector<16xf32>,
          %mul3A_1996 = arith.mulf %get3A_1995, %get3A_1869 : vector<16xf32>
          %add3A_1997 = arith.addf %add3A_1863, %mul3A_1996 : vector<16xf32>
          %scan3A_1998 = arith.constant 2 : i32
          %scan3A_1999 = arith.addi %scan3A_1715, %scan3A_1998 : i32
          %mul3A_2000 = arith.constant 16 : i32
          %mul3A_2001 = arith.muli %scan3A_1999, %mul3A_2000 : i32
          %get3A_2002 = arith.index_cast %mul3A_2001 : i32 to index
          %get3A_2003 = tpu.vector_load %arg9[%get3A_2002] {strides = array<i32>} : memref<2048xf32, #tpu.memory_space<vmem>>, vector<16xf32>,
          %mul3A_2004 = arith.constant 16 : i32
          %mul3A_2005 = arith.muli %scan3A_1999, %mul3A_2004 : i32
          %get3A_2006 = arith.constant 0 : i32
          %get3A_2007 = arith.index_cast %get3A_2006 : i32 to index
          %get3A_2008 = arith.index_cast %mul3A_2005 : i32 to index
          %get3A_2009 = tpu.vector_load %arg12[%get3A_2007, %get3A_2008] {strides = array<i32>} : memref<16x2048xf32, #tpu.memory_space<vmem>>, vector<16xf32>,
          %mul3A_2010 = arith.mulf %get3A_2009, %get3A_2003 : vector<16xf32>
          %add3A_2011 = arith.addf %add3A_1877, %mul3A_2010 : vector<16xf32>
          %mul3A_2012 = arith.constant 16 : i32
          %mul3A_2013 = arith.muli %scan3A_1999, %mul3A_2012 : i32
          %get3A_2014 = arith.constant 1 : i32
          %get3A_2015 = arith.index_cast %get3A_2014 : i32 to index
          %get3A_2016 = arith.index_cast %mul3A_2013 : i32 to index
          %get3A_2017 = tpu.vector_load %arg12[%get3A_2015, %get3A_2016] {strides = array<i32>} : memref<16x2048xf32, #tpu.memory_space<vmem>>, vector<16xf32>,
          %mul3A_2018 = arith.mulf %get3A_2017, %get3A_2003 : vector<16xf32>
          %add3A_2019 = arith.addf %add3A_1885, %mul3A_2018 : vector<16xf32>
          %mul3A_2020 = arith.constant 16 : i32
          %mul3A_2021 = arith.muli %scan3A_1999, %mul3A_2020 : i32
          %get3A_2022 = arith.constant 2 : i32
          %get3A_2023 = arith.index_cast %get3A_2022 : i32 to index
          %get3A_2024 = arith.index_cast %mul3A_2021 : i32 to index
          %get3A_2025 = tpu.vector_load %arg12[%get3A_2023, %get3A_2024] {strides = array<i32>} : memref<16x2048xf32, #tpu.memory_space<vmem>>, vector<16xf32>,
          %mul3A_2026 = arith.mulf %get3A_2025, %get3A_2003 : vector<16xf32>
          %add3A_2027 = arith.addf %add3A_1893, %mul3A_2026 : vector<16xf32>
          %mul3A_2028 = arith.constant 16 : i32
          %mul3A_2029 = arith.muli %scan3A_1999, %mul3A_2028 : i32
          %get3A_2030 = arith.constant 3 : i32
          %get3A_2031 = arith.index_cast %get3A_2030 : i32 to index
          %get3A_2032 = arith.index_cast %mul3A_2029 : i32 to index
          %get3A_2033 = tpu.vector_load %arg12[%get3A_2031, %get3A_2032] {strides = array<i32>} : memref<16x2048xf32, #tpu.memory_space<vmem>>, vector<16xf32>,
          %mul3A_2034 = arith.mulf %get3A_2033, %get3A_2003 : vector<16xf32>
          %add3A_2035 = arith.addf %add3A_1901, %mul3A_2034 : vector<16xf32>
          %mul3A_2036 = arith.constant 16 : i32
          %mul3A_2037 = arith.muli %scan3A_1999, %mul3A_2036 : i32
          %get3A_2038 = arith.constant 4 : i32
          %get3A_2039 = arith.index_cast %get3A_2038 : i32 to index
          %get3A_2040 = arith.index_cast %mul3A_2037 : i32 to index
          %get3A_2041 = tpu.vector_load %arg12[%get3A_2039, %get3A_2040] {strides = array<i32>} : memref<16x2048xf32, #tpu.memory_space<vmem>>, vector<16xf32>,
          %mul3A_2042 = arith.mulf %get3A_2041, %get3A_2003 : vector<16xf32>
          %add3A_2043 = arith.addf %add3A_1909, %mul3A_2042 : vector<16xf32>
          %mul3A_2044 = arith.constant 16 : i32
          %mul3A_2045 = arith.muli %scan3A_1999, %mul3A_2044 : i32
          %get3A_2046 = arith.constant 5 : i32
          %get3A_2047 = arith.index_cast %get3A_2046 : i32 to index
          %get3A_2048 = arith.index_cast %mul3A_2045 : i32 to index
          %get3A_2049 = tpu.vector_load %arg12[%get3A_2047, %get3A_2048] {strides = array<i32>} : memref<16x2048xf32, #tpu.memory_space<vmem>>, vector<16xf32>,
          %mul3A_2050 = arith.mulf %get3A_2049, %get3A_2003 : vector<16xf32>
          %add3A_2051 = arith.addf %add3A_1917, %mul3A_2050 : vector<16xf32>
          %mul3A_2052 = arith.constant 16 : i32
          %mul3A_2053 = arith.muli %scan3A_1999, %mul3A_2052 : i32
          %get3A_2054 = arith.constant 6 : i32
          %get3A_2055 = arith.index_cast %get3A_2054 : i32 to index
          %get3A_2056 = arith.index_cast %mul3A_2053 : i32 to index
          %get3A_2057 = tpu.vector_load %arg12[%get3A_2055, %get3A_2056] {strides = array<i32>} : memref<16x2048xf32, #tpu.memory_space<vmem>>, vector<16xf32>,
          %mul3A_2058 = arith.mulf %get3A_2057, %get3A_2003 : vector<16xf32>
          %add3A_2059 = arith.addf %add3A_1925, %mul3A_2058 : vector<16xf32>
          %mul3A_2060 = arith.constant 16 : i32
          %mul3A_2061 = arith.muli %scan3A_1999, %mul3A_2060 : i32
          %get3A_2062 = arith.constant 7 : i32
          %get3A_2063 = arith.index_cast %get3A_2062 : i32 to index
          %get3A_2064 = arith.index_cast %mul3A_2061 : i32 to index
          %get3A_2065 = tpu.vector_load %arg12[%get3A_2063, %get3A_2064] {strides = array<i32>} : memref<16x2048xf32, #tpu.memory_space<vmem>>, vector<16xf32>,
          %mul3A_2066 = arith.mulf %get3A_2065, %get3A_2003 : vector<16xf32>
          %add3A_2067 = arith.addf %add3A_1933, %mul3A_2066 : vector<16xf32>
          %mul3A_2068 = arith.constant 16 : i32
          %mul3A_2069 = arith.muli %scan3A_1999, %mul3A_2068 : i32
          %get3A_2070 = arith.constant 8 : i32
          %get3A_2071 = arith.index_cast %get3A_2070 : i32 to index
          %get3A_2072 = arith.index_cast %mul3A_2069 : i32 to index
          %get3A_2073 = tpu.vector_load %arg12[%get3A_2071, %get3A_2072] {strides = array<i32>} : memref<16x2048xf32, #tpu.memory_space<vmem>>, vector<16xf32>,
          %mul3A_2074 = arith.mulf %get3A_2073, %get3A_2003 : vector<16xf32>
          %add3A_2075 = arith.addf %add3A_1941, %mul3A_2074 : vector<16xf32>
          %mul3A_2076 = arith.constant 16 : i32
          %mul3A_2077 = arith.muli %scan3A_1999, %mul3A_2076 : i32
          %get3A_2078 = arith.constant 9 : i32
          %get3A_2079 = arith.index_cast %get3A_2078 : i32 to index
          %get3A_2080 = arith.index_cast %mul3A_2077 : i32 to index
          %get3A_2081 = tpu.vector_load %arg12[%get3A_2079, %get3A_2080] {strides = array<i32>} : memref<16x2048xf32, #tpu.memory_space<vmem>>, vector<16xf32>,
          %mul3A_2082 = arith.mulf %get3A_2081, %get3A_2003 : vector<16xf32>
          %add3A_2083 = arith.addf %add3A_1949, %mul3A_2082 : vector<16xf32>
          %mul3A_2084 = arith.constant 16 : i32
          %mul3A_2085 = arith.muli %scan3A_1999, %mul3A_2084 : i32
          %get3A_2086 = arith.constant 10 : i32
          %get3A_2087 = arith.index_cast %get3A_2086 : i32 to index
          %get3A_2088 = arith.index_cast %mul3A_2085 : i32 to index
          %get3A_2089 = tpu.vector_load %arg12[%get3A_2087, %get3A_2088] {strides = array<i32>} : memref<16x2048xf32, #tpu.memory_space<vmem>>, vector<16xf32>,
          %mul3A_2090 = arith.mulf %get3A_2089, %get3A_2003 : vector<16xf32>
          %add3A_2091 = arith.addf %add3A_1957, %mul3A_2090 : vector<16xf32>
          %mul3A_2092 = arith.constant 16 : i32
          %mul3A_2093 = arith.muli %scan3A_1999, %mul3A_2092 : i32
          %get3A_2094 = arith.constant 11 : i32
          %get3A_2095 = arith.index_cast %get3A_2094 : i32 to index
          %get3A_2096 = arith.index_cast %mul3A_2093 : i32 to index
          %get3A_2097 = tpu.vector_load %arg12[%get3A_2095, %get3A_2096] {strides = array<i32>} : memref<16x2048xf32, #tpu.memory_space<vmem>>, vector<16xf32>,
          %mul3A_2098 = arith.mulf %get3A_2097, %get3A_2003 : vector<16xf32>
          %add3A_2099 = arith.addf %add3A_1965, %mul3A_2098 : vector<16xf32>
          %mul3A_2100 = arith.constant 16 : i32
          %mul3A_2101 = arith.muli %scan3A_1999, %mul3A_2100 : i32
          %get3A_2102 = arith.constant 12 : i32
          %get3A_2103 = arith.index_cast %get3A_2102 : i32 to index
          %get3A_2104 = arith.index_cast %mul3A_2101 : i32 to index
          %get3A_2105 = tpu.vector_load %arg12[%get3A_2103, %get3A_2104] {strides = array<i32>} : memref<16x2048xf32, #tpu.memory_space<vmem>>, vector<16xf32>,
          %mul3A_2106 = arith.mulf %get3A_2105, %get3A_2003 : vector<16xf32>
          %add3A_2107 = arith.addf %add3A_1973, %mul3A_2106 : vector<16xf32>
          %mul3A_2108 = arith.constant 16 : i32
          %mul3A_2109 = arith.muli %scan3A_1999, %mul3A_2108 : i32
          %get3A_2110 = arith.constant 13 : i32
          %get3A_2111 = arith.index_cast %get3A_2110 : i32 to index
          %get3A_2112 = arith.index_cast %mul3A_2109 : i32 to index
          %get3A_2113 = tpu.vector_load %arg12[%get3A_2111, %get3A_2112] {strides = array<i32>} : memref<16x2048xf32, #tpu.memory_space<vmem>>, vector<16xf32>,
          %mul3A_2114 = arith.mulf %get3A_2113, %get3A_2003 : vector<16xf32>
          %add3A_2115 = arith.addf %add3A_1981, %mul3A_2114 : vector<16xf32>
          %mul3A_2116 = arith.constant 16 : i32
          %mul3A_2117 = arith.muli %scan3A_1999, %mul3A_2116 : i32
          %get3A_2118 = arith.constant 14 : i32
          %get3A_2119 = arith.index_cast %get3A_2118 : i32 to index
          %get3A_2120 = arith.index_cast %mul3A_2117 : i32 to index
          %get3A_2121 = tpu.vector_load %arg12[%get3A_2119, %get3A_2120] {strides = array<i32>} : memref<16x2048xf32, #tpu.memory_space<vmem>>, vector<16xf32>,
          %mul3A_2122 = arith.mulf %get3A_2121, %get3A_2003 : vector<16xf32>
          %add3A_2123 = arith.addf %add3A_1989, %mul3A_2122 : vector<16xf32>
          %mul3A_2124 = arith.constant 16 : i32
          %mul3A_2125 = arith.muli %scan3A_1999, %mul3A_2124 : i32
          %get3A_2126 = arith.constant 15 : i32
          %get3A_2127 = arith.index_cast %get3A_2126 : i32 to index
          %get3A_2128 = arith.index_cast %mul3A_2125 : i32 to index
          %get3A_2129 = tpu.vector_load %arg12[%get3A_2127, %get3A_2128] {strides = array<i32>} : memref<16x2048xf32, #tpu.memory_space<vmem>>, vector<16xf32>,
          %mul3A_2130 = arith.mulf %get3A_2129, %get3A_2003 : vector<16xf32>
          %add3A_2131 = arith.addf %add3A_1997, %mul3A_2130 : vector<16xf32>
          %scan3A_2132 = arith.constant 3 : i32
          %scan3A_2133 = arith.addi %scan3A_1715, %scan3A_2132 : i32
          %mul3A_2134 = arith.constant 16 : i32
          %mul3A_2135 = arith.muli %scan3A_2133, %mul3A_2134 : i32
          %get3A_2136 = arith.index_cast %mul3A_2135 : i32 to index
          %get3A_2137 = tpu.vector_load %arg9[%get3A_2136] {strides = array<i32>} : memref<2048xf32, #tpu.memory_space<vmem>>, vector<16xf32>,
          %mul3A_2138 = arith.constant 16 : i32
          %mul3A_2139 = arith.muli %scan3A_2133, %mul3A_2138 : i32
          %get3A_2140 = arith.constant 0 : i32
          %get3A_2141 = arith.index_cast %get3A_2140 : i32 to index
          %get3A_2142 = arith.index_cast %mul3A_2139 : i32 to index
          %get3A_2143 = tpu.vector_load %arg12[%get3A_2141, %get3A_2142] {strides = array<i32>} : memref<16x2048xf32, #tpu.memory_space<vmem>>, vector<16xf32>,
          %mul3A_2144 = arith.mulf %get3A_2143, %get3A_2137 : vector<16xf32>
          %add3A_2145 = arith.addf %add3A_2011, %mul3A_2144 : vector<16xf32>
          %mul3A_2146 = arith.constant 16 : i32
          %mul3A_2147 = arith.muli %scan3A_2133, %mul3A_2146 : i32
          %get3A_2148 = arith.constant 1 : i32
          %get3A_2149 = arith.index_cast %get3A_2148 : i32 to index
          %get3A_2150 = arith.index_cast %mul3A_2147 : i32 to index
          %get3A_2151 = tpu.vector_load %arg12[%get3A_2149, %get3A_2150] {strides = array<i32>} : memref<16x2048xf32, #tpu.memory_space<vmem>>, vector<16xf32>,
          %mul3A_2152 = arith.mulf %get3A_2151, %get3A_2137 : vector<16xf32>
          %add3A_2153 = arith.addf %add3A_2019, %mul3A_2152 : vector<16xf32>
          %mul3A_2154 = arith.constant 16 : i32
          %mul3A_2155 = arith.muli %scan3A_2133, %mul3A_2154 : i32
          %get3A_2156 = arith.constant 2 : i32
          %get3A_2157 = arith.index_cast %get3A_2156 : i32 to index
          %get3A_2158 = arith.index_cast %mul3A_2155 : i32 to index
          %get3A_2159 = tpu.vector_load %arg12[%get3A_2157, %get3A_2158] {strides = array<i32>} : memref<16x2048xf32, #tpu.memory_space<vmem>>, vector<16xf32>,
          %mul3A_2160 = arith.mulf %get3A_2159, %get3A_2137 : vector<16xf32>
          %add3A_2161 = arith.addf %add3A_2027, %mul3A_2160 : vector<16xf32>
          %mul3A_2162 = arith.constant 16 : i32
          %mul3A_2163 = arith.muli %scan3A_2133, %mul3A_2162 : i32
          %get3A_2164 = arith.constant 3 : i32
          %get3A_2165 = arith.index_cast %get3A_2164 : i32 to index
          %get3A_2166 = arith.index_cast %mul3A_2163 : i32 to index
          %get3A_2167 = tpu.vector_load %arg12[%get3A_2165, %get3A_2166] {strides = array<i32>} : memref<16x2048xf32, #tpu.memory_space<vmem>>, vector<16xf32>,
          %mul3A_2168 = arith.mulf %get3A_2167, %get3A_2137 : vector<16xf32>
          %add3A_2169 = arith.addf %add3A_2035, %mul3A_2168 : vector<16xf32>
          %mul3A_2170 = arith.constant 16 : i32
          %mul3A_2171 = arith.muli %scan3A_2133, %mul3A_2170 : i32
          %get3A_2172 = arith.constant 4 : i32
          %get3A_2173 = arith.index_cast %get3A_2172 : i32 to index
          %get3A_2174 = arith.index_cast %mul3A_2171 : i32 to index
          %get3A_2175 = tpu.vector_load %arg12[%get3A_2173, %get3A_2174] {strides = array<i32>} : memref<16x2048xf32, #tpu.memory_space<vmem>>, vector<16xf32>,
          %mul3A_2176 = arith.mulf %get3A_2175, %get3A_2137 : vector<16xf32>
          %add3A_2177 = arith.addf %add3A_2043, %mul3A_2176 : vector<16xf32>
          %mul3A_2178 = arith.constant 16 : i32
          %mul3A_2179 = arith.muli %scan3A_2133, %mul3A_2178 : i32
          %get3A_2180 = arith.constant 5 : i32
          %get3A_2181 = arith.index_cast %get3A_2180 : i32 to index
          %get3A_2182 = arith.index_cast %mul3A_2179 : i32 to index
          %get3A_2183 = tpu.vector_load %arg12[%get3A_2181, %get3A_2182] {strides = array<i32>} : memref<16x2048xf32, #tpu.memory_space<vmem>>, vector<16xf32>,
          %mul3A_2184 = arith.mulf %get3A_2183, %get3A_2137 : vector<16xf32>
          %add3A_2185 = arith.addf %add3A_2051, %mul3A_2184 : vector<16xf32>
          %mul3A_2186 = arith.constant 16 : i32
          %mul3A_2187 = arith.muli %scan3A_2133, %mul3A_2186 : i32
          %get3A_2188 = arith.constant 6 : i32
          %get3A_2189 = arith.index_cast %get3A_2188 : i32 to index
          %get3A_2190 = arith.index_cast %mul3A_2187 : i32 to index
          %get3A_2191 = tpu.vector_load %arg12[%get3A_2189, %get3A_2190] {strides = array<i32>} : memref<16x2048xf32, #tpu.memory_space<vmem>>, vector<16xf32>,
          %mul3A_2192 = arith.mulf %get3A_2191, %get3A_2137 : vector<16xf32>
          %add3A_2193 = arith.addf %add3A_2059, %mul3A_2192 : vector<16xf32>
          %mul3A_2194 = arith.constant 16 : i32
          %mul3A_2195 = arith.muli %scan3A_2133, %mul3A_2194 : i32
          %get3A_2196 = arith.constant 7 : i32
          %get3A_2197 = arith.index_cast %get3A_2196 : i32 to index
          %get3A_2198 = arith.index_cast %mul3A_2195 : i32 to index
          %get3A_2199 = tpu.vector_load %arg12[%get3A_2197, %get3A_2198] {strides = array<i32>} : memref<16x2048xf32, #tpu.memory_space<vmem>>, vector<16xf32>,
          %mul3A_2200 = arith.mulf %get3A_2199, %get3A_2137 : vector<16xf32>
          %add3A_2201 = arith.addf %add3A_2067, %mul3A_2200 : vector<16xf32>
          %mul3A_2202 = arith.constant 16 : i32
          %mul3A_2203 = arith.muli %scan3A_2133, %mul3A_2202 : i32
          %get3A_2204 = arith.constant 8 : i32
          %get3A_2205 = arith.index_cast %get3A_2204 : i32 to index
          %get3A_2206 = arith.index_cast %mul3A_2203 : i32 to index
          %get3A_2207 = tpu.vector_load %arg12[%get3A_2205, %get3A_2206] {strides = array<i32>} : memref<16x2048xf32, #tpu.memory_space<vmem>>, vector<16xf32>,
          %mul3A_2208 = arith.mulf %get3A_2207, %get3A_2137 : vector<16xf32>
          %add3A_2209 = arith.addf %add3A_2075, %mul3A_2208 : vector<16xf32>
          %mul3A_2210 = arith.constant 16 : i32
          %mul3A_2211 = arith.muli %scan3A_2133, %mul3A_2210 : i32
          %get3A_2212 = arith.constant 9 : i32
          %get3A_2213 = arith.index_cast %get3A_2212 : i32 to index
          %get3A_2214 = arith.index_cast %mul3A_2211 : i32 to index
          %get3A_2215 = tpu.vector_load %arg12[%get3A_2213, %get3A_2214] {strides = array<i32>} : memref<16x2048xf32, #tpu.memory_space<vmem>>, vector<16xf32>,
          %mul3A_2216 = arith.mulf %get3A_2215, %get3A_2137 : vector<16xf32>
          %add3A_2217 = arith.addf %add3A_2083, %mul3A_2216 : vector<16xf32>
          %mul3A_2218 = arith.constant 16 : i32
          %mul3A_2219 = arith.muli %scan3A_2133, %mul3A_2218 : i32
          %get3A_2220 = arith.constant 10 : i32
          %get3A_2221 = arith.index_cast %get3A_2220 : i32 to index
          %get3A_2222 = arith.index_cast %mul3A_2219 : i32 to index
          %get3A_2223 = tpu.vector_load %arg12[%get3A_2221, %get3A_2222] {strides = array<i32>} : memref<16x2048xf32, #tpu.memory_space<vmem>>, vector<16xf32>,
          %mul3A_2224 = arith.mulf %get3A_2223, %get3A_2137 : vector<16xf32>
          %add3A_2225 = arith.addf %add3A_2091, %mul3A_2224 : vector<16xf32>
          %mul3A_2226 = arith.constant 16 : i32
          %mul3A_2227 = arith.muli %scan3A_2133, %mul3A_2226 : i32
          %get3A_2228 = arith.constant 11 : i32
          %get3A_2229 = arith.index_cast %get3A_2228 : i32 to index
          %get3A_2230 = arith.index_cast %mul3A_2227 : i32 to index
          %get3A_2231 = tpu.vector_load %arg12[%get3A_2229, %get3A_2230] {strides = array<i32>} : memref<16x2048xf32, #tpu.memory_space<vmem>>, vector<16xf32>,
          %mul3A_2232 = arith.mulf %get3A_2231, %get3A_2137 : vector<16xf32>
          %add3A_2233 = arith.addf %add3A_2099, %mul3A_2232 : vector<16xf32>
          %mul3A_2234 = arith.constant 16 : i32
          %mul3A_2235 = arith.muli %scan3A_2133, %mul3A_2234 : i32
          %get3A_2236 = arith.constant 12 : i32
          %get3A_2237 = arith.index_cast %get3A_2236 : i32 to index
          %get3A_2238 = arith.index_cast %mul3A_2235 : i32 to index
          %get3A_2239 = tpu.vector_load %arg12[%get3A_2237, %get3A_2238] {strides = array<i32>} : memref<16x2048xf32, #tpu.memory_space<vmem>>, vector<16xf32>,
          %mul3A_2240 = arith.mulf %get3A_2239, %get3A_2137 : vector<16xf32>
          %add3A_2241 = arith.addf %add3A_2107, %mul3A_2240 : vector<16xf32>
          %mul3A_2242 = arith.constant 16 : i32
          %mul3A_2243 = arith.muli %scan3A_2133, %mul3A_2242 : i32
          %get3A_2244 = arith.constant 13 : i32
          %get3A_2245 = arith.index_cast %get3A_2244 : i32 to index
          %get3A_2246 = arith.index_cast %mul3A_2243 : i32 to index
          %get3A_2247 = tpu.vector_load %arg12[%get3A_2245, %get3A_2246] {strides = array<i32>} : memref<16x2048xf32, #tpu.memory_space<vmem>>, vector<16xf32>,
          %mul3A_2248 = arith.mulf %get3A_2247, %get3A_2137 : vector<16xf32>
          %add3A_2249 = arith.addf %add3A_2115, %mul3A_2248 : vector<16xf32>
          %mul3A_2250 = arith.constant 16 : i32
          %mul3A_2251 = arith.muli %scan3A_2133, %mul3A_2250 : i32
          %get3A_2252 = arith.constant 14 : i32
          %get3A_2253 = arith.index_cast %get3A_2252 : i32 to index
          %get3A_2254 = arith.index_cast %mul3A_2251 : i32 to index
          %get3A_2255 = tpu.vector_load %arg12[%get3A_2253, %get3A_2254] {strides = array<i32>} : memref<16x2048xf32, #tpu.memory_space<vmem>>, vector<16xf32>,
          %mul3A_2256 = arith.mulf %get3A_2255, %get3A_2137 : vector<16xf32>
          %add3A_2257 = arith.addf %add3A_2123, %mul3A_2256 : vector<16xf32>
          %mul3A_2258 = arith.constant 16 : i32
          %mul3A_2259 = arith.muli %scan3A_2133, %mul3A_2258 : i32
          %get3A_2260 = arith.constant 15 : i32
          %get3A_2261 = arith.index_cast %get3A_2260 : i32 to index
          %get3A_2262 = arith.index_cast %mul3A_2259 : i32 to index
          %get3A_2263 = tpu.vector_load %arg12[%get3A_2261, %get3A_2262] {strides = array<i32>} : memref<16x2048xf32, #tpu.memory_space<vmem>>, vector<16xf32>,
          %mul3A_2264 = arith.mulf %get3A_2263, %get3A_2137 : vector<16xf32>
          %add3A_2265 = arith.addf %add3A_2131, %mul3A_2264 : vector<16xf32>
          scf.yield %add3A_2145, %add3A_2153, %add3A_2161, %add3A_2169, %add3A_2177, %add3A_2185, %add3A_2193, %add3A_2201, %add3A_2209, %add3A_2217, %add3A_2225, %add3A_2233, %add3A_2241, %add3A_2249, %add3A_2257, %add3A_2265 : vector<16xf32>, vector<16xf32>, vector<16xf32>, vector<16xf32>, vector<16xf32>, vector<16xf32>, vector<16xf32>, vector<16xf32>, vector<16xf32>, vector<16xf32>, vector<16xf32>, vector<16xf32>, vector<16xf32>, vector<16xf32>, vector<16xf32>, vector<16xf32>
        }
        %scan3A_1503 = arith.constant 128 : i32
        %broadcast_in_dim3A_1504 = arith.constant 0.000000e+00 : f32
        %broadcast_in_dim3A_1505 = vector.broadcast %broadcast_in_dim3A_1504 : f32 to vector<16xf32>
        %eq3A_1506 = arith.constant 0 : i32
        %eq3A_1507 = vector.broadcast %eq3A_1506 : i32 to vector<16xi32>
        %eq3A_1508 = arith.cmpi eq, %iota3A, %eq3A_1507 : vector<16xi32>
        %reduce_sum3A_1509 = arith.constant true
        %reduce_sum3A_1510 = vector.broadcast %reduce_sum3A_1509 : i1 to vector<16xi1>
        %reduce_sum3A_1511 = tpu.scan <sum>, %scan3A_1502#0 masked %reduce_sum3A_1510 : vector<16xf32>, vector<16xi1> -> vector<16xf32>
        %reduce_sum3A_1512 = vector.extract %reduce_sum3A_1511[15] : f32 from vector<16xf32>
        %broadcast_in_dim3A_1513 = vector.broadcast %reduce_sum3A_1512 : f32 to vector<16xf32>
        %select_n3A_1514 = arith.select %eq3A_1508, %broadcast_in_dim3A_1513, %broadcast_in_dim3A_1505 : vector<16xi1>, vector<16xf32>
        %eq3A_1515 = arith.constant 1 : i32
        %eq3A_1516 = vector.broadcast %eq3A_1515 : i32 to vector<16xi32>
        %eq3A_1517 = arith.cmpi eq, %iota3A, %eq3A_1516 : vector<16xi32>
        %reduce_sum3A_1518 = arith.constant true
        %reduce_sum3A_1519 = vector.broadcast %reduce_sum3A_1518 : i1 to vector<16xi1>
        %reduce_sum3A_1520 = tpu.scan <sum>, %scan3A_1502#1 masked %reduce_sum3A_1519 : vector<16xf32>, vector<16xi1> -> vector<16xf32>
        %reduce_sum3A_1521 = vector.extract %reduce_sum3A_1520[15] : f32 from vector<16xf32>
        %broadcast_in_dim3A_1522 = vector.broadcast %reduce_sum3A_1521 : f32 to vector<16xf32>
        %select_n3A_1523 = arith.select %eq3A_1517, %broadcast_in_dim3A_1522, %select_n3A_1514 : vector<16xi1>, vector<16xf32>
        %eq3A_1524 = arith.constant 2 : i32
        %eq3A_1525 = vector.broadcast %eq3A_1524 : i32 to vector<16xi32>
        %eq3A_1526 = arith.cmpi eq, %iota3A, %eq3A_1525 : vector<16xi32>
        %reduce_sum3A_1527 = arith.constant true
        %reduce_sum3A_1528 = vector.broadcast %reduce_sum3A_1527 : i1 to vector<16xi1>
        %reduce_sum3A_1529 = tpu.scan <sum>, %scan3A_1502#2 masked %reduce_sum3A_1528 : vector<16xf32>, vector<16xi1> -> vector<16xf32>
        %reduce_sum3A_1530 = vector.extract %reduce_sum3A_1529[15] : f32 from vector<16xf32>
        %broadcast_in_dim3A_1531 = vector.broadcast %reduce_sum3A_1530 : f32 to vector<16xf32>
        %select_n3A_1532 = arith.select %eq3A_1526, %broadcast_in_dim3A_1531, %select_n3A_1523 : vector<16xi1>, vector<16xf32>
        %eq3A_1533 = arith.constant 3 : i32
        %eq3A_1534 = vector.broadcast %eq3A_1533 : i32 to vector<16xi32>
        %eq3A_1535 = arith.cmpi eq, %iota3A, %eq3A_1534 : vector<16xi32>
        %reduce_sum3A_1536 = arith.constant true
        %reduce_sum3A_1537 = vector.broadcast %reduce_sum3A_1536 : i1 to vector<16xi1>
        %reduce_sum3A_1538 = tpu.scan <sum>, %scan3A_1502#3 masked %reduce_sum3A_1537 : vector<16xf32>, vector<16xi1> -> vector<16xf32>
        %reduce_sum3A_1539 = vector.extract %reduce_sum3A_1538[15] : f32 from vector<16xf32>
        %broadcast_in_dim3A_1540 = vector.broadcast %reduce_sum3A_1539 : f32 to vector<16xf32>
        %select_n3A_1541 = arith.select %eq3A_1535, %broadcast_in_dim3A_1540, %select_n3A_1532 : vector<16xi1>, vector<16xf32>
        %eq3A_1542 = arith.constant 4 : i32
        %eq3A_1543 = vector.broadcast %eq3A_1542 : i32 to vector<16xi32>
        %eq3A_1544 = arith.cmpi eq, %iota3A, %eq3A_1543 : vector<16xi32>
        %reduce_sum3A_1545 = arith.constant true
        %reduce_sum3A_1546 = vector.broadcast %reduce_sum3A_1545 : i1 to vector<16xi1>
        %reduce_sum3A_1547 = tpu.scan <sum>, %scan3A_1502#4 masked %reduce_sum3A_1546 : vector<16xf32>, vector<16xi1> -> vector<16xf32>
        %reduce_sum3A_1548 = vector.extract %reduce_sum3A_1547[15] : f32 from vector<16xf32>
        %broadcast_in_dim3A_1549 = vector.broadcast %reduce_sum3A_1548 : f32 to vector<16xf32>
        %select_n3A_1550 = arith.select %eq3A_1544, %broadcast_in_dim3A_1549, %select_n3A_1541 : vector<16xi1>, vector<16xf32>
        %eq3A_1551 = arith.constant 5 : i32
        %eq3A_1552 = vector.broadcast %eq3A_1551 : i32 to vector<16xi32>
        %eq3A_1553 = arith.cmpi eq, %iota3A, %eq3A_1552 : vector<16xi32>
        %reduce_sum3A_1554 = arith.constant true
        %reduce_sum3A_1555 = vector.broadcast %reduce_sum3A_1554 : i1 to vector<16xi1>
        %reduce_sum3A_1556 = tpu.scan <sum>, %scan3A_1502#5 masked %reduce_sum3A_1555 : vector<16xf32>, vector<16xi1> -> vector<16xf32>
        %reduce_sum3A_1557 = vector.extract %reduce_sum3A_1556[15] : f32 from vector<16xf32>
        %broadcast_in_dim3A_1558 = vector.broadcast %reduce_sum3A_1557 : f32 to vector<16xf32>
        %select_n3A_1559 = arith.select %eq3A_1553, %broadcast_in_dim3A_1558, %select_n3A_1550 : vector<16xi1>, vector<16xf32>
        %eq3A_1560 = arith.constant 6 : i32
        %eq3A_1561 = vector.broadcast %eq3A_1560 : i32 to vector<16xi32>
        %eq3A_1562 = arith.cmpi eq, %iota3A, %eq3A_1561 : vector<16xi32>
        %reduce_sum3A_1563 = arith.constant true
        %reduce_sum3A_1564 = vector.broadcast %reduce_sum3A_1563 : i1 to vector<16xi1>
        %reduce_sum3A_1565 = tpu.scan <sum>, %scan3A_1502#6 masked %reduce_sum3A_1564 : vector<16xf32>, vector<16xi1> -> vector<16xf32>
        %reduce_sum3A_1566 = vector.extract %reduce_sum3A_1565[15] : f32 from vector<16xf32>
        %broadcast_in_dim3A_1567 = vector.broadcast %reduce_sum3A_1566 : f32 to vector<16xf32>
        %select_n3A_1568 = arith.select %eq3A_1562, %broadcast_in_dim3A_1567, %select_n3A_1559 : vector<16xi1>, vector<16xf32>
        %eq3A_1569 = arith.constant 7 : i32
        %eq3A_1570 = vector.broadcast %eq3A_1569 : i32 to vector<16xi32>
        %eq3A_1571 = arith.cmpi eq, %iota3A, %eq3A_1570 : vector<16xi32>
        %reduce_sum3A_1572 = arith.constant true
        %reduce_sum3A_1573 = vector.broadcast %reduce_sum3A_1572 : i1 to vector<16xi1>
        %reduce_sum3A_1574 = tpu.scan <sum>, %scan3A_1502#7 masked %reduce_sum3A_1573 : vector<16xf32>, vector<16xi1> -> vector<16xf32>
        %reduce_sum3A_1575 = vector.extract %reduce_sum3A_1574[15] : f32 from vector<16xf32>
        %broadcast_in_dim3A_1576 = vector.broadcast %reduce_sum3A_1575 : f32 to vector<16xf32>
        %select_n3A_1577 = arith.select %eq3A_1571, %broadcast_in_dim3A_1576, %select_n3A_1568 : vector<16xi1>, vector<16xf32>
        %eq3A_1578 = arith.constant 8 : i32
        %eq3A_1579 = vector.broadcast %eq3A_1578 : i32 to vector<16xi32>
        %eq3A_1580 = arith.cmpi eq, %iota3A, %eq3A_1579 : vector<16xi32>
        %reduce_sum3A_1581 = arith.constant true
        %reduce_sum3A_1582 = vector.broadcast %reduce_sum3A_1581 : i1 to vector<16xi1>
        %reduce_sum3A_1583 = tpu.scan <sum>, %scan3A_1502#8 masked %reduce_sum3A_1582 : vector<16xf32>, vector<16xi1> -> vector<16xf32>
        %reduce_sum3A_1584 = vector.extract %reduce_sum3A_1583[15] : f32 from vector<16xf32>
        %broadcast_in_dim3A_1585 = vector.broadcast %reduce_sum3A_1584 : f32 to vector<16xf32>
        %select_n3A_1586 = arith.select %eq3A_1580, %broadcast_in_dim3A_1585, %select_n3A_1577 : vector<16xi1>, vector<16xf32>
        %eq3A_1587 = arith.constant 9 : i32
        %eq3A_1588 = vector.broadcast %eq3A_1587 : i32 to vector<16xi32>
        %eq3A_1589 = arith.cmpi eq, %iota3A, %eq3A_1588 : vector<16xi32>
        %reduce_sum3A_1590 = arith.constant true
        %reduce_sum3A_1591 = vector.broadcast %reduce_sum3A_1590 : i1 to vector<16xi1>
        %reduce_sum3A_1592 = tpu.scan <sum>, %scan3A_1502#9 masked %reduce_sum3A_1591 : vector<16xf32>, vector<16xi1> -> vector<16xf32>
        %reduce_sum3A_1593 = vector.extract %reduce_sum3A_1592[15] : f32 from vector<16xf32>
        %broadcast_in_dim3A_1594 = vector.broadcast %reduce_sum3A_1593 : f32 to vector<16xf32>
        %select_n3A_1595 = arith.select %eq3A_1589, %broadcast_in_dim3A_1594, %select_n3A_1586 : vector<16xi1>, vector<16xf32>
        %eq3A_1596 = arith.constant 10 : i32
        %eq3A_1597 = vector.broadcast %eq3A_1596 : i32 to vector<16xi32>
        %eq3A_1598 = arith.cmpi eq, %iota3A, %eq3A_1597 : vector<16xi32>
        %reduce_sum3A_1599 = arith.constant true
        %reduce_sum3A_1600 = vector.broadcast %reduce_sum3A_1599 : i1 to vector<16xi1>
        %reduce_sum3A_1601 = tpu.scan <sum>, %scan3A_1502#10 masked %reduce_sum3A_1600 : vector<16xf32>, vector<16xi1> -> vector<16xf32>
        %reduce_sum3A_1602 = vector.extract %reduce_sum3A_1601[15] : f32 from vector<16xf32>
        %broadcast_in_dim3A_1603 = vector.broadcast %reduce_sum3A_1602 : f32 to vector<16xf32>
        %select_n3A_1604 = arith.select %eq3A_1598, %broadcast_in_dim3A_1603, %select_n3A_1595 : vector<16xi1>, vector<16xf32>
        %eq3A_1605 = arith.constant 11 : i32
        %eq3A_1606 = vector.broadcast %eq3A_1605 : i32 to vector<16xi32>
        %eq3A_1607 = arith.cmpi eq, %iota3A, %eq3A_1606 : vector<16xi32>
        %reduce_sum3A_1608 = arith.constant true
        %reduce_sum3A_1609 = vector.broadcast %reduce_sum3A_1608 : i1 to vector<16xi1>
        %reduce_sum3A_1610 = tpu.scan <sum>, %scan3A_1502#11 masked %reduce_sum3A_1609 : vector<16xf32>, vector<16xi1> -> vector<16xf32>
        %reduce_sum3A_1611 = vector.extract %reduce_sum3A_1610[15] : f32 from vector<16xf32>
        %broadcast_in_dim3A_1612 = vector.broadcast %reduce_sum3A_1611 : f32 to vector<16xf32>
        %select_n3A_1613 = arith.select %eq3A_1607, %broadcast_in_dim3A_1612, %select_n3A_1604 : vector<16xi1>, vector<16xf32>
        %eq3A_1614 = arith.constant 12 : i32
        %eq3A_1615 = vector.broadcast %eq3A_1614 : i32 to vector<16xi32>
        %eq3A_1616 = arith.cmpi eq, %iota3A, %eq3A_1615 : vector<16xi32>
        %reduce_sum3A_1617 = arith.constant true
        %reduce_sum3A_1618 = vector.broadcast %reduce_sum3A_1617 : i1 to vector<16xi1>
        %reduce_sum3A_1619 = tpu.scan <sum>, %scan3A_1502#12 masked %reduce_sum3A_1618 : vector<16xf32>, vector<16xi1> -> vector<16xf32>
        %reduce_sum3A_1620 = vector.extract %reduce_sum3A_1619[15] : f32 from vector<16xf32>
        %broadcast_in_dim3A_1621 = vector.broadcast %reduce_sum3A_1620 : f32 to vector<16xf32>
        %select_n3A_1622 = arith.select %eq3A_1616, %broadcast_in_dim3A_1621, %select_n3A_1613 : vector<16xi1>, vector<16xf32>
        %eq3A_1623 = arith.constant 13 : i32
        %eq3A_1624 = vector.broadcast %eq3A_1623 : i32 to vector<16xi32>
        %eq3A_1625 = arith.cmpi eq, %iota3A, %eq3A_1624 : vector<16xi32>
        %reduce_sum3A_1626 = arith.constant true
        %reduce_sum3A_1627 = vector.broadcast %reduce_sum3A_1626 : i1 to vector<16xi1>
        %reduce_sum3A_1628 = tpu.scan <sum>, %scan3A_1502#13 masked %reduce_sum3A_1627 : vector<16xf32>, vector<16xi1> -> vector<16xf32>
        %reduce_sum3A_1629 = vector.extract %reduce_sum3A_1628[15] : f32 from vector<16xf32>
        %broadcast_in_dim3A_1630 = vector.broadcast %reduce_sum3A_1629 : f32 to vector<16xf32>
        %select_n3A_1631 = arith.select %eq3A_1625, %broadcast_in_dim3A_1630, %select_n3A_1622 : vector<16xi1>, vector<16xf32>
        %eq3A_1632 = arith.constant 14 : i32
        %eq3A_1633 = vector.broadcast %eq3A_1632 : i32 to vector<16xi32>
        %eq3A_1634 = arith.cmpi eq, %iota3A, %eq3A_1633 : vector<16xi32>
        %reduce_sum3A_1635 = arith.constant true
        %reduce_sum3A_1636 = vector.broadcast %reduce_sum3A_1635 : i1 to vector<16xi1>
        %reduce_sum3A_1637 = tpu.scan <sum>, %scan3A_1502#14 masked %reduce_sum3A_1636 : vector<16xf32>, vector<16xi1> -> vector<16xf32>
        %reduce_sum3A_1638 = vector.extract %reduce_sum3A_1637[15] : f32 from vector<16xf32>
        %broadcast_in_dim3A_1639 = vector.broadcast %reduce_sum3A_1638 : f32 to vector<16xf32>
        %select_n3A_1640 = arith.select %eq3A_1634, %broadcast_in_dim3A_1639, %select_n3A_1631 : vector<16xi1>, vector<16xf32>
        %eq3A_1641 = arith.constant 15 : i32
        %eq3A_1642 = vector.broadcast %eq3A_1641 : i32 to vector<16xi32>
        %eq3A_1643 = arith.cmpi eq, %iota3A, %eq3A_1642 : vector<16xi32>
        %reduce_sum3A_1644 = arith.constant true
        %reduce_sum3A_1645 = vector.broadcast %reduce_sum3A_1644 : i1 to vector<16xi1>
        %reduce_sum3A_1646 = tpu.scan <sum>, %scan3A_1502#15 masked %reduce_sum3A_1645 : vector<16xf32>, vector<16xi1> -> vector<16xf32>
        %reduce_sum3A_1647 = vector.extract %reduce_sum3A_1646[15] : f32 from vector<16xf32>
        %broadcast_in_dim3A_1648 = vector.broadcast %reduce_sum3A_1647 : f32 to vector<16xf32>
        %select_n3A_1649 = arith.select %eq3A_1643, %broadcast_in_dim3A_1648, %select_n3A_1640 : vector<16xi1>, vector<16xf32>
        %mul3A_1650 = arith.constant 16 : i32
        %mul3A_1651 = arith.muli %add3A_1376, %mul3A_1650 : i32
        %swap3A = arith.index_cast %mul3A_1651 : i32 to index
        %swap3A_1652 = tpu.vector_load %arg14[%swap3A] {strides = array<i32>} : memref<208xf32, #tpu.memory_space<vmem>>, vector<16xf32>,
        tpu.vector_store %arg14[%swap3A], %select_n3A_1649 {strides = array<i32>} : memref<208xf32, #tpu.memory_space<vmem>>, vector<16xf32>,
        %mul3A_1653 = arith.constant 16 : i32
        %mul3A_1654 = arith.muli %add3A_1376, %mul3A_1653 : i32
        %add3A_1655 = vector.broadcast %mul3A_1654 : i32 to vector<16xi32>
        %add3A_1656 = arith.addi %iota3A, %add3A_1655 : vector<16xi32>
        %jit3A_1657 = arith.constant 100 : i32
        %div3A_1658 = vector.broadcast %jit3A_1657 : i32 to vector<16xi32>
        %div3A_1659 = arith.divsi %add3A_1656, %div3A_1658 : vector<16xi32>
        %sign3A_1660 = arith.constant 0 : i32
        %sign3A_1661 = vector.broadcast %sign3A_1660 : i32 to vector<16xi32>
        %sign3A_1662 = arith.cmpi sgt, %add3A_1656, %sign3A_1661 : vector<16xi32>
        %sign3A_1663 = arith.extui %sign3A_1662 : vector<16xi1> to vector<16xi32>
        %sign3A_1664 = arith.constant 0 : i32
        %sign3A_1665 = vector.broadcast %sign3A_1664 : i32 to vector<16xi32>
        %sign3A_1666 = arith.cmpi slt, %add3A_1656, %sign3A_1665 : vector<16xi32>
        %sign3A_1667 = arith.extui %sign3A_1666 : vector<16xi1> to vector<16xi32>
        %sign3A_1668 = arith.subi %sign3A_1663, %sign3A_1667 : vector<16xi32>
        %sign3A_1669 = arith.constant 0 : i32
        %sign3A_1670 = arith.cmpi sgt, %jit3A_1657, %sign3A_1669 : i32
        %sign3A_1671 = arith.extui %sign3A_1670 : i1 to i32
        %sign3A_1672 = arith.constant 0 : i32
        %sign3A_1673 = arith.cmpi slt, %jit3A_1657, %sign3A_1672 : i32
        %sign3A_1674 = arith.extui %sign3A_1673 : i1 to i32
        %sign3A_1675 = arith.subi %sign3A_1671, %sign3A_1674 : i32
        %ne3A_1676 = vector.broadcast %sign3A_1675 : i32 to vector<16xi32>
        %ne3A_1677 = arith.cmpi ne, %sign3A_1668, %ne3A_1676 : vector<16xi32>
        %rem3A_1678 = vector.broadcast %jit3A_1657 : i32 to vector<16xi32>
        %rem3A_1679 = arith.remsi %add3A_1656, %rem3A_1678 : vector<16xi32>
        %ne3A_1680 = arith.constant 0 : i32
        %ne3A_1681 = vector.broadcast %ne3A_1680 : i32 to vector<16xi32>
        %ne3A_1682 = arith.cmpi ne, %rem3A_1679, %ne3A_1681 : vector<16xi32>
        %and3A_1683 = arith.andi %ne3A_1677, %ne3A_1682 : vector<16xi1>
        %sub3A_1684 = arith.constant 1 : i32
        %sub3A_1685 = vector.broadcast %sub3A_1684 : i32 to vector<16xi32>
        %sub3A_1686 = arith.subi %div3A_1659, %sub3A_1685 : vector<16xi32>
        %select_n3A_1687 = arith.select %and3A_1683, %sub3A_1686, %div3A_1659 : vector<16xi1>, vector<16xi32>
        %jit3A_1688 = arith.constant 100 : i32
        %eq3A_1689 = arith.constant 0 : i32
        %eq3A_1690 = arith.cmpi eq, %jit3A_1688, %eq3A_1689 : i32
        %jit3A_1691 = arith.constant 1 : i32
        %select_n3A_1692 = arith.select %eq3A_1690, %jit3A_1691, %jit3A_1688 : i32
        %rem3A_1693 = vector.broadcast %select_n3A_1692 : i32 to vector<16xi32>
        %rem3A_1694 = arith.remsi %add3A_1656, %rem3A_1693 : vector<16xi32>
        %ne3A_1695 = arith.constant 0 : i32
        %ne3A_1696 = vector.broadcast %ne3A_1695 : i32 to vector<16xi32>
        %ne3A_1697 = arith.cmpi ne, %rem3A_1694, %ne3A_1696 : vector<16xi32>
        %lt3A_1698 = arith.constant 0 : i32
        %lt3A_1699 = vector.broadcast %lt3A_1698 : i32 to vector<16xi32>
        %lt3A_1700 = arith.cmpi slt, %rem3A_1694, %lt3A_1699 : vector<16xi32>
        %lt3A_1701 = arith.constant 0 : i32
        %lt3A_1702 = arith.cmpi slt, %select_n3A_1692, %lt3A_1701 : i32
        %ne3A_1703 = vector.broadcast %lt3A_1702 : i1 to vector<16xi1>
        %ne3A_1704 = vector.broadcast %ne3A_1703 : vector<16xi1> to vector<16xi1>
        %ne3A_1705 = arith.xori %lt3A_1700, %ne3A_1704 : vector<16xi1>
        %and3A_1706 = arith.andi %ne3A_1705, %ne3A_1697 : vector<16xi1>
        %add3A_1707 = vector.broadcast %select_n3A_1692 : i32 to vector<16xi32>
        %add3A_1708 = arith.addi %rem3A_1694, %add3A_1707 : vector<16xi32>
        %select_n3A_1709 = arith.select %and3A_1706, %add3A_1708, %rem3A_1694 : vector<16xi1>, vector<16xi32>
        %gather3A_1710 = tpu.vector_load_idx %arg10[%select_n3A_1687, %select_n3A_1709] : memref<16x128xi32, #tpu.memory_space<vmem>>[vector<16xi32>, vector<16xi32>], vector<16xi32>,
        %mul3A_1711 = arith.constant 16 : i32
        %mul3A_1712 = arith.muli %add3A_1376, %mul3A_1711 : i32
        %swap3A_1713 = arith.index_cast %mul3A_1712 : i32 to index
        %swap3A_1714 = tpu.vector_load %arg15[%swap3A_1713] {strides = array<i32>} : memref<208xi32, #tpu.memory_space<vmem>>, vector<16xi32>,
        tpu.vector_store %arg15[%swap3A_1713], %gather3A_1710 {strides = array<i32>} : memref<208xi32, #tpu.memory_space<vmem>>, vector<16xi32>,
      } else {
      }
      %mul3A_1389 = arith.constant 3 : i32
      %mul3A_1390 = arith.muli %mul3A_1389, %scan3A_1358 : i32
      %add3A_1391 = arith.constant 2 : i32
      %add3A_1392 = arith.addi %mul3A_1390, %add3A_1391 : i32
      %add3A_1393 = arith.constant 2 : i32
      %add3A_1394 = arith.addi %add3A_1392, %add3A_1393 : i32
      %lt3A_1395 = arith.constant 13 : i32
      %lt3A_1396 = arith.cmpi slt, %add3A_1394, %lt3A_1395 : i32
      %convert_element_type3A_1397 = arith.extui %lt3A_1396 : i1 to i32
      %cond3A_1398 = arith.constant 0 : i32
      %cond3A_1399 = arith.cmpi ne, %convert_element_type3A_1397, %cond3A_1398 : i32
      scf.if %cond3A_1399 {
        %add3A_1405 = arith.constant 2 : i32
        %add3A_1406 = arith.addi %add3A_1392, %add3A_1405 : i32
        %mul3A_1407 = arith.constant 16 : i32
        %mul3A_1408 = arith.muli %add3A_1406, %mul3A_1407 : i32
        %add3A_1409 = vector.broadcast %mul3A_1408 : i32 to vector<16xi32>
        %add3A_1410 = arith.addi %iota3A, %add3A_1409 : vector<16xi32>
        %jit3A_1411 = arith.constant 100 : i32
        %div3A_1412 = vector.broadcast %jit3A_1411 : i32 to vector<16xi32>
        %div3A_1413 = arith.divsi %add3A_1410, %div3A_1412 : vector<16xi32>
        %sign3A_1414 = arith.constant 0 : i32
        %sign3A_1415 = vector.broadcast %sign3A_1414 : i32 to vector<16xi32>
        %sign3A_1416 = arith.cmpi sgt, %add3A_1410, %sign3A_1415 : vector<16xi32>
        %sign3A_1417 = arith.extui %sign3A_1416 : vector<16xi1> to vector<16xi32>
        %sign3A_1418 = arith.constant 0 : i32
        %sign3A_1419 = vector.broadcast %sign3A_1418 : i32 to vector<16xi32>
        %sign3A_1420 = arith.cmpi slt, %add3A_1410, %sign3A_1419 : vector<16xi32>
        %sign3A_1421 = arith.extui %sign3A_1420 : vector<16xi1> to vector<16xi32>
        %sign3A_1422 = arith.subi %sign3A_1417, %sign3A_1421 : vector<16xi32>
        %sign3A_1423 = arith.constant 0 : i32
        %sign3A_1424 = arith.cmpi sgt, %jit3A_1411, %sign3A_1423 : i32
        %sign3A_1425 = arith.extui %sign3A_1424 : i1 to i32
        %sign3A_1426 = arith.constant 0 : i32
        %sign3A_1427 = arith.cmpi slt, %jit3A_1411, %sign3A_1426 : i32
        %sign3A_1428 = arith.extui %sign3A_1427 : i1 to i32
        %sign3A_1429 = arith.subi %sign3A_1425, %sign3A_1428 : i32
        %ne3A_1430 = vector.broadcast %sign3A_1429 : i32 to vector<16xi32>
        %ne3A_1431 = arith.cmpi ne, %sign3A_1422, %ne3A_1430 : vector<16xi32>
        %rem3A_1432 = vector.broadcast %jit3A_1411 : i32 to vector<16xi32>
        %rem3A_1433 = arith.remsi %add3A_1410, %rem3A_1432 : vector<16xi32>
        %ne3A_1434 = arith.constant 0 : i32
        %ne3A_1435 = vector.broadcast %ne3A_1434 : i32 to vector<16xi32>
        %ne3A_1436 = arith.cmpi ne, %rem3A_1433, %ne3A_1435 : vector<16xi32>
        %and3A_1437 = arith.andi %ne3A_1431, %ne3A_1436 : vector<16xi1>
        %sub3A_1438 = arith.constant 1 : i32
        %sub3A_1439 = vector.broadcast %sub3A_1438 : i32 to vector<16xi32>
        %sub3A_1440 = arith.subi %div3A_1413, %sub3A_1439 : vector<16xi32>
        %select_n3A_1441 = arith.select %and3A_1437, %sub3A_1440, %div3A_1413 : vector<16xi1>, vector<16xi32>
        %jit3A_1442 = arith.constant 100 : i32
        %eq3A_1443 = arith.constant 0 : i32
        %eq3A_1444 = arith.cmpi eq, %jit3A_1442, %eq3A_1443 : i32
        %jit3A_1445 = arith.constant 1 : i32
        %select_n3A_1446 = arith.select %eq3A_1444, %jit3A_1445, %jit3A_1442 : i32
        %rem3A_1447 = vector.broadcast %select_n3A_1446 : i32 to vector<16xi32>
        %rem3A_1448 = arith.remsi %add3A_1410, %rem3A_1447 : vector<16xi32>
        %ne3A_1449 = arith.constant 0 : i32
        %ne3A_1450 = vector.broadcast %ne3A_1449 : i32 to vector<16xi32>
        %ne3A_1451 = arith.cmpi ne, %rem3A_1448, %ne3A_1450 : vector<16xi32>
        %lt3A_1452 = arith.constant 0 : i32
        %lt3A_1453 = vector.broadcast %lt3A_1452 : i32 to vector<16xi32>
        %lt3A_1454 = arith.cmpi slt, %rem3A_1448, %lt3A_1453 : vector<16xi32>
        %lt3A_1455 = arith.constant 0 : i32
        %lt3A_1456 = arith.cmpi slt, %select_n3A_1446, %lt3A_1455 : i32
        %ne3A_1457 = vector.broadcast %lt3A_1456 : i1 to vector<16xi1>
        %ne3A_1458 = vector.broadcast %ne3A_1457 : vector<16xi1> to vector<16xi1>
        %ne3A_1459 = arith.xori %lt3A_1454, %ne3A_1458 : vector<16xi1>
        %and3A_1460 = arith.andi %ne3A_1459, %ne3A_1451 : vector<16xi1>
        %add3A_1461 = vector.broadcast %select_n3A_1446 : i32 to vector<16xi32>
        %add3A_1462 = arith.addi %rem3A_1448, %add3A_1461 : vector<16xi32>
        %select_n3A_1463 = arith.select %and3A_1460, %add3A_1462, %rem3A_1448 : vector<16xi1>, vector<16xi32>
        %gather3A_1464 = tpu.vector_load_idx %arg10[%select_n3A_1441, %select_n3A_1463] : memref<16x128xi32, #tpu.memory_space<vmem>>[vector<16xi32>, vector<16xi32>], vector<16xi32>,
        %dma_start3A_1465 = arith.constant 0 : i32
        %dma_start3A_1466 = arith.constant 0 : i32
        %dma_start3A_1467 = tpu.memref_slice %arg2[%dma_start3A_1465, %dma_start3A_1466] : memref<100000x2048xf32, #tpu.memory_space<hbm>> -> memref<100000x2048xf32, #tpu.memory_space<hbm>>
        tpu.enqueue_indirect_dma source(%dma_start3A_1467 : memref<100000x2048xf32, #tpu.memory_space<hbm>>) target(%arg12 : memref<16x2048xf32, #tpu.memory_space<vmem>>) offsets(%gather3A_1464 : vector<16xi32>) semaphore(%arg17 : memref<!tpu.dma_semaphore, #tpu.memory_space<semaphore_mem>>)
      } else {
      }
      %lt3A_1400 = arith.constant 13 : i32
      %lt3A_1401 = arith.cmpi slt, %add3A_1392, %lt3A_1400 : i32
      %convert_element_type3A_1402 = arith.extui %lt3A_1401 : i1 to i32
      %cond3A_1403 = arith.constant 0 : i32
      %cond3A_1404 = arith.cmpi ne, %convert_element_type3A_1402, %cond3A_1403 : i32
      scf.if %cond3A_1404 {
        %mul3A_1405 = arith.constant 16 : i32
        %mul3A_1406 = arith.muli %add3A_1392, %mul3A_1405 : i32
        %add3A_1407 = vector.broadcast %mul3A_1406 : i32 to vector<16xi32>
        %add3A_1408 = arith.addi %iota3A, %add3A_1407 : vector<16xi32>
        %jit3A_1409 = arith.constant 100 : i32
        %div3A_1410 = vector.broadcast %jit3A_1409 : i32 to vector<16xi32>
        %div3A_1411 = arith.divsi %add3A_1408, %div3A_1410 : vector<16xi32>
        %sign3A_1412 = arith.constant 0 : i32
        %sign3A_1413 = vector.broadcast %sign3A_1412 : i32 to vector<16xi32>
        %sign3A_1414 = arith.cmpi sgt, %add3A_1408, %sign3A_1413 : vector<16xi32>
        %sign3A_1415 = arith.extui %sign3A_1414 : vector<16xi1> to vector<16xi32>
        %sign3A_1416 = arith.constant 0 : i32
        %sign3A_1417 = vector.broadcast %sign3A_1416 : i32 to vector<16xi32>
        %sign3A_1418 = arith.cmpi slt, %add3A_1408, %sign3A_1417 : vector<16xi32>
        %sign3A_1419 = arith.extui %sign3A_1418 : vector<16xi1> to vector<16xi32>
        %sign3A_1420 = arith.subi %sign3A_1415, %sign3A_1419 : vector<16xi32>
        %sign3A_1421 = arith.constant 0 : i32
        %sign3A_1422 = arith.cmpi sgt, %jit3A_1409, %sign3A_1421 : i32
        %sign3A_1423 = arith.extui %sign3A_1422 : i1 to i32
        %sign3A_1424 = arith.constant 0 : i32
        %sign3A_1425 = arith.cmpi slt, %jit3A_1409, %sign3A_1424 : i32
        %sign3A_1426 = arith.extui %sign3A_1425 : i1 to i32
        %sign3A_1427 = arith.subi %sign3A_1423, %sign3A_1426 : i32
        %ne3A_1428 = vector.broadcast %sign3A_1427 : i32 to vector<16xi32>
        %ne3A_1429 = arith.cmpi ne, %sign3A_1420, %ne3A_1428 : vector<16xi32>
        %rem3A_1430 = vector.broadcast %jit3A_1409 : i32 to vector<16xi32>
        %rem3A_1431 = arith.remsi %add3A_1408, %rem3A_1430 : vector<16xi32>
        %ne3A_1432 = arith.constant 0 : i32
        %ne3A_1433 = vector.broadcast %ne3A_1432 : i32 to vector<16xi32>
        %ne3A_1434 = arith.cmpi ne, %rem3A_1431, %ne3A_1433 : vector<16xi32>
        %and3A_1435 = arith.andi %ne3A_1429, %ne3A_1434 : vector<16xi1>
        %sub3A_1436 = arith.constant 1 : i32
        %sub3A_1437 = vector.broadcast %sub3A_1436 : i32 to vector<16xi32>
        %sub3A_1438 = arith.subi %div3A_1411, %sub3A_1437 : vector<16xi32>
        %select_n3A_1439 = arith.select %and3A_1435, %sub3A_1438, %div3A_1411 : vector<16xi1>, vector<16xi32>
        %jit3A_1440 = arith.constant 100 : i32
        %eq3A_1441 = arith.constant 0 : i32
        %eq3A_1442 = arith.cmpi eq, %jit3A_1440, %eq3A_1441 : i32
        %jit3A_1443 = arith.constant 1 : i32
        %select_n3A_1444 = arith.select %eq3A_1442, %jit3A_1443, %jit3A_1440 : i32
        %rem3A_1445 = vector.broadcast %select_n3A_1444 : i32 to vector<16xi32>
        %rem3A_1446 = arith.remsi %add3A_1408, %rem3A_1445 : vector<16xi32>
        %ne3A_1447 = arith.constant 0 : i32
        %ne3A_1448 = vector.broadcast %ne3A_1447 : i32 to vector<16xi32>
        %ne3A_1449 = arith.cmpi ne, %rem3A_1446, %ne3A_1448 : vector<16xi32>
        %lt3A_1450 = arith.constant 0 : i32
        %lt3A_1451 = vector.broadcast %lt3A_1450 : i32 to vector<16xi32>
        %lt3A_1452 = arith.cmpi slt, %rem3A_1446, %lt3A_1451 : vector<16xi32>
        %lt3A_1453 = arith.constant 0 : i32
        %lt3A_1454 = arith.cmpi slt, %select_n3A_1444, %lt3A_1453 : i32
        %ne3A_1455 = vector.broadcast %lt3A_1454 : i1 to vector<16xi1>
        %ne3A_1456 = vector.broadcast %ne3A_1455 : vector<16xi1> to vector<16xi1>
        %ne3A_1457 = arith.xori %lt3A_1452, %ne3A_1456 : vector<16xi1>
        %and3A_1458 = arith.andi %ne3A_1457, %ne3A_1449 : vector<16xi1>
        %add3A_1459 = vector.broadcast %select_n3A_1444 : i32 to vector<16xi32>
        %add3A_1460 = arith.addi %rem3A_1446, %add3A_1459 : vector<16xi32>
        %select_n3A_1461 = arith.select %and3A_1458, %add3A_1460, %rem3A_1446 : vector<16xi1>, vector<16xi32>
        %gather3A_1462 = tpu.vector_load_idx %arg10[%select_n3A_1439, %select_n3A_1461] : memref<16x128xi32, #tpu.memory_space<vmem>>[vector<16xi32>, vector<16xi32>], vector<16xi32>,
        %dma_wait3A_1463 = arith.constant 0 : i32
        %dma_wait3A_1464 = arith.constant 0 : i32
        %dma_wait3A_1465 = tpu.memref_slice %arg2[%dma_wait3A_1463, %dma_wait3A_1464] : memref<100000x2048xf32, #tpu.memory_space<hbm>> -> memref<100000x2048xf32, #tpu.memory_space<hbm>>
        tpu.wait_indirect_dma semaphore(%arg18 : memref<!tpu.dma_semaphore, #tpu.memory_space<semaphore_mem>>) src(%dma_wait3A_1465 : memref<100000x2048xf32, #tpu.memory_space<hbm>>) dst(%arg13 : memref<16x2048xf32, #tpu.memory_space<vmem>>)
        %broadcast_in_dim3A_1466 = arith.constant 0.000000e+00 : f32
        %broadcast_in_dim3A_1467 = vector.broadcast %broadcast_in_dim3A_1466 : f32 to vector<16xf32>
        %broadcast_in_dim3A_1468 = arith.constant 0.000000e+00 : f32
        %broadcast_in_dim3A_1469 = vector.broadcast %broadcast_in_dim3A_1468 : f32 to vector<16xf32>
        %broadcast_in_dim3A_1470 = arith.constant 0.000000e+00 : f32
        %broadcast_in_dim3A_1471 = vector.broadcast %broadcast_in_dim3A_1470 : f32 to vector<16xf32>
        %broadcast_in_dim3A_1472 = arith.constant 0.000000e+00 : f32
        %broadcast_in_dim3A_1473 = vector.broadcast %broadcast_in_dim3A_1472 : f32 to vector<16xf32>
        %broadcast_in_dim3A_1474 = arith.constant 0.000000e+00 : f32
        %broadcast_in_dim3A_1475 = vector.broadcast %broadcast_in_dim3A_1474 : f32 to vector<16xf32>
        %broadcast_in_dim3A_1476 = arith.constant 0.000000e+00 : f32
        %broadcast_in_dim3A_1477 = vector.broadcast %broadcast_in_dim3A_1476 : f32 to vector<16xf32>
        %broadcast_in_dim3A_1478 = arith.constant 0.000000e+00 : f32
        %broadcast_in_dim3A_1479 = vector.broadcast %broadcast_in_dim3A_1478 : f32 to vector<16xf32>
        %broadcast_in_dim3A_1480 = arith.constant 0.000000e+00 : f32
        %broadcast_in_dim3A_1481 = vector.broadcast %broadcast_in_dim3A_1480 : f32 to vector<16xf32>
        %broadcast_in_dim3A_1482 = arith.constant 0.000000e+00 : f32
        %broadcast_in_dim3A_1483 = vector.broadcast %broadcast_in_dim3A_1482 : f32 to vector<16xf32>
        %broadcast_in_dim3A_1484 = arith.constant 0.000000e+00 : f32
        %broadcast_in_dim3A_1485 = vector.broadcast %broadcast_in_dim3A_1484 : f32 to vector<16xf32>
        %broadcast_in_dim3A_1486 = arith.constant 0.000000e+00 : f32
        %broadcast_in_dim3A_1487 = vector.broadcast %broadcast_in_dim3A_1486 : f32 to vector<16xf32>
        %broadcast_in_dim3A_1488 = arith.constant 0.000000e+00 : f32
        %broadcast_in_dim3A_1489 = vector.broadcast %broadcast_in_dim3A_1488 : f32 to vector<16xf32>
        %broadcast_in_dim3A_1490 = arith.constant 0.000000e+00 : f32
        %broadcast_in_dim3A_1491 = vector.broadcast %broadcast_in_dim3A_1490 : f32 to vector<16xf32>
        %broadcast_in_dim3A_1492 = arith.constant 0.000000e+00 : f32
        %broadcast_in_dim3A_1493 = vector.broadcast %broadcast_in_dim3A_1492 : f32 to vector<16xf32>
        %broadcast_in_dim3A_1494 = arith.constant 0.000000e+00 : f32
        %broadcast_in_dim3A_1495 = vector.broadcast %broadcast_in_dim3A_1494 : f32 to vector<16xf32>
        %broadcast_in_dim3A_1496 = arith.constant 0.000000e+00 : f32
        %broadcast_in_dim3A_1497 = vector.broadcast %broadcast_in_dim3A_1496 : f32 to vector<16xf32>
        %scan3A_1498 = arith.constant 0 : i32
        %scan3A_1499 = arith.constant 128 : i32
        %scan3A_1500 = arith.addi %scan3A_1498, %scan3A_1499 : i32
        %scan3A_1501 = arith.constant 4 : i32
        %scan3A_1502:16 = scf.for %scan3A_1715 = %scan3A_1498 to %scan3A_1500 step %scan3A_1501 iter_args(%scan3A_1716 = %broadcast_in_dim3A_1467, %scan3A_1717 = %broadcast_in_dim3A_1469, %scan3A_1718 = %broadcast_in_dim3A_1471, %scan3A_1719 = %broadcast_in_dim3A_1473, %scan3A_1720 = %broadcast_in_dim3A_1475, %scan3A_1721 = %broadcast_in_dim3A_1477, %scan3A_1722 = %broadcast_in_dim3A_1479, %scan3A_1723 = %broadcast_in_dim3A_1481, %scan3A_1724 = %broadcast_in_dim3A_1483, %scan3A_1725 = %broadcast_in_dim3A_1485, %scan3A_1726 = %broadcast_in_dim3A_1487, %scan3A_1727 = %broadcast_in_dim3A_1489, %scan3A_1728 = %broadcast_in_dim3A_1491, %scan3A_1729 = %broadcast_in_dim3A_1493, %scan3A_1730 = %broadcast_in_dim3A_1495, %scan3A_1731 = %broadcast_in_dim3A_1497) -> (vector<16xf32>, vector<16xf32>, vector<16xf32>, vector<16xf32>, vector<16xf32>, vector<16xf32>, vector<16xf32>, vector<16xf32>, vector<16xf32>, vector<16xf32>, vector<16xf32>, vector<16xf32>, vector<16xf32>, vector<16xf32>, vector<16xf32>, vector<16xf32>)  : i32 {
          %mul3A_1732 = arith.constant 16 : i32
          %mul3A_1733 = arith.muli %scan3A_1715, %mul3A_1732 : i32
          %get3A_1734 = arith.index_cast %mul3A_1733 : i32 to index
          %get3A_1735 = tpu.vector_load %arg9[%get3A_1734] {strides = array<i32>} : memref<2048xf32, #tpu.memory_space<vmem>>, vector<16xf32>,
          %mul3A_1736 = arith.constant 16 : i32
          %mul3A_1737 = arith.muli %scan3A_1715, %mul3A_1736 : i32
          %get3A_1738 = arith.constant 0 : i32
          %get3A_1739 = arith.index_cast %get3A_1738 : i32 to index
          %get3A_1740 = arith.index_cast %mul3A_1737 : i32 to index
          %get3A_1741 = tpu.vector_load %arg13[%get3A_1739, %get3A_1740] {strides = array<i32>} : memref<16x2048xf32, #tpu.memory_space<vmem>>, vector<16xf32>,
          %mul3A_1742 = arith.mulf %get3A_1741, %get3A_1735 : vector<16xf32>
          %add3A_1743 = arith.addf %scan3A_1716, %mul3A_1742 : vector<16xf32>
          %mul3A_1744 = arith.constant 16 : i32
          %mul3A_1745 = arith.muli %scan3A_1715, %mul3A_1744 : i32
          %get3A_1746 = arith.constant 1 : i32
          %get3A_1747 = arith.index_cast %get3A_1746 : i32 to index
          %get3A_1748 = arith.index_cast %mul3A_1745 : i32 to index
          %get3A_1749 = tpu.vector_load %arg13[%get3A_1747, %get3A_1748] {strides = array<i32>} : memref<16x2048xf32, #tpu.memory_space<vmem>>, vector<16xf32>,
          %mul3A_1750 = arith.mulf %get3A_1749, %get3A_1735 : vector<16xf32>
          %add3A_1751 = arith.addf %scan3A_1717, %mul3A_1750 : vector<16xf32>
          %mul3A_1752 = arith.constant 16 : i32
          %mul3A_1753 = arith.muli %scan3A_1715, %mul3A_1752 : i32
          %get3A_1754 = arith.constant 2 : i32
          %get3A_1755 = arith.index_cast %get3A_1754 : i32 to index
          %get3A_1756 = arith.index_cast %mul3A_1753 : i32 to index
          %get3A_1757 = tpu.vector_load %arg13[%get3A_1755, %get3A_1756] {strides = array<i32>} : memref<16x2048xf32, #tpu.memory_space<vmem>>, vector<16xf32>,
          %mul3A_1758 = arith.mulf %get3A_1757, %get3A_1735 : vector<16xf32>
          %add3A_1759 = arith.addf %scan3A_1718, %mul3A_1758 : vector<16xf32>
          %mul3A_1760 = arith.constant 16 : i32
          %mul3A_1761 = arith.muli %scan3A_1715, %mul3A_1760 : i32
          %get3A_1762 = arith.constant 3 : i32
          %get3A_1763 = arith.index_cast %get3A_1762 : i32 to index
          %get3A_1764 = arith.index_cast %mul3A_1761 : i32 to index
          %get3A_1765 = tpu.vector_load %arg13[%get3A_1763, %get3A_1764] {strides = array<i32>} : memref<16x2048xf32, #tpu.memory_space<vmem>>, vector<16xf32>,
          %mul3A_1766 = arith.mulf %get3A_1765, %get3A_1735 : vector<16xf32>
          %add3A_1767 = arith.addf %scan3A_1719, %mul3A_1766 : vector<16xf32>
          %mul3A_1768 = arith.constant 16 : i32
          %mul3A_1769 = arith.muli %scan3A_1715, %mul3A_1768 : i32
          %get3A_1770 = arith.constant 4 : i32
          %get3A_1771 = arith.index_cast %get3A_1770 : i32 to index
          %get3A_1772 = arith.index_cast %mul3A_1769 : i32 to index
          %get3A_1773 = tpu.vector_load %arg13[%get3A_1771, %get3A_1772] {strides = array<i32>} : memref<16x2048xf32, #tpu.memory_space<vmem>>, vector<16xf32>,
          %mul3A_1774 = arith.mulf %get3A_1773, %get3A_1735 : vector<16xf32>
          %add3A_1775 = arith.addf %scan3A_1720, %mul3A_1774 : vector<16xf32>
          %mul3A_1776 = arith.constant 16 : i32
          %mul3A_1777 = arith.muli %scan3A_1715, %mul3A_1776 : i32
          %get3A_1778 = arith.constant 5 : i32
          %get3A_1779 = arith.index_cast %get3A_1778 : i32 to index
          %get3A_1780 = arith.index_cast %mul3A_1777 : i32 to index
          %get3A_1781 = tpu.vector_load %arg13[%get3A_1779, %get3A_1780] {strides = array<i32>} : memref<16x2048xf32, #tpu.memory_space<vmem>>, vector<16xf32>,
          %mul3A_1782 = arith.mulf %get3A_1781, %get3A_1735 : vector<16xf32>
          %add3A_1783 = arith.addf %scan3A_1721, %mul3A_1782 : vector<16xf32>
          %mul3A_1784 = arith.constant 16 : i32
          %mul3A_1785 = arith.muli %scan3A_1715, %mul3A_1784 : i32
          %get3A_1786 = arith.constant 6 : i32
          %get3A_1787 = arith.index_cast %get3A_1786 : i32 to index
          %get3A_1788 = arith.index_cast %mul3A_1785 : i32 to index
          %get3A_1789 = tpu.vector_load %arg13[%get3A_1787, %get3A_1788] {strides = array<i32>} : memref<16x2048xf32, #tpu.memory_space<vmem>>, vector<16xf32>,
          %mul3A_1790 = arith.mulf %get3A_1789, %get3A_1735 : vector<16xf32>
          %add3A_1791 = arith.addf %scan3A_1722, %mul3A_1790 : vector<16xf32>
          %mul3A_1792 = arith.constant 16 : i32
          %mul3A_1793 = arith.muli %scan3A_1715, %mul3A_1792 : i32
          %get3A_1794 = arith.constant 7 : i32
          %get3A_1795 = arith.index_cast %get3A_1794 : i32 to index
          %get3A_1796 = arith.index_cast %mul3A_1793 : i32 to index
          %get3A_1797 = tpu.vector_load %arg13[%get3A_1795, %get3A_1796] {strides = array<i32>} : memref<16x2048xf32, #tpu.memory_space<vmem>>, vector<16xf32>,
          %mul3A_1798 = arith.mulf %get3A_1797, %get3A_1735 : vector<16xf32>
          %add3A_1799 = arith.addf %scan3A_1723, %mul3A_1798 : vector<16xf32>
          %mul3A_1800 = arith.constant 16 : i32
          %mul3A_1801 = arith.muli %scan3A_1715, %mul3A_1800 : i32
          %get3A_1802 = arith.constant 8 : i32
          %get3A_1803 = arith.index_cast %get3A_1802 : i32 to index
          %get3A_1804 = arith.index_cast %mul3A_1801 : i32 to index
          %get3A_1805 = tpu.vector_load %arg13[%get3A_1803, %get3A_1804] {strides = array<i32>} : memref<16x2048xf32, #tpu.memory_space<vmem>>, vector<16xf32>,
          %mul3A_1806 = arith.mulf %get3A_1805, %get3A_1735 : vector<16xf32>
          %add3A_1807 = arith.addf %scan3A_1724, %mul3A_1806 : vector<16xf32>
          %mul3A_1808 = arith.constant 16 : i32
          %mul3A_1809 = arith.muli %scan3A_1715, %mul3A_1808 : i32
          %get3A_1810 = arith.constant 9 : i32
          %get3A_1811 = arith.index_cast %get3A_1810 : i32 to index
          %get3A_1812 = arith.index_cast %mul3A_1809 : i32 to index
          %get3A_1813 = tpu.vector_load %arg13[%get3A_1811, %get3A_1812] {strides = array<i32>} : memref<16x2048xf32, #tpu.memory_space<vmem>>, vector<16xf32>,
          %mul3A_1814 = arith.mulf %get3A_1813, %get3A_1735 : vector<16xf32>
          %add3A_1815 = arith.addf %scan3A_1725, %mul3A_1814 : vector<16xf32>
          %mul3A_1816 = arith.constant 16 : i32
          %mul3A_1817 = arith.muli %scan3A_1715, %mul3A_1816 : i32
          %get3A_1818 = arith.constant 10 : i32
          %get3A_1819 = arith.index_cast %get3A_1818 : i32 to index
          %get3A_1820 = arith.index_cast %mul3A_1817 : i32 to index
          %get3A_1821 = tpu.vector_load %arg13[%get3A_1819, %get3A_1820] {strides = array<i32>} : memref<16x2048xf32, #tpu.memory_space<vmem>>, vector<16xf32>,
          %mul3A_1822 = arith.mulf %get3A_1821, %get3A_1735 : vector<16xf32>
          %add3A_1823 = arith.addf %scan3A_1726, %mul3A_1822 : vector<16xf32>
          %mul3A_1824 = arith.constant 16 : i32
          %mul3A_1825 = arith.muli %scan3A_1715, %mul3A_1824 : i32
          %get3A_1826 = arith.constant 11 : i32
          %get3A_1827 = arith.index_cast %get3A_1826 : i32 to index
          %get3A_1828 = arith.index_cast %mul3A_1825 : i32 to index
          %get3A_1829 = tpu.vector_load %arg13[%get3A_1827, %get3A_1828] {strides = array<i32>} : memref<16x2048xf32, #tpu.memory_space<vmem>>, vector<16xf32>,
          %mul3A_1830 = arith.mulf %get3A_1829, %get3A_1735 : vector<16xf32>
          %add3A_1831 = arith.addf %scan3A_1727, %mul3A_1830 : vector<16xf32>
          %mul3A_1832 = arith.constant 16 : i32
          %mul3A_1833 = arith.muli %scan3A_1715, %mul3A_1832 : i32
          %get3A_1834 = arith.constant 12 : i32
          %get3A_1835 = arith.index_cast %get3A_1834 : i32 to index
          %get3A_1836 = arith.index_cast %mul3A_1833 : i32 to index
          %get3A_1837 = tpu.vector_load %arg13[%get3A_1835, %get3A_1836] {strides = array<i32>} : memref<16x2048xf32, #tpu.memory_space<vmem>>, vector<16xf32>,
          %mul3A_1838 = arith.mulf %get3A_1837, %get3A_1735 : vector<16xf32>
          %add3A_1839 = arith.addf %scan3A_1728, %mul3A_1838 : vector<16xf32>
          %mul3A_1840 = arith.constant 16 : i32
          %mul3A_1841 = arith.muli %scan3A_1715, %mul3A_1840 : i32
          %get3A_1842 = arith.constant 13 : i32
          %get3A_1843 = arith.index_cast %get3A_1842 : i32 to index
          %get3A_1844 = arith.index_cast %mul3A_1841 : i32 to index
          %get3A_1845 = tpu.vector_load %arg13[%get3A_1843, %get3A_1844] {strides = array<i32>} : memref<16x2048xf32, #tpu.memory_space<vmem>>, vector<16xf32>,
          %mul3A_1846 = arith.mulf %get3A_1845, %get3A_1735 : vector<16xf32>
          %add3A_1847 = arith.addf %scan3A_1729, %mul3A_1846 : vector<16xf32>
          %mul3A_1848 = arith.constant 16 : i32
          %mul3A_1849 = arith.muli %scan3A_1715, %mul3A_1848 : i32
          %get3A_1850 = arith.constant 14 : i32
          %get3A_1851 = arith.index_cast %get3A_1850 : i32 to index
          %get3A_1852 = arith.index_cast %mul3A_1849 : i32 to index
          %get3A_1853 = tpu.vector_load %arg13[%get3A_1851, %get3A_1852] {strides = array<i32>} : memref<16x2048xf32, #tpu.memory_space<vmem>>, vector<16xf32>,
          %mul3A_1854 = arith.mulf %get3A_1853, %get3A_1735 : vector<16xf32>
          %add3A_1855 = arith.addf %scan3A_1730, %mul3A_1854 : vector<16xf32>
          %mul3A_1856 = arith.constant 16 : i32
          %mul3A_1857 = arith.muli %scan3A_1715, %mul3A_1856 : i32
          %get3A_1858 = arith.constant 15 : i32
          %get3A_1859 = arith.index_cast %get3A_1858 : i32 to index
          %get3A_1860 = arith.index_cast %mul3A_1857 : i32 to index
          %get3A_1861 = tpu.vector_load %arg13[%get3A_1859, %get3A_1860] {strides = array<i32>} : memref<16x2048xf32, #tpu.memory_space<vmem>>, vector<16xf32>,
          %mul3A_1862 = arith.mulf %get3A_1861, %get3A_1735 : vector<16xf32>
          %add3A_1863 = arith.addf %scan3A_1731, %mul3A_1862 : vector<16xf32>
          %scan3A_1864 = arith.constant 1 : i32
          %scan3A_1865 = arith.addi %scan3A_1715, %scan3A_1864 : i32
          %mul3A_1866 = arith.constant 16 : i32
          %mul3A_1867 = arith.muli %scan3A_1865, %mul3A_1866 : i32
          %get3A_1868 = arith.index_cast %mul3A_1867 : i32 to index
          %get3A_1869 = tpu.vector_load %arg9[%get3A_1868] {strides = array<i32>} : memref<2048xf32, #tpu.memory_space<vmem>>, vector<16xf32>,
          %mul3A_1870 = arith.constant 16 : i32
          %mul3A_1871 = arith.muli %scan3A_1865, %mul3A_1870 : i32
          %get3A_1872 = arith.constant 0 : i32
          %get3A_1873 = arith.index_cast %get3A_1872 : i32 to index
          %get3A_1874 = arith.index_cast %mul3A_1871 : i32 to index
          %get3A_1875 = tpu.vector_load %arg13[%get3A_1873, %get3A_1874] {strides = array<i32>} : memref<16x2048xf32, #tpu.memory_space<vmem>>, vector<16xf32>,
          %mul3A_1876 = arith.mulf %get3A_1875, %get3A_1869 : vector<16xf32>
          %add3A_1877 = arith.addf %add3A_1743, %mul3A_1876 : vector<16xf32>
          %mul3A_1878 = arith.constant 16 : i32
          %mul3A_1879 = arith.muli %scan3A_1865, %mul3A_1878 : i32
          %get3A_1880 = arith.constant 1 : i32
          %get3A_1881 = arith.index_cast %get3A_1880 : i32 to index
          %get3A_1882 = arith.index_cast %mul3A_1879 : i32 to index
          %get3A_1883 = tpu.vector_load %arg13[%get3A_1881, %get3A_1882] {strides = array<i32>} : memref<16x2048xf32, #tpu.memory_space<vmem>>, vector<16xf32>,
          %mul3A_1884 = arith.mulf %get3A_1883, %get3A_1869 : vector<16xf32>
          %add3A_1885 = arith.addf %add3A_1751, %mul3A_1884 : vector<16xf32>
          %mul3A_1886 = arith.constant 16 : i32
          %mul3A_1887 = arith.muli %scan3A_1865, %mul3A_1886 : i32
          %get3A_1888 = arith.constant 2 : i32
          %get3A_1889 = arith.index_cast %get3A_1888 : i32 to index
          %get3A_1890 = arith.index_cast %mul3A_1887 : i32 to index
          %get3A_1891 = tpu.vector_load %arg13[%get3A_1889, %get3A_1890] {strides = array<i32>} : memref<16x2048xf32, #tpu.memory_space<vmem>>, vector<16xf32>,
          %mul3A_1892 = arith.mulf %get3A_1891, %get3A_1869 : vector<16xf32>
          %add3A_1893 = arith.addf %add3A_1759, %mul3A_1892 : vector<16xf32>
          %mul3A_1894 = arith.constant 16 : i32
          %mul3A_1895 = arith.muli %scan3A_1865, %mul3A_1894 : i32
          %get3A_1896 = arith.constant 3 : i32
          %get3A_1897 = arith.index_cast %get3A_1896 : i32 to index
          %get3A_1898 = arith.index_cast %mul3A_1895 : i32 to index
          %get3A_1899 = tpu.vector_load %arg13[%get3A_1897, %get3A_1898] {strides = array<i32>} : memref<16x2048xf32, #tpu.memory_space<vmem>>, vector<16xf32>,
          %mul3A_1900 = arith.mulf %get3A_1899, %get3A_1869 : vector<16xf32>
          %add3A_1901 = arith.addf %add3A_1767, %mul3A_1900 : vector<16xf32>
          %mul3A_1902 = arith.constant 16 : i32
          %mul3A_1903 = arith.muli %scan3A_1865, %mul3A_1902 : i32
          %get3A_1904 = arith.constant 4 : i32
          %get3A_1905 = arith.index_cast %get3A_1904 : i32 to index
          %get3A_1906 = arith.index_cast %mul3A_1903 : i32 to index
          %get3A_1907 = tpu.vector_load %arg13[%get3A_1905, %get3A_1906] {strides = array<i32>} : memref<16x2048xf32, #tpu.memory_space<vmem>>, vector<16xf32>,
          %mul3A_1908 = arith.mulf %get3A_1907, %get3A_1869 : vector<16xf32>
          %add3A_1909 = arith.addf %add3A_1775, %mul3A_1908 : vector<16xf32>
          %mul3A_1910 = arith.constant 16 : i32
          %mul3A_1911 = arith.muli %scan3A_1865, %mul3A_1910 : i32
          %get3A_1912 = arith.constant 5 : i32
          %get3A_1913 = arith.index_cast %get3A_1912 : i32 to index
          %get3A_1914 = arith.index_cast %mul3A_1911 : i32 to index
          %get3A_1915 = tpu.vector_load %arg13[%get3A_1913, %get3A_1914] {strides = array<i32>} : memref<16x2048xf32, #tpu.memory_space<vmem>>, vector<16xf32>,
          %mul3A_1916 = arith.mulf %get3A_1915, %get3A_1869 : vector<16xf32>
          %add3A_1917 = arith.addf %add3A_1783, %mul3A_1916 : vector<16xf32>
          %mul3A_1918 = arith.constant 16 : i32
          %mul3A_1919 = arith.muli %scan3A_1865, %mul3A_1918 : i32
          %get3A_1920 = arith.constant 6 : i32
          %get3A_1921 = arith.index_cast %get3A_1920 : i32 to index
          %get3A_1922 = arith.index_cast %mul3A_1919 : i32 to index
          %get3A_1923 = tpu.vector_load %arg13[%get3A_1921, %get3A_1922] {strides = array<i32>} : memref<16x2048xf32, #tpu.memory_space<vmem>>, vector<16xf32>,
          %mul3A_1924 = arith.mulf %get3A_1923, %get3A_1869 : vector<16xf32>
          %add3A_1925 = arith.addf %add3A_1791, %mul3A_1924 : vector<16xf32>
          %mul3A_1926 = arith.constant 16 : i32
          %mul3A_1927 = arith.muli %scan3A_1865, %mul3A_1926 : i32
          %get3A_1928 = arith.constant 7 : i32
          %get3A_1929 = arith.index_cast %get3A_1928 : i32 to index
          %get3A_1930 = arith.index_cast %mul3A_1927 : i32 to index
          %get3A_1931 = tpu.vector_load %arg13[%get3A_1929, %get3A_1930] {strides = array<i32>} : memref<16x2048xf32, #tpu.memory_space<vmem>>, vector<16xf32>,
          %mul3A_1932 = arith.mulf %get3A_1931, %get3A_1869 : vector<16xf32>
          %add3A_1933 = arith.addf %add3A_1799, %mul3A_1932 : vector<16xf32>
          %mul3A_1934 = arith.constant 16 : i32
          %mul3A_1935 = arith.muli %scan3A_1865, %mul3A_1934 : i32
          %get3A_1936 = arith.constant 8 : i32
          %get3A_1937 = arith.index_cast %get3A_1936 : i32 to index
          %get3A_1938 = arith.index_cast %mul3A_1935 : i32 to index
          %get3A_1939 = tpu.vector_load %arg13[%get3A_1937, %get3A_1938] {strides = array<i32>} : memref<16x2048xf32, #tpu.memory_space<vmem>>, vector<16xf32>,
          %mul3A_1940 = arith.mulf %get3A_1939, %get3A_1869 : vector<16xf32>
          %add3A_1941 = arith.addf %add3A_1807, %mul3A_1940 : vector<16xf32>
          %mul3A_1942 = arith.constant 16 : i32
          %mul3A_1943 = arith.muli %scan3A_1865, %mul3A_1942 : i32
          %get3A_1944 = arith.constant 9 : i32
          %get3A_1945 = arith.index_cast %get3A_1944 : i32 to index
          %get3A_1946 = arith.index_cast %mul3A_1943 : i32 to index
          %get3A_1947 = tpu.vector_load %arg13[%get3A_1945, %get3A_1946] {strides = array<i32>} : memref<16x2048xf32, #tpu.memory_space<vmem>>, vector<16xf32>,
          %mul3A_1948 = arith.mulf %get3A_1947, %get3A_1869 : vector<16xf32>
          %add3A_1949 = arith.addf %add3A_1815, %mul3A_1948 : vector<16xf32>
          %mul3A_1950 = arith.constant 16 : i32
          %mul3A_1951 = arith.muli %scan3A_1865, %mul3A_1950 : i32
          %get3A_1952 = arith.constant 10 : i32
          %get3A_1953 = arith.index_cast %get3A_1952 : i32 to index
          %get3A_1954 = arith.index_cast %mul3A_1951 : i32 to index
          %get3A_1955 = tpu.vector_load %arg13[%get3A_1953, %get3A_1954] {strides = array<i32>} : memref<16x2048xf32, #tpu.memory_space<vmem>>, vector<16xf32>,
          %mul3A_1956 = arith.mulf %get3A_1955, %get3A_1869 : vector<16xf32>
          %add3A_1957 = arith.addf %add3A_1823, %mul3A_1956 : vector<16xf32>
          %mul3A_1958 = arith.constant 16 : i32
          %mul3A_1959 = arith.muli %scan3A_1865, %mul3A_1958 : i32
          %get3A_1960 = arith.constant 11 : i32
          %get3A_1961 = arith.index_cast %get3A_1960 : i32 to index
          %get3A_1962 = arith.index_cast %mul3A_1959 : i32 to index
          %get3A_1963 = tpu.vector_load %arg13[%get3A_1961, %get3A_1962] {strides = array<i32>} : memref<16x2048xf32, #tpu.memory_space<vmem>>, vector<16xf32>,
          %mul3A_1964 = arith.mulf %get3A_1963, %get3A_1869 : vector<16xf32>
          %add3A_1965 = arith.addf %add3A_1831, %mul3A_1964 : vector<16xf32>
          %mul3A_1966 = arith.constant 16 : i32
          %mul3A_1967 = arith.muli %scan3A_1865, %mul3A_1966 : i32
          %get3A_1968 = arith.constant 12 : i32
          %get3A_1969 = arith.index_cast %get3A_1968 : i32 to index
          %get3A_1970 = arith.index_cast %mul3A_1967 : i32 to index
          %get3A_1971 = tpu.vector_load %arg13[%get3A_1969, %get3A_1970] {strides = array<i32>} : memref<16x2048xf32, #tpu.memory_space<vmem>>, vector<16xf32>,
          %mul3A_1972 = arith.mulf %get3A_1971, %get3A_1869 : vector<16xf32>
          %add3A_1973 = arith.addf %add3A_1839, %mul3A_1972 : vector<16xf32>
          %mul3A_1974 = arith.constant 16 : i32
          %mul3A_1975 = arith.muli %scan3A_1865, %mul3A_1974 : i32
          %get3A_1976 = arith.constant 13 : i32
          %get3A_1977 = arith.index_cast %get3A_1976 : i32 to index
          %get3A_1978 = arith.index_cast %mul3A_1975 : i32 to index
          %get3A_1979 = tpu.vector_load %arg13[%get3A_1977, %get3A_1978] {strides = array<i32>} : memref<16x2048xf32, #tpu.memory_space<vmem>>, vector<16xf32>,
          %mul3A_1980 = arith.mulf %get3A_1979, %get3A_1869 : vector<16xf32>
          %add3A_1981 = arith.addf %add3A_1847, %mul3A_1980 : vector<16xf32>
          %mul3A_1982 = arith.constant 16 : i32
          %mul3A_1983 = arith.muli %scan3A_1865, %mul3A_1982 : i32
          %get3A_1984 = arith.constant 14 : i32
          %get3A_1985 = arith.index_cast %get3A_1984 : i32 to index
          %get3A_1986 = arith.index_cast %mul3A_1983 : i32 to index
          %get3A_1987 = tpu.vector_load %arg13[%get3A_1985, %get3A_1986] {strides = array<i32>} : memref<16x2048xf32, #tpu.memory_space<vmem>>, vector<16xf32>,
          %mul3A_1988 = arith.mulf %get3A_1987, %get3A_1869 : vector<16xf32>
          %add3A_1989 = arith.addf %add3A_1855, %mul3A_1988 : vector<16xf32>
          %mul3A_1990 = arith.constant 16 : i32
          %mul3A_1991 = arith.muli %scan3A_1865, %mul3A_1990 : i32
          %get3A_1992 = arith.constant 15 : i32
          %get3A_1993 = arith.index_cast %get3A_1992 : i32 to index
          %get3A_1994 = arith.index_cast %mul3A_1991 : i32 to index
          %get3A_1995 = tpu.vector_load %arg13[%get3A_1993, %get3A_1994] {strides = array<i32>} : memref<16x2048xf32, #tpu.memory_space<vmem>>, vector<16xf32>,
          %mul3A_1996 = arith.mulf %get3A_1995, %get3A_1869 : vector<16xf32>
          %add3A_1997 = arith.addf %add3A_1863, %mul3A_1996 : vector<16xf32>
          %scan3A_1998 = arith.constant 2 : i32
          %scan3A_1999 = arith.addi %scan3A_1715, %scan3A_1998 : i32
          %mul3A_2000 = arith.constant 16 : i32
          %mul3A_2001 = arith.muli %scan3A_1999, %mul3A_2000 : i32
          %get3A_2002 = arith.index_cast %mul3A_2001 : i32 to index
          %get3A_2003 = tpu.vector_load %arg9[%get3A_2002] {strides = array<i32>} : memref<2048xf32, #tpu.memory_space<vmem>>, vector<16xf32>,
          %mul3A_2004 = arith.constant 16 : i32
          %mul3A_2005 = arith.muli %scan3A_1999, %mul3A_2004 : i32
          %get3A_2006 = arith.constant 0 : i32
          %get3A_2007 = arith.index_cast %get3A_2006 : i32 to index
          %get3A_2008 = arith.index_cast %mul3A_2005 : i32 to index
          %get3A_2009 = tpu.vector_load %arg13[%get3A_2007, %get3A_2008] {strides = array<i32>} : memref<16x2048xf32, #tpu.memory_space<vmem>>, vector<16xf32>,
          %mul3A_2010 = arith.mulf %get3A_2009, %get3A_2003 : vector<16xf32>
          %add3A_2011 = arith.addf %add3A_1877, %mul3A_2010 : vector<16xf32>
          %mul3A_2012 = arith.constant 16 : i32
          %mul3A_2013 = arith.muli %scan3A_1999, %mul3A_2012 : i32
          %get3A_2014 = arith.constant 1 : i32
          %get3A_2015 = arith.index_cast %get3A_2014 : i32 to index
          %get3A_2016 = arith.index_cast %mul3A_2013 : i32 to index
          %get3A_2017 = tpu.vector_load %arg13[%get3A_2015, %get3A_2016] {strides = array<i32>} : memref<16x2048xf32, #tpu.memory_space<vmem>>, vector<16xf32>,
          %mul3A_2018 = arith.mulf %get3A_2017, %get3A_2003 : vector<16xf32>
          %add3A_2019 = arith.addf %add3A_1885, %mul3A_2018 : vector<16xf32>
          %mul3A_2020 = arith.constant 16 : i32
          %mul3A_2021 = arith.muli %scan3A_1999, %mul3A_2020 : i32
          %get3A_2022 = arith.constant 2 : i32
          %get3A_2023 = arith.index_cast %get3A_2022 : i32 to index
          %get3A_2024 = arith.index_cast %mul3A_2021 : i32 to index
          %get3A_2025 = tpu.vector_load %arg13[%get3A_2023, %get3A_2024] {strides = array<i32>} : memref<16x2048xf32, #tpu.memory_space<vmem>>, vector<16xf32>,
          %mul3A_2026 = arith.mulf %get3A_2025, %get3A_2003 : vector<16xf32>
          %add3A_2027 = arith.addf %add3A_1893, %mul3A_2026 : vector<16xf32>
          %mul3A_2028 = arith.constant 16 : i32
          %mul3A_2029 = arith.muli %scan3A_1999, %mul3A_2028 : i32
          %get3A_2030 = arith.constant 3 : i32
          %get3A_2031 = arith.index_cast %get3A_2030 : i32 to index
          %get3A_2032 = arith.index_cast %mul3A_2029 : i32 to index
          %get3A_2033 = tpu.vector_load %arg13[%get3A_2031, %get3A_2032] {strides = array<i32>} : memref<16x2048xf32, #tpu.memory_space<vmem>>, vector<16xf32>,
          %mul3A_2034 = arith.mulf %get3A_2033, %get3A_2003 : vector<16xf32>
          %add3A_2035 = arith.addf %add3A_1901, %mul3A_2034 : vector<16xf32>
          %mul3A_2036 = arith.constant 16 : i32
          %mul3A_2037 = arith.muli %scan3A_1999, %mul3A_2036 : i32
          %get3A_2038 = arith.constant 4 : i32
          %get3A_2039 = arith.index_cast %get3A_2038 : i32 to index
          %get3A_2040 = arith.index_cast %mul3A_2037 : i32 to index
          %get3A_2041 = tpu.vector_load %arg13[%get3A_2039, %get3A_2040] {strides = array<i32>} : memref<16x2048xf32, #tpu.memory_space<vmem>>, vector<16xf32>,
          %mul3A_2042 = arith.mulf %get3A_2041, %get3A_2003 : vector<16xf32>
          %add3A_2043 = arith.addf %add3A_1909, %mul3A_2042 : vector<16xf32>
          %mul3A_2044 = arith.constant 16 : i32
          %mul3A_2045 = arith.muli %scan3A_1999, %mul3A_2044 : i32
          %get3A_2046 = arith.constant 5 : i32
          %get3A_2047 = arith.index_cast %get3A_2046 : i32 to index
          %get3A_2048 = arith.index_cast %mul3A_2045 : i32 to index
          %get3A_2049 = tpu.vector_load %arg13[%get3A_2047, %get3A_2048] {strides = array<i32>} : memref<16x2048xf32, #tpu.memory_space<vmem>>, vector<16xf32>,
          %mul3A_2050 = arith.mulf %get3A_2049, %get3A_2003 : vector<16xf32>
          %add3A_2051 = arith.addf %add3A_1917, %mul3A_2050 : vector<16xf32>
          %mul3A_2052 = arith.constant 16 : i32
          %mul3A_2053 = arith.muli %scan3A_1999, %mul3A_2052 : i32
          %get3A_2054 = arith.constant 6 : i32
          %get3A_2055 = arith.index_cast %get3A_2054 : i32 to index
          %get3A_2056 = arith.index_cast %mul3A_2053 : i32 to index
          %get3A_2057 = tpu.vector_load %arg13[%get3A_2055, %get3A_2056] {strides = array<i32>} : memref<16x2048xf32, #tpu.memory_space<vmem>>, vector<16xf32>,
          %mul3A_2058 = arith.mulf %get3A_2057, %get3A_2003 : vector<16xf32>
          %add3A_2059 = arith.addf %add3A_1925, %mul3A_2058 : vector<16xf32>
          %mul3A_2060 = arith.constant 16 : i32
          %mul3A_2061 = arith.muli %scan3A_1999, %mul3A_2060 : i32
          %get3A_2062 = arith.constant 7 : i32
          %get3A_2063 = arith.index_cast %get3A_2062 : i32 to index
          %get3A_2064 = arith.index_cast %mul3A_2061 : i32 to index
          %get3A_2065 = tpu.vector_load %arg13[%get3A_2063, %get3A_2064] {strides = array<i32>} : memref<16x2048xf32, #tpu.memory_space<vmem>>, vector<16xf32>,
          %mul3A_2066 = arith.mulf %get3A_2065, %get3A_2003 : vector<16xf32>
          %add3A_2067 = arith.addf %add3A_1933, %mul3A_2066 : vector<16xf32>
          %mul3A_2068 = arith.constant 16 : i32
          %mul3A_2069 = arith.muli %scan3A_1999, %mul3A_2068 : i32
          %get3A_2070 = arith.constant 8 : i32
          %get3A_2071 = arith.index_cast %get3A_2070 : i32 to index
          %get3A_2072 = arith.index_cast %mul3A_2069 : i32 to index
          %get3A_2073 = tpu.vector_load %arg13[%get3A_2071, %get3A_2072] {strides = array<i32>} : memref<16x2048xf32, #tpu.memory_space<vmem>>, vector<16xf32>,
          %mul3A_2074 = arith.mulf %get3A_2073, %get3A_2003 : vector<16xf32>
          %add3A_2075 = arith.addf %add3A_1941, %mul3A_2074 : vector<16xf32>
          %mul3A_2076 = arith.constant 16 : i32
          %mul3A_2077 = arith.muli %scan3A_1999, %mul3A_2076 : i32
          %get3A_2078 = arith.constant 9 : i32
          %get3A_2079 = arith.index_cast %get3A_2078 : i32 to index
          %get3A_2080 = arith.index_cast %mul3A_2077 : i32 to index
          %get3A_2081 = tpu.vector_load %arg13[%get3A_2079, %get3A_2080] {strides = array<i32>} : memref<16x2048xf32, #tpu.memory_space<vmem>>, vector<16xf32>,
          %mul3A_2082 = arith.mulf %get3A_2081, %get3A_2003 : vector<16xf32>
          %add3A_2083 = arith.addf %add3A_1949, %mul3A_2082 : vector<16xf32>
          %mul3A_2084 = arith.constant 16 : i32
          %mul3A_2085 = arith.muli %scan3A_1999, %mul3A_2084 : i32
          %get3A_2086 = arith.constant 10 : i32
          %get3A_2087 = arith.index_cast %get3A_2086 : i32 to index
          %get3A_2088 = arith.index_cast %mul3A_2085 : i32 to index
          %get3A_2089 = tpu.vector_load %arg13[%get3A_2087, %get3A_2088] {strides = array<i32>} : memref<16x2048xf32, #tpu.memory_space<vmem>>, vector<16xf32>,
          %mul3A_2090 = arith.mulf %get3A_2089, %get3A_2003 : vector<16xf32>
          %add3A_2091 = arith.addf %add3A_1957, %mul3A_2090 : vector<16xf32>
          %mul3A_2092 = arith.constant 16 : i32
          %mul3A_2093 = arith.muli %scan3A_1999, %mul3A_2092 : i32
          %get3A_2094 = arith.constant 11 : i32
          %get3A_2095 = arith.index_cast %get3A_2094 : i32 to index
          %get3A_2096 = arith.index_cast %mul3A_2093 : i32 to index
          %get3A_2097 = tpu.vector_load %arg13[%get3A_2095, %get3A_2096] {strides = array<i32>} : memref<16x2048xf32, #tpu.memory_space<vmem>>, vector<16xf32>,
          %mul3A_2098 = arith.mulf %get3A_2097, %get3A_2003 : vector<16xf32>
          %add3A_2099 = arith.addf %add3A_1965, %mul3A_2098 : vector<16xf32>
          %mul3A_2100 = arith.constant 16 : i32
          %mul3A_2101 = arith.muli %scan3A_1999, %mul3A_2100 : i32
          %get3A_2102 = arith.constant 12 : i32
          %get3A_2103 = arith.index_cast %get3A_2102 : i32 to index
          %get3A_2104 = arith.index_cast %mul3A_2101 : i32 to index
          %get3A_2105 = tpu.vector_load %arg13[%get3A_2103, %get3A_2104] {strides = array<i32>} : memref<16x2048xf32, #tpu.memory_space<vmem>>, vector<16xf32>,
          %mul3A_2106 = arith.mulf %get3A_2105, %get3A_2003 : vector<16xf32>
          %add3A_2107 = arith.addf %add3A_1973, %mul3A_2106 : vector<16xf32>
          %mul3A_2108 = arith.constant 16 : i32
          %mul3A_2109 = arith.muli %scan3A_1999, %mul3A_2108 : i32
          %get3A_2110 = arith.constant 13 : i32
          %get3A_2111 = arith.index_cast %get3A_2110 : i32 to index
          %get3A_2112 = arith.index_cast %mul3A_2109 : i32 to index
          %get3A_2113 = tpu.vector_load %arg13[%get3A_2111, %get3A_2112] {strides = array<i32>} : memref<16x2048xf32, #tpu.memory_space<vmem>>, vector<16xf32>,
          %mul3A_2114 = arith.mulf %get3A_2113, %get3A_2003 : vector<16xf32>
          %add3A_2115 = arith.addf %add3A_1981, %mul3A_2114 : vector<16xf32>
          %mul3A_2116 = arith.constant 16 : i32
          %mul3A_2117 = arith.muli %scan3A_1999, %mul3A_2116 : i32
          %get3A_2118 = arith.constant 14 : i32
          %get3A_2119 = arith.index_cast %get3A_2118 : i32 to index
          %get3A_2120 = arith.index_cast %mul3A_2117 : i32 to index
          %get3A_2121 = tpu.vector_load %arg13[%get3A_2119, %get3A_2120] {strides = array<i32>} : memref<16x2048xf32, #tpu.memory_space<vmem>>, vector<16xf32>,
          %mul3A_2122 = arith.mulf %get3A_2121, %get3A_2003 : vector<16xf32>
          %add3A_2123 = arith.addf %add3A_1989, %mul3A_2122 : vector<16xf32>
          %mul3A_2124 = arith.constant 16 : i32
          %mul3A_2125 = arith.muli %scan3A_1999, %mul3A_2124 : i32
          %get3A_2126 = arith.constant 15 : i32
          %get3A_2127 = arith.index_cast %get3A_2126 : i32 to index
          %get3A_2128 = arith.index_cast %mul3A_2125 : i32 to index
          %get3A_2129 = tpu.vector_load %arg13[%get3A_2127, %get3A_2128] {strides = array<i32>} : memref<16x2048xf32, #tpu.memory_space<vmem>>, vector<16xf32>,
          %mul3A_2130 = arith.mulf %get3A_2129, %get3A_2003 : vector<16xf32>
          %add3A_2131 = arith.addf %add3A_1997, %mul3A_2130 : vector<16xf32>
          %scan3A_2132 = arith.constant 3 : i32
          %scan3A_2133 = arith.addi %scan3A_1715, %scan3A_2132 : i32
          %mul3A_2134 = arith.constant 16 : i32
          %mul3A_2135 = arith.muli %scan3A_2133, %mul3A_2134 : i32
          %get3A_2136 = arith.index_cast %mul3A_2135 : i32 to index
          %get3A_2137 = tpu.vector_load %arg9[%get3A_2136] {strides = array<i32>} : memref<2048xf32, #tpu.memory_space<vmem>>, vector<16xf32>,
          %mul3A_2138 = arith.constant 16 : i32
          %mul3A_2139 = arith.muli %scan3A_2133, %mul3A_2138 : i32
          %get3A_2140 = arith.constant 0 : i32
          %get3A_2141 = arith.index_cast %get3A_2140 : i32 to index
          %get3A_2142 = arith.index_cast %mul3A_2139 : i32 to index
          %get3A_2143 = tpu.vector_load %arg13[%get3A_2141, %get3A_2142] {strides = array<i32>} : memref<16x2048xf32, #tpu.memory_space<vmem>>, vector<16xf32>,
          %mul3A_2144 = arith.mulf %get3A_2143, %get3A_2137 : vector<16xf32>
          %add3A_2145 = arith.addf %add3A_2011, %mul3A_2144 : vector<16xf32>
          %mul3A_2146 = arith.constant 16 : i32
          %mul3A_2147 = arith.muli %scan3A_2133, %mul3A_2146 : i32
          %get3A_2148 = arith.constant 1 : i32
          %get3A_2149 = arith.index_cast %get3A_2148 : i32 to index
          %get3A_2150 = arith.index_cast %mul3A_2147 : i32 to index
          %get3A_2151 = tpu.vector_load %arg13[%get3A_2149, %get3A_2150] {strides = array<i32>} : memref<16x2048xf32, #tpu.memory_space<vmem>>, vector<16xf32>,
          %mul3A_2152 = arith.mulf %get3A_2151, %get3A_2137 : vector<16xf32>
          %add3A_2153 = arith.addf %add3A_2019, %mul3A_2152 : vector<16xf32>
          %mul3A_2154 = arith.constant 16 : i32
          %mul3A_2155 = arith.muli %scan3A_2133, %mul3A_2154 : i32
          %get3A_2156 = arith.constant 2 : i32
          %get3A_2157 = arith.index_cast %get3A_2156 : i32 to index
          %get3A_2158 = arith.index_cast %mul3A_2155 : i32 to index
          %get3A_2159 = tpu.vector_load %arg13[%get3A_2157, %get3A_2158] {strides = array<i32>} : memref<16x2048xf32, #tpu.memory_space<vmem>>, vector<16xf32>,
          %mul3A_2160 = arith.mulf %get3A_2159, %get3A_2137 : vector<16xf32>
          %add3A_2161 = arith.addf %add3A_2027, %mul3A_2160 : vector<16xf32>
          %mul3A_2162 = arith.constant 16 : i32
          %mul3A_2163 = arith.muli %scan3A_2133, %mul3A_2162 : i32
          %get3A_2164 = arith.constant 3 : i32
          %get3A_2165 = arith.index_cast %get3A_2164 : i32 to index
          %get3A_2166 = arith.index_cast %mul3A_2163 : i32 to index
          %get3A_2167 = tpu.vector_load %arg13[%get3A_2165, %get3A_2166] {strides = array<i32>} : memref<16x2048xf32, #tpu.memory_space<vmem>>, vector<16xf32>,
          %mul3A_2168 = arith.mulf %get3A_2167, %get3A_2137 : vector<16xf32>
          %add3A_2169 = arith.addf %add3A_2035, %mul3A_2168 : vector<16xf32>
          %mul3A_2170 = arith.constant 16 : i32
          %mul3A_2171 = arith.muli %scan3A_2133, %mul3A_2170 : i32
          %get3A_2172 = arith.constant 4 : i32
          %get3A_2173 = arith.index_cast %get3A_2172 : i32 to index
          %get3A_2174 = arith.index_cast %mul3A_2171 : i32 to index
          %get3A_2175 = tpu.vector_load %arg13[%get3A_2173, %get3A_2174] {strides = array<i32>} : memref<16x2048xf32, #tpu.memory_space<vmem>>, vector<16xf32>,
          %mul3A_2176 = arith.mulf %get3A_2175, %get3A_2137 : vector<16xf32>
          %add3A_2177 = arith.addf %add3A_2043, %mul3A_2176 : vector<16xf32>
          %mul3A_2178 = arith.constant 16 : i32
          %mul3A_2179 = arith.muli %scan3A_2133, %mul3A_2178 : i32
          %get3A_2180 = arith.constant 5 : i32
          %get3A_2181 = arith.index_cast %get3A_2180 : i32 to index
          %get3A_2182 = arith.index_cast %mul3A_2179 : i32 to index
          %get3A_2183 = tpu.vector_load %arg13[%get3A_2181, %get3A_2182] {strides = array<i32>} : memref<16x2048xf32, #tpu.memory_space<vmem>>, vector<16xf32>,
          %mul3A_2184 = arith.mulf %get3A_2183, %get3A_2137 : vector<16xf32>
          %add3A_2185 = arith.addf %add3A_2051, %mul3A_2184 : vector<16xf32>
          %mul3A_2186 = arith.constant 16 : i32
          %mul3A_2187 = arith.muli %scan3A_2133, %mul3A_2186 : i32
          %get3A_2188 = arith.constant 6 : i32
          %get3A_2189 = arith.index_cast %get3A_2188 : i32 to index
          %get3A_2190 = arith.index_cast %mul3A_2187 : i32 to index
          %get3A_2191 = tpu.vector_load %arg13[%get3A_2189, %get3A_2190] {strides = array<i32>} : memref<16x2048xf32, #tpu.memory_space<vmem>>, vector<16xf32>,
          %mul3A_2192 = arith.mulf %get3A_2191, %get3A_2137 : vector<16xf32>
          %add3A_2193 = arith.addf %add3A_2059, %mul3A_2192 : vector<16xf32>
          %mul3A_2194 = arith.constant 16 : i32
          %mul3A_2195 = arith.muli %scan3A_2133, %mul3A_2194 : i32
          %get3A_2196 = arith.constant 7 : i32
          %get3A_2197 = arith.index_cast %get3A_2196 : i32 to index
          %get3A_2198 = arith.index_cast %mul3A_2195 : i32 to index
          %get3A_2199 = tpu.vector_load %arg13[%get3A_2197, %get3A_2198] {strides = array<i32>} : memref<16x2048xf32, #tpu.memory_space<vmem>>, vector<16xf32>,
          %mul3A_2200 = arith.mulf %get3A_2199, %get3A_2137 : vector<16xf32>
          %add3A_2201 = arith.addf %add3A_2067, %mul3A_2200 : vector<16xf32>
          %mul3A_2202 = arith.constant 16 : i32
          %mul3A_2203 = arith.muli %scan3A_2133, %mul3A_2202 : i32
          %get3A_2204 = arith.constant 8 : i32
          %get3A_2205 = arith.index_cast %get3A_2204 : i32 to index
          %get3A_2206 = arith.index_cast %mul3A_2203 : i32 to index
          %get3A_2207 = tpu.vector_load %arg13[%get3A_2205, %get3A_2206] {strides = array<i32>} : memref<16x2048xf32, #tpu.memory_space<vmem>>, vector<16xf32>,
          %mul3A_2208 = arith.mulf %get3A_2207, %get3A_2137 : vector<16xf32>
          %add3A_2209 = arith.addf %add3A_2075, %mul3A_2208 : vector<16xf32>
          %mul3A_2210 = arith.constant 16 : i32
          %mul3A_2211 = arith.muli %scan3A_2133, %mul3A_2210 : i32
          %get3A_2212 = arith.constant 9 : i32
          %get3A_2213 = arith.index_cast %get3A_2212 : i32 to index
          %get3A_2214 = arith.index_cast %mul3A_2211 : i32 to index
          %get3A_2215 = tpu.vector_load %arg13[%get3A_2213, %get3A_2214] {strides = array<i32>} : memref<16x2048xf32, #tpu.memory_space<vmem>>, vector<16xf32>,
          %mul3A_2216 = arith.mulf %get3A_2215, %get3A_2137 : vector<16xf32>
          %add3A_2217 = arith.addf %add3A_2083, %mul3A_2216 : vector<16xf32>
          %mul3A_2218 = arith.constant 16 : i32
          %mul3A_2219 = arith.muli %scan3A_2133, %mul3A_2218 : i32
          %get3A_2220 = arith.constant 10 : i32
          %get3A_2221 = arith.index_cast %get3A_2220 : i32 to index
          %get3A_2222 = arith.index_cast %mul3A_2219 : i32 to index
          %get3A_2223 = tpu.vector_load %arg13[%get3A_2221, %get3A_2222] {strides = array<i32>} : memref<16x2048xf32, #tpu.memory_space<vmem>>, vector<16xf32>,
          %mul3A_2224 = arith.mulf %get3A_2223, %get3A_2137 : vector<16xf32>
          %add3A_2225 = arith.addf %add3A_2091, %mul3A_2224 : vector<16xf32>
          %mul3A_2226 = arith.constant 16 : i32
          %mul3A_2227 = arith.muli %scan3A_2133, %mul3A_2226 : i32
          %get3A_2228 = arith.constant 11 : i32
          %get3A_2229 = arith.index_cast %get3A_2228 : i32 to index
          %get3A_2230 = arith.index_cast %mul3A_2227 : i32 to index
          %get3A_2231 = tpu.vector_load %arg13[%get3A_2229, %get3A_2230] {strides = array<i32>} : memref<16x2048xf32, #tpu.memory_space<vmem>>, vector<16xf32>,
          %mul3A_2232 = arith.mulf %get3A_2231, %get3A_2137 : vector<16xf32>
          %add3A_2233 = arith.addf %add3A_2099, %mul3A_2232 : vector<16xf32>
          %mul3A_2234 = arith.constant 16 : i32
          %mul3A_2235 = arith.muli %scan3A_2133, %mul3A_2234 : i32
          %get3A_2236 = arith.constant 12 : i32
          %get3A_2237 = arith.index_cast %get3A_2236 : i32 to index
          %get3A_2238 = arith.index_cast %mul3A_2235 : i32 to index
          %get3A_2239 = tpu.vector_load %arg13[%get3A_2237, %get3A_2238] {strides = array<i32>} : memref<16x2048xf32, #tpu.memory_space<vmem>>, vector<16xf32>,
          %mul3A_2240 = arith.mulf %get3A_2239, %get3A_2137 : vector<16xf32>
          %add3A_2241 = arith.addf %add3A_2107, %mul3A_2240 : vector<16xf32>
          %mul3A_2242 = arith.constant 16 : i32
          %mul3A_2243 = arith.muli %scan3A_2133, %mul3A_2242 : i32
          %get3A_2244 = arith.constant 13 : i32
          %get3A_2245 = arith.index_cast %get3A_2244 : i32 to index
          %get3A_2246 = arith.index_cast %mul3A_2243 : i32 to index
          %get3A_2247 = tpu.vector_load %arg13[%get3A_2245, %get3A_2246] {strides = array<i32>} : memref<16x2048xf32, #tpu.memory_space<vmem>>, vector<16xf32>,
          %mul3A_2248 = arith.mulf %get3A_2247, %get3A_2137 : vector<16xf32>
          %add3A_2249 = arith.addf %add3A_2115, %mul3A_2248 : vector<16xf32>
          %mul3A_2250 = arith.constant 16 : i32
          %mul3A_2251 = arith.muli %scan3A_2133, %mul3A_2250 : i32
          %get3A_2252 = arith.constant 14 : i32
          %get3A_2253 = arith.index_cast %get3A_2252 : i32 to index
          %get3A_2254 = arith.index_cast %mul3A_2251 : i32 to index
          %get3A_2255 = tpu.vector_load %arg13[%get3A_2253, %get3A_2254] {strides = array<i32>} : memref<16x2048xf32, #tpu.memory_space<vmem>>, vector<16xf32>,
          %mul3A_2256 = arith.mulf %get3A_2255, %get3A_2137 : vector<16xf32>
          %add3A_2257 = arith.addf %add3A_2123, %mul3A_2256 : vector<16xf32>
          %mul3A_2258 = arith.constant 16 : i32
          %mul3A_2259 = arith.muli %scan3A_2133, %mul3A_2258 : i32
          %get3A_2260 = arith.constant 15 : i32
          %get3A_2261 = arith.index_cast %get3A_2260 : i32 to index
          %get3A_2262 = arith.index_cast %mul3A_2259 : i32 to index
          %get3A_2263 = tpu.vector_load %arg13[%get3A_2261, %get3A_2262] {strides = array<i32>} : memref<16x2048xf32, #tpu.memory_space<vmem>>, vector<16xf32>,
          %mul3A_2264 = arith.mulf %get3A_2263, %get3A_2137 : vector<16xf32>
          %add3A_2265 = arith.addf %add3A_2131, %mul3A_2264 : vector<16xf32>
          scf.yield %add3A_2145, %add3A_2153, %add3A_2161, %add3A_2169, %add3A_2177, %add3A_2185, %add3A_2193, %add3A_2201, %add3A_2209, %add3A_2217, %add3A_2225, %add3A_2233, %add3A_2241, %add3A_2249, %add3A_2257, %add3A_2265 : vector<16xf32>, vector<16xf32>, vector<16xf32>, vector<16xf32>, vector<16xf32>, vector<16xf32>, vector<16xf32>, vector<16xf32>, vector<16xf32>, vector<16xf32>, vector<16xf32>, vector<16xf32>, vector<16xf32>, vector<16xf32>, vector<16xf32>, vector<16xf32>
        }
        %scan3A_1503 = arith.constant 128 : i32
        %broadcast_in_dim3A_1504 = arith.constant 0.000000e+00 : f32
        %broadcast_in_dim3A_1505 = vector.broadcast %broadcast_in_dim3A_1504 : f32 to vector<16xf32>
        %eq3A_1506 = arith.constant 0 : i32
        %eq3A_1507 = vector.broadcast %eq3A_1506 : i32 to vector<16xi32>
        %eq3A_1508 = arith.cmpi eq, %iota3A, %eq3A_1507 : vector<16xi32>
        %reduce_sum3A_1509 = arith.constant true
        %reduce_sum3A_1510 = vector.broadcast %reduce_sum3A_1509 : i1 to vector<16xi1>
        %reduce_sum3A_1511 = tpu.scan <sum>, %scan3A_1502#0 masked %reduce_sum3A_1510 : vector<16xf32>, vector<16xi1> -> vector<16xf32>
        %reduce_sum3A_1512 = vector.extract %reduce_sum3A_1511[15] : f32 from vector<16xf32>
        %broadcast_in_dim3A_1513 = vector.broadcast %reduce_sum3A_1512 : f32 to vector<16xf32>
        %select_n3A_1514 = arith.select %eq3A_1508, %broadcast_in_dim3A_1513, %broadcast_in_dim3A_1505 : vector<16xi1>, vector<16xf32>
        %eq3A_1515 = arith.constant 1 : i32
        %eq3A_1516 = vector.broadcast %eq3A_1515 : i32 to vector<16xi32>
        %eq3A_1517 = arith.cmpi eq, %iota3A, %eq3A_1516 : vector<16xi32>
        %reduce_sum3A_1518 = arith.constant true
        %reduce_sum3A_1519 = vector.broadcast %reduce_sum3A_1518 : i1 to vector<16xi1>
        %reduce_sum3A_1520 = tpu.scan <sum>, %scan3A_1502#1 masked %reduce_sum3A_1519 : vector<16xf32>, vector<16xi1> -> vector<16xf32>
        %reduce_sum3A_1521 = vector.extract %reduce_sum3A_1520[15] : f32 from vector<16xf32>
        %broadcast_in_dim3A_1522 = vector.broadcast %reduce_sum3A_1521 : f32 to vector<16xf32>
        %select_n3A_1523 = arith.select %eq3A_1517, %broadcast_in_dim3A_1522, %select_n3A_1514 : vector<16xi1>, vector<16xf32>
        %eq3A_1524 = arith.constant 2 : i32
        %eq3A_1525 = vector.broadcast %eq3A_1524 : i32 to vector<16xi32>
        %eq3A_1526 = arith.cmpi eq, %iota3A, %eq3A_1525 : vector<16xi32>
        %reduce_sum3A_1527 = arith.constant true
        %reduce_sum3A_1528 = vector.broadcast %reduce_sum3A_1527 : i1 to vector<16xi1>
        %reduce_sum3A_1529 = tpu.scan <sum>, %scan3A_1502#2 masked %reduce_sum3A_1528 : vector<16xf32>, vector<16xi1> -> vector<16xf32>
        %reduce_sum3A_1530 = vector.extract %reduce_sum3A_1529[15] : f32 from vector<16xf32>
        %broadcast_in_dim3A_1531 = vector.broadcast %reduce_sum3A_1530 : f32 to vector<16xf32>
        %select_n3A_1532 = arith.select %eq3A_1526, %broadcast_in_dim3A_1531, %select_n3A_1523 : vector<16xi1>, vector<16xf32>
        %eq3A_1533 = arith.constant 3 : i32
        %eq3A_1534 = vector.broadcast %eq3A_1533 : i32 to vector<16xi32>
        %eq3A_1535 = arith.cmpi eq, %iota3A, %eq3A_1534 : vector<16xi32>
        %reduce_sum3A_1536 = arith.constant true
        %reduce_sum3A_1537 = vector.broadcast %reduce_sum3A_1536 : i1 to vector<16xi1>
        %reduce_sum3A_1538 = tpu.scan <sum>, %scan3A_1502#3 masked %reduce_sum3A_1537 : vector<16xf32>, vector<16xi1> -> vector<16xf32>
        %reduce_sum3A_1539 = vector.extract %reduce_sum3A_1538[15] : f32 from vector<16xf32>
        %broadcast_in_dim3A_1540 = vector.broadcast %reduce_sum3A_1539 : f32 to vector<16xf32>
        %select_n3A_1541 = arith.select %eq3A_1535, %broadcast_in_dim3A_1540, %select_n3A_1532 : vector<16xi1>, vector<16xf32>
        %eq3A_1542 = arith.constant 4 : i32
        %eq3A_1543 = vector.broadcast %eq3A_1542 : i32 to vector<16xi32>
        %eq3A_1544 = arith.cmpi eq, %iota3A, %eq3A_1543 : vector<16xi32>
        %reduce_sum3A_1545 = arith.constant true
        %reduce_sum3A_1546 = vector.broadcast %reduce_sum3A_1545 : i1 to vector<16xi1>
        %reduce_sum3A_1547 = tpu.scan <sum>, %scan3A_1502#4 masked %reduce_sum3A_1546 : vector<16xf32>, vector<16xi1> -> vector<16xf32>
        %reduce_sum3A_1548 = vector.extract %reduce_sum3A_1547[15] : f32 from vector<16xf32>
        %broadcast_in_dim3A_1549 = vector.broadcast %reduce_sum3A_1548 : f32 to vector<16xf32>
        %select_n3A_1550 = arith.select %eq3A_1544, %broadcast_in_dim3A_1549, %select_n3A_1541 : vector<16xi1>, vector<16xf32>
        %eq3A_1551 = arith.constant 5 : i32
        %eq3A_1552 = vector.broadcast %eq3A_1551 : i32 to vector<16xi32>
        %eq3A_1553 = arith.cmpi eq, %iota3A, %eq3A_1552 : vector<16xi32>
        %reduce_sum3A_1554 = arith.constant true
        %reduce_sum3A_1555 = vector.broadcast %reduce_sum3A_1554 : i1 to vector<16xi1>
        %reduce_sum3A_1556 = tpu.scan <sum>, %scan3A_1502#5 masked %reduce_sum3A_1555 : vector<16xf32>, vector<16xi1> -> vector<16xf32>
        %reduce_sum3A_1557 = vector.extract %reduce_sum3A_1556[15] : f32 from vector<16xf32>
        %broadcast_in_dim3A_1558 = vector.broadcast %reduce_sum3A_1557 : f32 to vector<16xf32>
        %select_n3A_1559 = arith.select %eq3A_1553, %broadcast_in_dim3A_1558, %select_n3A_1550 : vector<16xi1>, vector<16xf32>
        %eq3A_1560 = arith.constant 6 : i32
        %eq3A_1561 = vector.broadcast %eq3A_1560 : i32 to vector<16xi32>
        %eq3A_1562 = arith.cmpi eq, %iota3A, %eq3A_1561 : vector<16xi32>
        %reduce_sum3A_1563 = arith.constant true
        %reduce_sum3A_1564 = vector.broadcast %reduce_sum3A_1563 : i1 to vector<16xi1>
        %reduce_sum3A_1565 = tpu.scan <sum>, %scan3A_1502#6 masked %reduce_sum3A_1564 : vector<16xf32>, vector<16xi1> -> vector<16xf32>
        %reduce_sum3A_1566 = vector.extract %reduce_sum3A_1565[15] : f32 from vector<16xf32>
        %broadcast_in_dim3A_1567 = vector.broadcast %reduce_sum3A_1566 : f32 to vector<16xf32>
        %select_n3A_1568 = arith.select %eq3A_1562, %broadcast_in_dim3A_1567, %select_n3A_1559 : vector<16xi1>, vector<16xf32>
        %eq3A_1569 = arith.constant 7 : i32
        %eq3A_1570 = vector.broadcast %eq3A_1569 : i32 to vector<16xi32>
        %eq3A_1571 = arith.cmpi eq, %iota3A, %eq3A_1570 : vector<16xi32>
        %reduce_sum3A_1572 = arith.constant true
        %reduce_sum3A_1573 = vector.broadcast %reduce_sum3A_1572 : i1 to vector<16xi1>
        %reduce_sum3A_1574 = tpu.scan <sum>, %scan3A_1502#7 masked %reduce_sum3A_1573 : vector<16xf32>, vector<16xi1> -> vector<16xf32>
        %reduce_sum3A_1575 = vector.extract %reduce_sum3A_1574[15] : f32 from vector<16xf32>
        %broadcast_in_dim3A_1576 = vector.broadcast %reduce_sum3A_1575 : f32 to vector<16xf32>
        %select_n3A_1577 = arith.select %eq3A_1571, %broadcast_in_dim3A_1576, %select_n3A_1568 : vector<16xi1>, vector<16xf32>
        %eq3A_1578 = arith.constant 8 : i32
        %eq3A_1579 = vector.broadcast %eq3A_1578 : i32 to vector<16xi32>
        %eq3A_1580 = arith.cmpi eq, %iota3A, %eq3A_1579 : vector<16xi32>
        %reduce_sum3A_1581 = arith.constant true
        %reduce_sum3A_1582 = vector.broadcast %reduce_sum3A_1581 : i1 to vector<16xi1>
        %reduce_sum3A_1583 = tpu.scan <sum>, %scan3A_1502#8 masked %reduce_sum3A_1582 : vector<16xf32>, vector<16xi1> -> vector<16xf32>
        %reduce_sum3A_1584 = vector.extract %reduce_sum3A_1583[15] : f32 from vector<16xf32>
        %broadcast_in_dim3A_1585 = vector.broadcast %reduce_sum3A_1584 : f32 to vector<16xf32>
        %select_n3A_1586 = arith.select %eq3A_1580, %broadcast_in_dim3A_1585, %select_n3A_1577 : vector<16xi1>, vector<16xf32>
        %eq3A_1587 = arith.constant 9 : i32
        %eq3A_1588 = vector.broadcast %eq3A_1587 : i32 to vector<16xi32>
        %eq3A_1589 = arith.cmpi eq, %iota3A, %eq3A_1588 : vector<16xi32>
        %reduce_sum3A_1590 = arith.constant true
        %reduce_sum3A_1591 = vector.broadcast %reduce_sum3A_1590 : i1 to vector<16xi1>
        %reduce_sum3A_1592 = tpu.scan <sum>, %scan3A_1502#9 masked %reduce_sum3A_1591 : vector<16xf32>, vector<16xi1> -> vector<16xf32>
        %reduce_sum3A_1593 = vector.extract %reduce_sum3A_1592[15] : f32 from vector<16xf32>
        %broadcast_in_dim3A_1594 = vector.broadcast %reduce_sum3A_1593 : f32 to vector<16xf32>
        %select_n3A_1595 = arith.select %eq3A_1589, %broadcast_in_dim3A_1594, %select_n3A_1586 : vector<16xi1>, vector<16xf32>
        %eq3A_1596 = arith.constant 10 : i32
        %eq3A_1597 = vector.broadcast %eq3A_1596 : i32 to vector<16xi32>
        %eq3A_1598 = arith.cmpi eq, %iota3A, %eq3A_1597 : vector<16xi32>
        %reduce_sum3A_1599 = arith.constant true
        %reduce_sum3A_1600 = vector.broadcast %reduce_sum3A_1599 : i1 to vector<16xi1>
        %reduce_sum3A_1601 = tpu.scan <sum>, %scan3A_1502#10 masked %reduce_sum3A_1600 : vector<16xf32>, vector<16xi1> -> vector<16xf32>
        %reduce_sum3A_1602 = vector.extract %reduce_sum3A_1601[15] : f32 from vector<16xf32>
        %broadcast_in_dim3A_1603 = vector.broadcast %reduce_sum3A_1602 : f32 to vector<16xf32>
        %select_n3A_1604 = arith.select %eq3A_1598, %broadcast_in_dim3A_1603, %select_n3A_1595 : vector<16xi1>, vector<16xf32>
        %eq3A_1605 = arith.constant 11 : i32
        %eq3A_1606 = vector.broadcast %eq3A_1605 : i32 to vector<16xi32>
        %eq3A_1607 = arith.cmpi eq, %iota3A, %eq3A_1606 : vector<16xi32>
        %reduce_sum3A_1608 = arith.constant true
        %reduce_sum3A_1609 = vector.broadcast %reduce_sum3A_1608 : i1 to vector<16xi1>
        %reduce_sum3A_1610 = tpu.scan <sum>, %scan3A_1502#11 masked %reduce_sum3A_1609 : vector<16xf32>, vector<16xi1> -> vector<16xf32>
        %reduce_sum3A_1611 = vector.extract %reduce_sum3A_1610[15] : f32 from vector<16xf32>
        %broadcast_in_dim3A_1612 = vector.broadcast %reduce_sum3A_1611 : f32 to vector<16xf32>
        %select_n3A_1613 = arith.select %eq3A_1607, %broadcast_in_dim3A_1612, %select_n3A_1604 : vector<16xi1>, vector<16xf32>
        %eq3A_1614 = arith.constant 12 : i32
        %eq3A_1615 = vector.broadcast %eq3A_1614 : i32 to vector<16xi32>
        %eq3A_1616 = arith.cmpi eq, %iota3A, %eq3A_1615 : vector<16xi32>
        %reduce_sum3A_1617 = arith.constant true
        %reduce_sum3A_1618 = vector.broadcast %reduce_sum3A_1617 : i1 to vector<16xi1>
        %reduce_sum3A_1619 = tpu.scan <sum>, %scan3A_1502#12 masked %reduce_sum3A_1618 : vector<16xf32>, vector<16xi1> -> vector<16xf32>
        %reduce_sum3A_1620 = vector.extract %reduce_sum3A_1619[15] : f32 from vector<16xf32>
        %broadcast_in_dim3A_1621 = vector.broadcast %reduce_sum3A_1620 : f32 to vector<16xf32>
        %select_n3A_1622 = arith.select %eq3A_1616, %broadcast_in_dim3A_1621, %select_n3A_1613 : vector<16xi1>, vector<16xf32>
        %eq3A_1623 = arith.constant 13 : i32
        %eq3A_1624 = vector.broadcast %eq3A_1623 : i32 to vector<16xi32>
        %eq3A_1625 = arith.cmpi eq, %iota3A, %eq3A_1624 : vector<16xi32>
        %reduce_sum3A_1626 = arith.constant true
        %reduce_sum3A_1627 = vector.broadcast %reduce_sum3A_1626 : i1 to vector<16xi1>
        %reduce_sum3A_1628 = tpu.scan <sum>, %scan3A_1502#13 masked %reduce_sum3A_1627 : vector<16xf32>, vector<16xi1> -> vector<16xf32>
        %reduce_sum3A_1629 = vector.extract %reduce_sum3A_1628[15] : f32 from vector<16xf32>
        %broadcast_in_dim3A_1630 = vector.broadcast %reduce_sum3A_1629 : f32 to vector<16xf32>
        %select_n3A_1631 = arith.select %eq3A_1625, %broadcast_in_dim3A_1630, %select_n3A_1622 : vector<16xi1>, vector<16xf32>
        %eq3A_1632 = arith.constant 14 : i32
        %eq3A_1633 = vector.broadcast %eq3A_1632 : i32 to vector<16xi32>
        %eq3A_1634 = arith.cmpi eq, %iota3A, %eq3A_1633 : vector<16xi32>
        %reduce_sum3A_1635 = arith.constant true
        %reduce_sum3A_1636 = vector.broadcast %reduce_sum3A_1635 : i1 to vector<16xi1>
        %reduce_sum3A_1637 = tpu.scan <sum>, %scan3A_1502#14 masked %reduce_sum3A_1636 : vector<16xf32>, vector<16xi1> -> vector<16xf32>
        %reduce_sum3A_1638 = vector.extract %reduce_sum3A_1637[15] : f32 from vector<16xf32>
        %broadcast_in_dim3A_1639 = vector.broadcast %reduce_sum3A_1638 : f32 to vector<16xf32>
        %select_n3A_1640 = arith.select %eq3A_1634, %broadcast_in_dim3A_1639, %select_n3A_1631 : vector<16xi1>, vector<16xf32>
        %eq3A_1641 = arith.constant 15 : i32
        %eq3A_1642 = vector.broadcast %eq3A_1641 : i32 to vector<16xi32>
        %eq3A_1643 = arith.cmpi eq, %iota3A, %eq3A_1642 : vector<16xi32>
        %reduce_sum3A_1644 = arith.constant true
        %reduce_sum3A_1645 = vector.broadcast %reduce_sum3A_1644 : i1 to vector<16xi1>
        %reduce_sum3A_1646 = tpu.scan <sum>, %scan3A_1502#15 masked %reduce_sum3A_1645 : vector<16xf32>, vector<16xi1> -> vector<16xf32>
        %reduce_sum3A_1647 = vector.extract %reduce_sum3A_1646[15] : f32 from vector<16xf32>
        %broadcast_in_dim3A_1648 = vector.broadcast %reduce_sum3A_1647 : f32 to vector<16xf32>
        %select_n3A_1649 = arith.select %eq3A_1643, %broadcast_in_dim3A_1648, %select_n3A_1640 : vector<16xi1>, vector<16xf32>
        %mul3A_1650 = arith.constant 16 : i32
        %mul3A_1651 = arith.muli %add3A_1392, %mul3A_1650 : i32
        %swap3A = arith.index_cast %mul3A_1651 : i32 to index
        %swap3A_1652 = tpu.vector_load %arg14[%swap3A] {strides = array<i32>} : memref<208xf32, #tpu.memory_space<vmem>>, vector<16xf32>,
        tpu.vector_store %arg14[%swap3A], %select_n3A_1649 {strides = array<i32>} : memref<208xf32, #tpu.memory_space<vmem>>, vector<16xf32>,
        %mul3A_1653 = arith.constant 16 : i32
        %mul3A_1654 = arith.muli %add3A_1392, %mul3A_1653 : i32
        %add3A_1655 = vector.broadcast %mul3A_1654 : i32 to vector<16xi32>
        %add3A_1656 = arith.addi %iota3A, %add3A_1655 : vector<16xi32>
        %jit3A_1657 = arith.constant 100 : i32
        %div3A_1658 = vector.broadcast %jit3A_1657 : i32 to vector<16xi32>
        %div3A_1659 = arith.divsi %add3A_1656, %div3A_1658 : vector<16xi32>
        %sign3A_1660 = arith.constant 0 : i32
        %sign3A_1661 = vector.broadcast %sign3A_1660 : i32 to vector<16xi32>
        %sign3A_1662 = arith.cmpi sgt, %add3A_1656, %sign3A_1661 : vector<16xi32>
        %sign3A_1663 = arith.extui %sign3A_1662 : vector<16xi1> to vector<16xi32>
        %sign3A_1664 = arith.constant 0 : i32
        %sign3A_1665 = vector.broadcast %sign3A_1664 : i32 to vector<16xi32>
        %sign3A_1666 = arith.cmpi slt, %add3A_1656, %sign3A_1665 : vector<16xi32>
        %sign3A_1667 = arith.extui %sign3A_1666 : vector<16xi1> to vector<16xi32>
        %sign3A_1668 = arith.subi %sign3A_1663, %sign3A_1667 : vector<16xi32>
        %sign3A_1669 = arith.constant 0 : i32
        %sign3A_1670 = arith.cmpi sgt, %jit3A_1657, %sign3A_1669 : i32
        %sign3A_1671 = arith.extui %sign3A_1670 : i1 to i32
        %sign3A_1672 = arith.constant 0 : i32
        %sign3A_1673 = arith.cmpi slt, %jit3A_1657, %sign3A_1672 : i32
        %sign3A_1674 = arith.extui %sign3A_1673 : i1 to i32
        %sign3A_1675 = arith.subi %sign3A_1671, %sign3A_1674 : i32
        %ne3A_1676 = vector.broadcast %sign3A_1675 : i32 to vector<16xi32>
        %ne3A_1677 = arith.cmpi ne, %sign3A_1668, %ne3A_1676 : vector<16xi32>
        %rem3A_1678 = vector.broadcast %jit3A_1657 : i32 to vector<16xi32>
        %rem3A_1679 = arith.remsi %add3A_1656, %rem3A_1678 : vector<16xi32>
        %ne3A_1680 = arith.constant 0 : i32
        %ne3A_1681 = vector.broadcast %ne3A_1680 : i32 to vector<16xi32>
        %ne3A_1682 = arith.cmpi ne, %rem3A_1679, %ne3A_1681 : vector<16xi32>
        %and3A_1683 = arith.andi %ne3A_1677, %ne3A_1682 : vector<16xi1>
        %sub3A_1684 = arith.constant 1 : i32
        %sub3A_1685 = vector.broadcast %sub3A_1684 : i32 to vector<16xi32>
        %sub3A_1686 = arith.subi %div3A_1659, %sub3A_1685 : vector<16xi32>
        %select_n3A_1687 = arith.select %and3A_1683, %sub3A_1686, %div3A_1659 : vector<16xi1>, vector<16xi32>
        %jit3A_1688 = arith.constant 100 : i32
        %eq3A_1689 = arith.constant 0 : i32
        %eq3A_1690 = arith.cmpi eq, %jit3A_1688, %eq3A_1689 : i32
        %jit3A_1691 = arith.constant 1 : i32
        %select_n3A_1692 = arith.select %eq3A_1690, %jit3A_1691, %jit3A_1688 : i32
        %rem3A_1693 = vector.broadcast %select_n3A_1692 : i32 to vector<16xi32>
        %rem3A_1694 = arith.remsi %add3A_1656, %rem3A_1693 : vector<16xi32>
        %ne3A_1695 = arith.constant 0 : i32
        %ne3A_1696 = vector.broadcast %ne3A_1695 : i32 to vector<16xi32>
        %ne3A_1697 = arith.cmpi ne, %rem3A_1694, %ne3A_1696 : vector<16xi32>
        %lt3A_1698 = arith.constant 0 : i32
        %lt3A_1699 = vector.broadcast %lt3A_1698 : i32 to vector<16xi32>
        %lt3A_1700 = arith.cmpi slt, %rem3A_1694, %lt3A_1699 : vector<16xi32>
        %lt3A_1701 = arith.constant 0 : i32
        %lt3A_1702 = arith.cmpi slt, %select_n3A_1692, %lt3A_1701 : i32
        %ne3A_1703 = vector.broadcast %lt3A_1702 : i1 to vector<16xi1>
        %ne3A_1704 = vector.broadcast %ne3A_1703 : vector<16xi1> to vector<16xi1>
        %ne3A_1705 = arith.xori %lt3A_1700, %ne3A_1704 : vector<16xi1>
        %and3A_1706 = arith.andi %ne3A_1705, %ne3A_1697 : vector<16xi1>
        %add3A_1707 = vector.broadcast %select_n3A_1692 : i32 to vector<16xi32>
        %add3A_1708 = arith.addi %rem3A_1694, %add3A_1707 : vector<16xi32>
        %select_n3A_1709 = arith.select %and3A_1706, %add3A_1708, %rem3A_1694 : vector<16xi1>, vector<16xi32>
        %gather3A_1710 = tpu.vector_load_idx %arg10[%select_n3A_1687, %select_n3A_1709] : memref<16x128xi32, #tpu.memory_space<vmem>>[vector<16xi32>, vector<16xi32>], vector<16xi32>,
        %mul3A_1711 = arith.constant 16 : i32
        %mul3A_1712 = arith.muli %add3A_1392, %mul3A_1711 : i32
        %swap3A_1713 = arith.index_cast %mul3A_1712 : i32 to index
        %swap3A_1714 = tpu.vector_load %arg15[%swap3A_1713] {strides = array<i32>} : memref<208xi32, #tpu.memory_space<vmem>>, vector<16xi32>,
        tpu.vector_store %arg15[%swap3A_1713], %gather3A_1710 {strides = array<i32>} : memref<208xi32, #tpu.memory_space<vmem>>, vector<16xi32>,
      } else {
      }
    }
    %scan3A_1357 = arith.constant 5 : i32
    "tpu.region"() ({
      %run_scoped3A = tpu.sem_alloc : memref<!tpu.dma_semaphore, #tpu.memory_space<semaphore_mem>>
      %dma_start3A_1358 = arith.constant 0 : i32
      %dma_start3A_1359 = tpu.memref_slice %arg6[%add3A, %dma_start3A_1358] : memref<32x208xf32, #tpu.memory_space<hbm>> -> memref<1x208xf32, #tpu.memory_space<hbm>>
      %dma_start3A_1360 = tpu.memref_squeeze %dma_start3A_1359 : memref<1x208xf32, #tpu.memory_space<hbm>> -> memref<208xf32, #tpu.memory_space<hbm>>
      %dma_start3A_1361 = arith.constant 0 : i32
      %dma_start3A_1362 = tpu.memref_slice %arg6[%add3A, %dma_start3A_1361] : memref<32x208xf32, #tpu.memory_space<hbm>> -> memref<1x208xf32, #tpu.memory_space<hbm>>
      %dma_start3A_1363 = tpu.memref_squeeze %dma_start3A_1362 : memref<1x208xf32, #tpu.memory_space<hbm>> -> memref<208xf32, #tpu.memory_space<hbm>>
      tpu.enqueue_dma source(%arg14 : memref<208xf32, #tpu.memory_space<vmem>>) target(%dma_start3A_1363 : memref<208xf32, #tpu.memory_space<hbm>>) target_semaphore(%run_scoped3A : memref<!tpu.dma_semaphore, #tpu.memory_space<semaphore_mem>>)
      %dma_wait3A_1364 = arith.constant 0 : i32
      %dma_wait3A_1365 = tpu.memref_slice %arg6[%add3A, %dma_wait3A_1364] : memref<32x208xf32, #tpu.memory_space<hbm>> -> memref<1x208xf32, #tpu.memory_space<hbm>>
      %dma_wait3A_1366 = tpu.memref_squeeze %dma_wait3A_1365 : memref<1x208xf32, #tpu.memory_space<hbm>> -> memref<208xf32, #tpu.memory_space<hbm>>
      %dma_wait3A_1367 = arith.constant 0 : i32
      %dma_wait3A_1368 = tpu.memref_slice %arg6[%add3A, %dma_wait3A_1367] : memref<32x208xf32, #tpu.memory_space<hbm>> -> memref<1x208xf32, #tpu.memory_space<hbm>>
      %dma_wait3A_1369 = tpu.memref_squeeze %dma_wait3A_1368 : memref<1x208xf32, #tpu.memory_space<hbm>> -> memref<208xf32, #tpu.memory_space<hbm>>
      tpu.wait_dma2 semaphore(%run_scoped3A : memref<!tpu.dma_semaphore, #tpu.memory_space<semaphore_mem>>) src(%arg14 : memref<208xf32, #tpu.memory_space<vmem>>) dst(%dma_wait3A_1369 : memref<208xf32, #tpu.memory_space<hbm>>)
      tpu.yield
    }) : () -> ()
    "tpu.region"() ({
      %run_scoped3A = tpu.sem_alloc : memref<!tpu.dma_semaphore, #tpu.memory_space<semaphore_mem>>
      %dma_start3A_1358 = arith.constant 0 : i32
      %dma_start3A_1359 = tpu.memref_slice %arg7[%add3A, %dma_start3A_1358] : memref<32x208xi32, #tpu.memory_space<hbm>> -> memref<1x208xi32, #tpu.memory_space<hbm>>
      %dma_start3A_1360 = tpu.memref_squeeze %dma_start3A_1359 : memref<1x208xi32, #tpu.memory_space<hbm>> -> memref<208xi32, #tpu.memory_space<hbm>>
      %dma_start3A_1361 = arith.constant 0 : i32
      %dma_start3A_1362 = tpu.memref_slice %arg7[%add3A, %dma_start3A_1361] : memref<32x208xi32, #tpu.memory_space<hbm>> -> memref<1x208xi32, #tpu.memory_space<hbm>>
      %dma_start3A_1363 = tpu.memref_squeeze %dma_start3A_1362 : memref<1x208xi32, #tpu.memory_space<hbm>> -> memref<208xi32, #tpu.memory_space<hbm>>
      tpu.enqueue_dma source(%arg15 : memref<208xi32, #tpu.memory_space<vmem>>) target(%dma_start3A_1363 : memref<208xi32, #tpu.memory_space<hbm>>) target_semaphore(%run_scoped3A : memref<!tpu.dma_semaphore, #tpu.memory_space<semaphore_mem>>)
      %dma_wait3A_1364 = arith.constant 0 : i32
      %dma_wait3A_1365 = tpu.memref_slice %arg7[%add3A, %dma_wait3A_1364] : memref<32x208xi32, #tpu.memory_space<hbm>> -> memref<1x208xi32, #tpu.memory_space<hbm>>
      %dma_wait3A_1366 = tpu.memref_squeeze %dma_wait3A_1365 : memref<1x208xi32, #tpu.memory_space<hbm>> -> memref<208xi32, #tpu.memory_space<hbm>>
      %dma_wait3A_1367 = arith.constant 0 : i32
      %dma_wait3A_1368 = tpu.memref_slice %arg7[%add3A, %dma_wait3A_1367] : memref<32x208xi32, #tpu.memory_space<hbm>> -> memref<1x208xi32, #tpu.memory_space<hbm>>
      %dma_wait3A_1369 = tpu.memref_squeeze %dma_wait3A_1368 : memref<1x208xi32, #tpu.memory_space<hbm>> -> memref<208xi32, #tpu.memory_space<hbm>>
      tpu.wait_dma2 semaphore(%run_scoped3A : memref<!tpu.dma_semaphore, #tpu.memory_space<semaphore_mem>>) src(%arg15 : memref<208xi32, #tpu.memory_space<vmem>>) dst(%dma_wait3A_1369 : memref<208xi32, #tpu.memory_space<hbm>>)
      tpu.yield
    }) : () -> ()
    return
  }
}

module attributes {stable_mosaic.version = 14 : i64} {
  func.func @_select_body(%arg0: memref<1x2048xf32, #tpu.memory_space<vmem>>, %arg1: memref<2048x1024xf32, #tpu.memory_space<vmem>>, %arg2: memref<1024x100xi32, #tpu.memory_space<vmem>>, %arg3: memref<8x128xi32, #tpu.memory_space<vmem>>, %arg4: memref<1024x128xi32, #tpu.memory_space<vmem>>) attributes {dimension_semantics = [], scalar_prefetch = 0 : i64, scratch_operands = 0 : i64, tpu.core_type = #tpu.core_type<tc>} {
    %get3A = arith.constant 0 : index
    %get3A_0 = arith.constant 0 : index
    %get3A_1 = vector.load %arg0[%get3A, %get3A_0] : memref<1x2048xf32, #tpu.memory_space<vmem>>, vector<1x2048xf32>
    %get3A_2 = arith.constant 0 : index
    %get3A_3 = arith.constant 0 : index
    %get3A_4 = vector.load %arg2[%get3A_2, %get3A_3] : memref<1024x100xi32, #tpu.memory_space<vmem>>, vector<1024x100xi32>
    %slice3A = vector.extract_strided_slice %get3A_4 {offsets = [0, 0], sizes = [1024, 28], strides = [1, 1]} : vector<1024x100xi32> to vector<1024x28xi32>
    %concatenate3A = tpu.concatenate %get3A_4, %slice3A in 1 : vector<1024x100xi32>, vector<1024x28xi32> -> vector<1024x128xi32>
    %swap3A = arith.constant 0 : index
    %swap3A_5 = arith.constant 0 : index
    %swap3A_6 = vector.load %arg4[%swap3A, %swap3A_5] : memref<1024x128xi32, #tpu.memory_space<vmem>>, vector<1024x128xi32>
    tpu.vector_store %arg4[%swap3A, %swap3A_5], %concatenate3A {strides = array<i32>} : memref<1024x128xi32, #tpu.memory_space<vmem>>, vector<1024x128xi32>,
    %get3A_7 = arith.constant 0 : index
    %get3A_8 = arith.constant 0 : index
    %get3A_9 = vector.load %arg1[%get3A_7, %get3A_8] : memref<2048x1024xf32, #tpu.memory_space<vmem>>, vector<2048x128xf32>
    %dot_general3A = arith.constant dense<0.000000e+00> : vector<1x128xf32>
    %dot_general3A_10 = tpu.matmul %get3A_1, %get3A_9, %dot_general3A {dimension_numbers = #tpu.dot_dimension_numbers<[1], [0], [0], [1], [0, 0, 1, 1], [], []>, transpose_lhs_hint = false} : vector<1x2048xf32>, vector<2048x128xf32>, vector<1x128xf32> -> vector<1x128xf32>
    %mul3A = arith.mulf %get3A_9, %get3A_9 : vector<2048x128xf32>
    %reduce_sum3A = arith.constant dense<0.000000e+00> : vector<128xf32>
    %reduce_sum3A_11 = vector.multi_reduction <add>, %mul3A, %reduce_sum3A [0] : vector<2048x128xf32> to vector<128xf32>
    %broadcast_in_dim3A = vector.shape_cast %reduce_sum3A_11 : vector<128xf32> to vector<1x128xf32>
    %get3A_12 = arith.constant 0 : index
    %get3A_13 = arith.constant 128 : index
    %get3A_14 = vector.load %arg1[%get3A_12, %get3A_13] : memref<2048x1024xf32, #tpu.memory_space<vmem>>, vector<2048x128xf32>
    %dot_general3A_15 = arith.constant dense<0.000000e+00> : vector<1x128xf32>
    %dot_general3A_16 = tpu.matmul %get3A_1, %get3A_14, %dot_general3A_15 {dimension_numbers = #tpu.dot_dimension_numbers<[1], [0], [0], [1], [0, 0, 1, 1], [], []>, transpose_lhs_hint = false} : vector<1x2048xf32>, vector<2048x128xf32>, vector<1x128xf32> -> vector<1x128xf32>
    %mul3A_17 = arith.mulf %get3A_14, %get3A_14 : vector<2048x128xf32>
    %reduce_sum3A_18 = arith.constant dense<0.000000e+00> : vector<128xf32>
    %reduce_sum3A_19 = vector.multi_reduction <add>, %mul3A_17, %reduce_sum3A_18 [0] : vector<2048x128xf32> to vector<128xf32>
    %broadcast_in_dim3A_20 = vector.shape_cast %reduce_sum3A_19 : vector<128xf32> to vector<1x128xf32>
    %get3A_21 = arith.constant 0 : index
    %get3A_22 = arith.constant 256 : index
    %get3A_23 = vector.load %arg1[%get3A_21, %get3A_22] : memref<2048x1024xf32, #tpu.memory_space<vmem>>, vector<2048x128xf32>
    %dot_general3A_24 = arith.constant dense<0.000000e+00> : vector<1x128xf32>
    %dot_general3A_25 = tpu.matmul %get3A_1, %get3A_23, %dot_general3A_24 {dimension_numbers = #tpu.dot_dimension_numbers<[1], [0], [0], [1], [0, 0, 1, 1], [], []>, transpose_lhs_hint = false} : vector<1x2048xf32>, vector<2048x128xf32>, vector<1x128xf32> -> vector<1x128xf32>
    %mul3A_26 = arith.mulf %get3A_23, %get3A_23 : vector<2048x128xf32>
    %reduce_sum3A_27 = arith.constant dense<0.000000e+00> : vector<128xf32>
    %reduce_sum3A_28 = vector.multi_reduction <add>, %mul3A_26, %reduce_sum3A_27 [0] : vector<2048x128xf32> to vector<128xf32>
    %broadcast_in_dim3A_29 = vector.shape_cast %reduce_sum3A_28 : vector<128xf32> to vector<1x128xf32>
    %get3A_30 = arith.constant 0 : index
    %get3A_31 = arith.constant 384 : index
    %get3A_32 = vector.load %arg1[%get3A_30, %get3A_31] : memref<2048x1024xf32, #tpu.memory_space<vmem>>, vector<2048x128xf32>
    %dot_general3A_33 = arith.constant dense<0.000000e+00> : vector<1x128xf32>
    %dot_general3A_34 = tpu.matmul %get3A_1, %get3A_32, %dot_general3A_33 {dimension_numbers = #tpu.dot_dimension_numbers<[1], [0], [0], [1], [0, 0, 1, 1], [], []>, transpose_lhs_hint = false} : vector<1x2048xf32>, vector<2048x128xf32>, vector<1x128xf32> -> vector<1x128xf32>
    %mul3A_35 = arith.mulf %get3A_32, %get3A_32 : vector<2048x128xf32>
    %reduce_sum3A_36 = arith.constant dense<0.000000e+00> : vector<128xf32>
    %reduce_sum3A_37 = vector.multi_reduction <add>, %mul3A_35, %reduce_sum3A_36 [0] : vector<2048x128xf32> to vector<128xf32>
    %broadcast_in_dim3A_38 = vector.shape_cast %reduce_sum3A_37 : vector<128xf32> to vector<1x128xf32>
    %get3A_39 = arith.constant 0 : index
    %get3A_40 = arith.constant 512 : index
    %get3A_41 = vector.load %arg1[%get3A_39, %get3A_40] : memref<2048x1024xf32, #tpu.memory_space<vmem>>, vector<2048x128xf32>
    %dot_general3A_42 = arith.constant dense<0.000000e+00> : vector<1x128xf32>
    %dot_general3A_43 = tpu.matmul %get3A_1, %get3A_41, %dot_general3A_42 {dimension_numbers = #tpu.dot_dimension_numbers<[1], [0], [0], [1], [0, 0, 1, 1], [], []>, transpose_lhs_hint = false} : vector<1x2048xf32>, vector<2048x128xf32>, vector<1x128xf32> -> vector<1x128xf32>
    %mul3A_44 = arith.mulf %get3A_41, %get3A_41 : vector<2048x128xf32>
    %reduce_sum3A_45 = arith.constant dense<0.000000e+00> : vector<128xf32>
    %reduce_sum3A_46 = vector.multi_reduction <add>, %mul3A_44, %reduce_sum3A_45 [0] : vector<2048x128xf32> to vector<128xf32>
    %broadcast_in_dim3A_47 = vector.shape_cast %reduce_sum3A_46 : vector<128xf32> to vector<1x128xf32>
    %get3A_48 = arith.constant 0 : index
    %get3A_49 = arith.constant 640 : index
    %get3A_50 = vector.load %arg1[%get3A_48, %get3A_49] : memref<2048x1024xf32, #tpu.memory_space<vmem>>, vector<2048x128xf32>
    %dot_general3A_51 = arith.constant dense<0.000000e+00> : vector<1x128xf32>
    %dot_general3A_52 = tpu.matmul %get3A_1, %get3A_50, %dot_general3A_51 {dimension_numbers = #tpu.dot_dimension_numbers<[1], [0], [0], [1], [0, 0, 1, 1], [], []>, transpose_lhs_hint = false} : vector<1x2048xf32>, vector<2048x128xf32>, vector<1x128xf32> -> vector<1x128xf32>
    %mul3A_53 = arith.mulf %get3A_50, %get3A_50 : vector<2048x128xf32>
    %reduce_sum3A_54 = arith.constant dense<0.000000e+00> : vector<128xf32>
    %reduce_sum3A_55 = vector.multi_reduction <add>, %mul3A_53, %reduce_sum3A_54 [0] : vector<2048x128xf32> to vector<128xf32>
    %broadcast_in_dim3A_56 = vector.shape_cast %reduce_sum3A_55 : vector<128xf32> to vector<1x128xf32>
    %get3A_57 = arith.constant 0 : index
    %get3A_58 = arith.constant 768 : index
    %get3A_59 = vector.load %arg1[%get3A_57, %get3A_58] : memref<2048x1024xf32, #tpu.memory_space<vmem>>, vector<2048x128xf32>
    %dot_general3A_60 = arith.constant dense<0.000000e+00> : vector<1x128xf32>
    %dot_general3A_61 = tpu.matmul %get3A_1, %get3A_59, %dot_general3A_60 {dimension_numbers = #tpu.dot_dimension_numbers<[1], [0], [0], [1], [0, 0, 1, 1], [], []>, transpose_lhs_hint = false} : vector<1x2048xf32>, vector<2048x128xf32>, vector<1x128xf32> -> vector<1x128xf32>
    %mul3A_62 = arith.mulf %get3A_59, %get3A_59 : vector<2048x128xf32>
    %reduce_sum3A_63 = arith.constant dense<0.000000e+00> : vector<128xf32>
    %reduce_sum3A_64 = vector.multi_reduction <add>, %mul3A_62, %reduce_sum3A_63 [0] : vector<2048x128xf32> to vector<128xf32>
    %broadcast_in_dim3A_65 = vector.shape_cast %reduce_sum3A_64 : vector<128xf32> to vector<1x128xf32>
    %get3A_66 = arith.constant 0 : index
    %get3A_67 = arith.constant 896 : index
    %get3A_68 = vector.load %arg1[%get3A_66, %get3A_67] : memref<2048x1024xf32, #tpu.memory_space<vmem>>, vector<2048x128xf32>
    %dot_general3A_69 = arith.constant dense<0.000000e+00> : vector<1x128xf32>
    %dot_general3A_70 = tpu.matmul %get3A_1, %get3A_68, %dot_general3A_69 {dimension_numbers = #tpu.dot_dimension_numbers<[1], [0], [0], [1], [0, 0, 1, 1], [], []>, transpose_lhs_hint = false} : vector<1x2048xf32>, vector<2048x128xf32>, vector<1x128xf32> -> vector<1x128xf32>
    %mul3A_71 = arith.mulf %get3A_68, %get3A_68 : vector<2048x128xf32>
    %reduce_sum3A_72 = arith.constant dense<0.000000e+00> : vector<128xf32>
    %reduce_sum3A_73 = vector.multi_reduction <add>, %mul3A_71, %reduce_sum3A_72 [0] : vector<2048x128xf32> to vector<128xf32>
    %broadcast_in_dim3A_74 = vector.shape_cast %reduce_sum3A_73 : vector<128xf32> to vector<1x128xf32>
    %concatenate3A_75 = tpu.concatenate %dot_general3A_10, %dot_general3A_16, %dot_general3A_25, %dot_general3A_34, %dot_general3A_43, %dot_general3A_52, %dot_general3A_61, %dot_general3A_70 in 0 : vector<1x128xf32>, vector<1x128xf32>, vector<1x128xf32>, vector<1x128xf32>, vector<1x128xf32>, vector<1x128xf32>, vector<1x128xf32>, vector<1x128xf32> -> vector<8x128xf32>
    %concatenate3A_76 = tpu.concatenate %broadcast_in_dim3A, %broadcast_in_dim3A_20, %broadcast_in_dim3A_29, %broadcast_in_dim3A_38, %broadcast_in_dim3A_47, %broadcast_in_dim3A_56, %broadcast_in_dim3A_65, %broadcast_in_dim3A_74 in 0 : vector<1x128xf32>, vector<1x128xf32>, vector<1x128xf32>, vector<1x128xf32>, vector<1x128xf32>, vector<1x128xf32>, vector<1x128xf32>, vector<1x128xf32> -> vector<8x128xf32>
    %rsqrt3A = math.rsqrt %concatenate3A_76 : vector<8x128xf32>
    %mul3A_77 = arith.mulf %concatenate3A_75, %rsqrt3A : vector<8x128xf32>
    %bitcast_convert_type3A = tpu.bitcast %mul3A_77 : vector<8x128xf32> -> vector<8x128xi32>
    %and3A = arith.constant 2147483647 : i32
    %and3A_78 = vector.broadcast %and3A : i32 to vector<8x128xi32>
    %and3A_79 = arith.andi %bitcast_convert_type3A, %and3A_78 : vector<8x128xi32>
    %ge3A = arith.constant 0 : i32
    %ge3A_80 = vector.broadcast %ge3A : i32 to vector<8x128xi32>
    %ge3A_81 = arith.cmpi sge, %bitcast_convert_type3A, %ge3A_80 : vector<8x128xi32>
    %sub3A = arith.constant -1 : i32
    %sub3A_82 = vector.broadcast %sub3A : i32 to vector<8x128xi32>
    %sub3A_83 = arith.subi %sub3A_82, %and3A_79 : vector<8x128xi32>
    %select_n3A = arith.select %ge3A_81, %and3A_79, %sub3A_83 : vector<8x128xi1>, vector<8x128xi32>
    %ge3A_84 = arith.constant 0 : i32
    %ge3A_85 = vector.broadcast %ge3A_84 : i32 to vector<8x128xi32>
    %ge3A_86 = arith.cmpi sge, %select_n3A, %ge3A_85 : vector<8x128xi32>
    %convert_element_type3A = arith.extui %ge3A_86 : vector<8x128xi1> to vector<8x128xi32>
    %reduce_sum3A_87 = vector.shape_cast %convert_element_type3A : vector<8x128xi32> to vector<1x8x128xi32>
    %reduce_sum3A_88 = arith.constant dense<0> : vector<1xi32>
    %reduce_sum3A_89 = vector.multi_reduction <add>, %reduce_sum3A_87, %reduce_sum3A_88 [1, 2] : vector<1x8x128xi32> to vector<1xi32>
    %reduce_sum3A_90 = vector.shape_cast %reduce_sum3A_89 : vector<1xi32> to vector<1x1x1xi32>
    %reduce_sum3A_91 = vector.extract %reduce_sum3A_90[0, 0, 0] : i32 from vector<1x1x1xi32>
    %ge3A_92 = arith.constant 64 : i32
    %ge3A_93 = arith.cmpi sge, %reduce_sum3A_91, %ge3A_92 : i32
    %jit3A = arith.constant 0 : i32
    %jit3A_94 = arith.constant -2147483648 : i32
    %select_n3A_95 = arith.select %ge3A_93, %jit3A, %jit3A_94 : i32
    %scan3A = arith.constant 0 : i32
    %scan3A_96 = arith.constant 31 : i32
    %scan3A_97 = arith.addi %scan3A, %scan3A_96 : i32
    %scan3A_98 = arith.constant 1 : i32
    %scan3A_99 = scf.for %scan3A_153 = %scan3A to %scan3A_97 step %scan3A_98 iter_args(%scan3A_154 = %select_n3A_95) -> (i32)  : i32 {
      %sub3A_155 = arith.constant 30 : i32
      %sub3A_156 = arith.subi %sub3A_155, %scan3A_153 : i32
      %shift_left3A = arith.constant 1 : i32
      %shift_left3A_157 = arith.shli %shift_left3A, %sub3A_156 : i32
      %add3A_158 = arith.addi %scan3A_154, %shift_left3A_157 : i32
      %ge3A_159 = vector.broadcast %add3A_158 : i32 to vector<8x128xi32>
      %ge3A_160 = arith.cmpi sge, %select_n3A, %ge3A_159 : vector<8x128xi32>
      %convert_element_type3A_161 = arith.extui %ge3A_160 : vector<8x128xi1> to vector<8x128xi32>
      %reduce_sum3A_162 = vector.shape_cast %convert_element_type3A_161 : vector<8x128xi32> to vector<1x8x128xi32>
      %reduce_sum3A_163 = arith.constant dense<0> : vector<1xi32>
      %reduce_sum3A_164 = vector.multi_reduction <add>, %reduce_sum3A_162, %reduce_sum3A_163 [1, 2] : vector<1x8x128xi32> to vector<1xi32>
      %reduce_sum3A_165 = vector.shape_cast %reduce_sum3A_164 : vector<1xi32> to vector<1x1x1xi32>
      %reduce_sum3A_166 = vector.extract %reduce_sum3A_165[0, 0, 0] : i32 from vector<1x1x1xi32>
      %ge3A_167 = arith.constant 64 : i32
      %ge3A_168 = arith.cmpi sge, %reduce_sum3A_166, %ge3A_167 : i32
      %select_n3A_169 = arith.select %ge3A_168, %add3A_158, %scan3A_154 : i32
      scf.yield %select_n3A_169 : i32
    }
    %scan3A_100 = arith.constant 31 : i32
    %gt3A = vector.broadcast %scan3A_99 : i32 to vector<8x128xi32>
    %gt3A_101 = arith.cmpi sgt, %select_n3A, %gt3A : vector<8x128xi32>
    %convert_element_type3A_102 = arith.extui %gt3A_101 : vector<8x128xi1> to vector<8x128xi32>
    %reduce_sum3A_103 = vector.shape_cast %convert_element_type3A_102 : vector<8x128xi32> to vector<1x8x128xi32>
    %reduce_sum3A_104 = arith.constant dense<0> : vector<1xi32>
    %reduce_sum3A_105 = vector.multi_reduction <add>, %reduce_sum3A_103, %reduce_sum3A_104 [1, 2] : vector<1x8x128xi32> to vector<1xi32>
    %reduce_sum3A_106 = vector.shape_cast %reduce_sum3A_105 : vector<1xi32> to vector<1x1x1xi32>
    %reduce_sum3A_107 = vector.extract %reduce_sum3A_106[0, 0, 0] : i32 from vector<1x1x1xi32>
    %sub3A_108 = arith.constant 64 : i32
    %sub3A_109 = arith.subi %sub3A_108, %reduce_sum3A_107 : i32
    %convert_element_type3A_110 = arith.sitofp %sub3A_109 : i32 to f32
    %iota3A = tpu.iota {dimensions = array<i32: 0>} : vector<128x128xi32>
    %iota3A_111 = tpu.iota {dimensions = array<i32: 1>} : vector<128x128xi32>
    %le3A = arith.cmpi sle, %iota3A, %iota3A_111 : vector<128x128xi32>
    %convert_element_type3A_112 = arith.extui %le3A : vector<128x128xi1> to vector<128x128xi32>
    %convert_element_type3A_113 = arith.sitofp %convert_element_type3A_112 : vector<128x128xi32> to vector<128x128xf32>
    %iota3A_114 = tpu.iota {dimensions = array<i32: 0>} : vector<8x8xi32>
    %iota3A_115 = tpu.iota {dimensions = array<i32: 1>} : vector<8x8xi32>
    %lt3A = arith.cmpi slt, %iota3A_115, %iota3A_114 : vector<8x8xi32>
    %convert_element_type3A_116 = arith.extui %lt3A : vector<8x8xi1> to vector<8x8xi32>
    %convert_element_type3A_117 = arith.sitofp %convert_element_type3A_116 : vector<8x8xi32> to vector<8x8xf32>
    %eq3A = vector.broadcast %scan3A_99 : i32 to vector<8x128xi32>
    %eq3A_118 = arith.cmpi eq, %select_n3A, %eq3A : vector<8x128xi32>
    %convert_element_type3A_119 = arith.extui %eq3A_118 : vector<8x128xi1> to vector<8x128xi32>
    %convert_element_type3A_120 = arith.sitofp %convert_element_type3A_119 : vector<8x128xi32> to vector<8x128xf32>
    %dot_general3A_121 = arith.constant dense<0.000000e+00> : vector<8x128xf32>
    %dot_general3A_122 = tpu.matmul %convert_element_type3A_120, %convert_element_type3A_113, %dot_general3A_121 {dimension_numbers = #tpu.dot_dimension_numbers<[1], [0], [0], [1], [0, 0, 1, 1], [], []>, transpose_lhs_hint = false} : vector<8x128xf32>, vector<128x128xf32>, vector<8x128xf32> -> vector<8x128xf32>
    %reduce_sum3A_123 = arith.constant dense<0.000000e+00> : vector<8xf32>
    %reduce_sum3A_124 = vector.multi_reduction <add>, %convert_element_type3A_120, %reduce_sum3A_123 [1] : vector<8x128xf32> to vector<8xf32>
    %broadcast_in_dim3A_125 = vector.shape_cast %reduce_sum3A_124 : vector<8xf32> to vector<8x1xf32>
    %dot_general3A_126 = arith.constant dense<0.000000e+00> : vector<8x1xf32>
    %dot_general3A_127 = tpu.matmul %convert_element_type3A_117, %broadcast_in_dim3A_125, %dot_general3A_126 {dimension_numbers = #tpu.dot_dimension_numbers<[1], [0], [0], [1], [0, 0, 1, 1], [], []>, transpose_lhs_hint = false} : vector<8x8xf32>, vector<8x1xf32>, vector<8x1xf32> -> vector<8x1xf32>
    %add3A = vector.broadcast %dot_general3A_127 : vector<8x1xf32> to vector<8x128xf32>
    %add3A_128 = arith.addf %dot_general3A_122, %add3A : vector<8x128xf32>
    %le3A_129 = vector.broadcast %convert_element_type3A_110 : f32 to vector<8x128xf32>
    %le3A_130 = arith.cmpf ole, %add3A_128, %le3A_129 : vector<8x128xf32>
    %convert_element_type3A_131 = arith.extui %le3A_130 : vector<8x128xi1> to vector<8x128xi32>
    %convert_element_type3A_132 = arith.sitofp %convert_element_type3A_131 : vector<8x128xi32> to vector<8x128xf32>
    %mul3A_133 = arith.mulf %convert_element_type3A_120, %convert_element_type3A_132 : vector<8x128xf32>
    %gt3A_134 = vector.broadcast %scan3A_99 : i32 to vector<8x128xi32>
    %gt3A_135 = arith.cmpi sgt, %select_n3A, %gt3A_134 : vector<8x128xi32>
    %convert_element_type3A_136 = arith.extui %gt3A_135 : vector<8x128xi1> to vector<8x128xi32>
    %convert_element_type3A_137 = arith.sitofp %convert_element_type3A_136 : vector<8x128xi32> to vector<8x128xf32>
    %add3A_138 = arith.addf %convert_element_type3A_137, %mul3A_133 : vector<8x128xf32>
    %dot_general3A_139 = arith.constant dense<0.000000e+00> : vector<8x128xf32>
    %dot_general3A_140 = tpu.matmul %add3A_138, %convert_element_type3A_113, %dot_general3A_139 {dimension_numbers = #tpu.dot_dimension_numbers<[1], [0], [0], [1], [0, 0, 1, 1], [], []>, transpose_lhs_hint = false} : vector<8x128xf32>, vector<128x128xf32>, vector<8x128xf32> -> vector<8x128xf32>
    %reduce_sum3A_141 = arith.constant dense<0.000000e+00> : vector<8xf32>
    %reduce_sum3A_142 = vector.multi_reduction <add>, %add3A_138, %reduce_sum3A_141 [1] : vector<8x128xf32> to vector<8xf32>
    %broadcast_in_dim3A_143 = vector.shape_cast %reduce_sum3A_142 : vector<8xf32> to vector<8x1xf32>
    %dot_general3A_144 = arith.constant dense<0.000000e+00> : vector<8x1xf32>
    %dot_general3A_145 = tpu.matmul %convert_element_type3A_117, %broadcast_in_dim3A_143, %dot_general3A_144 {dimension_numbers = #tpu.dot_dimension_numbers<[1], [0], [0], [1], [0, 0, 1, 1], [], []>, transpose_lhs_hint = false} : vector<8x8xf32>, vector<8x1xf32>, vector<8x1xf32> -> vector<8x1xf32>
    %add3A_146 = vector.broadcast %dot_general3A_145 : vector<8x1xf32> to vector<8x128xf32>
    %add3A_147 = arith.addf %dot_general3A_140, %add3A_146 : vector<8x128xf32>
    %mul3A_148 = arith.mulf %add3A_138, %add3A_147 : vector<8x128xf32>
    %convert_element_type3A_149 = arith.fptosi %mul3A_148 : vector<8x128xf32> to vector<8x128xi32>
    %swap3A_150 = arith.constant 0 : index
    %swap3A_151 = arith.constant 0 : index
    %swap3A_152 = vector.load %arg3[%swap3A_150, %swap3A_151] : memref<8x128xi32, #tpu.memory_space<vmem>>, vector<8x128xi32>
    tpu.vector_store %arg3[%swap3A_150, %swap3A_151], %convert_element_type3A_149 {strides = array<i32>} : memref<8x128xi32, #tpu.memory_space<vmem>>, vector<8x128xi32>,
    return
  }
}

module attributes {stable_mosaic.version = 14 : i64} {
  func.func @_argmax_body(%arg0: memref<32x208xf32, #tpu.memory_space<vmem>>, %arg1: memref<32x208xi32, #tpu.memory_space<vmem>>, %arg2: memref<1x1xi32, #tpu.memory_space<vmem>>) attributes {dimension_semantics = [], scalar_prefetch = 0 : i64, scratch_operands = 0 : i64, tpu.core_type = #tpu.core_type<tc>} {
    %get3A = arith.constant 0 : index
    %get3A_0 = arith.constant 0 : index
    %get3A_1 = vector.load %arg0[%get3A, %get3A_0] : memref<32x208xf32, #tpu.memory_space<vmem>>, vector<32x208xf32>
    %get3A_2 = arith.constant 0 : index
    %get3A_3 = arith.constant 0 : index
    %get3A_4 = vector.load %arg1[%get3A_2, %get3A_3] : memref<32x208xi32, #tpu.memory_space<vmem>>, vector<32x208xi32>
    %iota3A = tpu.iota {dimensions = array<i32: 0>} : vector<32x208xi32>
    %mul3A = arith.constant 208 : i32
    %mul3A_5 = vector.broadcast %mul3A : i32 to vector<32x208xi32>
    %mul3A_6 = arith.muli %iota3A, %mul3A_5 : vector<32x208xi32>
    %iota3A_7 = tpu.iota {dimensions = array<i32: 1>} : vector<32x208xi32>
    %add3A = arith.addi %mul3A_6, %iota3A_7 : vector<32x208xi32>
    %reduce_max3A = vector.shape_cast %get3A_1 : vector<32x208xf32> to vector<1x32x208xf32>
    %reduce_max3A_8 = arith.constant dense<0xFF800000> : vector<1xf32>
    %reduce_max3A_9 = vector.multi_reduction <maximumf>, %reduce_max3A, %reduce_max3A_8 [1, 2] : vector<1x32x208xf32> to vector<1xf32>
    %reduce_max3A_10 = vector.shape_cast %reduce_max3A_9 : vector<1xf32> to vector<1x1x1xf32>
    %reduce_max3A_11 = vector.extract %reduce_max3A_10[0, 0, 0] : f32 from vector<1x1x1xf32>
    %eq3A = vector.broadcast %reduce_max3A_11 : f32 to vector<32x208xf32>
    %eq3A_12 = arith.cmpf oeq, %get3A_1, %eq3A : vector<32x208xf32>
    %jit3A = arith.constant 6656 : i32
    %broadcast_in_dim3A = vector.broadcast %jit3A : i32 to vector<32x208xi32>
    %select_n3A = arith.select %eq3A_12, %add3A, %broadcast_in_dim3A : vector<32x208xi1>, vector<32x208xi32>
    %reduce_min3A = vector.shape_cast %select_n3A : vector<32x208xi32> to vector<1x32x208xi32>
    %reduce_min3A_13 = arith.constant dense<2147483647> : vector<1xi32>
    %reduce_min3A_14 = vector.multi_reduction <minsi>, %reduce_min3A, %reduce_min3A_13 [1, 2] : vector<1x32x208xi32> to vector<1xi32>
    %reduce_min3A_15 = vector.shape_cast %reduce_min3A_14 : vector<1xi32> to vector<1x1x1xi32>
    %reduce_min3A_16 = vector.extract %reduce_min3A_15[0, 0, 0] : i32 from vector<1x1x1xi32>
    %eq3A_17 = vector.broadcast %reduce_min3A_16 : i32 to vector<32x208xi32>
    %eq3A_18 = arith.cmpi eq, %add3A, %eq3A_17 : vector<32x208xi32>
    %jit3A_19 = arith.constant 0 : i32
    %broadcast_in_dim3A_20 = vector.broadcast %jit3A_19 : i32 to vector<32x208xi32>
    %select_n3A_21 = arith.select %eq3A_18, %get3A_4, %broadcast_in_dim3A_20 : vector<32x208xi1>, vector<32x208xi32>
    %reduce_sum3A = vector.shape_cast %select_n3A_21 : vector<32x208xi32> to vector<1x32x208xi32>
    %reduce_sum3A_22 = arith.constant dense<0> : vector<1xi32>
    %reduce_sum3A_23 = vector.multi_reduction <add>, %reduce_sum3A, %reduce_sum3A_22 [1, 2] : vector<1x32x208xi32> to vector<1xi32>
    %reduce_sum3A_24 = vector.shape_cast %reduce_sum3A_23 : vector<1xi32> to vector<1x1x1xi32>
    %reduce_sum3A_25 = vector.extract %reduce_sum3A_24[0, 0, 0] : i32 from vector<1x1x1xi32>
    %broadcast_in_dim3A_26 = vector.broadcast %reduce_sum3A_25 : i32 to vector<1x1xi32>
    %swap3A = arith.constant 0 : index
    %swap3A_27 = arith.constant 0 : index
    %swap3A_28 = vector.load %arg2[%swap3A, %swap3A_27] : memref<1x1xi32, #tpu.memory_space<vmem>>, vector<1x1xi32>
    tpu.vector_store %arg2[%swap3A, %swap3A_27], %broadcast_in_dim3A_26 {strides = array<i32>} : memref<1x1xi32, #tpu.memory_space<vmem>>, vector<1x1xi32>,
    return
  }
}

</mosaic_0001>

<sc_bundles>
// kernel: kernel.5.cloned.1.call-start
scs
__scs_entry_jumppad:
0x0: {  	(pc) =	sbr.rel $0x88, $3  }
0x1: {  	(tag) =	ssettag $0x0;
	lr =	simm.s32 $0x1  }
0x2: {  	[smem:$0x3F9D] =	sst lr;
	_ =	strace $0xD0000000  }
0x3: {  	_ = 	snop  }
0x4: {  	_ = 	snop  }
0x5: {  	_ = 	snop  }
0x6: {  	_ = 	snop  }
0x7: {  	_ = 	snop  }
__scs_overlays_trampoline_lowered:
0x8: {  	[smem:$0x3FAC] =	sst s0  }
0x9: {  	[smem:$0x3FAD] =	sst s1  }
0xa: {  	[smem:$0x3FAE] =	sst s2  }
0xb: {  	[smem:$0x3FAF] =	sst s3  }
0xc: {  	[smem:$0x3FB0] =	sst s4  }
0xd: {  	[smem:$0x3FB1] =	sst s5  }
0xe: {  	[smem:$0x3FB2] =	sst s6  }
0xf: {  	[smem:$0x3FB3] =	sst s7  }
0x10: {  	[smem:$0x3FB4] =	sst s8  }
0x11: {  	[smem:$0x3FB5] =	sst s9;
	s0 =	simm.s32 @!p0 $0x0  }
0x12: {  	s1 =	sld [smem:$0x3F9B];
	s0 =	simm.s32 @p0 $0x1  }
0x13: {  	[smem:$0x3FB6] =	sst s0;
	s0 =	simm.s32 @!p1 $0x0  }
0x14: {  	s2 =	sld [smem:$0x3F9A];
	s0 =	simm.s32 @p1 $0x1  }
0x15: {  	[smem:$0x3FB7] =	sst s0;
	s0 =	simm.s32 @!p2 $0x0  }
0x16: {  	s3 =	sld [smem:$0x3FDB];
	s0 =	simm.s32 @p2 $0x1  }
0x17: {  	s4 =	simm.s32 $0x1BF5;
	[smem:$0x3FB9] =	sst s0  }
0x18: {  	s0 =	sld [smem:$0x3F9C];
	_ =	swait.ge [sflag:s4], $0x0  }
0x19: {  	s7 =	sld [smem:$0x3F9D]  }
0x1a: {  	s8 =	sadd.s32 $0xFFFFE003, lr  }
0x1b: {  	s9 =	sadd.s32 $0xFFFFFEF7, lr;
	s5 =	simm.s32 $0xFFFFFFFF;
	p2 =	slt.u32 s8, $0xFFFFF086  }
0x1c: {  	p1 =	slt.u32 s9, $0xF7A;
	s5 =	simm.s32 @!p2 $0x0  }
0x1d: {  	s5 =	simm.s32 @p1 $0x1;
	p0 =	seq.s32 s7, s2  }
0x1e: {  	s7 =	smul.u32 @!p0 $0xF7A, s2;
	p2 =	seq.s32 @!p0 s5, $0x0  }
0x1f: {  	s9 =	smul.u32 $0xF7A, s1;
	s8 =	simm.s32 @!p0 $0x1BF5;
	p2 =	por !p2, p0  }
0x20: {  	[sflag:s8] =	ssyncset.s32 @!p0 $0xFFFFF086;
	s6 =	sadd.s32 @!p0 s3, s7;
	s7 =	simm.s32 @!p0 $0x108  }
0x21: {  	s3 =	sadd.s32 s3, s9;
	s6 =	sadd.s32 @!p0 $0x88, s6;
	s7 =	simm.s32 @p2 $0x1082  }
0x22: {  	[simem:s7], [sflag:s8] =	dma.local @!p0 [hbm:s6], $0xF7A  }
0x23: {  	s9 =	sor.u32 $0xD0000000, s2;
	s6 =	simm.s32 $0x108;
	_ =	swait.ge @!p0 [sflag:s8], $0x0  }
0x24: {  	s3 =	sadd.s32 $0x88, s3;
	s6 =	simm.s32 @!p1 $0x1082;
	[sflag:s4] =	ssyncset.s32 $0xFFFFF086  }
0x25: {  	[simem:s6], [sflag:s4] =	dma.local [hbm:s3], $0xF7A  }
0x26: {  	[smem:$0x3F9D] =	sst s1;
	(tag) =	ssettag s2;
	_ =	strace s9  }
0x27: {  	s1 =	sld [smem:$0x3FAD]  }
0x28: {  	s2 =	sld [smem:$0x3FAE]  }
0x29: {  	s4 =	sld [smem:$0x3FB0]  }
0x2a: {  	p0 =	seq.s32 s5, $0x0;
	s5 =	sld [smem:$0x3FB1]  }
0x2b: {  	s6 =	sld [smem:$0x3FB2]  }
0x2c: {  	s7 =	sld [smem:$0x3FB3]  }
0x2d: {  	s3 =	simm.s32 $0x108;
	s8 =	sld [smem:$0x3FB4]  }
0x2e: {  	s3 =	simm.s32 @!p0 $0x1082;
	s9 =	sld [smem:$0x3FB5]  }
0x2f: {  	lr =	sadd.s32 s0, s3;
	s0 =	sld [smem:$0x3FAC]  }
0x30: {  	s3 =	sld [smem:$0x3FAF]  }
0x31: {  	[smem:$0x3FB8] =	sst s10  }
0x32: {  	s10 =	sld [smem:$0x3FB6];
	_ =	sdelay $0x3  }
0x33: {  	p0 =	seq.s32 s10, $0x1;
	s10 =	sld [smem:$0x3FB8];
	_ =	sdelay $0x3  }
0x34: {  	[smem:$0x3FB8] =	sst s10  }
0x35: {  	s10 =	sld [smem:$0x3FB7];
	_ =	sdelay $0x3  }
0x36: {  	p1 =	seq.s32 s10, $0x1;
	s10 =	sld [smem:$0x3FB8];
	_ =	sdelay $0x3  }
0x37: {  	[smem:$0x3FB8] =	sst s10  }
0x38: {  	s10 =	sld [smem:$0x3FB9]  }
0x39: {  	_ = 	snop;
	(pc) =	sbr.ind lr, $3  }
0x3a: {  	_ = 	snop  }
0x3b: {  	_ = 	snop  }
0x3c: {  	p2 =	seq.s32 s10, $0x1;
	s10 =	sld [smem:$0x3FB8]  }
0x3d: {  	_ =	shalt  }
0x3e: {  	_ =	shalt  }
0x3f: {  	_ =	shalt  }
0x40: {  	_ =	shalt  }
0x41: {  	_ =	shalt  }
0x42: {  	_ =	shalt  }
0x43: {  	_ =	shalt  }
0x44: {  	_ =	shalt  }
0x45: {  	_ =	shalt  }
0x46: {  	_ =	shalt  }
0x47: {  	_ =	shalt  }
0x48: {  	_ =	shalt  }
0x49: {  	_ =	shalt  }
0x4a: {  	_ =	shalt  }
0x4b: {  	_ =	shalt  }
0x4c: {  	_ =	shalt  }
0x4d: {  	_ =	shalt  }
0x4e: {  	_ =	shalt  }
0x4f: {  	_ =	shalt  }
0x50: {  	_ =	shalt  }
0x51: {  	_ =	shalt  }
0x52: {  	_ =	shalt  }
0x53: {  	_ =	shalt  }
0x54: {  	_ =	shalt  }
0x55: {  	_ =	shalt  }
0x56: {  	_ =	shalt  }
0x57: {  	_ =	shalt  }
0x58: {  	_ =	shalt  }
0x59: {  	_ =	shalt  }
0x5a: {  	_ =	shalt  }
0x5b: {  	_ =	shalt  }
0x5c: {  	_ =	shalt  }
0x5d: {  	_ =	shalt  }
0x5e: {  	_ =	shalt  }
0x5f: {  	_ =	shalt  }
0x60: {  	_ =	shalt  }
0x61: {  	_ =	shalt  }
0x62: {  	_ =	shalt  }
0x63: {  	_ =	shalt  }
0x64: {  	_ =	shalt  }
0x65: {  	_ =	shalt  }
0x66: {  	_ =	shalt  }
0x67: {  	_ =	shalt  }
0x68: {  	_ =	shalt  }
0x69: {  	_ =	shalt  }
0x6a: {  	_ =	shalt  }
0x6b: {  	_ =	shalt  }
0x6c: {  	_ =	shalt  }
0x6d: {  	_ =	shalt  }
0x6e: {  	_ =	shalt  }
0x6f: {  	_ =	shalt  }
0x70: {  	_ =	shalt  }
0x71: {  	_ =	shalt  }
0x72: {  	_ =	shalt  }
0x73: {  	_ =	shalt  }
0x74: {  	_ =	shalt  }
0x75: {  	_ =	shalt  }
0x76: {  	_ =	shalt  }
0x77: {  	_ =	shalt  }
0x78: {  	_ =	shalt  }
0x79: {  	_ =	shalt  }
0x7a: {  	_ =	shalt  }
0x7b: {  	_ =	shalt  }
0x7c: {  	_ =	shalt  }
0x7d: {  	_ =	shalt  }
0x7e: {  	_ =	shalt  }
0x7f: {  	_ =	shalt  }
0x80: {  	_ =	shalt  }
0x81: {  	_ =	shalt  }
0x82: {  	_ =	shalt  }
0x83: {  	_ =	shalt  }
0x84: {  	_ =	shalt  }
0x85: {  	_ =	shalt  }
0x86: {  	_ =	shalt  }
0x87: {  	_ =	shalt  }
.Lfunc_end0:
.L_simem_size_0:
called_computation_lowered:
.L_overlay_start_0:
0x88: {  	s2 =	sld [smem:$0x3FD9]  }
0x89: {  	s3 =	sld [smem:$0x3FFE];
	_ =	sdelay $0x1  }
0x8a: {  	s1 =	srdreg.scid  }
0x8b: {  	s0 =	sand.u32 $0x1, s1  }
0x8c: {  	s17 =	sshll.u32 s0, $0xA;
	s2 =	sadd.s32 s3, s2  }
0x8d: {  	s2 =	sadd.s32 s2, s17  }
0x8e: {  	[smem:$0x3FC4] =	sst s2  }
0x8f: {  	_ = 	snop  }
0x90: {  	s2 =	sld [smem:$0x3FC9]  }
0x91: {  	s18 =	sld [smem:$0x3FC8];
	(tm) =	ssettm $0x1  }
0x92: {  	s4 =	sld [smem:$0x3FFB];
	_ =	sdelay $0x3  }
0x93: {  	_ =	strace s4  }
0x94: {  	s4 =	sld [smem:$0x3FFC];
	_ =	sdelay $0x3  }
0x95: {  	_ =	strace s4  }
0x96: {  	s4 =	sld [smem:$0x3FFD];
	_ =	sdelay $0x3  }
0x97: {  	_ =	strace s4  }
0x98: {  	_ =	strace $0x8FFFFFFF  }
0x99: {  	s19 =	sld [smem:$0x3FDB];
	_ =	sdelay $0x1  }
0x9a: {  	s5 =	simm.s32 $_scs_section_size  }
0x9b: {  	s6 =	simm.s32 $_size__tile_overlayer_lowered;
	s7 =	simm.s32 $_tile_overlayer_lowered  }
0x9c: {  	s22 =	simm.s32 $0x1BFF;
	s21 =	sshll.u32 s7, $0x1;
	s4 =	sadd.s32 s5, s19  }
0x9d: {  	s8 =	simm.s32 $0x0;
	s20 =	sshll.u32 s6, $0x1;
	s6 =	sadd.s32 s21, s4  }
0x9e: {  	[timem:s8], [sflag:s22] =	dma.local [hbm:s6], s20  }
0x9f: {  	_ =	swait.ge [sflag:s22], s20  }
0xa0: {  	s5 =	ssub.s32 $0x0, s20;
	[sflag:s22] =	ssyncset.done $0x0  }
0xa1: {  	[sflag:s22] =	ssyncadd.s32 s5;
	_ =	sdelay $0x1  }
0xa2: {  	s23 =	simm.s32 $0x1B8B  }
0xa3: {  	_ =	swait.ge [sflag:s23], $0x1  }
0xa4: {  	[sflag:s23] =	ssyncset.done $0x0  }
0xa5: {  	s25 =	simm.s32 $0x1B8E;
	s24 =	sld [smem:$0x3FFE];
	[sflag:s23] =	ssyncadd.s32 $0xFFFFFFFF  }
0xa6: {  	s26 =	simm.s32 $execute0_lowered;
	[smem:$0x3FD2] =	sst s25  }
0xa7: {  	s6 =	sshll.u32 s26, $0x1;
	_ =	strace $0x80000046;
	[dreg:$0x1] =	wrdreg $0xFFFFFFFF  }
0xa8: {  	s28 =	simm.s32 $_size_execute0_lowered;
	s4 =	sadd.s32 s4, s6;
	[dreg:$0x0] =	wrdreg $0x0  }
0xa9: {  	s6 =	sshll.u32 s28, $0x1;
	[dreg:$0x2] =	wrdreg s4  }
0xaa: {  	[dreg:$0x3] =	wrdreg s6  }
0xab: {  	[dreg:$0x4] =	wrdreg $0xC0  }
0xac: {  	_ =	task [dreg:s8], $0x5FFFF  }
0xad: {  	[dreg:$0x1] =	wrdreg $0xFFFFFFFF  }
0xae: {  	[dreg:$0x0] =	wrdreg $0x60  }
0xaf: {  	[dreg:$0x2] =	wrdreg s18  }
0xb0: {  	[dreg:$0x3] =	wrdreg s24  }
0xb1: {  	[dreg:$0x4] =	wrdreg s2  }
0xb2: {  	[dreg:$0x5] =	wrdreg $0x9  }
0xb3: {  	_ =	task.clear_ibuf [dreg:s8], $0x6FFFF;
	_ =	strace $0x90000046  }
0xb4: {  	s29 =	simm.s32 $0x9;
	_ =	strace $0x80000048  }
0xb5: {  	_ =	swait.ge [sflag:s29], $0x1  }
0xb6: {  	[sflag:s29] =	ssyncadd.s32 $0xFFFFFFFF  }
0xb7: {  	_ =	strace $0x90000048  }
0xb8: {  	_ =	sfence  }
0xb9: {  	s30 =	sld [smem:$0x0];
	_ =	sdelay $0x2  }
0xba: {  	s31 =	sshll.u32 s1, $0xD;
	s1 =	sshrl.u32 s1, $0x2  }
0xbb: {  	s3 =	sand.u32 $0x4000, s31;
	s1 =	sadd.s32 s1, s30  }
0xbc: {  	s0 =	sor.u32 s3, s0;
	s1 =	sshll.u32 s1, $0x11  }
0xbd: {  	s0 =	sor.u32 s1, s0  }
0xbe: {  	s0 =	sadd.s32 $0x8F2B, s0  }
0xbf: {  	[sflag:s0] =	ssyncadd.remote.s32 $0x1  }
0xc0: {  	_ =	sfence.sel $0xFFFF  }
0xc1: {  	[dreg:$0x0] =	wrdreg $0xFFFFFFFF;
	(pc) =	sbr.abs _section_cstart, $3  }
0xc2: {  	[dreg:$0x1] =	wrdreg $0xFFFFFFFF  }
0xc3: {  	_ =	task.clear_ibuf [dreg:s8], $0x2FFFF;
	_ =	strace $0x9FFFFFFF  }
0xc4: {  	(tm) =	ssettm $0x7FFFFFFF  }
0xc5: {  	_ =	shalt  }
tec
execute0_lowered:
.L_overlay_start_1:
0x0: {  	(tag) =	ssettag $0x1  }
0x1: {  	s1 =	rddreg [dreg:$0x0];
	s5 =	simm.s32 $0x0;
	v0 =	vlaneseq.u32  }
0x2: {  	[smem:$0x7FF] =	sst s5;
	v3 =	vor.u32 $0x10, v0  }
0x3: {  	s2 =	rddreg [dreg:$0x1];
	_ =	strace $0x80000047;
	[tilespmem:$0x1FC20] =	vst v3;
	v3 =	vor.u32 $0x20, v0  }
0x4: {  	[tilespmem:$0x1FC30] =	vst v3;
	v3 =	vor.u32 $0x30, v0  }
0x5: {  	[tilespmem:$0x1FC40] =	vst v3;
	v3 =	vor.u32 $0x40, v0  }
0x6: {  	[tilespmem:$0x1FC50] =	vst v3;
	v3 =	vor.u32 $0x50, v0  }
0x7: {  	[tilespmem:$0x1FC60] =	vst v3;
	v3 =	vor.u32 $0x60, v0  }
0x8: {  	[tilespmem:$0x1FC70] =	vst v3;
	v3 =	vor.u32 $0x70, v0  }
0x9: {  	[tilespmem:$0x1FC80] =	vst v3;
	v3 =	vor.u32 $0x80, v0  }
0xa: {  	[tilespmem:$0x1FC90] =	vst v3;
	v3 =	vor.u32 $0x90, v0  }
0xb: {  	[tilespmem:$0x1FCA0] =	vst v3;
	v3 =	vor.u32 $0xA0, v0  }
0xc: {  	[tilespmem:$0x1FCB0] =	vst v3;
	v3 =	vor.u32 $0xB0, v0  }
0xd: {  	[tilespmem:$0x1FCC0] =	vst v3;
	v3 =	vor.u32 $0xC0, v0  }
0xe: {  	[tilespmem:$0x1FCD0] =	vst v3;
	v3 =	vor.u32 $0xD0, v0  }
0xf: {  	[tilespmem:$0x1FCE0] =	vst v3;
	v3 =	vor.u32 $0xE0, v0  }
0x10: {  	[tilespmem:$0x1FCF0] =	vst v3;
	v3 =	vor.u32 $0xF0, v0  }
0x11: {  	[tilespmem:$0x1FD00] =	vst v3;
	v3 =	vor.u32 $0x100, v0  }
0x12: {  	[tilespmem:$0x1FD10] =	vst v3;
	v3 =	vor.u32 $0x110, v0  }
0x13: {  	[tilespmem:$0x1FD20] =	vst v3;
	v3 =	vor.u32 $0x120, v0  }
0x14: {  	[tilespmem:$0x1FD30] =	vst v3;
	v3 =	vor.u32 $0x130, v0  }
0x15: {  	[tilespmem:$0x1FD40] =	vst v3;
	v3 =	vor.u32 $0x140, v0  }
0x16: {  	[tilespmem:$0x1FD50] =	vst v3;
	v3 =	vor.u32 $0x150, v0  }
0x17: {  	[tilespmem:$0x1FD60] =	vst v3;
	v3 =	vor.u32 $0x160, v0  }
0x18: {  	[tilespmem:$0x1FD70] =	vst v3;
	v3 =	vor.u32 $0x170, v0  }
0x19: {  	[tilespmem:$0x1FD80] =	vst v3;
	v3 =	vor.u32 $0x180, v0  }
0x1a: {  	[tilespmem:$0x1FD90] =	vst v3;
	v3 =	vor.u32 $0x190, v0  }
0x1b: {  	[tilespmem:$0x1FDA0] =	vst v3;
	v3 =	vor.u32 $0x1A0, v0  }
0x1c: {  	[tilespmem:$0x1FDB0] =	vst v3;
	v3 =	vor.u32 $0x1B0, v0  }
0x1d: {  	[tilespmem:$0x1FDC0] =	vst v3;
	v3 =	vor.u32 $0x1C0, v0  }
0x1e: {  	[tilespmem:$0x1FDD0] =	vst v3;
	v3 =	vor.u32 $0x1D0, v0  }
0x1f: {  	[tilespmem:$0x1FDE0] =	vst v3;
	v3 =	vor.u32 $0x1E0, v0  }
0x20: {  	[tilespmem:$0x1FDF0] =	vst v3;
	v3 =	vor.u32 $0x1F0, v0  }
0x21: {  	[tilespmem:$0x1FE00] =	vst v3;
	v3 =	vor.u32 $0x200, v0  }
0x22: {  	[tilespmem:$0x1FE10] =	vst v3;
	v3 =	vor.u32 $0x210, v0  }
0x23: {  	[tilespmem:$0x1FE20] =	vst v3;
	v3 =	vor.u32 $0x220, v0  }
0x24: {  	[tilespmem:$0x1FE30] =	vst v3;
	v3 =	vor.u32 $0x230, v0  }
0x25: {  	[tilespmem:$0x1FE40] =	vst v3;
	v3 =	vor.u32 $0x240, v0  }
0x26: {  	[tilespmem:$0x1FE50] =	vst v3;
	v3 =	vor.u32 $0x250, v0  }
0x27: {  	[tilespmem:$0x1FE60] =	vst v3;
	v3 =	vor.u32 $0x260, v0  }
0x28: {  	[tilespmem:$0x1FE70] =	vst v3;
	v3 =	vor.u32 $0x270, v0  }
0x29: {  	[tilespmem:$0x1FE80] =	vst v3;
	v3 =	vor.u32 $0x280, v0  }
0x2a: {  	[tilespmem:$0x1FE90] =	vst v3;
	v3 =	vor.u32 $0x290, v0  }
0x2b: {  	[tilespmem:$0x1FEA0] =	vst v3;
	v3 =	vor.u32 $0x2A0, v0  }
0x2c: {  	[tilespmem:$0x1FEB0] =	vst v3;
	v3 =	vor.u32 $0x2B0, v0  }
0x2d: {  	[tilespmem:$0x1FEC0] =	vst v3;
	v3 =	vor.u32 $0x2C0, v0  }
0x2e: {  	[tilespmem:$0x1FED0] =	vst v3;
	v3 =	vor.u32 $0x2D0, v0  }
0x2f: {  	[tilespmem:$0x1FEE0] =	vst v3;
	v3 =	vor.u32 $0x2E0, v0  }
0x30: {  	[tilespmem:$0x1FEF0] =	vst v3;
	v3 =	vor.u32 $0x2F0, v0  }
0x31: {  	[tilespmem:$0x1FF00] =	vst v3;
	v3 =	vor.u32 $0x300, v0  }
0x32: {  	[tilespmem:$0x1FF10] =	vst v3;
	v3 =	vor.u32 $0x310, v0  }
0x33: {  	[tilespmem:$0x1FF20] =	vst v3;
	v3 =	vor.u32 $0x320, v0  }
0x34: {  	[tilespmem:$0x1FF30] =	vst v3;
	v3 =	vor.u32 $0x330, v0  }
0x35: {  	s0 =	srdreg.scid;
	s6 =	stileid.u32;
	s18 =	simm.s32 $0x1;
	[tilespmem:$0x1FF40] =	vst v3;
	v3 =	vor.u32 $0x340, v0  }
0x36: {  	s19 =	simm.s32 $0xC00;
	s0 =	sand.u32 $0x1, s0;
	s3 =	sshll.u32 s6, $0x1;
	[tilespmem:$0x1FF50] =	vst v3;
	v3 =	vor.u32 $0x350, v0  }
0x37: {  	s6 =	sshll.u32 s6, $0x6;
	s28 =	sadd.s32 $0x1600, s2;
	s29 =	sadd.s32 $0x5600, s2;
	[tilespmem:$0x1FF60] =	vst v3;
	v3 =	vor.u32 $0x360, v0  }
0x38: {  	s7 =	sadd.s32 $0x100, s1;
	s8 =	sadd.s32 $0x200, s1;
	s9 =	sadd.s32 $0x300, s1;
	[tilespmem:$0x1FF70] =	vst v3;
	v3 =	vor.u32 $0x370, v0  }
0x39: {  	s10 =	sadd.s32 $0x400, s1;
	s11 =	sadd.s32 $0x500, s1;
	s12 =	sadd.s32 $0x600, s1;
	[tilespmem:$0x1FF80] =	vst v3;
	v3 =	vor.u32 $0x380, v0  }
0x3a: {  	s3 =	sor.u32 s0, s3;
	s26 =	sand.u32 $0x300, s6;
	s0 =	ssub.s32 $0x2, s0;
	[tilespmem:$0x1FF90] =	vst v3;
	v3 =	vor.u32 $0x390, v0  }
0x3b: {  	vm0 =	vmmov $0xffff;
	vm1 =	vmmov $0x1;
	s4 =	sshll.u32 s3, $0x1;
	s25 =	sshllo.u32 s3, $0x1;
	s3 =	sshll.u32 s3, $0x4;
	[tilespmem:$0x1FFA0] =	vst v3;
	v3 =	vor.u32 $0x3A0, v0  }
0x3c: {  	vm4 =	vmmov $0xf;
	vm5 =	vmmov $0x1f;
	[dreg:$0x4] =	wrdreg s28;
	s30 =	sshrl.u32 s0, $0x1;
	s3 =	sand.u32 $0x70, s3;
	[tilespmem:$0x1FFB0] =	vst v3;
	v3 =	vor.u32 $0x3B0, v0  }
.Ltmp0:
0x3d: {  	vm6 =	vmmov $0x3f;
	vm7 =	vmmov $0x7f;
	s0 =	ssub.s32 s0, s30;
	s3 =	sor.u32 s26, s3;
	[tilespmem:$0x1FFC0] =	vst v3;
	v3 =	vor.u32 $0x3C0, v0;
	(pc) =	sbr.rel .LBB2_1-.Ltmp0, $4  }
0x3e: {  	vm8 =	vmmov $0xff;
	vm9 =	vmmov $0x1ff;
	[dreg:$0x5] =	wrdreg s29;
	s0 =	smax.u32 s0, $0x1;
	s2 =	sadd.s32 s3, s2;
	[tilespmem:$0x1FFD0] =	vst v3;
	v3 =	vor.u32 $0x3D0, v0  }
0x3f: {  	vm10 =	vmmov $0x3ff;
	vm12 =	vmmov $0x7ff;
	s13 =	sadd.s32 $0x700, s1;
	[dreg:$0x8] =	wrdreg s0;
	s31 =	sadd.s32 $0x5800, s2;
	[tilespmem:$0x1FFE0] =	vst v3;
	v3 =	vimm.s32 $0x0  }
0x40: {  	vm13 =	vmmov $0x1fff;
	vm14 =	vmmov $0x3fff;
	s4 =	sadd.s32 $0x2, s4;
	s2 =	sadd.s32 $0x5C00, s2;
	[dreg:$0x6] =	wrdreg s31;
	v3 =	vsel vm1, $0xFFFFFFFF, v3  }
0x41: {  	vm15 =	vmmov $0x7fff;
	v1 =	vmov s25;
	v2 =	vmov s4;
	s3 =	simm.s32 $0x400;
	[dreg:$0x7] =	wrdreg s2;
	s2 =	simm.s32 $0x0;
	[tilespmem:$0x1FFF0] =	vst v3  }
.LBB2_10:
0x42: {  	s0 =	rddreg [dreg:$0x6];
	s3 =	simm.s32 $0x400  }
0x43: {  	s2 =	simm.s32 $0x80;
	s4 =	simm.s32 $0x19400;
	s28 =	simm.s32 $0x5  }
0x44: {  	[hbm4b:s0+s2] =	stream.strided.scatter [tilespmem:s4], [sflag:$0x5], $0x100, s3, s2, $0x38;
	[tilespmem:$0x19600] =	vst v63  }
0x45: {  	_ =	swait.ge [sflag:s28], $0x100  }
0x46: {  	[sflag:s28] =	ssyncset.done $0x0  }
0x47: {  	s5 =	simm.s32 $0x19500;
	s29 =	rddreg [dreg:$0x7];
	[sflag:s28] =	ssyncadd.s32 $0xFFFFFF00  }
0x48: {  	[hbm4b:s29+s2] =	stream.strided.scatter [tilespmem:s5], [sflag:$0x5], $0x100, s3, s2, $0x38;
	[tilespmem:$0x19600] =	vst v63  }
0x49: {  	_ =	swait.ge [sflag:s28], $0x100  }
0x4a: {  	s30 =	rddreg [dreg:$0x9]  }
0x4b: {  	s31 =	rddreg [dreg:$0x8];
	s2 =	sadd.s32 $0x1, s30  }
0x4c: {  	p0 =	sne.s32 s2, s31  }
.Ltmp1:
0x4d: {  	_ = 	snop;
	(pc) =	sbr.rel @!p0 .LBB2_11-.Ltmp1, $3  }
0x4e: {  	_ =	sdelay $0x1  }
0x4f: {  	[sflag:s28] =	ssyncset.done $0x0  }
0x50: {  	[sflag:s28] =	ssyncadd.s32 $0xFFFFFF00  }
.LBB2_1:
0x51: {  	[dreg:$0x9] =	wrdreg s2  }
0x52: {  	s2 =	simm.s32 $0x0;
	s0 =	rddreg [dreg:$0x5]  }
0x53: {  	[tilespmem:s2], [sflag:$0x1] =	stream.linear.gather [hbm4b:s0+s2], $0x400, $0x38;
	[tilespmem:$0x19600] =	vst v63  }
0x54: {  	s6 =	rddreg [dreg:$0x2]  }
0x55: {  	[tilespmem:s3], [sflag:$0x4] =	stream.linear.gather [hbm4b:s6+s2], $0x800, $0x38;
	[tilespmem:$0x19600] =	vst v63  }
0x56: {  	_ =	swait.ge [sflag:s18], $0x400  }
0x57: {  	[sflag:s18] =	ssyncset.done $0x0  }
0x58: {  	[sflag:s18] =	ssyncadd.s32 $0xFFFFFC00  }
0x59: {  	v5 =	vld [tilespmem:$0x0]  }
0x5a: {  	v6 =	vld [tilespmem:$0x10]  }
0x5b: {  	v3 =	vld [tilespmem:$0x1FC20]  }
0x5c: {  	v7 =	vld [tilespmem:$0x20]  }
0x5d: {  	v4 =	vld [tilespmem:$0x1FC30];
	_ =	sdelay $0x1  }
0x5e: {  	vm1 =	veq.s32 v5, v1;
	vm2 =	veq.s32 v5, v2;
	vm3 =	veq.s32 v6, v1  }
0x5f: {  	v8 =	vnsel vm1, $0x0, v0;
	v9 =	vnsel vm2, $0x0, v0;
	vm1 =	veq.s32 v6, v2  }
0x60: {  	v5 =	vld [tilespmem:$0x30];
	vm2 =	veq.s32 v7, v1;
	v6 =	vnsel vm1, $0x0, v3;
	vm1 =	veq.s32 v7, v2  }
0x61: {  	v32 =	vnsel vm2, $0x0, v4;
	v33 =	vnsel vm1, $0x0, v4;
	v4 =	vld [tilespmem:$0x1FC40];
	_ =	sdelay $0x3  }
0x62: {  	v11 =	vld [tilespmem:$0x40];
	vm1 =	veq.s32 v5, v1;
	vm2 =	veq.s32 v5, v2  }
0x63: {  	v5 =	vnsel vm1, $0x0, v4;
	v34 =	vnsel vm2, $0x0, v4;
	v4 =	vld [tilespmem:$0x1FC50];
	_ =	sdelay $0x1  }
0x64: {  	v10 =	vnsel vm3, $0x0, v3  }
0x65: {  	v8 =	vadd.s32 v8, v10  }
0x66: {  	v8 =	vadd.s32 v32, v8;
	vm1 =	veq.s32 v11, v1  }
0x67: {  	v7 =	vld [tilespmem:$0x50];
	v5 =	vadd.s32 v5, v8;
	v8 =	vnsel vm1, $0x0, v4;
	vm1 =	veq.s32 v11, v2  }
0x68: {  	v5 =	vadd.s32 v8, v5;
	v8 =	vnsel vm1, $0x0, v4;
	v4 =	vld [tilespmem:$0x1FC60];
	_ =	sdelay $0x1  }
0x69: {  	v6 =	vadd.s32 v9, v6  }
0x6a: {  	v6 =	vadd.s32 v33, v6  }
0x6b: {  	v35 =	vld [tilespmem:$0x60];
	vm2 =	veq.s32 v7, v1;
	v6 =	vadd.s32 v34, v6;
	vm1 =	veq.s32 v7, v2  }
0x6c: {  	v6 =	vadd.s32 v8, v6;
	v37 =	vnsel vm2, $0x0, v4;
	v8 =	vnsel vm1, $0x0, v4;
	v4 =	vld [tilespmem:$0x1FC70];
	_ =	sdelay $0x3  }
0x6d: {  	v36 =	vld [tilespmem:$0x70];
	vm1 =	veq.s32 v35, v1;
	vm2 =	veq.s32 v35, v2  }
0x6e: {  	v6 =	vadd.s32 v8, v6;
	v8 =	vnsel vm1, $0x0, v4;
	v10 =	vnsel vm2, $0x0, v4;
	v4 =	vld [tilespmem:$0x1FC80];
	_ =	sdelay $0x3  }
0x6f: {  	v5 =	vadd.s32 v37, v5;
	vm1 =	veq.s32 v36, v1  }
0x70: {  	v7 =	vld [tilespmem:$0x80];
	v5 =	vadd.s32 v8, v5;
	v8 =	vnsel vm1, $0x0, v4;
	vm1 =	veq.s32 v36, v2  }
0x71: {  	v5 =	vadd.s32 v8, v5;
	v8 =	vnsel vm1, $0x0, v4;
	v4 =	vld [tilespmem:$0x1FC90];
	_ =	sdelay $0x3  }
0x72: {  	v38 =	vld [tilespmem:$0x90];
	vm2 =	veq.s32 v7, v1;
	v6 =	vadd.s32 v10, v6;
	vm1 =	veq.s32 v7, v2  }
0x73: {  	v6 =	vadd.s32 v8, v6;
	v40 =	vnsel vm2, $0x0, v4;
	v8 =	vnsel vm1, $0x0, v4;
	v4 =	vld [tilespmem:$0x1FCA0];
	_ =	sdelay $0x3  }
0x74: {  	v39 =	vld [tilespmem:$0xA0];
	vm1 =	veq.s32 v38, v1;
	vm2 =	veq.s32 v38, v2  }
0x75: {  	v6 =	vadd.s32 v8, v6;
	v8 =	vnsel vm1, $0x0, v4;
	v41 =	vnsel vm2, $0x0, v4;
	v4 =	vld [tilespmem:$0x1FCB0];
	_ =	sdelay $0x3  }
0x76: {  	v5 =	vadd.s32 v40, v5;
	vm1 =	veq.s32 v39, v1  }
0x77: {  	v7 =	vld [tilespmem:$0xB0];
	v5 =	vadd.s32 v8, v5;
	v8 =	vnsel vm1, $0x0, v4;
	vm1 =	veq.s32 v39, v2  }
0x78: {  	v5 =	vadd.s32 v8, v5;
	v8 =	vnsel vm1, $0x0, v4;
	v4 =	vld [tilespmem:$0x1FCC0];
	_ =	sdelay $0x3  }
0x79: {  	v42 =	vld [tilespmem:$0xC0];
	vm2 =	veq.s32 v7, v1;
	v6 =	vadd.s32 v41, v6;
	vm1 =	veq.s32 v7, v2  }
0x7a: {  	v6 =	vadd.s32 v8, v6;
	v44 =	vnsel vm2, $0x0, v4;
	v8 =	vnsel vm1, $0x0, v4;
	v4 =	vld [tilespmem:$0x1FCD0];
	_ =	sdelay $0x3  }
0x7b: {  	v43 =	vld [tilespmem:$0xD0];
	vm1 =	veq.s32 v42, v1;
	vm2 =	veq.s32 v42, v2  }
0x7c: {  	v6 =	vadd.s32 v8, v6;
	v8 =	vnsel vm1, $0x0, v4;
	v45 =	vnsel vm2, $0x0, v4;
	v4 =	vld [tilespmem:$0x1FCE0];
	_ =	sdelay $0x3  }
0x7d: {  	v5 =	vadd.s32 v44, v5;
	vm1 =	veq.s32 v43, v1  }
0x7e: {  	v7 =	vld [tilespmem:$0xE0];
	v5 =	vadd.s32 v8, v5;
	v8 =	vnsel vm1, $0x0, v4;
	vm1 =	veq.s32 v43, v2  }
0x7f: {  	v5 =	vadd.s32 v8, v5;
	v8 =	vnsel vm1, $0x0, v4;
	v4 =	vld [tilespmem:$0x1FCF0];
	_ =	sdelay $0x3  }
0x80: {  	v46 =	vld [tilespmem:$0xF0];
	vm2 =	veq.s32 v7, v1;
	v6 =	vadd.s32 v45, v6;
	vm1 =	veq.s32 v7, v2  }
0x81: {  	v6 =	vadd.s32 v8, v6;
	v48 =	vnsel vm2, $0x0, v4;
	v8 =	vnsel vm1, $0x0, v4;
	v4 =	vld [tilespmem:$0x1FD00];
	_ =	sdelay $0x3  }
0x82: {  	v47 =	vld [tilespmem:$0x100];
	vm1 =	veq.s32 v46, v1;
	vm2 =	veq.s32 v46, v2  }
0x83: {  	v6 =	vadd.s32 v8, v6;
	v8 =	vnsel vm1, $0x0, v4;
	v49 =	vnsel vm2, $0x0, v4;
	v4 =	vld [tilespmem:$0x1FD10];
	_ =	sdelay $0x3  }
0x84: {  	v5 =	vadd.s32 v48, v5;
	vm1 =	veq.s32 v47, v1  }
0x85: {  	v7 =	vld [tilespmem:$0x110];
	v5 =	vadd.s32 v8, v5;
	v8 =	vnsel vm1, $0x0, v4;
	vm1 =	veq.s32 v47, v2  }
0x86: {  	v5 =	vadd.s32 v8, v5;
	v8 =	vnsel vm1, $0x0, v4;
	v4 =	vld [tilespmem:$0x1FD20];
	_ =	sdelay $0x3  }
0x87: {  	v50 =	vld [tilespmem:$0x120];
	vm2 =	veq.s32 v7, v1;
	v6 =	vadd.s32 v49, v6;
	vm1 =	veq.s32 v7, v2  }
0x88: {  	v6 =	vadd.s32 v8, v6;
	v52 =	vnsel vm2, $0x0, v4;
	v8 =	vnsel vm1, $0x0, v4;
	v4 =	vld [tilespmem:$0x1FD30];
	_ =	sdelay $0x3  }
0x89: {  	v51 =	vld [tilespmem:$0x130];
	vm1 =	veq.s32 v50, v1;
	vm2 =	veq.s32 v50, v2  }
0x8a: {  	v6 =	vadd.s32 v8, v6;
	v8 =	vnsel vm1, $0x0, v4;
	v53 =	vnsel vm2, $0x0, v4;
	v4 =	vld [tilespmem:$0x1FD40];
	_ =	sdelay $0x3  }
0x8b: {  	v5 =	vadd.s32 v52, v5;
	vm1 =	veq.s32 v51, v1  }
0x8c: {  	v7 =	vld [tilespmem:$0x140];
	v5 =	vadd.s32 v8, v5;
	v8 =	vnsel vm1, $0x0, v4;
	vm1 =	veq.s32 v51, v2  }
0x8d: {  	v5 =	vadd.s32 v8, v5;
	v8 =	vnsel vm1, $0x0, v4;
	v4 =	vld [tilespmem:$0x1FD50];
	_ =	sdelay $0x3  }
0x8e: {  	v54 =	vld [tilespmem:$0x150];
	vm2 =	veq.s32 v7, v1;
	v6 =	vadd.s32 v53, v6;
	vm1 =	veq.s32 v7, v2  }
0x8f: {  	v6 =	vadd.s32 v8, v6;
	v56 =	vnsel vm2, $0x0, v4;
	v8 =	vnsel vm1, $0x0, v4;
	v4 =	vld [tilespmem:$0x1FD60];
	_ =	sdelay $0x3  }
0x90: {  	v55 =	vld [tilespmem:$0x160];
	vm1 =	veq.s32 v54, v1;
	vm2 =	veq.s32 v54, v2  }
0x91: {  	v6 =	vadd.s32 v8, v6;
	v8 =	vnsel vm1, $0x0, v4;
	v57 =	vnsel vm2, $0x0, v4;
	v4 =	vld [tilespmem:$0x1FD70];
	_ =	sdelay $0x3  }
0x92: {  	v5 =	vadd.s32 v56, v5;
	vm1 =	veq.s32 v55, v1  }
0x93: {  	v7 =	vld [tilespmem:$0x170];
	v5 =	vadd.s32 v8, v5;
	v8 =	vnsel vm1, $0x0, v4;
	vm1 =	veq.s32 v55, v2  }
0x94: {  	v5 =	vadd.s32 v8, v5;
	v8 =	vnsel vm1, $0x0, v4;
	v4 =	vld [tilespmem:$0x1FD80];
	_ =	sdelay $0x3  }
0x95: {  	v58 =	vld [tilespmem:$0x180];
	vm2 =	veq.s32 v7, v1;
	v6 =	vadd.s32 v57, v6;
	vm1 =	veq.s32 v7, v2  }
0x96: {  	v6 =	vadd.s32 v8, v6;
	v60 =	vnsel vm2, $0x0, v4;
	v8 =	vnsel vm1, $0x0, v4;
	v4 =	vld [tilespmem:$0x1FD90];
	_ =	sdelay $0x3  }
0x97: {  	v59 =	vld [tilespmem:$0x190];
	vm1 =	veq.s32 v58, v1;
	vm2 =	veq.s32 v58, v2  }
0x98: {  	v6 =	vadd.s32 v8, v6;
	v8 =	vnsel vm1, $0x0, v4;
	v61 =	vnsel vm2, $0x0, v4;
	v4 =	vld [tilespmem:$0x1FDA0];
	_ =	sdelay $0x3  }
0x99: {  	v5 =	vadd.s32 v60, v5;
	vm1 =	veq.s32 v59, v1  }
0x9a: {  	v7 =	vld [tilespmem:$0x1A0];
	v5 =	vadd.s32 v8, v5;
	v8 =	vnsel vm1, $0x0, v4;
	vm1 =	veq.s32 v59, v2  }
0x9b: {  	v5 =	vadd.s32 v8, v5;
	v8 =	vnsel vm1, $0x0, v4;
	v4 =	vld [tilespmem:$0x1FDB0];
	_ =	sdelay $0x3  }
0x9c: {  	v62 =	vld [tilespmem:$0x1B0];
	vm2 =	veq.s32 v7, v1;
	v6 =	vadd.s32 v61, v6;
	vm1 =	veq.s32 v7, v2  }
0x9d: {  	v6 =	vadd.s32 v8, v6;
	v12 =	vnsel vm2, $0x0, v4;
	v8 =	vnsel vm1, $0x0, v4;
	v4 =	vld [tilespmem:$0x1FDC0];
	_ =	sdelay $0x3  }
0x9e: {  	v63 =	vld [tilespmem:$0x1C0];
	vm1 =	veq.s32 v62, v1;
	vm2 =	veq.s32 v62, v2  }
0x9f: {  	v6 =	vadd.s32 v8, v6;
	v8 =	vnsel vm1, $0x0, v4;
	v13 =	vnsel vm2, $0x0, v4;
	v4 =	vld [tilespmem:$0x1FDD0];
	_ =	sdelay $0x3  }
0xa0: {  	v5 =	vadd.s32 v12, v5;
	vm1 =	veq.s32 v63, v1  }
0xa1: {  	v7 =	vld [tilespmem:$0x1D0];
	v5 =	vadd.s32 v8, v5;
	v8 =	vnsel vm1, $0x0, v4;
	vm1 =	veq.s32 v63, v2  }
0xa2: {  	v5 =	vadd.s32 v8, v5;
	v8 =	vnsel vm1, $0x0, v4;
	v4 =	vld [tilespmem:$0x1FDE0];
	_ =	sdelay $0x3  }
0xa3: {  	v14 =	vld [tilespmem:$0x1E0];
	vm2 =	veq.s32 v7, v1;
	v6 =	vadd.s32 v13, v6;
	vm1 =	veq.s32 v7, v2  }
0xa4: {  	v6 =	vadd.s32 v8, v6;
	v16 =	vnsel vm2, $0x0, v4;
	v8 =	vnsel vm1, $0x0, v4;
	v4 =	vld [tilespmem:$0x1FDF0];
	_ =	sdelay $0x3  }
0xa5: {  	v15 =	vld [tilespmem:$0x1F0];
	vm1 =	veq.s32 v14, v1;
	vm2 =	veq.s32 v14, v2  }
0xa6: {  	v6 =	vadd.s32 v8, v6;
	v8 =	vnsel vm1, $0x0, v4;
	v17 =	vnsel vm2, $0x0, v4;
	v4 =	vld [tilespmem:$0x1FE00];
	_ =	sdelay $0x3  }
0xa7: {  	v5 =	vadd.s32 v16, v5;
	vm1 =	veq.s32 v15, v1  }
0xa8: {  	v7 =	vld [tilespmem:$0x200];
	v5 =	vadd.s32 v8, v5;
	v8 =	vnsel vm1, $0x0, v4;
	vm1 =	veq.s32 v15, v2  }
0xa9: {  	v5 =	vadd.s32 v8, v5;
	v8 =	vnsel vm1, $0x0, v4;
	v4 =	vld [tilespmem:$0x1FE10];
	_ =	sdelay $0x3  }
0xaa: {  	v18 =	vld [tilespmem:$0x210];
	vm2 =	veq.s32 v7, v1;
	v6 =	vadd.s32 v17, v6;
	vm1 =	veq.s32 v7, v2  }
0xab: {  	v6 =	vadd.s32 v8, v6;
	v20 =	vnsel vm2, $0x0, v4;
	v8 =	vnsel vm1, $0x0, v4;
	v4 =	vld [tilespmem:$0x1FE20];
	_ =	sdelay $0x3  }
0xac: {  	v19 =	vld [tilespmem:$0x220];
	vm1 =	veq.s32 v18, v1;
	vm2 =	veq.s32 v18, v2  }
0xad: {  	v6 =	vadd.s32 v8, v6;
	v8 =	vnsel vm1, $0x0, v4;
	v21 =	vnsel vm2, $0x0, v4;
	v4 =	vld [tilespmem:$0x1FE30];
	_ =	sdelay $0x3  }
0xae: {  	v5 =	vadd.s32 v20, v5;
	vm1 =	veq.s32 v19, v1  }
0xaf: {  	v7 =	vld [tilespmem:$0x230];
	v5 =	vadd.s32 v8, v5;
	v8 =	vnsel vm1, $0x0, v4;
	vm1 =	veq.s32 v19, v2  }
0xb0: {  	v5 =	vadd.s32 v8, v5;
	v8 =	vnsel vm1, $0x0, v4;
	v4 =	vld [tilespmem:$0x1FE40];
	_ =	sdelay $0x3  }
0xb1: {  	v22 =	vld [tilespmem:$0x240];
	vm2 =	veq.s32 v7, v1;
	v6 =	vadd.s32 v21, v6;
	vm1 =	veq.s32 v7, v2  }
0xb2: {  	v6 =	vadd.s32 v8, v6;
	v24 =	vnsel vm2, $0x0, v4;
	v8 =	vnsel vm1, $0x0, v4;
	v4 =	vld [tilespmem:$0x1FE50];
	_ =	sdelay $0x3  }
0xb3: {  	v23 =	vld [tilespmem:$0x250];
	vm1 =	veq.s32 v22, v1;
	vm2 =	veq.s32 v22, v2  }
0xb4: {  	v6 =	vadd.s32 v8, v6;
	v8 =	vnsel vm1, $0x0, v4;
	v25 =	vnsel vm2, $0x0, v4;
	v4 =	vld [tilespmem:$0x1FE60];
	_ =	sdelay $0x3  }
0xb5: {  	v5 =	vadd.s32 v24, v5;
	vm1 =	veq.s32 v23, v1  }
0xb6: {  	v7 =	vld [tilespmem:$0x260];
	v5 =	vadd.s32 v8, v5;
	v8 =	vnsel vm1, $0x0, v4;
	vm1 =	veq.s32 v23, v2  }
0xb7: {  	v5 =	vadd.s32 v8, v5;
	v8 =	vnsel vm1, $0x0, v4;
	v4 =	vld [tilespmem:$0x1FE70];
	_ =	sdelay $0x3  }
0xb8: {  	v26 =	vld [tilespmem:$0x270];
	vm2 =	veq.s32 v7, v1;
	v6 =	vadd.s32 v25, v6;
	vm1 =	veq.s32 v7, v2  }
0xb9: {  	v6 =	vadd.s32 v8, v6;
	v28 =	vnsel vm2, $0x0, v4;
	v8 =	vnsel vm1, $0x0, v4;
	v4 =	vld [tilespmem:$0x1FE80];
	_ =	sdelay $0x3  }
0xba: {  	v27 =	vld [tilespmem:$0x280];
	vm1 =	veq.s32 v26, v1;
	vm2 =	veq.s32 v26, v2  }
0xbb: {  	v6 =	vadd.s32 v8, v6;
	v8 =	vnsel vm1, $0x0, v4;
	v29 =	vnsel vm2, $0x0, v4;
	v4 =	vld [tilespmem:$0x1FE90];
	_ =	sdelay $0x3  }
0xbc: {  	v5 =	vadd.s32 v28, v5;
	vm1 =	veq.s32 v27, v1  }
0xbd: {  	v7 =	vld [tilespmem:$0x290];
	v5 =	vadd.s32 v8, v5;
	v8 =	vnsel vm1, $0x0, v4;
	vm1 =	veq.s32 v27, v2  }
0xbe: {  	v5 =	vadd.s32 v8, v5;
	v8 =	vnsel vm1, $0x0, v4;
	v4 =	vld [tilespmem:$0x1FEA0];
	_ =	sdelay $0x3  }
0xbf: {  	v30 =	vld [tilespmem:$0x2A0];
	vm2 =	veq.s32 v7, v1;
	v6 =	vadd.s32 v29, v6;
	vm1 =	veq.s32 v7, v2  }
0xc0: {  	v6 =	vadd.s32 v8, v6;
	v32 =	vnsel vm2, $0x0, v4;
	v8 =	vnsel vm1, $0x0, v4;
	v4 =	vld [tilespmem:$0x1FEB0];
	_ =	sdelay $0x3  }
0xc1: {  	v31 =	vld [tilespmem:$0x2B0];
	vm1 =	veq.s32 v30, v1;
	vm2 =	veq.s32 v30, v2  }
0xc2: {  	v6 =	vadd.s32 v8, v6;
	v8 =	vnsel vm1, $0x0, v4;
	v33 =	vnsel vm2, $0x0, v4;
	v4 =	vld [tilespmem:$0x1FEC0];
	_ =	sdelay $0x3  }
0xc3: {  	v5 =	vadd.s32 v32, v5;
	vm1 =	veq.s32 v31, v1  }
0xc4: {  	v7 =	vld [tilespmem:$0x2C0];
	v5 =	vadd.s32 v8, v5;
	v8 =	vnsel vm1, $0x0, v4;
	vm1 =	veq.s32 v31, v2  }
0xc5: {  	v5 =	vadd.s32 v8, v5;
	v8 =	vnsel vm1, $0x0, v4;
	v4 =	vld [tilespmem:$0x1FED0];
	_ =	sdelay $0x3  }
0xc6: {  	v34 =	vld [tilespmem:$0x2D0];
	vm2 =	veq.s32 v7, v1;
	v6 =	vadd.s32 v33, v6;
	vm1 =	veq.s32 v7, v2  }
0xc7: {  	v6 =	vadd.s32 v8, v6;
	v36 =	vnsel vm2, $0x0, v4;
	v8 =	vnsel vm1, $0x0, v4;
	v4 =	vld [tilespmem:$0x1FEE0];
	_ =	sdelay $0x3  }
0xc8: {  	v35 =	vld [tilespmem:$0x2E0];
	vm1 =	veq.s32 v34, v1;
	vm2 =	veq.s32 v34, v2  }
0xc9: {  	v6 =	vadd.s32 v8, v6;
	v8 =	vnsel vm1, $0x0, v4;
	v37 =	vnsel vm2, $0x0, v4;
	v4 =	vld [tilespmem:$0x1FEF0];
	_ =	sdelay $0x3  }
0xca: {  	v5 =	vadd.s32 v36, v5;
	vm1 =	veq.s32 v35, v1  }
0xcb: {  	v7 =	vld [tilespmem:$0x2F0];
	v5 =	vadd.s32 v8, v5;
	v8 =	vnsel vm1, $0x0, v4;
	vm1 =	veq.s32 v35, v2  }
0xcc: {  	v5 =	vadd.s32 v8, v5;
	v8 =	vnsel vm1, $0x0, v4;
	v4 =	vld [tilespmem:$0x1FF00];
	_ =	sdelay $0x3  }
0xcd: {  	v38 =	vld [tilespmem:$0x300];
	vm2 =	veq.s32 v7, v1;
	v6 =	vadd.s32 v37, v6;
	vm1 =	veq.s32 v7, v2  }
0xce: {  	v6 =	vadd.s32 v8, v6;
	v40 =	vnsel vm2, $0x0, v4;
	v8 =	vnsel vm1, $0x0, v4;
	v4 =	vld [tilespmem:$0x1FF10];
	_ =	sdelay $0x3  }
0xcf: {  	v39 =	vld [tilespmem:$0x310];
	vm1 =	veq.s32 v38, v1;
	vm2 =	veq.s32 v38, v2  }
0xd0: {  	v6 =	vadd.s32 v8, v6;
	v8 =	vnsel vm1, $0x0, v4;
	v41 =	vnsel vm2, $0x0, v4;
	v4 =	vld [tilespmem:$0x1FF20];
	_ =	sdelay $0x3  }
0xd1: {  	v5 =	vadd.s32 v40, v5;
	vm1 =	veq.s32 v39, v1  }
0xd2: {  	v7 =	vld [tilespmem:$0x320];
	v5 =	vadd.s32 v8, v5;
	v8 =	vnsel vm1, $0x0, v4;
	vm1 =	veq.s32 v39, v2  }
0xd3: {  	v5 =	vadd.s32 v8, v5;
	v8 =	vnsel vm1, $0x0, v4;
	v4 =	vld [tilespmem:$0x1FF30];
	_ =	sdelay $0x3  }
0xd4: {  	v42 =	vld [tilespmem:$0x330];
	vm2 =	veq.s32 v7, v1;
	v6 =	vadd.s32 v41, v6;
	vm1 =	veq.s32 v7, v2  }
0xd5: {  	v6 =	vadd.s32 v8, v6;
	v44 =	vnsel vm2, $0x0, v4;
	v8 =	vnsel vm1, $0x0, v4;
	v4 =	vld [tilespmem:$0x1FF40];
	_ =	sdelay $0x3  }
0xd6: {  	v43 =	vld [tilespmem:$0x340];
	vm1 =	veq.s32 v42, v1;
	vm2 =	veq.s32 v42, v2  }
0xd7: {  	v6 =	vadd.s32 v8, v6;
	v8 =	vnsel vm1, $0x0, v4;
	v45 =	vnsel vm2, $0x0, v4;
	v4 =	vld [tilespmem:$0x1FF50];
	_ =	sdelay $0x3  }
0xd8: {  	v5 =	vadd.s32 v44, v5;
	vm1 =	veq.s32 v43, v1  }
0xd9: {  	v7 =	vld [tilespmem:$0x350];
	v5 =	vadd.s32 v8, v5;
	v8 =	vnsel vm1, $0x0, v4;
	vm1 =	veq.s32 v43, v2  }
0xda: {  	v5 =	vadd.s32 v8, v5;
	v8 =	vnsel vm1, $0x0, v4;
	v4 =	vld [tilespmem:$0x1FF60];
	_ =	sdelay $0x3  }
0xdb: {  	v46 =	vld [tilespmem:$0x360];
	vm2 =	veq.s32 v7, v1;
	v6 =	vadd.s32 v45, v6;
	vm1 =	veq.s32 v7, v2  }
0xdc: {  	v6 =	vadd.s32 v8, v6;
	v48 =	vnsel vm2, $0x0, v4;
	v8 =	vnsel vm1, $0x0, v4;
	v4 =	vld [tilespmem:$0x1FF70];
	_ =	sdelay $0x3  }
0xdd: {  	v47 =	vld [tilespmem:$0x370];
	vm1 =	veq.s32 v46, v1;
	vm2 =	veq.s32 v46, v2  }
0xde: {  	v6 =	vadd.s32 v8, v6;
	v8 =	vnsel vm1, $0x0, v4;
	v49 =	vnsel vm2, $0x0, v4;
	v4 =	vld [tilespmem:$0x1FF80];
	_ =	sdelay $0x3  }
0xdf: {  	v5 =	vadd.s32 v48, v5;
	vm1 =	veq.s32 v47, v1  }
0xe0: {  	v7 =	vld [tilespmem:$0x380];
	v5 =	vadd.s32 v8, v5;
	v8 =	vnsel vm1, $0x0, v4;
	vm1 =	veq.s32 v47, v2  }
0xe1: {  	v5 =	vadd.s32 v8, v5;
	v8 =	vnsel vm1, $0x0, v4;
	v4 =	vld [tilespmem:$0x1FF90];
	_ =	sdelay $0x3  }
0xe2: {  	v50 =	vld [tilespmem:$0x390];
	vm2 =	veq.s32 v7, v1;
	v6 =	vadd.s32 v49, v6;
	vm1 =	veq.s32 v7, v2  }
0xe3: {  	v6 =	vadd.s32 v8, v6;
	v52 =	vnsel vm2, $0x0, v4;
	v8 =	vnsel vm1, $0x0, v4;
	v4 =	vld [tilespmem:$0x1FFA0];
	_ =	sdelay $0x3  }
0xe4: {  	v51 =	vld [tilespmem:$0x3A0];
	vm1 =	veq.s32 v50, v1;
	vm2 =	veq.s32 v50, v2  }
0xe5: {  	v6 =	vadd.s32 v8, v6;
	v8 =	vnsel vm1, $0x0, v4;
	v53 =	vnsel vm2, $0x0, v4;
	v4 =	vld [tilespmem:$0x1FFB0];
	_ =	sdelay $0x3  }
0xe6: {  	v5 =	vadd.s32 v52, v5;
	vm1 =	veq.s32 v51, v1  }
0xe7: {  	v7 =	vld [tilespmem:$0x3B0];
	v5 =	vadd.s32 v8, v5;
	v8 =	vnsel vm1, $0x0, v4;
	vm1 =	veq.s32 v51, v2  }
0xe8: {  	v5 =	vadd.s32 v8, v5;
	v8 =	vnsel vm1, $0x0, v4;
	v4 =	vld [tilespmem:$0x1FFC0];
	_ =	sdelay $0x3  }
0xe9: {  	v54 =	vld [tilespmem:$0x3C0];
	vm2 =	veq.s32 v7, v1;
	v6 =	vadd.s32 v53, v6;
	vm1 =	veq.s32 v7, v2  }
0xea: {  	v6 =	vadd.s32 v8, v6;
	v56 =	vnsel vm2, $0x0, v4;
	v8 =	vnsel vm1, $0x0, v4;
	v4 =	vld [tilespmem:$0x1FFD0];
	_ =	sdelay $0x1  }
0xeb: {  	v55 =	vld [tilespmem:$0x3D0]  }
0xec: {  	v7 =	vld [tilespmem:$0x3E0]  }
0xed: {  	v58 =	vld [tilespmem:$0x3F0];
	vm1 =	veq.s32 v54, v1;
	vm2 =	veq.s32 v54, v2  }
0xee: {  	v6 =	vadd.s32 v8, v6;
	v8 =	vnsel vm1, $0x0, v4;
	v57 =	vnsel vm2, $0x0, v4;
	v4 =	vld [tilespmem:$0x1FFE0];
	_ =	sdelay $0x1  }
0xef: {  	v59 =	vor.u32 $0x3E0, v0  }
0xf0: {  	v5 =	vadd.s32 v56, v5;
	vm1 =	veq.s32 v55, v1;
	vm2 =	veq.s32 v7, v1  }
0xf1: {  	v5 =	vadd.s32 v8, v5;
	v6 =	vadd.s32 v57, v6;
	v60 =	vnsel vm2, $0x0, v59  }
0xf2: {  	vm2 =	veq.s32 v58, v1;
	v8 =	vnsel vm1, $0x0, v4;
	vm1 =	veq.s32 v55, v2  }
0xf3: {  	v5 =	vadd.s32 v8, v5;
	v8 =	vnsel vm1, $0x0, v4;
	vm1 =	veq.s32 v7, v2  }
0xf4: {  	v7 =	vor.u32 $0x3F0, v0;
	v6 =	vadd.s32 v8, v6;
	v5 =	vadd.s32 v60, v5  }
0xf5: {  	v8 =	vnsel vm1, $0x0, v59;
	vm1 =	veq.s32 v58, v2;
	v61 =	vnsel vm2, $0x0, v7  }
0xf6: {  	v6 =	vadd.s32 v8, v6;
	v5 =	vadd.s32 v61, v5;
	v7 =	vnsel vm1, $0x0, v7  }
0xf7: {  	v6 =	vadd.s32 v7, v6;
	(xrf0) =	vadd.scan.msk.s32 $0xffff, v5  }
0xf8: {  	(xrf0) =	vadd.scan.msk.s32 $0xffff, v6;
	_ =	sdelay $0x2  }
0xf9: {  	v4 =	vld [tilespmem:$0x1FFF0];
	_ =	sdelay $0x1  }
0xfa: {  	v5, _, _ =	vpop (xrf0)  }
0xfb: {  	v6, _, _ =	vpop (xrf0)  }
0xfc: {  	v5 =	vbroadcast v5, $0xF;
	v6 =	vbroadcast v6, $0xF  }
0xfd: {  	vm1 =	vnez.u8 v4  }
0xfe: {  	v5 =	vsel vm1, v5, v6;
	_ =	sdelay $0x3  }
0xff: {  	s14 =	rddreg [dreg:$0x4]  }
0x100: {  	[tilespmem:s19], [sflag:$0x1] =	stream.indirect_vreg.gather [hbm4b:s14+s2], $0x80, v5, vm0, $0xb8;
	[tilespmem:$0x19600] =	vst v63  }
0x101: {  	_ =	swait.ge [sflag:s18], $0x800  }
0x102: {  	[sflag:s18] =	ssyncset.done $0x0  }
0x103: {  	s15 =	simm.s32 $0x4;
	[sflag:s18] =	ssyncadd.s32 $0xFFFFF800  }
0x104: {  	_ =	swait.ge [sflag:s15], $0x800  }
0x105: {  	[sflag:s15] =	ssyncset.done $0x0  }
0x106: {  	[sflag:s15] =	ssyncadd.s32 $0xFFFFF800  }
0x107: {  	v5 =	vld.idx.msk [tilespmem:v0+s19+$0x0], $0xffff;
	_ =	sdelay $0x4  }
0x108: {  	v6 =	vshll.u32 v5, $0x4  }
0x109: {  	v5 =	vand.u32 $0x7, v5;
	v6 =	vand.u32 $0xFFFFFF80, v6  }
0x10a: {  	v4 =	vand.u32 $0x7, v0;
	v8 =	vor.u32 v5, v6;
	v6 =	vshrl.u32 v0, $0x3  }
0x10b: {  	v7 =	vperm.xlane v8, v4;
	v6 =	vmul.u32 $0x8, v6;
	_ =	sdelay $0x1  }
0x10c: {  	v62 =	vadd.s32 v6, v7;
	_ =	sdelay $0x3  }
0x10d: {  	s16 =	simm.s32 $0x1400  }
0x10e: {  	[tilespmem:s16], [sflag:$0x1] =	stream.indirect_vreg.gather [hbm4b:s1+s2], $0x80, v62, vm0, $0xb8;
	[tilespmem:$0x19600] =	vst v63  }
0x10f: {  	s17 =	simm.s32 $0x1C00  }
0x110: {  	[tilespmem:s17], [sflag:$0x1] =	stream.indirect_vreg.gather [hbm4b:s7+s2], $0x80, v62, vm0, $0xb8;
	[tilespmem:$0x19600] =	vst v63  }
0x111: {  	s20 =	simm.s32 $0x2400  }
0x112: {  	[tilespmem:s20], [sflag:$0x1] =	stream.indirect_vreg.gather [hbm4b:s8+s2], $0x80, v62, vm0, $0xb8;
	[tilespmem:$0x19600] =	vst v63  }
0x113: {  	s21 =	simm.s32 $0x2C00  }
0x114: {  	[tilespmem:s21], [sflag:$0x1] =	stream.indirect_vreg.gather [hbm4b:s9+s2], $0x80, v62, vm0, $0xb8;
	[tilespmem:$0x19600] =	vst v63  }
0x115: {  	s22 =	simm.s32 $0x3400  }
0x116: {  	v7 =	vor.u32 $0x8, v0;
	[tilespmem:s22], [sflag:$0x1] =	stream.indirect_vreg.gather [hbm4b:s10+s2], $0x80, v62, vm0, $0xb8;
	[tilespmem:$0x19600] =	vst v63  }
0x117: {  	s23 =	simm.s32 $0x3C00;
	v8 =	vperm.xlane v8, v7  }
0x118: {  	[tilespmem:s23], [sflag:$0x1] =	stream.indirect_vreg.gather [hbm4b:s11+s2], $0x80, v62, vm0, $0xb8;
	[tilespmem:$0x19600] =	vst v63  }
0x119: {  	s24 =	simm.s32 $0x4400;
	v8 =	vadd.s32 v6, v8  }
0x11a: {  	[tilespmem:s24], [sflag:$0x1] =	stream.indirect_vreg.gather [hbm4b:s12+s2], $0x80, v62, vm0, $0xb8;
	[tilespmem:$0x19600] =	vst v63  }
0x11b: {  	s25 =	simm.s32 $0x4C00  }
0x11c: {  	[tilespmem:s25], [sflag:$0x1] =	stream.indirect_vreg.gather [hbm4b:s13+s2], $0x80, v62, vm0, $0xb8;
	[tilespmem:$0x19600] =	vst v63  }
0x11d: {  	s26 =	simm.s32 $0x5400  }
0x11e: {  	[tilespmem:s26], [sflag:$0x1] =	stream.indirect_vreg.gather [hbm4b:s1+s2], $0x80, v8, vm0, $0xb8;
	[tilespmem:$0x19600] =	vst v63  }
0x11f: {  	s28 =	simm.s32 $0x5C00  }
0x120: {  	[tilespmem:s28], [sflag:$0x1] =	stream.indirect_vreg.gather [hbm4b:s7+s2], $0x80, v8, vm0, $0xb8;
	[tilespmem:$0x19600] =	vst v63  }
0x121: {  	s29 =	simm.s32 $0x6400  }
0x122: {  	[tilespmem:s29], [sflag:$0x1] =	stream.indirect_vreg.gather [hbm4b:s8+s2], $0x80, v8, vm0, $0xb8;
	[tilespmem:$0x19600] =	vst v63  }
0x123: {  	s30 =	simm.s32 $0x6C00  }
0x124: {  	[tilespmem:s30], [sflag:$0x1] =	stream.indirect_vreg.gather [hbm4b:s9+s2], $0x80, v8, vm0, $0xb8;
	[tilespmem:$0x19600] =	vst v63  }
0x125: {  	s31 =	simm.s32 $0x7400  }
0x126: {  	[tilespmem:s31], [sflag:$0x1] =	stream.indirect_vreg.gather [hbm4b:s10+s2], $0x80, v8, vm0, $0xb8;
	[tilespmem:$0x19600] =	vst v63  }
0x127: {  	s3 =	simm.s32 $0x7C00  }
0x128: {  	[tilespmem:s3], [sflag:$0x1] =	stream.indirect_vreg.gather [hbm4b:s11+s2], $0x80, v8, vm0, $0xb8;
	[tilespmem:$0x19600] =	vst v63  }
0x129: {  	s4 =	simm.s32 $0x8400  }
0x12a: {  	[tilespmem:s4], [sflag:$0x1] =	stream.indirect_vreg.gather [hbm4b:s12+s2], $0x80, v8, vm0, $0xb8;
	[tilespmem:$0x19600] =	vst v63  }
0x12b: {  	s5 =	simm.s32 $0x8C00  }
0x12c: {  	[tilespmem:s5], [sflag:$0x1] =	stream.indirect_vreg.gather [hbm4b:s13+s2], $0x80, v8, vm0, $0xb8;
	[tilespmem:$0x19600] =	vst v63  }
0x12d: {  	v8 =	vld.idx.msk [tilespmem:v3+s19+$0x0], $0xffff;
	_ =	sdelay $0x4  }
0x12e: {  	v63 =	vshll.u32 v8, $0x4  }
0x12f: {  	v8 =	vand.u32 $0x7, v8;
	v9 =	vand.u32 $0xFFFFFF80, v63  }
0x130: {  	v8 =	vor.u32 v8, v9  }
0x131: {  	v9 =	vperm.xlane v8, v4;
	_ =	sdelay $0x1  }
0x132: {  	v9 =	vadd.s32 v6, v9;
	_ =	sdelay $0x3  }
0x133: {  	s6 =	simm.s32 $0x9400  }
0x134: {  	[tilespmem:s6], [sflag:$0x2] =	stream.indirect_vreg.gather [hbm4b:s1+s2], $0x80, v9, vm0, $0xb8;
	[tilespmem:$0x19600] =	vst v63  }
0x135: {  	s14 =	simm.s32 $0x9C00  }
0x136: {  	[tilespmem:s14], [sflag:$0x2] =	stream.indirect_vreg.gather [hbm4b:s7+s2], $0x80, v9, vm0, $0xb8;
	[tilespmem:$0x19600] =	vst v63  }
0x137: {  	s15 =	simm.s32 $0xA400  }
0x138: {  	[tilespmem:s15], [sflag:$0x2] =	stream.indirect_vreg.gather [hbm4b:s8+s2], $0x80, v9, vm0, $0xb8;
	[tilespmem:$0x19600] =	vst v63  }
0x139: {  	s16 =	simm.s32 $0xAC00  }
0x13a: {  	[tilespmem:s16], [sflag:$0x2] =	stream.indirect_vreg.gather [hbm4b:s9+s2], $0x80, v9, vm0, $0xb8;
	[tilespmem:$0x19600] =	vst v63  }
0x13b: {  	s17 =	simm.s32 $0xB400  }
0x13c: {  	[tilespmem:s17], [sflag:$0x2] =	stream.indirect_vreg.gather [hbm4b:s10+s2], $0x80, v9, vm0, $0xb8;
	[tilespmem:$0x19600] =	vst v63  }
0x13d: {  	s20 =	simm.s32 $0xBC00;
	v8 =	vperm.xlane v8, v7  }
0x13e: {  	[tilespmem:s20], [sflag:$0x2] =	stream.indirect_vreg.gather [hbm4b:s11+s2], $0x80, v9, vm0, $0xb8;
	[tilespmem:$0x19600] =	vst v63  }
0x13f: {  	s21 =	simm.s32 $0xC400;
	v8 =	vadd.s32 v6, v8  }
0x140: {  	[tilespmem:s21], [sflag:$0x2] =	stream.indirect_vreg.gather [hbm4b:s12+s2], $0x80, v9, vm0, $0xb8;
	[tilespmem:$0x19600] =	vst v63  }
0x141: {  	s22 =	simm.s32 $0xCC00  }
0x142: {  	[tilespmem:s22], [sflag:$0x2] =	stream.indirect_vreg.gather [hbm4b:s13+s2], $0x80, v9, vm0, $0xb8;
	[tilespmem:$0x19600] =	vst v63  }
0x143: {  	s23 =	simm.s32 $0xD400  }
0x144: {  	[tilespmem:s23], [sflag:$0x2] =	stream.indirect_vreg.gather [hbm4b:s1+s2], $0x80, v8, vm0, $0xb8;
	[tilespmem:$0x19600] =	vst v63  }
0x145: {  	s24 =	simm.s32 $0xDC00  }
0x146: {  	[tilespmem:s24], [sflag:$0x2] =	stream.indirect_vreg.gather [hbm4b:s7+s2], $0x80, v8, vm0, $0xb8;
	[tilespmem:$0x19600] =	vst v63  }
0x147: {  	s25 =	simm.s32 $0xE400  }
0x148: {  	[tilespmem:s25], [sflag:$0x2] =	stream.indirect_vreg.gather [hbm4b:s8+s2], $0x80, v8, vm0, $0xb8;
	[tilespmem:$0x19600] =	vst v63  }
0x149: {  	s26 =	simm.s32 $0xEC00  }
0x14a: {  	[tilespmem:s26], [sflag:$0x2] =	stream.indirect_vreg.gather [hbm4b:s9+s2], $0x80, v8, vm0, $0xb8;
	[tilespmem:$0x19600] =	vst v63  }
0x14b: {  	s28 =	simm.s32 $0xF400  }
0x14c: {  	[tilespmem:s28], [sflag:$0x2] =	stream.indirect_vreg.gather [hbm4b:s10+s2], $0x80, v8, vm0, $0xb8;
	[tilespmem:$0x19600] =	vst v63  }
0x14d: {  	s29 =	simm.s32 $0xFC00  }
0x14e: {  	[tilespmem:s29], [sflag:$0x2] =	stream.indirect_vreg.gather [hbm4b:s11+s2], $0x80, v8, vm0, $0xb8;
	[tilespmem:$0x19600] =	vst v63  }
0x14f: {  	s30 =	simm.s32 $0x10400  }
0x150: {  	[tilespmem:s30], [sflag:$0x2] =	stream.indirect_vreg.gather [hbm4b:s12+s2], $0x80, v8, vm0, $0xb8;
	[tilespmem:$0x19600] =	vst v63  }
0x151: {  	[tilespmem:$0x1FC10] =	vst v4;
	s31 =	simm.s32 $0x10C00;
	s16 =	simm.s32 $0x0  }
0x152: {  	[tilespmem:s31], [sflag:$0x2] =	stream.indirect_vreg.gather [hbm4b:s13+s2], $0x80, v8, vm0, $0xb8;
	[tilespmem:$0x19600] =	vst v63  }
.LBB2_2:
0x153: {  	s0 =	smul.u32 $0x3, s16;
	_ =	sdelay $0x1  }
0x154: {  	p0 =	seq.s32 s16, $0x4;
	s20 =	sadd.s32 $0x2, s0  }
0x155: {  	s0 =	sshll.u32 @!p0 s20, $0x4  }
0x156: {  	v8 =	vmov @!p0 s0  }
0x157: {  	v8 =	vbroadcast @!p0 v8, $0x0  }
0x158: {  	v9 =	vlaneseq.u32 @!p0  }
0x159: {  	v8 =	vor.u32 @!p0 v9, v8  }
0x15a: {  	v10 =	vmulhi.u32 @!p0 $0x51EB851F, v8;
	_ =	sdelay $0x1  }
0x15b: {  	v10 =	vshrl.u32 @!p0 v10, $0x5  }
0x15c: {  	v11 =	vmul.u32 @!p0 $0xFFFFFF9C, v10;
	_ =	sdelay $0x1  }
0x15d: {  	v10 =	vshll.u32 @!p0 v10, $0x7;
	v8 =	vadd.s32 @!p0 v8, v11  }
0x15e: {  	v8 =	vor.u32 @!p0 v8, v10;
	_ =	sdelay $0x3  }
0x15f: {  	s0 =	simm.s32 @!p0 $0xC00  }
0x160: {  	v8 =	vld.idx.msk @!p0 [tilespmem:v8+s0+$0x0], $0xffff;
	_ =	sdelay $0x4  }
0x161: {  	v10 =	vshll.u32 @!p0 v8, $0x4  }
0x162: {  	v8 =	vand.u32 @!p0 $0x7, v8;
	v10 =	vand.u32 @!p0 $0xFFFFFF80, v10  }
0x163: {  	v11 =	vshrl.u32 @!p0 v9, $0x3;
	v8 =	vor.u32 @!p0 v8, v10;
	v10 =	vand.u32 @!p0 $0x7, v9  }
0x164: {  	v11 =	vmul.u32 @!p0 $0x8, v11;
	v10 =	vperm.xlane @!p0 v8, v10;
	_ =	sdelay $0x1  }
0x165: {  	v10 =	vadd.s32 @!p0 v11, v10;
	_ =	sdelay $0x3  }
0x166: {  	vm2 =	vmmov @!p0 $0xffff;
	s2 =	simm.s32 @!p0 $0x11400;
	s0 =	simm.s32 @!p0 $0x0  }
0x167: {  	[tilespmem:s2], [sflag:$0x3] =	stream.indirect_vreg.gather @!p0 [hbm4b:s1+s0], $0x80, v10, vm2, $0xb8;
	[tilespmem:$0x19600] =	vst v63  }
0x168: {  	s2 =	simm.s32 @!p0 $0x11C00  }
0x169: {  	[tilespmem:s2], [sflag:$0x3] =	stream.indirect_vreg.gather @!p0 [hbm4b:s7+s0], $0x80, v10, vm2, $0xb8;
	[tilespmem:$0x19600] =	vst v63  }
0x16a: {  	s2 =	simm.s32 @!p0 $0x12400  }
0x16b: {  	[tilespmem:s2], [sflag:$0x3] =	stream.indirect_vreg.gather @!p0 [hbm4b:s8+s0], $0x80, v10, vm2, $0xb8;
	[tilespmem:$0x19600] =	vst v63  }
0x16c: {  	s2 =	simm.s32 @!p0 $0x12C00  }
0x16d: {  	[tilespmem:s2], [sflag:$0x3] =	stream.indirect_vreg.gather @!p0 [hbm4b:s9+s0], $0x80, v10, vm2, $0xb8;
	[tilespmem:$0x19600] =	vst v63  }
0x16e: {  	s2 =	simm.s32 @!p0 $0x13400  }
0x16f: {  	v9 =	vor.u32 @!p0 $0x8, v9;
	[tilespmem:s2], [sflag:$0x3] =	stream.indirect_vreg.gather @!p0 [hbm4b:s10+s0], $0x80, v10, vm2, $0xb8;
	[tilespmem:$0x19600] =	vst v63  }
0x170: {  	v8 =	vperm.xlane @!p0 v8, v9;
	s2 =	simm.s32 @!p0 $0x13C00  }
0x171: {  	[tilespmem:s2], [sflag:$0x3] =	stream.indirect_vreg.gather @!p0 [hbm4b:s11+s0], $0x80, v10, vm2, $0xb8;
	[tilespmem:$0x19600] =	vst v63  }
0x172: {  	v8 =	vadd.s32 @!p0 v11, v8;
	s2 =	simm.s32 @!p0 $0x14400  }
0x173: {  	[tilespmem:s2], [sflag:$0x3] =	stream.indirect_vreg.gather @!p0 [hbm4b:s12+s0], $0x80, v10, vm2, $0xb8;
	[tilespmem:$0x19600] =	vst v63  }
0x174: {  	s2 =	simm.s32 @!p0 $0x14C00  }
0x175: {  	[tilespmem:s2], [sflag:$0x3] =	stream.indirect_vreg.gather @!p0 [hbm4b:s13+s0], $0x80, v10, vm2, $0xb8;
	[tilespmem:$0x19600] =	vst v63  }
0x176: {  	s2 =	simm.s32 @!p0 $0x15400  }
0x177: {  	[tilespmem:s2], [sflag:$0x3] =	stream.indirect_vreg.gather @!p0 [hbm4b:s1+s0], $0x80, v8, vm2, $0xb8;
	[tilespmem:$0x19600] =	vst v63  }
0x178: {  	s2 =	simm.s32 @!p0 $0x15C00  }
0x179: {  	[tilespmem:s2], [sflag:$0x3] =	stream.indirect_vreg.gather @!p0 [hbm4b:s7+s0], $0x80, v8, vm2, $0xb8;
	[tilespmem:$0x19600] =	vst v63  }
0x17a: {  	s2 =	simm.s32 @!p0 $0x16400  }
0x17b: {  	[tilespmem:s2], [sflag:$0x3] =	stream.indirect_vreg.gather @!p0 [hbm4b:s8+s0], $0x80, v8, vm2, $0xb8;
	[tilespmem:$0x19600] =	vst v63  }
0x17c: {  	s2 =	simm.s32 @!p0 $0x16C00  }
0x17d: {  	[tilespmem:s2], [sflag:$0x3] =	stream.indirect_vreg.gather @!p0 [hbm4b:s9+s0], $0x80, v8, vm2, $0xb8;
	[tilespmem:$0x19600] =	vst v63  }
0x17e: {  	s2 =	simm.s32 @!p0 $0x17400  }
0x17f: {  	[tilespmem:s2], [sflag:$0x3] =	stream.indirect_vreg.gather @!p0 [hbm4b:s10+s0], $0x80, v8, vm2, $0xb8;
	[tilespmem:$0x19600] =	vst v63  }
0x180: {  	s2 =	simm.s32 @!p0 $0x17C00  }
0x181: {  	[tilespmem:s2], [sflag:$0x3] =	stream.indirect_vreg.gather @!p0 [hbm4b:s11+s0], $0x80, v8, vm2, $0xb8;
	[tilespmem:$0x19600] =	vst v63  }
0x182: {  	s2 =	simm.s32 @!p0 $0x18400  }
0x183: {  	[tilespmem:s2], [sflag:$0x3] =	stream.indirect_vreg.gather @!p0 [hbm4b:s12+s0], $0x80, v8, vm2, $0xb8;
	[tilespmem:$0x19600] =	vst v63  }
0x184: {  	s25 =	simm.s32 $0x0;
	s2 =	simm.s32 @!p0 $0x18C00  }
0x185: {  	[tilespmem:s2], [sflag:$0x3] =	stream.indirect_vreg.gather @!p0 [hbm4b:s13+s0], $0x80, v8, vm2, $0xb8;
	[tilespmem:$0x19600] =	vst v63  }
0x186: {  	s3 =	simm.s32 $0x400;
	s4 =	sand.u32 $0x780, s25;
	_ =	swait.ge [sflag:s18], $0x8000  }
0x187: {  	s15 =	sadd.s32 $0x400, s4;
	s0 =	sand.u32 $0x40, s25;
	[sflag:s18] =	ssyncset.done $0x0  }
0x188: {  	s2 =	sand.u32 $0x3C00, s25;
	s21 =	sor.u32 $0x30, s0;
	[sflag:s18] =	ssyncadd.s32 $0xFFFF8000  }
0x189: {  	s14 =	sadd.s32 $0x1400, s2;
	s26 =	sor.u32 s21, s15;
	v9 =	vld [tilespmem:s3+$0x0]  }
0x18a: {  	s28 =	sor.u32 s21, s14;
	v8 =	vld [tilespmem:s26+$0x0]  }
0x18b: {  	v11 =	vld [tilespmem:s28+$0x0]  }
0x18c: {  	v12 =	vld [tilespmem:s28+$0x80]  }
0x18d: {  	s6 =	sadd.s32 $0x5400, s2;
	v14 =	vld [tilespmem:s28+$0x100]  }
0x18e: {  	s4 =	sadd.s32 $0x5480, s2;
	s29 =	sor.u32 s21, s6;
	v15 =	vld [tilespmem:s28+$0x180]  }
0x18f: {  	s25 =	sadd.s32 $0x5500, s2;
	s30 =	sor.u32 s21, s4;
	v16 =	vld [tilespmem:s29+$0x0]  }
0x190: {  	s24 =	sadd.s32 $0x5580, s2;
	s31 =	sor.u32 s21, s25;
	v17 =	vld [tilespmem:s30+$0x0]  }
0x191: {  	s22 =	sadd.s32 $0x5680, s2;
	s5 =	sor.u32 s21, s24;
	v18 =	vld [tilespmem:s31+$0x0]  }
0x192: {  	s23 =	sadd.s32 $0x5600, s2;
	s17 =	sor.u32 s21, s22;
	v19 =	vld [tilespmem:s5+$0x0]  }
0x193: {  	s5 =	sor.u32 s21, s23;
	s3 =	sor.u32 $0x20, s0;
	v21 =	vld [tilespmem:s17+$0x0]  }
0x194: {  	v20 =	vld [tilespmem:s5+$0x0];
	s26 =	sor.u32 s3, s15  }
0x195: {  	s28 =	sor.u32 s3, s6;
	v10 =	vld [tilespmem:s26+$0x0]  }
0x196: {  	s29 =	sor.u32 s3, s4;
	v26 =	vld [tilespmem:s28+$0x0]  }
0x197: {  	s30 =	sor.u32 s3, s25;
	v30 =	vld [tilespmem:s29+$0x0]  }
0x198: {  	s31 =	sor.u32 s3, s24;
	v31 =	vld [tilespmem:s30+$0x0]  }
0x199: {  	s17 =	sor.u32 s3, s23;
	v32 =	vld [tilespmem:s31+$0x0]  }
0x19a: {  	s26 =	sor.u32 s3, s14;
	v33 =	vld [tilespmem:s17+$0x0]  }
0x19b: {  	v22 =	vld [tilespmem:s26+$0x0]  }
0x19c: {  	v23 =	vld [tilespmem:s26+$0x80]  }
0x19d: {  	v24 =	vld [tilespmem:s26+$0x100]  }
0x19e: {  	s5 =	sor.u32 $0x10, s0;
	s28 =	sor.u32 s3, s22;
	v25 =	vld [tilespmem:s26+$0x180]  }
0x19f: {  	s15 =	sor.u32 s5, s15;
	v34 =	vld [tilespmem:s28+$0x0]  }
0x1a0: {  	s29 =	sor.u32 s5, s14;
	v13 =	vld [tilespmem:s15+$0x0]  }
0x1a1: {  	v35 =	vld [tilespmem:s29+$0x0]  }
0x1a2: {  	v36 =	vld [tilespmem:s29+$0x80]  }
0x1a3: {  	v37 =	vld [tilespmem:s29+$0x100]  }
0x1a4: {  	s31 =	sor.u32 s5, s4;
	v40 =	vld [tilespmem:s29+$0x180]  }
0x1a5: {  	s14 =	sor.u32 s0, s14;
	v43 =	vld [tilespmem:s31+$0x0]  }
0x1a6: {  	s4 =	sor.u32 s0, s4;
	v44 =	vld [tilespmem:s14+$0x180];
	v38 =	vmul.f32 v11, v8  }
0x1a7: {  	s30 =	sor.u32 s5, s6;
	v45 =	vld [tilespmem:s4+$0x0];
	v39 =	vmul.f32 v12, v8;
	v41 =	vmul.f32 v14, v8  }
0x1a8: {  	p1 =	por $0x0, $0x0;
	s15 =	simm.s32 $0x1;
	v42 =	vmul.f32 v15, v8;
	v14 =	vld [tilespmem:s30+$0x0];
	v27 =	vmul.f32 v16, v8  }
0x1a9: {  	s15 =	simm.s32 @!p1 $0x0;
	v29 =	vmul.f32 v17, v8;
	v15 =	vmul.f32 v19, v8;
	v19 =	vld [tilespmem:s14+$0x0]  }
0x1aa: {  	v11 =	vmul.f32 v21, v8;
	s15 =	sshll.u32 s15, $0x6;
	v12 =	vmul.f32 v20, v8;
	v20 =	vld [tilespmem:s14+$0x80]  }
0x1ab: {  	s6 =	sor.u32 s0, s6;
	v21 =	vmul.f32 v22, v10;
	v22 =	vmul.f32 v23, v10;
	v23 =	vld [tilespmem:s14+$0x100];
	s14 =	sadd.s32 $0x0, s15  }
0x1ac: {  	v16 =	vmul.f32 v18, v8;
	v28 =	vmul.f32 v26, v10;
	v26 =	vld [tilespmem:s6+$0x0];
	s15 =	sor.u32 $0x200, s14  }
0x1ad: {  	v30 =	vmul.f32 v30, v10;
	v17 =	vmul.f32 v33, v10;
	s17 =	sor.u32 $0x280, s14;
	v57 =	vld [tilespmem:s15+$0x1400]  }
0x1ae: {  	v24 =	vmul.f32 v24, v10;
	v25 =	vmul.f32 v25, v10;
	s26 =	sor.u32 $0x300, s14;
	v60 =	vld [tilespmem:s17+$0x1400]  }
0x1af: {  	v18 =	vmul.f32 v34, v10;
	v58 =	vmul.f32 v35, v13;
	s28 =	sor.u32 $0x380, s14;
	s6 =	sadd.s32 $0x30, s14;
	v46 =	vld [tilespmem:s26+$0x1400]  }
0x1b0: {  	v59 =	vmul.f32 v36, v13;
	v37 =	vmul.f32 v37, v13;
	v48 =	vld [tilespmem:s28+$0x1400];
	s29 =	sor.u32 $0x200, s6  }
0x1b1: {  	v44 =	vmul.f32 v44, v9;
	v47 =	vmul.f32 v14, v13;
	s15 =	sadd.s32 $0x20, s14;
	s30 =	sor.u32 $0x280, s6;
	v49 =	vld [tilespmem:s29+$0x1400]  }
0x1b2: {  	v19 =	vmul.f32 v19, v9;
	v14 =	vimm.f32 $0.0e+00;
	s31 =	sor.u32 $0x200, s15;
	v50 =	vmul.f32 v26, v9;
	v26 =	vld [tilespmem:s30+$0x1400]  }
0x1b3: {  	v40 =	vmul.f32 v40, v13;
	s17 =	sadd.s32 $0x10, s14;
	v20 =	vmul.f32 v20, v9;
	s28 =	sor.u32 $0x280, s15;
	v44 =	vadd.f32 v44, v14;
	v51 =	vld [tilespmem:s31+$0x1400]  }
0x1b4: {  	v43 =	vmul.f32 v43, v13;
	v45 =	vmul.f32 v45, v9;
	s29 =	sor.u32 $0x200, s17;
	v19 =	vadd.f32 v19, v14;
	v52 =	vld [tilespmem:s28+$0x1400]  }
0x1b5: {  	v53 =	vld [tilespmem:s29+$0x1400];
	s30 =	sor.u32 $0x280, s17;
	v23 =	vmul.f32 v23, v9;
	v20 =	vadd.f32 v20, v14;
	v62 =	vadd.f32 v40, v44  }
0x1b6: {  	s31 =	sor.u32 $0x300, s17;
	v61 =	vld [tilespmem:s30+$0x1400];
	v19 =	vadd.f32 v58, v19;
	v33 =	vmul.f32 v57, v9;
	v36 =	vmul.f32 v60, v9  }
0x1b7: {  	s29 =	sor.u32 $0x380, s6;
	v63 =	vld [tilespmem:s31+$0x1400];
	v46 =	vmul.f32 v46, v9;
	v23 =	vadd.f32 v23, v14;
	v20 =	vadd.f32 v59, v20  }
0x1b8: {  	s30 =	sor.u32 s0, s25;
	v55 =	vld [tilespmem:s29+$0x1400];
	v48 =	vmul.f32 v48, v9;
	v35 =	vmul.f32 v49, v8;
	v19 =	vadd.f32 v21, v19  }
0x1b9: {  	s31 =	sor.u32 s0, s24;
	v58 =	vld [tilespmem:s30+$0x0];
	v23 =	vadd.f32 v37, v23;
	v44 =	vmul.f32 v26, v8;
	v20 =	vadd.f32 v22, v20  }
0x1ba: {  	s4 =	sor.u32 $0x380, s17;
	v59 =	vld [tilespmem:s31+$0x0];
	v49 =	vmul.f32 v51, v10;
	v22 =	vadd.f32 v25, v62;
	v33 =	vadd.f32 v33, v14  }
0x1bb: {  	s28 =	sor.u32 $0x300, s6;
	v26 =	vld [tilespmem:s4+$0x1400];
	v25 =	vmul.f32 v53, v13;
	v36 =	vadd.f32 v36, v14;
	v56 =	vadd.f32 v46, v14  }
0x1bc: {  	s14 =	sor.u32 s5, s24;
	v53 =	vld [tilespmem:s28+$0x1400];
	v57 =	vadd.f32 v48, v14;
	v19 =	vadd.f32 v38, v19;
	v34 =	vmul.f32 v61, v13  }
0x1bd: {  	s17 =	sor.u32 $0x300, s15;
	v54 =	vmul.f32 v63, v13;
	v63 =	vld [tilespmem:s14+$0x0];
	v21 =	vadd.f32 v24, v23;
	v20 =	vadd.f32 v39, v20  }
0x1be: {  	s26 =	sor.u32 $0x380, s15;
	v23 =	vmul.f32 v52, v10;
	v24 =	vld [tilespmem:s17+$0x1400];
	v22 =	vadd.f32 v42, v22;
	v25 =	vadd.f32 v25, v33  }
0x1bf: {  	s6 =	sor.u32 s5, s25;
	v52 =	vld [tilespmem:s26+$0x1400];
	v60 =	vadd.f32 v34, v36;
	v61 =	vadd.f32 v54, v56;
	v54 =	vmul.f32 v58, v9  }
0x1c0: {  	v62 =	vld [tilespmem:s6+$0x0];
	v56 =	vmul.f32 v59, v9;
	v58 =	vadd.f32 v50, v14;
	v59 =	vadd.f32 v45, v14  }
0x1c1: {  	s15 =	sor.u32 s5, s23;
	v21 =	vadd.f32 v41, v21;
	v25 =	vadd.f32 v49, v25;
	v26 =	vmul.f32 v26, v13  }
0x1c2: {  	v38 =	vld [tilespmem:s15+$0x0];
	s17 =	sor.u32 s5, s22;
	v23 =	vadd.f32 v23, v60;
	v51 =	vmul.f32 v53, v8;
	v53 =	vmul.f32 v55, v8  }
0x1c3: {  	s24 =	sor.u32 s0, s22;
	s25 =	sadd.s32 $0x5700, s2;
	v55 =	vld [tilespmem:s17+$0x0];
	v34 =	vadd.f32 v43, v59;
	v39 =	vmul.f32 v63, v13;
	v63 =	vadd.f32 v47, v58  }
0x1c4: {  	s26 =	sor.u32 s0, s25;
	v60 =	vld [tilespmem:s24+$0x0];
	v24 =	vmul.f32 v24, v10;
	v26 =	vadd.f32 v26, v57;
	v37 =	vmul.f32 v52, v10  }
0x1c5: {  	v36 =	vmul.f32 v62, v13;
	v62 =	vld [tilespmem:s26+$0x0];
	v30 =	vadd.f32 v30, v34;
	v28 =	vadd.f32 v28, v63  }
0x1c6: {  	v31 =	vmul.f32 v31, v10;
	v24 =	vadd.f32 v24, v61;
	v52 =	vadd.f32 v37, v26  }
0x1c7: {  	v32 =	vmul.f32 v32, v10;
	s23 =	sor.u32 s0, s23;
	s4 =	sadd.s32 $0x5780, s2;
	v26 =	vadd.f32 v35, v25;
	v25 =	vadd.f32 v44, v23  }
0x1c8: {  	s0 =	sor.u32 s0, s4;
	v40 =	vmul.f32 v38, v13;
	v57 =	vld [tilespmem:s23+$0x0];
	v61 =	vadd.f32 v54, v14;
	v35 =	vadd.f32 v56, v14  }
0x1c9: {  	s28 =	sor.u32 s5, s25;
	v33 =	vld [tilespmem:s0+$0x0];
	v41 =	vmul.f32 v55, v13;
	v45 =	vmul.f32 v60, v9;
	v28 =	vadd.f32 v27, v28  }
0x1ca: {  	s29 =	sor.u32 s5, s4;
	v43 =	vld [tilespmem:s28+$0x0];
	v38 =	vmul.f32 v62, v9;
	v36 =	vadd.f32 v36, v61;
	v35 =	vadd.f32 v39, v35  }
0x1cb: {  	s30 =	sor.u32 s3, s25;
	v42 =	vld [tilespmem:s29+$0x0];
	v27 =	vadd.f32 v29, v30;
	v30 =	vimm.f32 $0.0e+00;
	v24 =	vadd.f32 v51, v24  }
0x1cc: {  	s31 =	sor.u32 s3, s4;
	s22 =	simm.s32 $0x0;
	s0 =	sor.u32 s21, s25;
	v29 =	vimm.f32 $0.0e+00;
	v46 =	vadd.f32 v31, v36;
	v39 =	vadd.f32 v32, v35;
	v36 =	vld [tilespmem:s30+$0x0]  }
0x1cd: {  	s25 =	simm.s32 $0x440;
	s24 =	simm.s32 $0x40;
	s23 =	simm.s32 $0x200;
	v37 =	vld [tilespmem:s31+$0x0];
	v23 =	vadd.f32 v53, v52;
	v44 =	vmul.f32 v57, v9;
	v31 =	vimm.f32 $0.0e+00  }
.LBB2_3:
0x1ce: {  	s26 =	sand.u32 $0x40, s24;
	s2 =	sand.u32 $0x780, s24;
	v34 =	vmul.f32 v33, v9;
	v32 =	vadd.f32 v16, v46;
	v33 =	vadd.f32 v15, v39;
	v15 =	vld [tilespmem:s0+$0x0];
	s0 =	sor.u32 s21, s4  }
0x1cf: {  	s28 =	sand.u32 $0x3C00, s23;
	v14 =	vadd.f32 v44, v14;
	v16 =	vadd.f32 v45, v31;
	s4 =	sadd.s32 $0x400, s2;
	s21 =	sor.u32 $0x30, s26;
	v31 =	vmul.f32 v43, v13;
	v35 =	vld [tilespmem:s0+$0x0]  }
0x1d0: {  	s5 =	sadd.s32 $0x1400, s28;
	v30 =	vadd.f32 v38, v30;
	v9 =	vld [tilespmem:s25+$0x0];
	s0 =	sor.u32 s21, s4;
	v29 =	vadd.f32 v34, v29;
	v13 =	vmul.f32 v42, v13  }
0x1d1: {  	v14 =	vadd.f32 v40, v14;
	v16 =	vadd.f32 v41, v16;
	v34 =	vld [tilespmem:s0+$0x0];
	s0 =	sor.u32 s21, s5;
	v36 =	vmul.f32 v36, v10  }
0x1d2: {  	v30 =	vadd.f32 v31, v30;
	v38 =	vld [tilespmem:s0+$0x0];
	v13 =	vadd.f32 v13, v29;
	v10 =	vmul.f32 v37, v10  }
0x1d3: {  	v14 =	vadd.f32 v17, v14;
	v16 =	vadd.f32 v18, v16;
	v37 =	vld [tilespmem:s0+$0x80];
	v15 =	vmul.f32 v15, v8  }
0x1d4: {  	s6 =	sadd.s32 $0x5400, s28;
	v18 =	vadd.f32 v36, v30;
	v17 =	vld [tilespmem:s0+$0x100];
	v10 =	vadd.f32 v10, v13;
	v3 =	vmul.f32 v35, v8  }
0x1d5: {  	s14 =	sadd.s32 $0x5480, s28;
	s2 =	sor.u32 s21, s6;
	v14 =	vadd.f32 v12, v14;
	v31 =	vadd.f32 v11, v16;
	v35 =	vld [tilespmem:s0+$0x180]  }
0x1d6: {  	s0 =	sadd.s32 $0x5500, s28;
	v30 =	vadd.f32 v15, v18;
	v11 =	vld [tilespmem:s2+$0x0];
	s2 =	sor.u32 s21, s14;
	v29 =	vadd.f32 v3, v10;
	v8 =	vmov v34  }
0x1d7: {  	s3 =	sadd.s32 $0x5580, s28;
	v12 =	vld [tilespmem:s2+$0x0];
	s2 =	sor.u32 s21, s0  }
0x1d8: {  	s31 =	sadd.s32 $0x5600, s28;
	v15 =	vld [tilespmem:s2+$0x0];
	s2 =	sor.u32 s21, s3  }
0x1d9: {  	s30 =	sadd.s32 $0x5680, s28;
	v18 =	vld [tilespmem:s2+$0x0];
	s2 =	sor.u32 s21, s31  }
0x1da: {  	s29 =	sor.u32 $0x20, s26;
	v36 =	vld [tilespmem:s2+$0x0];
	s2 =	sor.u32 s21, s30  }
0x1db: {  	s15 =	sor.u32 s29, s4;
	v39 =	vld [tilespmem:s2+$0x0]  }
0x1dc: {  	s2 =	sor.u32 s29, s5;
	v10 =	vld [tilespmem:s15+$0x0]  }
0x1dd: {  	v40 =	vld [tilespmem:s2+$0x0]  }
0x1de: {  	v41 =	vld [tilespmem:s2+$0x80]  }
0x1df: {  	v42 =	vld [tilespmem:s2+$0x100]  }
0x1e0: {  	v43 =	vld [tilespmem:s2+$0x180];
	s2 =	sor.u32 s29, s6  }
0x1e1: {  	v44 =	vld [tilespmem:s2+$0x0];
	s2 =	sor.u32 s29, s14  }
0x1e2: {  	v45 =	vld [tilespmem:s2+$0x0];
	s2 =	sor.u32 s29, s0  }
0x1e3: {  	v46 =	vld [tilespmem:s2+$0x0];
	s2 =	sor.u32 s29, s3  }
0x1e4: {  	s15 =	sor.u32 s29, s31;
	v47 =	vld [tilespmem:s2+$0x0]  }
0x1e5: {  	s2 =	sor.u32 $0x10, s26;
	v48 =	vld [tilespmem:s15+$0x0];
	s15 =	sor.u32 s29, s30  }
0x1e6: {  	s4 =	sor.u32 s2, s4;
	v49 =	vld [tilespmem:s15+$0x0]  }
0x1e7: {  	v13 =	vld [tilespmem:s4+$0x0];
	s4 =	sor.u32 s2, s5  }
0x1e8: {  	v50 =	vld [tilespmem:s4+$0x0]  }
0x1e9: {  	v51 =	vld [tilespmem:s4+$0x80]  }
0x1ea: {  	v53 =	vmul.f32 v38, v8;
	v54 =	vmul.f32 v37, v8;
	v52 =	vld [tilespmem:s4+$0x100]  }
0x1eb: {  	v56 =	vmul.f32 v17, v8;
	v57 =	vmul.f32 v35, v8;
	v55 =	vld [tilespmem:s4+$0x180];
	s4 =	sor.u32 s2, s6  }
0x1ec: {  	v34 =	vmul.f32 v11, v8;
	v35 =	vmul.f32 v12, v8;
	v58 =	vld [tilespmem:s4+$0x0];
	s4 =	sor.u32 s2, s14  }
0x1ed: {  	v16 =	vmul.f32 v15, v8;
	v15 =	vmul.f32 v18, v8;
	s5 =	sor.u32 s26, s5;
	v59 =	vld [tilespmem:s4+$0x0]  }
0x1ee: {  	v12 =	vmul.f32 v36, v8;
	v11 =	vmul.f32 v39, v8;
	v60 =	vld [tilespmem:s5+$0x0]  }
0x1ef: {  	p1 =	por !p1, !p1;
	v62 =	vmul.f32 v40, v10;
	v63 =	vmul.f32 v41, v10;
	s4 =	simm.s32 $0x1;
	v61 =	vld [tilespmem:s5+$0x80]  }
0x1f0: {  	v42 =	vmul.f32 v42, v10;
	v43 =	vmul.f32 v43, v10;
	s4 =	simm.s32 @!p1 $0x0;
	v3 =	vld [tilespmem:s5+$0x100]  }
0x1f1: {  	v36 =	vmul.f32 v44, v10;
	v37 =	vmul.f32 v45, v10;
	s4 =	sshll.u32 s4, $0x6;
	v4 =	vld [tilespmem:s5+$0x180];
	s5 =	sor.u32 s26, s6  }
0x1f2: {  	v38 =	vmul.f32 v46, v10;
	v39 =	vmul.f32 v47, v10;
	s6 =	sadd.s32 s4, s23;
	s4 =	sor.u32 s26, s14;
	v44 =	vld [tilespmem:s5+$0x0]  }
0x1f3: {  	v17 =	vmul.f32 v48, v10;
	v18 =	vmul.f32 v49, v10;
	s5 =	sor.u32 $0x200, s6;
	v45 =	vld [tilespmem:s4+$0x0]  }
0x1f4: {  	v47 =	vmul.f32 v50, v13;
	v48 =	vmul.f32 v51, v13;
	s4 =	sor.u32 $0x280, s6;
	v46 =	vld [tilespmem:s5+$0x1400]  }
0x1f5: {  	v50 =	vmul.f32 v52, v13;
	v51 =	vmul.f32 v55, v13;
	v49 =	vld [tilespmem:s4+$0x1400];
	s4 =	sor.u32 $0x300, s6  }
0x1f6: {  	v40 =	vmul.f32 v58, v13;
	v41 =	vmul.f32 v59, v13;
	s5 =	sor.u32 $0x380, s6;
	v52 =	vld [tilespmem:s4+$0x1400];
	s4 =	sadd.s32 $0x30, s6  }
0x1f7: {  	v55 =	vmul.f32 v60, v9;
	v58 =	vmul.f32 v61, v9;
	v59 =	vld [tilespmem:s5+$0x1400];
	s5 =	sor.u32 $0x200, s4  }
0x1f8: {  	s14 =	sadd.s32 $0x20, s6;
	v3 =	vmul.f32 v3, v9;
	v4 =	vmul.f32 v4, v9;
	v60 =	vld [tilespmem:s5+$0x1400];
	s5 =	sor.u32 $0x280, s4  }
0x1f9: {  	s15 =	sor.u32 $0x200, s14;
	v44 =	vmul.f32 v44, v9;
	v45 =	vmul.f32 v45, v9;
	v61 =	vld [tilespmem:s5+$0x1400]  }
0x1fa: {  	v46 =	vmul.f32 v46, v9;
	s5 =	sadd.s32 $0x10, s6;
	s6 =	sor.u32 $0x280, s14;
	v49 =	vmul.f32 v49, v9;
	v5 =	vld [tilespmem:s15+$0x1400]  }
0x1fb: {  	v19 =	vadd.f32 v55, v19;
	v20 =	vadd.f32 v58, v20;
	s15 =	sor.u32 $0x200, s5;
	v52 =	vmul.f32 v52, v9;
	v55 =	vld [tilespmem:s6+$0x1400]  }
0x1fc: {  	v3 =	vadd.f32 v3, v21;
	v4 =	vadd.f32 v4, v22;
	s6 =	sor.u32 $0x280, s5;
	v58 =	vmul.f32 v59, v9;
	v21 =	vld [tilespmem:s15+$0x1400]  }
0x1fd: {  	v19 =	vadd.f32 v47, v19;
	v20 =	vadd.f32 v48, v20;
	v22 =	vld [tilespmem:s6+$0x1400];
	s6 =	sor.u32 $0x300, s5;
	v47 =	vmul.f32 v60, v8  }
0x1fe: {  	v3 =	vadd.f32 v50, v3;
	v4 =	vadd.f32 v51, v4;
	s5 =	sor.u32 $0x380, s5;
	v48 =	vld [tilespmem:s6+$0x1400];
	v50 =	vmul.f32 v61, v8  }
0x1ff: {  	v19 =	vadd.f32 v62, v19;
	v20 =	vadd.f32 v63, v20;
	v51 =	vld [tilespmem:s5+$0x1400];
	v5 =	vmul.f32 v5, v10;
	s5 =	sor.u32 $0x300, s14  }
0x200: {  	v3 =	vadd.f32 v42, v3;
	v4 =	vadd.f32 v43, v4;
	v42 =	vmul.f32 v55, v10;
	v43 =	vld [tilespmem:s5+$0x1400];
	s5 =	sor.u32 $0x380, s14  }
0x201: {  	v19 =	vadd.f32 v53, v19;
	v20 =	vadd.f32 v54, v20;
	v55 =	vmul.f32 v21, v13;
	v59 =	vld [tilespmem:s5+$0x1400];
	s5 =	sor.u32 $0x300, s4  }
0x202: {  	v21 =	vadd.f32 v56, v3;
	s4 =	sor.u32 $0x380, s4;
	v53 =	vmul.f32 v22, v13;
	v22 =	vadd.f32 v57, v4;
	v3 =	vld [tilespmem:s5+$0x1400]  }
0x203: {  	v25 =	vadd.f32 v49, v25;
	v4 =	vadd.f32 v46, v26;
	s5 =	sor.u32 s26, s0;
	v26 =	vmul.f32 v48, v13;
	v46 =	vld [tilespmem:s4+$0x1400]  }
0x204: {  	v24 =	vadd.f32 v52, v24;
	v23 =	vadd.f32 v58, v23;
	s4 =	sor.u32 s26, s3;
	v48 =	vld [tilespmem:s5+$0x0];
	v49 =	vmul.f32 v51, v13  }
0x205: {  	s0 =	sor.u32 s2, s0;
	v4 =	vadd.f32 v55, v4;
	v25 =	vadd.f32 v53, v25;
	v51 =	vld [tilespmem:s4+$0x0];
	v43 =	vmul.f32 v43, v10  }
0x206: {  	v24 =	vadd.f32 v26, v24;
	v23 =	vadd.f32 v49, v23;
	v49 =	vld [tilespmem:s0+$0x0];
	s0 =	sor.u32 s2, s3;
	v26 =	vmul.f32 v59, v10  }
0x207: {  	v4 =	vadd.f32 v5, v4;
	v5 =	vadd.f32 v42, v25;
	v52 =	vld [tilespmem:s0+$0x0];
	s0 =	sor.u32 s2, s31;
	v3 =	vmul.f32 v3, v8  }
0x208: {  	v24 =	vadd.f32 v43, v24;
	v42 =	vld [tilespmem:s0+$0x0];
	s0 =	sor.u32 s2, s30;
	v23 =	vadd.f32 v26, v23;
	v43 =	vmul.f32 v46, v8  }
0x209: {  	s22 =	sadd.s32 $0x4, s22;
	s3 =	sor.u32 s26, s31;
	v26 =	vadd.f32 v47, v4;
	v25 =	vadd.f32 v50, v5;
	v46 =	vmul.f32 v48, v9;
	v48 =	vld [tilespmem:s0+$0x0]  }
0x20a: {  	p2 =	slt.u32 s22, $0x7C;
	s0 =	sor.u32 s26, s30;
	v24 =	vadd.f32 v3, v24;
	v4 =	vmul.f32 v51, v9;
	v5 =	vld [tilespmem:s3+$0x0];
	s3 =	sadd.s32 $0x5700, s28;
	v23 =	vadd.f32 v43, v23  }
0x20b: {  	v27 =	vadd.f32 v45, v27;
	s4 =	sadd.s32 $0x5780, s28;
	v3 =	vadd.f32 v44, v28;
	v28 =	vld [tilespmem:s0+$0x0];
	s0 =	sor.u32 s26, s3;
	v43 =	vmul.f32 v49, v13  }
0x20c: {  	v32 =	vadd.f32 v46, v32;
	v4 =	vadd.f32 v4, v33;
	v47 =	vld [tilespmem:s0+$0x0];
	s0 =	sor.u32 s26, s4;
	v44 =	vmul.f32 v52, v13  }
.Ltmp2:
0x20d: {  	v27 =	vadd.f32 v41, v27;
	v3 =	vadd.f32 v40, v3;
	v33 =	vld [tilespmem:s0+$0x0];
	v40 =	vmul.f32 v42, v13;
	s0 =	sor.u32 s2, s3;
	(pc) =	sbr.rel @p2 .LBB2_3-.Ltmp2, $4  }
0x20e: {  	v32 =	vadd.f32 v43, v32;
	v4 =	vadd.f32 v44, v4;
	v41 =	vmul.f32 v48, v13;
	v43 =	vld [tilespmem:s0+$0x0];
	s0 =	sor.u32 s2, s4  }
0x20f: {  	v3 =	vadd.f32 v36, v3;
	v44 =	vmul.f32 v5, v9;
	v42 =	vld [tilespmem:s0+$0x0];
	v5 =	vadd.f32 v37, v27;
	s0 =	sor.u32 s29, s3  }
0x210: {  	s23 =	sadd.s32 $0x200, s23;
	v46 =	vadd.f32 v38, v32;
	v45 =	vmul.f32 v28, v9;
	v39 =	vadd.f32 v39, v4;
	v36 =	vld [tilespmem:s0+$0x0];
	s0 =	sor.u32 s29, s4  }
0x211: {  	s24 =	sadd.s32 $0x40, s24;
	s25 =	sadd.s32 $0x40, s25;
	v28 =	vadd.f32 v34, v3;
	v38 =	vmul.f32 v47, v9;
	v37 =	vld [tilespmem:s0+$0x0];
	v27 =	vadd.f32 v35, v5;
	s0 =	sor.u32 s21, s3  }
0x212: {  	(xrf2) =	vadd.scan.msk.f32 $0xffff, v19  }
0x213: {  	(xrf2) =	vadd.scan.msk.f32 $0xffff, v20  }
0x214: {  	(xrf2) =	vadd.scan.msk.f32 $0xffff, v21  }
0x215: {  	(xrf2) =	vadd.scan.msk.f32 $0xffff, v22;
	_ =	sdelay $0x1  }
0x216: {  	(xrf2) =	vadd.scan.msk.f32 $0xffff, v26  }
0x217: {  	v3 =	vadd.f32 v16, v46;
	v4 =	vmul.f32 v33, v9;
	v5 =	vadd.f32 v15, v39;
	(xrf2) =	vadd.scan.msk.f32 $0xffff, v25  }
0x218: {  	v14 =	vadd.f32 v44, v14;
	v31 =	vadd.f32 v45, v31;
	v49 =	vld [tilespmem:$0x1FFF0];
	vm2 =	vmmov $0x3  }
0x219: {  	s31 =	sor.u32 s21, s4;
	vm3 =	vmmov $0x7;
	v32 =	vmul.f32 v43, v13;
	v33 =	vadd.f32 v38, v30;
	v26 =	vld [tilespmem:s0+$0x0];
	(xrf2) =	vadd.scan.msk.f32 $0xffff, v24  }
0x21a: {  	v34 =	vld [tilespmem:s31+$0x0];
	v4 =	vadd.f32 v4, v29;
	v35 =	vmul.f32 v42, v13;
	v14 =	vadd.f32 v40, v14;
	(xrf2) =	vadd.scan.msk.f32 $0xffff, v23  }
0x21b: {  	v15 =	vadd.f32 v41, v31;
	v38 =	vmul.f32 v36, v10;
	v16 =	vadd.f32 v32, v33;
	v39, _, _ =	vpop (xrf2);
	(xrf2) =	vadd.scan.msk.f32 $0xffff, v28  }
0x21c: {  	s21 =	smul.u32 $0x30, s16;
	v4 =	vadd.f32 v35, v4;
	v40 =	vmul.f32 v37, v10;
	v41 =	vadd.f32 v17, v14;
	v44, _, _ =	vpop (xrf2);
	(xrf2) =	vadd.scan.msk.f32 $0xffff, v27  }
0x21d: {  	v42 =	vadd.f32 v18, v15;
	v43 =	vadd.f32 v38, v16;
	vm1 =	vnez.u8 v49;
	v46, _, _ =	vpop (xrf2);
	(xrf2) =	vadd.scan.msk.f32 $0xffff, v3  }
0x21e: {  	v12 =	vadd.f32 v12, v41;
	v9 =	vmul.f32 v26, v8;
	v48, _, _ =	vpop (xrf2);
	(xrf2) =	vadd.scan.msk.f32 $0xffff, v5;
	v5 =	vmov s21  }
0x21f: {  	v8 =	vmul.f32 v34, v8;
	v3 =	vadd.f32 v11, v42;
	v5 =	vbroadcast v5, $0x0  }
0x220: {  	v4 =	vadd.f32 v40, v4;
	v45 =	vbroadcast v39, $0xF;
	v16 =	vbroadcast v44, $0xF;
	v51, _, _ =	vpop (xrf2);
	(xrf2) =	vadd.scan.msk.f32 $0xffff, v12  }
0x221: {  	v9 =	vadd.f32 v9, v43;
	v47 =	vbroadcast v46, $0xF;
	v52, _, _ =	vpop (xrf2);
	(xrf2) =	vadd.scan.msk.f32 $0xffff, v3;
	v3 =	vor.u32 v0, v5  }
0x222: {  	v10 =	vsel vm1, v45, v16;
	v50 =	vbroadcast v48, $0xF;
	v55 =	vmulhi.u32 $0x51EB851F, v3  }
0x223: {  	v4 =	vadd.f32 v8, v4;
	v10 =	vsel vm2, v10, v47;
	v11 =	vbroadcast v51, $0xF;
	v53, _, _ =	vpop (xrf2)  }
0x224: {  	v10 =	vsel vm3, v10, v50;
	v13 =	vbroadcast v52, $0xF;
	(xrf2) =	vadd.scan.msk.f32 $0xffff, v9;
	v54, _, _ =	vpop (xrf2);
	v9 =	vshrl.u32 v55, $0x5  }
0x225: {  	v10 =	vsel vm4, v10, v11;
	v11 =	vbroadcast v53, $0xF;
	v56, _, _ =	vpop (xrf2);
	(xrf2) =	vadd.scan.msk.f32 $0xffff, v4;
	v4 =	vmul.u32 $0xFFFFFF9C, v9  }
0x226: {  	v10 =	vsel vm5, v10, v13;
	v12 =	vbroadcast v54, $0xF  }
0x227: {  	v61 =	vimm.s32 $0x0;
	v8 =	vsel vm6, v10, v11;
	v57 =	vbroadcast v56, $0xF;
	v58, _, _ =	vpop (xrf2)  }
0x228: {  	vm1 =	veq.s32 v5, v0;
	v8 =	vsel vm7, v8, v12;
	v11 =	vbroadcast v58, $0xF;
	v59, _, _ =	vpop (xrf2)  }
0x229: {  	v3 =	vadd.s32 v3, v4;
	v8 =	vsel vm8, v8, v57;
	v60 =	vbroadcast v59, $0xF;
	v4, _, _ =	vpop (xrf2)  }
0x22a: {  	vm11 =	vne.s32 v3, $0x0;
	v8 =	vsel vm9, v8, v11;
	v5, _, _ =	vpop (xrf2);
	v4 =	vbroadcast v4, $0xF  }
0x22b: {  	vm1 =	vmand vm1, vm11;
	v8 =	vsel vm10, v8, v60;
	v5 =	vbroadcast v5, $0xF  }
0x22c: {  	vm11 =	vmmov $0xfff;
	v10 =	vsel vm1, $0xFFFFFFFF, v61;
	v62, _, _ =	vpop (xrf2);
	v4 =	vsel vm12, v8, v4  }
0x22d: {  	v8 =	vadd.s32 v10, v9;
	v4 =	vsel vm11, v4, v5;
	v5 =	vbroadcast v62, $0xF  }
0x22e: {  	v63, _, _ =	vpop (xrf2);
	v8 =	vshll.u32 v8, $0x7  }
0x22f: {  	v9 =	vbroadcast v63, $0xF;
	v3 =	vor.u32 v3, v8  }
0x230: {  	v4 =	vsel vm13, v4, v5  }
0x231: {  	v4 =	vsel vm14, v4, v9;
	v5, _, _ =	vpop (xrf2)  }
0x232: {  	v4 =	vsel vm15, v4, v5  }
0x233: {  	[tilespmem:s21+$0x19400] =	vst v4  }
0x234: {  	v3 =	vld.idx.msk [tilespmem:v3+s19+$0x0], $0xffff  }
.Ltmp3:
0x235: {  	_ = 	snop;
	(pc) =	sbr.rel @p0 .LBB2_10-.Ltmp3, $2  }
0x236: {  	_ =	sdelay $0x2  }
0x237: {  	[tilespmem:s21+$0x19500] =	vst v3  }
0x238: {  	s0 =	sadd.s32 $0x30, s21  }
0x239: {  	v3 =	vmov s0  }
0x23a: {  	v3 =	vbroadcast v3, $0x0;
	_ =	sdelay $0x1  }
0x23b: {  	v3 =	vor.u32 v0, v3  }
0x23c: {  	v4 =	vmulhi.u32 $0x51EB851F, v3;
	_ =	sdelay $0x1  }
0x23d: {  	v4 =	vshrl.u32 v4, $0x5  }
0x23e: {  	v5 =	vmul.u32 $0xFFFFFF9C, v4;
	_ =	sdelay $0x1  }
0x23f: {  	v4 =	vshll.u32 v4, $0x7;
	v3 =	vadd.s32 v3, v5  }
0x240: {  	v3 =	vor.u32 v3, v4;
	_ =	sdelay $0x4  }
0x241: {  	v3 =	vld.idx.msk [tilespmem:v3+s19+$0x0], $0xffff;
	_ =	sdelay $0x4  }
0x242: {  	v4 =	vshll.u32 v3, $0x4  }
0x243: {  	v3 =	vand.u32 $0x7, v3;
	v4 =	vand.u32 $0xFFFFFF80, v4  }
0x244: {  	v3 =	vor.u32 v3, v4;
	v4 =	vld [tilespmem:$0x1FC10];
	_ =	sdelay $0x4  }
0x245: {  	v4 =	vperm.xlane v3, v4;
	_ =	sdelay $0x1  }
0x246: {  	v4 =	vadd.s32 v6, v4;
	_ =	sdelay $0x3  }
0x247: {  	s2 =	simm.s32 $0x0;
	s5 =	simm.s32 $0x1400  }
0x248: {  	[tilespmem:s5], [sflag:$0x1] =	stream.indirect_vreg.gather [hbm4b:s1+s2], $0x80, v4, vm0, $0xb8;
	[tilespmem:$0x19600] =	vst v63  }
0x249: {  	s6 =	simm.s32 $0x1C00  }
0x24a: {  	[tilespmem:s6], [sflag:$0x1] =	stream.indirect_vreg.gather [hbm4b:s7+s2], $0x80, v4, vm0, $0xb8;
	[tilespmem:$0x19600] =	vst v63  }
0x24b: {  	s14 =	simm.s32 $0x2400  }
0x24c: {  	[tilespmem:s14], [sflag:$0x1] =	stream.indirect_vreg.gather [hbm4b:s8+s2], $0x80, v4, vm0, $0xb8;
	[tilespmem:$0x19600] =	vst v63  }
0x24d: {  	s15 =	simm.s32 $0x2C00  }
0x24e: {  	[tilespmem:s15], [sflag:$0x1] =	stream.indirect_vreg.gather [hbm4b:s9+s2], $0x80, v4, vm0, $0xb8;
	[tilespmem:$0x19600] =	vst v63  }
0x24f: {  	s17 =	simm.s32 $0x3400  }
0x250: {  	[tilespmem:s17], [sflag:$0x1] =	stream.indirect_vreg.gather [hbm4b:s10+s2], $0x80, v4, vm0, $0xb8;
	[tilespmem:$0x19600] =	vst v63  }
0x251: {  	s22 =	simm.s32 $0x3C00;
	v3 =	vperm.xlane v3, v7  }
0x252: {  	[tilespmem:s22], [sflag:$0x1] =	stream.indirect_vreg.gather [hbm4b:s11+s2], $0x80, v4, vm0, $0xb8;
	[tilespmem:$0x19600] =	vst v63  }
0x253: {  	s23 =	simm.s32 $0x4400;
	v3 =	vadd.s32 v6, v3  }
0x254: {  	[tilespmem:s23], [sflag:$0x1] =	stream.indirect_vreg.gather [hbm4b:s12+s2], $0x80, v4, vm0, $0xb8;
	[tilespmem:$0x19600] =	vst v63  }
0x255: {  	s24 =	simm.s32 $0x4C00  }
0x256: {  	[tilespmem:s24], [sflag:$0x1] =	stream.indirect_vreg.gather [hbm4b:s13+s2], $0x80, v4, vm0, $0xb8;
	[tilespmem:$0x19600] =	vst v63  }
0x257: {  	s25 =	simm.s32 $0x5400  }
0x258: {  	[tilespmem:s25], [sflag:$0x1] =	stream.indirect_vreg.gather [hbm4b:s1+s2], $0x80, v3, vm0, $0xb8;
	[tilespmem:$0x19600] =	vst v63  }
0x259: {  	s26 =	simm.s32 $0x5C00  }
0x25a: {  	[tilespmem:s26], [sflag:$0x1] =	stream.indirect_vreg.gather [hbm4b:s7+s2], $0x80, v3, vm0, $0xb8;
	[tilespmem:$0x19600] =	vst v63  }
0x25b: {  	s28 =	simm.s32 $0x6400  }
0x25c: {  	[tilespmem:s28], [sflag:$0x1] =	stream.indirect_vreg.gather [hbm4b:s8+s2], $0x80, v3, vm0, $0xb8;
	[tilespmem:$0x19600] =	vst v63  }
0x25d: {  	s29 =	simm.s32 $0x6C00  }
0x25e: {  	[tilespmem:s29], [sflag:$0x1] =	stream.indirect_vreg.gather [hbm4b:s9+s2], $0x80, v3, vm0, $0xb8;
	[tilespmem:$0x19600] =	vst v63  }
0x25f: {  	s30 =	simm.s32 $0x7400  }
0x260: {  	[tilespmem:s30], [sflag:$0x1] =	stream.indirect_vreg.gather [hbm4b:s10+s2], $0x80, v3, vm0, $0xb8;
	[tilespmem:$0x19600] =	vst v63  }
0x261: {  	s31 =	simm.s32 $0x7C00  }
0x262: {  	[tilespmem:s31], [sflag:$0x1] =	stream.indirect_vreg.gather [hbm4b:s11+s2], $0x80, v3, vm0, $0xb8;
	[tilespmem:$0x19600] =	vst v63  }
0x263: {  	s3 =	simm.s32 $0x8400  }
0x264: {  	[tilespmem:s3], [sflag:$0x1] =	stream.indirect_vreg.gather [hbm4b:s12+s2], $0x80, v3, vm0, $0xb8;
	[tilespmem:$0x19600] =	vst v63  }
0x265: {  	s4 =	simm.s32 $0x8C00;
	s0 =	sand.u32 $0x40, s2;
	s5 =	simm.s32 $0x2  }
0x266: {  	[tilespmem:s4], [sflag:$0x1] =	stream.indirect_vreg.gather [hbm4b:s13+s2], $0x80, v3, vm0, $0xb8;
	[tilespmem:$0x19600] =	vst v63  }
0x267: {  	s22 =	sor.u32 $0x30, s0;
	_ =	swait.ge [sflag:s5], $0x8000  }
0x268: {  	s3 =	simm.s32 $0x400;
	s4 =	sand.u32 $0x780, s2;
	[sflag:s5] =	ssyncset.done $0x0  }
0x269: {  	s2 =	sand.u32 $0x3C00, s2;
	s15 =	sadd.s32 $0x400, s4;
	[sflag:s5] =	ssyncadd.s32 $0xFFFF8000  }
0x26a: {  	s14 =	sadd.s32 $0x9400, s2;
	s6 =	sor.u32 s22, s15;
	v9 =	vld [tilespmem:s3+$0x0]  }
0x26b: {  	s17 =	sor.u32 s22, s14;
	v8 =	vld [tilespmem:s6+$0x0]  }
0x26c: {  	v3 =	vld [tilespmem:s17+$0x0]  }
0x26d: {  	v4 =	vld [tilespmem:s17+$0x80]  }
0x26e: {  	s4 =	sadd.s32 $0xD480, s2;
	v5 =	vld [tilespmem:s17+$0x100]  }
0x26f: {  	s26 =	sadd.s32 $0xD500, s2;
	s24 =	sor.u32 s22, s4;
	v11 =	vld [tilespmem:s17+$0x180]  }
0x270: {  	s25 =	sadd.s32 $0xD580, s2;
	s28 =	sor.u32 s22, s26;
	v14 =	vld [tilespmem:s24+$0x0]  }
0x271: {  	s29 =	sor.u32 s22, s25;
	s6 =	sadd.s32 $0xD400, s2;
	v15 =	vld [tilespmem:s28+$0x0]  }
0x272: {  	s24 =	sadd.s32 $0xD600, s2;
	v16 =	vld [tilespmem:s29+$0x0];
	s23 =	sor.u32 s22, s6  }
0x273: {  	s3 =	sor.u32 $0x20, s0;
	s5 =	sor.u32 s22, s24;
	v13 =	vld [tilespmem:s23+$0x0]  }
0x274: {  	s28 =	sor.u32 s3, s15;
	v17 =	vld [tilespmem:s5+$0x0]  }
0x275: {  	s31 =	sor.u32 s3, s14;
	v10 =	vld [tilespmem:s28+$0x0]  }
0x276: {  	v19 =	vld [tilespmem:s31+$0x0]  }
0x277: {  	v20 =	vld [tilespmem:s31+$0x80]  }
0x278: {  	v21 =	vld [tilespmem:s31+$0x100]  }
0x279: {  	s17 =	sor.u32 s3, s6;
	v22 =	vld [tilespmem:s31+$0x180]  }
0x27a: {  	s29 =	sor.u32 s3, s26;
	v23 =	vld [tilespmem:s17+$0x0]  }
0x27b: {  	s28 =	sor.u32 s3, s4;
	v25 =	vld [tilespmem:s29+$0x0]  }
0x27c: {  	s23 =	sadd.s32 $0xD680, s2;
	s31 =	sor.u32 s3, s24;
	v24 =	vld [tilespmem:s28+$0x0]  }
0x27d: {  	s30 =	sor.u32 s22, s23;
	v33 =	vld [tilespmem:s31+$0x0]  }
0x27e: {  	s5 =	sor.u32 $0x10, s0;
	s17 =	sor.u32 s3, s23;
	v18 =	vld [tilespmem:s30+$0x0]  }
0x27f: {  	s15 =	sor.u32 s5, s15;
	v34 =	vld [tilespmem:s17+$0x0]  }
0x280: {  	s28 =	sor.u32 s5, s14;
	v12 =	vld [tilespmem:s15+$0x0]  }
0x281: {  	v35 =	vld [tilespmem:s28+$0x0]  }
0x282: {  	v36 =	vld [tilespmem:s28+$0x80]  }
0x283: {  	v37 =	vld [tilespmem:s28+$0x100]  }
0x284: {  	s29 =	sor.u32 s5, s6;
	v38 =	vld [tilespmem:s28+$0x180]  }
0x285: {  	s14 =	sor.u32 s0, s14;
	v40 =	vld [tilespmem:s29+$0x0]  }
0x286: {  	v41 =	vld [tilespmem:s14+$0x0];
	v3 =	vmul.f32 v3, v8;
	v4 =	vmul.f32 v4, v8  }
0x287: {  	v42 =	vld [tilespmem:s14+$0x80];
	v5 =	vmul.f32 v5, v8;
	v39 =	vmul.f32 v11, v8  }
0x288: {  	v43 =	vld [tilespmem:s14+$0x100];
	v29 =	vmul.f32 v14, v8;
	v15 =	vmul.f32 v15, v8  }
0x289: {  	p0 =	por $0x0, $0x0;
	s30 =	sor.u32 s3, s25;
	s15 =	simm.s32 $0x1;
	v44 =	vld [tilespmem:s14+$0x180];
	v16 =	vmul.f32 v16, v8;
	v27 =	vmul.f32 v13, v8  }
0x28a: {  	v26 =	vld [tilespmem:s30+$0x0];
	s30 =	sor.u32 s5, s4;
	s15 =	simm.s32 @!p0 $0x0;
	v13 =	vmul.f32 v17, v8;
	v19 =	vmul.f32 v19, v10  }
0x28b: {  	s6 =	sor.u32 s0, s6;
	v14 =	vld [tilespmem:s30+$0x0];
	s15 =	sshll.u32 s15, $0x6;
	v20 =	vmul.f32 v20, v10;
	v21 =	vmul.f32 v21, v10  }
0x28c: {  	s4 =	sor.u32 s0, s4;
	v22 =	vmul.f32 v22, v10;
	v28 =	vmul.f32 v23, v10;
	s14 =	sadd.s32 $0x0, s15;
	v23 =	vld [tilespmem:s6+$0x0]  }
0x28d: {  	v31 =	vmul.f32 v25, v10;
	v30 =	vmul.f32 v24, v10;
	s31 =	sor.u32 $0x200, s14;
	v24 =	vld [tilespmem:s4+$0x0]  }
0x28e: {  	s15 =	sor.u32 $0x280, s14;
	v11 =	vmul.f32 v18, v8;
	v18 =	vmul.f32 v33, v10;
	v25 =	vld [tilespmem:s31+$0x9400]  }
0x28f: {  	s17 =	sor.u32 $0x300, s14;
	v17 =	vmul.f32 v34, v10;
	v60 =	vmul.f32 v36, v12;
	v61 =	vld [tilespmem:s15+$0x9400]  }
0x290: {  	s28 =	sor.u32 $0x380, s14;
	s6 =	sadd.s32 $0x30, s14;
	v62 =	vmul.f32 v37, v12;
	v63 =	vmul.f32 v38, v12;
	v52 =	vld [tilespmem:s17+$0x9400]  }
0x291: {  	v38 =	vmul.f32 v40, v12;
	v41 =	vmul.f32 v41, v9;
	v45 =	vld [tilespmem:s28+$0x9400];
	s29 =	sor.u32 $0x200, s6;
	s15 =	sadd.s32 $0x20, s14  }
0x292: {  	v42 =	vmul.f32 v42, v9;
	v43 =	vmul.f32 v43, v9;
	v46 =	vld [tilespmem:s29+$0x9400];
	s31 =	sor.u32 $0x200, s15  }
0x293: {  	v44 =	vmul.f32 v44, v9;
	s14 =	sadd.s32 $0x10, s14;
	s17 =	sor.u32 $0x280, s15;
	v40 =	vmul.f32 v14, v12;
	v14 =	vimm.f32 $0.0e+00;
	v53 =	vld [tilespmem:s31+$0x9400]  }
0x294: {  	v32 =	vmul.f32 v26, v10;
	v26 =	vmul.f32 v35, v12;
	s28 =	sor.u32 $0x200, s14;
	v49 =	vld [tilespmem:s17+$0x9400];
	v41 =	vadd.f32 v41, v14  }
0x295: {  	s29 =	sor.u32 $0x280, s14;
	v50 =	vld [tilespmem:s28+$0x9400];
	v47 =	vmul.f32 v23, v9;
	v42 =	vadd.f32 v42, v14;
	v43 =	vadd.f32 v43, v14  }
0x296: {  	s30 =	sor.u32 $0x280, s6;
	v54 =	vld [tilespmem:s29+$0x9400];
	v44 =	vadd.f32 v44, v14;
	v48 =	vmul.f32 v24, v9;
	v24 =	vmul.f32 v25, v9  }
0x297: {  	s31 =	sor.u32 $0x380, s14;
	v23 =	vld [tilespmem:s30+$0x9400];
	v25 =	vmul.f32 v61, v9;
	v37 =	vmul.f32 v52, v9;
	v26 =	vadd.f32 v26, v41  }
0x298: {  	s30 =	sor.u32 $0x300, s14;
	v56 =	vld [tilespmem:s31+$0x9400];
	v45 =	vmul.f32 v45, v9;
	v33 =	vadd.f32 v60, v42;
	v35 =	vadd.f32 v62, v43  }
0x299: {  	s14 =	sor.u32 $0x300, s15;
	v55 =	vld [tilespmem:s30+$0x9400];
	v36 =	vadd.f32 v63, v44;
	v42 =	vmul.f32 v46, v8;
	v19 =	vadd.f32 v19, v26  }
0x29a: {  	s15 =	sor.u32 $0x380, s15;
	v57 =	vld [tilespmem:s14+$0x9400];
	v20 =	vadd.f32 v20, v33;
	v26 =	vmul.f32 v53, v10;
	v21 =	vadd.f32 v21, v35  }
0x29b: {  	s29 =	sor.u32 s0, s26;
	v60 =	vld [tilespmem:s15+$0x9400];
	v22 =	vadd.f32 v22, v36;
	v58 =	vmul.f32 v49, v10;
	v59 =	vmul.f32 v50, v12  }
0x29c: {  	s31 =	sor.u32 s5, s26;
	v63 =	vld [tilespmem:s29+$0x0];
	v37 =	vadd.f32 v37, v14;
	v62 =	vadd.f32 v45, v14;
	v23 =	vmul.f32 v23, v8  }
0x29d: {  	s17 =	sor.u32 $0x300, s6;
	s28 =	sor.u32 $0x380, s6;
	s6 =	sor.u32 s5, s25;
	v50 =	vld [tilespmem:s31+$0x0];
	v43 =	vmul.f32 v56, v12;
	v19 =	vadd.f32 v3, v19;
	v20 =	vadd.f32 v4, v20  }
0x29e: {  	v53 =	vld [tilespmem:s6+$0x0];
	v4 =	vmul.f32 v54, v12;
	v21 =	vadd.f32 v5, v21;
	v5 =	vadd.f32 v24, v14  }
0x29f: {  	v3 =	vld [tilespmem:s17+$0x9400];
	v22 =	vadd.f32 v39, v22;
	v24 =	vadd.f32 v25, v14;
	v61 =	vmul.f32 v55, v12  }
0x2a0: {  	s30 =	sor.u32 s0, s25;
	v25 =	vld [tilespmem:s28+$0x9400];
	v52 =	vadd.f32 v43, v62;
	v36 =	vmul.f32 v60, v10;
	v5 =	vadd.f32 v59, v5  }
0x2a1: {  	s14 =	sor.u32 s5, s24;
	v49 =	vld [tilespmem:s30+$0x0];
	v4 =	vadd.f32 v4, v24;
	v24 =	vmul.f32 v57, v10;
	v51 =	vadd.f32 v61, v37  }
0x2a2: {  	v54 =	vld [tilespmem:s14+$0x0];
	s17 =	sor.u32 s0, s24;
	s24 =	sor.u32 s0, s23;
	v59 =	vadd.f32 v48, v14;
	v55 =	vadd.f32 v36, v52;
	v61 =	vmul.f32 v50, v12  }
0x2a3: {  	s25 =	sadd.s32 $0xD700, s2;
	s15 =	sor.u32 s5, s23;
	v60 =	vld [tilespmem:s24+$0x0];
	v39 =	vmul.f32 v53, v12;
	v5 =	vadd.f32 v26, v5;
	v4 =	vadd.f32 v58, v4  }
0x2a4: {  	s26 =	sor.u32 s0, s25;
	v57 =	vld [tilespmem:s15+$0x0];
	v26 =	vadd.f32 v24, v51;
	v58 =	vmul.f32 v63, v9;
	v35 =	vadd.f32 v40, v59  }
0x2a5: {  	v62 =	vld [tilespmem:s26+$0x0];
	v3 =	vmul.f32 v3, v8;
	v56 =	vmul.f32 v25, v8;
	v25 =	vadd.f32 v42, v5  }
0x2a6: {  	v24 =	vadd.f32 v23, v4;
	v4 =	vmul.f32 v49, v9;
	v5 =	vld [tilespmem:s17+$0x0];
	v41 =	vadd.f32 v58, v14  }
0x2a7: {  	s2 =	sadd.s32 $0xD780, s2;
	v40 =	vmul.f32 v54, v12;
	v26 =	vadd.f32 v3, v26;
	v3 =	vadd.f32 v47, v14  }
0x2a8: {  	s0 =	sor.u32 s0, s2;
	v45 =	vmul.f32 v60, v9;
	v4 =	vadd.f32 v4, v14;
	v63 =	vadd.f32 v61, v41  }
0x2a9: {  	s28 =	sor.u32 s5, s25;
	v33 =	vld [tilespmem:s0+$0x0];
	v23 =	vadd.f32 v56, v55;
	v41 =	vmul.f32 v57, v12;
	v3 =	vadd.f32 v38, v3  }
0x2aa: {  	s29 =	sor.u32 s5, s2;
	v43 =	vld [tilespmem:s28+$0x0];
	v38 =	vmul.f32 v62, v9;
	v4 =	vadd.f32 v39, v4;
	v46 =	vadd.f32 v31, v63  }
0x2ab: {  	s30 =	sor.u32 s3, s25;
	v42 =	vld [tilespmem:s29+$0x0];
	v44 =	vmul.f32 v5, v9;
	v3 =	vadd.f32 v28, v3;
	v5 =	vadd.f32 v30, v35  }
0x2ac: {  	s31 =	sor.u32 s3, s2;
	s23 =	simm.s32 $0x0;
	s24 =	simm.s32 $0x200;
	v36 =	vld [tilespmem:s30+$0x0];
	v31 =	vimm.f32 $0.0e+00;
	v30 =	vimm.f32 $0.0e+00;
	v39 =	vadd.f32 v32, v4  }
0x2ad: {  	s0 =	sor.u32 s22, s25;
	s25 =	simm.s32 $0x40;
	s26 =	simm.s32 $0x440;
	v37 =	vld [tilespmem:s31+$0x0];
	v28 =	vadd.f32 v27, v3;
	v27 =	vadd.f32 v29, v5;
	v29 =	vimm.f32 $0.0e+00  }
.LBB2_6:
0x2ae: {  	s28 =	sand.u32 $0x40, s25;
	s3 =	sand.u32 $0x780, s25;
	v3 =	vmul.f32 v33, v9;
	v32 =	vadd.f32 v15, v46;
	v33 =	vadd.f32 v16, v39;
	v4 =	vld [tilespmem:s0+$0x0];
	s0 =	sor.u32 s22, s2  }
0x2af: {  	s29 =	sand.u32 $0x3C00, s24;
	v5 =	vadd.f32 v44, v14;
	v14 =	vadd.f32 v45, v31;
	s15 =	sadd.s32 $0x400, s3;
	s22 =	sor.u32 $0x30, s28;
	v15 =	vmul.f32 v43, v12;
	v16 =	vld [tilespmem:s0+$0x0]  }
0x2b0: {  	s6 =	sadd.s32 $0x9400, s29;
	v29 =	vadd.f32 v38, v29;
	v9 =	vld [tilespmem:s26+$0x0];
	s0 =	sor.u32 s22, s15;
	v3 =	vadd.f32 v3, v30;
	v12 =	vmul.f32 v42, v12  }
0x2b1: {  	v5 =	vadd.f32 v40, v5;
	v14 =	vadd.f32 v41, v14;
	v34 =	vld [tilespmem:s0+$0x0];
	s0 =	sor.u32 s22, s6;
	v30 =	vmul.f32 v36, v10  }
0x2b2: {  	v15 =	vadd.f32 v15, v29;
	v35 =	vld [tilespmem:s0+$0x0];
	v3 =	vadd.f32 v12, v3;
	v10 =	vmul.f32 v37, v10  }
0x2b3: {  	v5 =	vadd.f32 v18, v5;
	v12 =	vadd.f32 v17, v14;
	v36 =	vld [tilespmem:s0+$0x80];
	v4 =	vmul.f32 v4, v8  }
0x2b4: {  	s14 =	sadd.s32 $0xD400, s29;
	v15 =	vadd.f32 v30, v15;
	v17 =	vld [tilespmem:s0+$0x100];
	v3 =	vadd.f32 v10, v3;
	v10 =	vmul.f32 v16, v8  }
0x2b5: {  	s4 =	sadd.s32 $0xD480, s29;
	v14 =	vadd.f32 v13, v5;
	v31 =	vadd.f32 v11, v12;
	v16 =	vld [tilespmem:s0+$0x180];
	s0 =	sor.u32 s22, s14  }
0x2b6: {  	s3 =	sadd.s32 $0xD500, s29;
	v29 =	vadd.f32 v4, v15;
	v5 =	vld [tilespmem:s0+$0x0];
	s0 =	sor.u32 s22, s4;
	v30 =	vadd.f32 v10, v3;
	v8 =	vmov v34  }
0x2b7: {  	s5 =	sadd.s32 $0xD580, s29;
	v3 =	vld [tilespmem:s0+$0x0];
	s0 =	sor.u32 s22, s3  }
0x2b8: {  	s2 =	sadd.s32 $0xD600, s29;
	v4 =	vld [tilespmem:s0+$0x0];
	s0 =	sor.u32 s22, s5  }
0x2b9: {  	s31 =	sadd.s32 $0xD680, s29;
	v11 =	vld [tilespmem:s0+$0x0];
	s0 =	sor.u32 s22, s2  }
0x2ba: {  	s30 =	sor.u32 $0x20, s28;
	v13 =	vld [tilespmem:s0+$0x0];
	s0 =	sor.u32 s22, s31  }
0x2bb: {  	s17 =	sor.u32 s30, s15;
	v18 =	vld [tilespmem:s0+$0x0]  }
0x2bc: {  	s0 =	sor.u32 s30, s6;
	v10 =	vld [tilespmem:s17+$0x0]  }
0x2bd: {  	v37 =	vld [tilespmem:s0+$0x0]  }
0x2be: {  	v38 =	vld [tilespmem:s0+$0x80]  }
0x2bf: {  	v39 =	vld [tilespmem:s0+$0x100]  }
0x2c0: {  	v40 =	vld [tilespmem:s0+$0x180];
	s0 =	sor.u32 s30, s14  }
0x2c1: {  	v41 =	vld [tilespmem:s0+$0x0];
	s0 =	sor.u32 s30, s4  }
0x2c2: {  	v42 =	vld [tilespmem:s0+$0x0];
	s0 =	sor.u32 s30, s3  }
0x2c3: {  	v43 =	vld [tilespmem:s0+$0x0];
	s0 =	sor.u32 s30, s5  }
0x2c4: {  	s17 =	sor.u32 s30, s2;
	v44 =	vld [tilespmem:s0+$0x0]  }
0x2c5: {  	s0 =	sor.u32 $0x10, s28;
	v45 =	vld [tilespmem:s17+$0x0];
	s17 =	sor.u32 s30, s31  }
0x2c6: {  	s15 =	sor.u32 s0, s15;
	v46 =	vld [tilespmem:s17+$0x0]  }
0x2c7: {  	v12 =	vld [tilespmem:s15+$0x0];
	s15 =	sor.u32 s0, s6  }
0x2c8: {  	v47 =	vld [tilespmem:s15+$0x0]  }
0x2c9: {  	v48 =	vld [tilespmem:s15+$0x80]  }
0x2ca: {  	v50 =	vmul.f32 v35, v8;
	v51 =	vmul.f32 v36, v8;
	v49 =	vld [tilespmem:s15+$0x100]  }
0x2cb: {  	v53 =	vmul.f32 v17, v8;
	v54 =	vmul.f32 v16, v8;
	v52 =	vld [tilespmem:s15+$0x180];
	s15 =	sor.u32 s0, s14  }
0x2cc: {  	v34 =	vmul.f32 v5, v8;
	v35 =	vmul.f32 v3, v8;
	v55 =	vld [tilespmem:s15+$0x0];
	s15 =	sor.u32 s0, s4  }
0x2cd: {  	v15 =	vmul.f32 v4, v8;
	v16 =	vmul.f32 v11, v8;
	s6 =	sor.u32 s28, s6;
	v3 =	vld [tilespmem:s15+$0x0]  }
0x2ce: {  	v13 =	vmul.f32 v13, v8;
	v11 =	vmul.f32 v18, v8;
	v4 =	vld [tilespmem:s6+$0x0]  }
0x2cf: {  	p0 =	por !p0, !p0;
	v56 =	vmul.f32 v37, v10;
	v57 =	vmul.f32 v38, v10;
	s15 =	simm.s32 $0x1;
	v5 =	vld [tilespmem:s6+$0x80]  }
0x2d0: {  	v59 =	vmul.f32 v39, v10;
	v60 =	vmul.f32 v40, v10;
	s15 =	simm.s32 @!p0 $0x0;
	v58 =	vld [tilespmem:s6+$0x100]  }
0x2d1: {  	v36 =	vmul.f32 v41, v10;
	v37 =	vmul.f32 v42, v10;
	s15 =	sshll.u32 s15, $0x6;
	v61 =	vld [tilespmem:s6+$0x180];
	s6 =	sor.u32 s28, s14  }
0x2d2: {  	v38 =	vmul.f32 v43, v10;
	v39 =	vmul.f32 v44, v10;
	s4 =	sor.u32 s28, s4;
	s14 =	sadd.s32 s15, s24;
	v42 =	vld [tilespmem:s6+$0x0]  }
0x2d3: {  	v18 =	vmul.f32 v45, v10;
	v17 =	vmul.f32 v46, v10;
	s6 =	sor.u32 $0x200, s14;
	v43 =	vld [tilespmem:s4+$0x0]  }
0x2d4: {  	v45 =	vmul.f32 v47, v12;
	v46 =	vmul.f32 v48, v12;
	s4 =	sor.u32 $0x280, s14;
	v44 =	vld [tilespmem:s6+$0x9400]  }
0x2d5: {  	v48 =	vmul.f32 v49, v12;
	v49 =	vmul.f32 v52, v12;
	v47 =	vld [tilespmem:s4+$0x9400];
	s4 =	sor.u32 $0x300, s14  }
0x2d6: {  	v40 =	vmul.f32 v55, v12;
	v41 =	vmul.f32 v3, v12;
	s6 =	sor.u32 $0x380, s14;
	v52 =	vld [tilespmem:s4+$0x9400];
	s4 =	sadd.s32 $0x30, s14  }
0x2d7: {  	v3 =	vmul.f32 v4, v9;
	v4 =	vmul.f32 v5, v9;
	v5 =	vld [tilespmem:s6+$0x9400];
	s6 =	sor.u32 $0x200, s4  }
0x2d8: {  	s15 =	sadd.s32 $0x20, s14;
	v55 =	vmul.f32 v58, v9;
	v58 =	vmul.f32 v61, v9;
	v61 =	vld [tilespmem:s6+$0x9400];
	s6 =	sor.u32 $0x280, s4  }
0x2d9: {  	s17 =	sor.u32 $0x200, s15;
	v42 =	vmul.f32 v42, v9;
	v43 =	vmul.f32 v43, v9;
	v62 =	vld [tilespmem:s6+$0x9400]  }
0x2da: {  	v44 =	vmul.f32 v44, v9;
	s6 =	sadd.s32 $0x10, s14;
	s14 =	sor.u32 $0x280, s15;
	v47 =	vmul.f32 v47, v9;
	v63 =	vld [tilespmem:s17+$0x9400]  }
0x2db: {  	v3 =	vadd.f32 v3, v19;
	v4 =	vadd.f32 v4, v20;
	s17 =	sor.u32 $0x200, s6;
	v52 =	vmul.f32 v52, v9;
	v19 =	vld [tilespmem:s14+$0x9400]  }
0x2dc: {  	v20 =	vadd.f32 v55, v21;
	v21 =	vadd.f32 v58, v22;
	s14 =	sor.u32 $0x280, s6;
	v5 =	vmul.f32 v5, v9;
	v22 =	vld [tilespmem:s17+$0x9400]  }
0x2dd: {  	v3 =	vadd.f32 v45, v3;
	v4 =	vadd.f32 v46, v4;
	v45 =	vld [tilespmem:s14+$0x9400];
	s14 =	sor.u32 $0x300, s6;
	v46 =	vmul.f32 v61, v8  }
0x2de: {  	v20 =	vadd.f32 v48, v20;
	v21 =	vadd.f32 v49, v21;
	s6 =	sor.u32 $0x380, s6;
	v48 =	vld [tilespmem:s14+$0x9400];
	v49 =	vmul.f32 v62, v8  }
0x2df: {  	v3 =	vadd.f32 v56, v3;
	v4 =	vadd.f32 v57, v4;
	v55 =	vld [tilespmem:s6+$0x9400];
	v56 =	vmul.f32 v63, v10;
	s6 =	sor.u32 $0x300, s15  }
0x2e0: {  	v57 =	vadd.f32 v59, v20;
	v58 =	vadd.f32 v60, v21;
	v59 =	vmul.f32 v19, v10;
	v60 =	vld [tilespmem:s6+$0x9400];
	s6 =	sor.u32 $0x380, s15  }
0x2e1: {  	v20 =	vadd.f32 v51, v4;
	v19 =	vadd.f32 v50, v3;
	v61 =	vmul.f32 v22, v12;
	v62 =	vld [tilespmem:s6+$0x9400];
	s6 =	sor.u32 $0x300, s4  }
0x2e2: {  	v21 =	vadd.f32 v53, v57;
	v22 =	vadd.f32 v54, v58;
	s4 =	sor.u32 $0x380, s4;
	v3 =	vmul.f32 v45, v12;
	v4 =	vld [tilespmem:s6+$0x9400]  }
0x2e3: {  	v25 =	vadd.f32 v44, v25;
	v24 =	vadd.f32 v47, v24;
	s6 =	sor.u32 s28, s3;
	v44 =	vmul.f32 v48, v12;
	v45 =	vld [tilespmem:s4+$0x9400]  }
0x2e4: {  	v26 =	vadd.f32 v52, v26;
	v5 =	vadd.f32 v5, v23;
	s4 =	sor.u32 s28, s5;
	v23 =	vld [tilespmem:s6+$0x0];
	v47 =	vmul.f32 v55, v12  }
0x2e5: {  	s3 =	sor.u32 s0, s3;
	v25 =	vadd.f32 v61, v25;
	v3 =	vadd.f32 v3, v24;
	v48 =	vld [tilespmem:s4+$0x0];
	v24 =	vmul.f32 v60, v10  }
0x2e6: {  	v26 =	vadd.f32 v44, v26;
	v5 =	vadd.f32 v47, v5;
	v44 =	vld [tilespmem:s3+$0x0];
	s3 =	sor.u32 s0, s5;
	v47 =	vmul.f32 v62, v10  }
0x2e7: {  	v25 =	vadd.f32 v56, v25;
	v3 =	vadd.f32 v59, v3;
	v50 =	vld [tilespmem:s3+$0x0];
	s3 =	sor.u32 s0, s2;
	v4 =	vmul.f32 v4, v8  }
0x2e8: {  	v26 =	vadd.f32 v24, v26;
	v51 =	vld [tilespmem:s3+$0x0];
	s3 =	sor.u32 s0, s31;
	v5 =	vadd.f32 v47, v5;
	v45 =	vmul.f32 v45, v8  }
0x2e9: {  	s23 =	sadd.s32 $0x4, s23;
	s2 =	sor.u32 s28, s2;
	v25 =	vadd.f32 v46, v25;
	v24 =	vadd.f32 v49, v3;
	v47 =	vmul.f32 v23, v9;
	v52 =	vld [tilespmem:s3+$0x0]  }
0x2ea: {  	p1 =	slt.u32 s23, $0x7C;
	s3 =	sadd.s32 $0xD700, s29;
	v26 =	vadd.f32 v4, v26;
	v3 =	vmul.f32 v48, v9;
	v46 =	vld [tilespmem:s2+$0x0];
	s2 =	sor.u32 s28, s31;
	v23 =	vadd.f32 v45, v5  }
0x2eb: {  	v4 =	vadd.f32 v42, v28;
	v5 =	vadd.f32 v43, v27;
	s4 =	sor.u32 s28, s3;
	v27 =	vld [tilespmem:s2+$0x0];
	s2 =	sadd.s32 $0xD780, s29;
	v28 =	vmul.f32 v44, v12  }
0x2ec: {  	v32 =	vadd.f32 v47, v32;
	v3 =	vadd.f32 v3, v33;
	v47 =	vld [tilespmem:s4+$0x0];
	s4 =	sor.u32 s28, s2;
	v42 =	vmul.f32 v50, v12  }
.Ltmp4:
0x2ed: {  	v4 =	vadd.f32 v40, v4;
	v5 =	vadd.f32 v41, v5;
	v33 =	vld [tilespmem:s4+$0x0];
	v40 =	vmul.f32 v51, v12;
	s4 =	sor.u32 s0, s3;
	(pc) =	sbr.rel @p1 .LBB2_6-.Ltmp4, $4  }
0x2ee: {  	v28 =	vadd.f32 v28, v32;
	s0 =	sor.u32 s0, s2;
	v3 =	vadd.f32 v42, v3;
	v41 =	vmul.f32 v52, v12;
	v43 =	vld [tilespmem:s4+$0x0]  }
0x2ef: {  	v4 =	vadd.f32 v36, v4;
	v5 =	vadd.f32 v37, v5;
	v44 =	vmul.f32 v46, v9;
	v42 =	vld [tilespmem:s0+$0x0];
	s0 =	sor.u32 s30, s3  }
0x2f0: {  	s24 =	sadd.s32 $0x200, s24;
	v46 =	vadd.f32 v38, v28;
	v45 =	vmul.f32 v27, v9;
	v39 =	vadd.f32 v39, v3;
	v36 =	vld [tilespmem:s0+$0x0];
	s0 =	sor.u32 s30, s2  }
0x2f1: {  	s25 =	sadd.s32 $0x40, s25;
	s26 =	sadd.s32 $0x40, s26;
	v28 =	vadd.f32 v34, v4;
	v27 =	vadd.f32 v35, v5;
	v38 =	vmul.f32 v47, v9;
	v37 =	vld [tilespmem:s0+$0x0];
	s0 =	sor.u32 s22, s3  }
0x2f2: {  	(xrf2) =	vadd.scan.msk.f32 $0xffff, v19  }
0x2f3: {  	(xrf2) =	vadd.scan.msk.f32 $0xffff, v20  }
0x2f4: {  	(xrf2) =	vadd.scan.msk.f32 $0xffff, v21  }
0x2f5: {  	(xrf2) =	vadd.scan.msk.f32 $0xffff, v22  }
0x2f6: {  	v3 =	vadd.f32 v44, v14;
	(xrf2) =	vadd.scan.msk.f32 $0xffff, v25  }
0x2f7: {  	v4 =	vmul.f32 v33, v9;
	v5 =	vadd.f32 v15, v46;
	v15 =	vadd.f32 v45, v31;
	(xrf2) =	vadd.scan.msk.f32 $0xffff, v24  }
0x2f8: {  	v9 =	vadd.f32 v16, v39;
	v16 =	vmul.f32 v43, v12;
	v12 =	vmul.f32 v42, v12;
	(xrf2) =	vadd.scan.msk.f32 $0xffff, v26  }
0x2f9: {  	v19 =	vadd.f32 v38, v29;
	v15 =	vadd.f32 v41, v15;
	(xrf2) =	vadd.scan.msk.f32 $0xffff, v23  }
0x2fa: {  	v3 =	vadd.f32 v40, v3;
	v4 =	vadd.f32 v4, v30;
	(xrf2) =	vadd.scan.msk.f32 $0xffff, v28  }
0x2fb: {  	v14 =	vld [tilespmem:s0+$0x0];
	s23 =	sor.u32 s22, s2;
	v16 =	vadd.f32 v16, v19;
	v15 =	vadd.f32 v17, v15;
	(xrf2) =	vadd.scan.msk.f32 $0xffff, v27  }
0x2fc: {  	v20 =	vld [tilespmem:s23+$0x0];
	v4 =	vadd.f32 v12, v4;
	v12, _, _ =	vpop (xrf2);
	(xrf2) =	vadd.scan.msk.f32 $0xffff, v5  }
0x2fd: {  	v21 =	vmul.f32 v36, v10;
	v3 =	vadd.f32 v18, v3;
	v5, _, _ =	vpop (xrf2);
	(xrf2) =	vadd.scan.msk.f32 $0xffff, v9;
	v9 =	vadd.f32 v11, v15;
	v15 =	vld [tilespmem:$0x1FFF0]  }
0x2fe: {  	v10 =	vmul.f32 v37, v10  }
0x2ff: {  	v3 =	vadd.f32 v13, v3;
	v13 =	vadd.f32 v21, v16;
	v16, _, _ =	vpop (xrf2)  }
0x300: {  	v4 =	vadd.f32 v10, v4;
	v10 =	vbroadcast v16, $0xF  }
0x301: {  	v12 =	vbroadcast v12, $0xF;
	v5 =	vbroadcast v5, $0xF  }
0x302: {  	v14 =	vmul.f32 v14, v8;
	v8 =	vmul.f32 v20, v8;
	v11, _, _ =	vpop (xrf2);
	vm1 =	vnez.u8 v15  }
0x303: {  	(xrf2) =	vadd.scan.msk.f32 $0xffff, v3;
	v3, _, _ =	vpop (xrf2);
	v11 =	vbroadcast v11, $0xF;
	v5 =	vsel vm1, v12, v5  }
0x304: {  	v3 =	vbroadcast v3, $0xF;
	v5 =	vsel vm2, v5, v10;
	v10, _, _ =	vpop (xrf2)  }
0x305: {  	(xrf2) =	vadd.scan.msk.f32 $0xffff, v9;
	v12 =	vadd.f32 v14, v13;
	v9, _, _ =	vpop (xrf2);
	v5 =	vsel vm3, v5, v11;
	v10 =	vbroadcast v10, $0xF  }
0x306: {  	s24 =	sadd.s32 $0x10, s21;
	v4 =	vadd.f32 v8, v4;
	v3 =	vsel vm4, v5, v3;
	v5 =	vbroadcast v9, $0xF;
	v8, _, _ =	vpop (xrf2)  }
0x307: {  	(xrf2) =	vadd.scan.msk.f32 $0xffff, v12;
	v9, _, _ =	vpop (xrf2);
	v3 =	vsel vm5, v3, v10;
	v8 =	vbroadcast v8, $0xF;
	v10 =	vmov s24  }
0x308: {  	v3 =	vsel vm6, v3, v5;
	v5 =	vbroadcast v9, $0xF;
	v9 =	vbroadcast v10, $0x0  }
0x309: {  	v11, _, _ =	vpop (xrf2)  }
0x30a: {  	v3 =	vsel vm7, v3, v8;
	v8 =	vbroadcast v11, $0xF;
	v10, _, _ =	vpop (xrf2);
	(xrf2) =	vadd.scan.msk.f32 $0xffff, v4  }
0x30b: {  	v3 =	vsel vm8, v3, v5;
	v5 =	vor.u32 v0, v9;
	v4 =	vbroadcast v10, $0xF  }
0x30c: {  	p0 =	sgt.u32 s16, $0x2;
	v3 =	vsel vm9, v3, v8;
	v8 =	vmulhi.u32 $0x51EB851F, v5;
	v9, _, _ =	vpop (xrf2)  }
0x30d: {  	s0 =	sadd.s32 @!p0 $0x40, s21;
	v10, _, _ =	vpop (xrf2);
	v3 =	vsel vm10, v3, v4;
	v4 =	vbroadcast v9, $0xF  }
0x30e: {  	v8 =	vshrl.u32 v8, $0x5;
	v9 =	vbroadcast v10, $0xF;
	v10 =	vmov @!p0 s0  }
0x30f: {  	v11, _, _ =	vpop (xrf2);
	v3 =	vsel vm12, v3, v4;
	v4 =	vmul.u32 $0xFFFFFF9C, v8;
	v10 =	vbroadcast @!p0 v10, $0x0  }
0x310: {  	v3 =	vsel vm11, v3, v9;
	v9 =	vbroadcast v11, $0xF;
	v11 =	vlaneseq.u32 @!p0  }
0x311: {  	v12, _, _ =	vpop (xrf2);
	v4 =	vadd.s32 v5, v4;
	v5 =	vshll.u32 v8, $0x7;
	v8 =	vor.u32 @!p0 v11, v10  }
0x312: {  	v10 =	vbroadcast v12, $0xF;
	v4 =	vor.u32 v4, v5;
	v5 =	vmulhi.u32 @!p0 $0x51EB851F, v8  }
0x313: {  	v3 =	vsel vm13, v3, v9  }
0x314: {  	v3 =	vsel vm14, v3, v10;
	v9, _, _ =	vpop (xrf2);
	v5 =	vshrl.u32 @!p0 v5, $0x5  }
0x315: {  	v3 =	vsel vm15, v3, v9;
	v9 =	vmul.u32 @!p0 $0xFFFFFF9C, v5  }
0x316: {  	[tilespmem:s21+$0x19410] =	vst v3  }
0x317: {  	v5 =	vshll.u32 @!p0 v5, $0x7;
	v3 =	vld.idx.msk [tilespmem:v4+s19+$0x0], $0xffff;
	v4 =	vadd.s32 @!p0 v8, v9  }
0x318: {  	v4 =	vor.u32 @!p0 v4, v5;
	_ =	sdelay $0x3  }
0x319: {  	s0 =	simm.s32 @!p0 $0xC00;
	[tilespmem:s21+$0x19510] =	vst v3  }
0x31a: {  	v3 =	vld.idx.msk @!p0 [tilespmem:v4+s0+$0x0], $0xffff;
	_ =	sdelay $0x4  }
0x31b: {  	v4 =	vshll.u32 @!p0 v3, $0x4  }
0x31c: {  	v3 =	vand.u32 @!p0 $0x7, v3;
	v4 =	vand.u32 @!p0 $0xFFFFFF80, v4  }
0x31d: {  	v5 =	vshrl.u32 @!p0 v11, $0x3;
	v3 =	vor.u32 @!p0 v3, v4;
	v4 =	vand.u32 @!p0 $0x7, v11  }
0x31e: {  	v5 =	vmul.u32 @!p0 $0x8, v5;
	v4 =	vperm.xlane @!p0 v3, v4;
	_ =	sdelay $0x1  }
0x31f: {  	v4 =	vadd.s32 @!p0 v5, v4;
	_ =	sdelay $0x3  }
0x320: {  	s2 =	simm.s32 @!p0 $0x9400;
	vm1 =	vmmov @!p0 $0xffff;
	s0 =	simm.s32 @!p0 $0x0  }
0x321: {  	[tilespmem:s2], [sflag:$0x2] =	stream.indirect_vreg.gather @!p0 [hbm4b:s1+s0], $0x80, v4, vm1, $0xb8;
	[tilespmem:$0x19600] =	vst v63  }
0x322: {  	s2 =	simm.s32 @!p0 $0x9C00  }
0x323: {  	[tilespmem:s2], [sflag:$0x2] =	stream.indirect_vreg.gather @!p0 [hbm4b:s7+s0], $0x80, v4, vm1, $0xb8;
	[tilespmem:$0x19600] =	vst v63  }
0x324: {  	s2 =	simm.s32 @!p0 $0xA400  }
0x325: {  	[tilespmem:s2], [sflag:$0x2] =	stream.indirect_vreg.gather @!p0 [hbm4b:s8+s0], $0x80, v4, vm1, $0xb8;
	[tilespmem:$0x19600] =	vst v63  }
0x326: {  	s2 =	simm.s32 @!p0 $0xAC00  }
0x327: {  	[tilespmem:s2], [sflag:$0x2] =	stream.indirect_vreg.gather @!p0 [hbm4b:s9+s0], $0x80, v4, vm1, $0xb8;
	[tilespmem:$0x19600] =	vst v63  }
0x328: {  	s2 =	simm.s32 @!p0 $0xB400  }
0x329: {  	v8 =	vor.u32 @!p0 $0x8, v11;
	[tilespmem:s2], [sflag:$0x2] =	stream.indirect_vreg.gather @!p0 [hbm4b:s10+s0], $0x80, v4, vm1, $0xb8;
	[tilespmem:$0x19600] =	vst v63  }
0x32a: {  	v3 =	vperm.xlane @!p0 v3, v8;
	s2 =	simm.s32 @!p0 $0xBC00  }
0x32b: {  	[tilespmem:s2], [sflag:$0x2] =	stream.indirect_vreg.gather @!p0 [hbm4b:s11+s0], $0x80, v4, vm1, $0xb8;
	[tilespmem:$0x19600] =	vst v63  }
0x32c: {  	v3 =	vadd.s32 @!p0 v5, v3;
	s2 =	simm.s32 @!p0 $0xC400  }
0x32d: {  	[tilespmem:s2], [sflag:$0x2] =	stream.indirect_vreg.gather @!p0 [hbm4b:s12+s0], $0x80, v4, vm1, $0xb8;
	[tilespmem:$0x19600] =	vst v63  }
0x32e: {  	s2 =	simm.s32 @!p0 $0xCC00  }
0x32f: {  	[tilespmem:s2], [sflag:$0x2] =	stream.indirect_vreg.gather @!p0 [hbm4b:s13+s0], $0x80, v4, vm1, $0xb8;
	[tilespmem:$0x19600] =	vst v63  }
0x330: {  	s2 =	simm.s32 @!p0 $0xD400  }
0x331: {  	[tilespmem:s2], [sflag:$0x2] =	stream.indirect_vreg.gather @!p0 [hbm4b:s1+s0], $0x80, v3, vm1, $0xb8;
	[tilespmem:$0x19600] =	vst v63  }
0x332: {  	s2 =	simm.s32 @!p0 $0xDC00  }
0x333: {  	[tilespmem:s2], [sflag:$0x2] =	stream.indirect_vreg.gather @!p0 [hbm4b:s7+s0], $0x80, v3, vm1, $0xb8;
	[tilespmem:$0x19600] =	vst v63  }
0x334: {  	s2 =	simm.s32 @!p0 $0xE400  }
0x335: {  	[tilespmem:s2], [sflag:$0x2] =	stream.indirect_vreg.gather @!p0 [hbm4b:s8+s0], $0x80, v3, vm1, $0xb8;
	[tilespmem:$0x19600] =	vst v63  }
0x336: {  	s2 =	simm.s32 @!p0 $0xEC00  }
0x337: {  	[tilespmem:s2], [sflag:$0x2] =	stream.indirect_vreg.gather @!p0 [hbm4b:s9+s0], $0x80, v3, vm1, $0xb8;
	[tilespmem:$0x19600] =	vst v63  }
0x338: {  	s2 =	simm.s32 @!p0 $0xF400  }
0x339: {  	[tilespmem:s2], [sflag:$0x2] =	stream.indirect_vreg.gather @!p0 [hbm4b:s10+s0], $0x80, v3, vm1, $0xb8;
	[tilespmem:$0x19600] =	vst v63  }
0x33a: {  	s2 =	simm.s32 @!p0 $0xFC00  }
0x33b: {  	[tilespmem:s2], [sflag:$0x2] =	stream.indirect_vreg.gather @!p0 [hbm4b:s11+s0], $0x80, v3, vm1, $0xb8;
	[tilespmem:$0x19600] =	vst v63  }
0x33c: {  	s2 =	simm.s32 @!p0 $0x10400  }
0x33d: {  	[tilespmem:s2], [sflag:$0x2] =	stream.indirect_vreg.gather @!p0 [hbm4b:s12+s0], $0x80, v3, vm1, $0xb8;
	[tilespmem:$0x19600] =	vst v63  }
0x33e: {  	s25 =	simm.s32 $0x3;
	s26 =	simm.s32 $0x0;
	s2 =	simm.s32 @!p0 $0x10C00  }
0x33f: {  	[tilespmem:s2], [sflag:$0x2] =	stream.indirect_vreg.gather @!p0 [hbm4b:s13+s0], $0x80, v3, vm1, $0xb8;
	[tilespmem:$0x19600] =	vst v63  }
0x340: {  	s3 =	simm.s32 $0x400;
	s4 =	sand.u32 $0x780, s26;
	_ =	swait.ge [sflag:s25], $0x8000  }
0x341: {  	s15 =	sadd.s32 $0x400, s4;
	s0 =	sand.u32 $0x40, s26;
	[sflag:s25] =	ssyncset.done $0x0  }
0x342: {  	s2 =	sand.u32 $0x3C00, s26;
	s21 =	sor.u32 $0x30, s0;
	[sflag:s25] =	ssyncadd.s32 $0xFFFF8000  }
0x343: {  	s14 =	sadd.s32 $0x11400, s2;
	s28 =	sor.u32 s21, s15;
	v9 =	vld [tilespmem:s3+$0x0]  }
0x344: {  	s29 =	sor.u32 s21, s14;
	v8 =	vld [tilespmem:s28+$0x0]  }
0x345: {  	v3 =	vld [tilespmem:s29+$0x0]  }
0x346: {  	v4 =	vld [tilespmem:s29+$0x80]  }
0x347: {  	s6 =	sadd.s32 $0x15400, s2;
	v5 =	vld [tilespmem:s29+$0x100]  }
0x348: {  	s4 =	sadd.s32 $0x15480, s2;
	s30 =	sor.u32 s21, s6;
	v11 =	vld [tilespmem:s29+$0x180]  }
0x349: {  	s24 =	sadd.s32 $0x15580, s2;
	s31 =	sor.u32 s21, s4;
	v13 =	vld [tilespmem:s30+$0x0]  }
0x34a: {  	s22 =	sadd.s32 $0x15680, s2;
	s17 =	sor.u32 s21, s24;
	v14 =	vld [tilespmem:s31+$0x0]  }
0x34b: {  	s26 =	sor.u32 s21, s22;
	s25 =	sadd.s32 $0x15500, s2;
	v17 =	vld [tilespmem:s17+$0x0]  }
0x34c: {  	s23 =	sadd.s32 $0x15600, s2;
	s5 =	sor.u32 s21, s25;
	v19 =	vld [tilespmem:s26+$0x0]  }
0x34d: {  	s3 =	sor.u32 $0x20, s0;
	v15 =	vld [tilespmem:s5+$0x0];
	s5 =	sor.u32 s21, s23  }
0x34e: {  	s17 =	sor.u32 s3, s15;
	v18 =	vld [tilespmem:s5+$0x0]  }
0x34f: {  	s28 =	sor.u32 s3, s14;
	v10 =	vld [tilespmem:s17+$0x0]  }
0x350: {  	v20 =	vld [tilespmem:s28+$0x0]  }
0x351: {  	v21 =	vld [tilespmem:s28+$0x80]  }
0x352: {  	v22 =	vld [tilespmem:s28+$0x100]  }
0x353: {  	s29 =	sor.u32 s3, s6;
	v23 =	vld [tilespmem:s28+$0x180]  }
0x354: {  	s30 =	sor.u32 s3, s4;
	v24 =	vld [tilespmem:s29+$0x0]  }
0x355: {  	s31 =	sor.u32 s3, s25;
	v25 =	vld [tilespmem:s30+$0x0]  }
0x356: {  	s26 =	sor.u32 s3, s23;
	v26 =	vld [tilespmem:s31+$0x0]  }
0x357: {  	s17 =	sor.u32 s3, s24;
	v50 =	vld [tilespmem:s26+$0x0]  }
0x358: {  	s5 =	sor.u32 $0x10, s0;
	s28 =	sor.u32 s3, s22;
	v32 =	vld [tilespmem:s17+$0x0]  }
0x359: {  	s15 =	sor.u32 s5, s15;
	v34 =	vld [tilespmem:s28+$0x0]  }
0x35a: {  	s29 =	sor.u32 s5, s14;
	v12 =	vld [tilespmem:s15+$0x0]  }
0x35b: {  	v35 =	vld [tilespmem:s29+$0x0]  }
0x35c: {  	v51 =	vld [tilespmem:s29+$0x80]  }
0x35d: {  	v52 =	vld [tilespmem:s29+$0x100]  }
0x35e: {  	s30 =	sor.u32 s5, s6;
	v53 =	vld [tilespmem:s29+$0x180]  }
0x35f: {  	s14 =	sor.u32 s0, s14;
	v54 =	vld [tilespmem:s30+$0x0];
	v3 =	vmul.f32 v3, v8;
	v4 =	vmul.f32 v4, v8  }
0x360: {  	v55 =	vld [tilespmem:s14+$0x0];
	v5 =	vmul.f32 v5, v8;
	v39 =	vmul.f32 v11, v8  }
0x361: {  	v56 =	vld [tilespmem:s14+$0x100];
	v27 =	vmul.f32 v13, v8;
	v29 =	vmul.f32 v14, v8  }
0x362: {  	p0 =	por $0x0, $0x0;
	s31 =	sor.u32 s5, s4;
	s15 =	simm.s32 $0x1;
	v57 =	vld [tilespmem:s14+$0x180];
	v11 =	vmul.f32 v19, v8;
	v16 =	vmul.f32 v15, v8  }
0x363: {  	v14 =	vld [tilespmem:s31+$0x0];
	s15 =	simm.s32 @!p0 $0x0;
	v15 =	vmul.f32 v17, v8;
	v13 =	vmul.f32 v18, v8  }
0x364: {  	s6 =	sor.u32 s0, s6;
	v19 =	vld [tilespmem:s14+$0x80];
	s15 =	sshll.u32 s15, $0x6;
	v20 =	vmul.f32 v20, v10;
	v21 =	vmul.f32 v21, v10  }
0x365: {  	s4 =	sor.u32 s0, s4;
	v22 =	vmul.f32 v22, v10;
	v28 =	vmul.f32 v24, v10;
	s14 =	sadd.s32 $0x0, s15;
	v24 =	vld [tilespmem:s6+$0x0]  }
0x366: {  	v23 =	vmul.f32 v23, v10;
	v30 =	vmul.f32 v25, v10;
	v25 =	vld [tilespmem:s4+$0x0];
	s15 =	sor.u32 $0x200, s14  }
0x367: {  	v31 =	vmul.f32 v26, v10;
	v18 =	vmul.f32 v50, v10;
	s17 =	sor.u32 $0x280, s14;
	v26 =	vld [tilespmem:s15+$0x11400]  }
0x368: {  	v32 =	vmul.f32 v32, v10;
	v17 =	vmul.f32 v34, v10;
	s26 =	sor.u32 $0x300, s14;
	v60 =	vld [tilespmem:s17+$0x11400]  }
0x369: {  	s28 =	sor.u32 $0x380, s14;
	s6 =	sadd.s32 $0x30, s14;
	v58 =	vmul.f32 v35, v12;
	v61 =	vmul.f32 v52, v12;
	v63 =	vld [tilespmem:s26+$0x11400]  }
0x36a: {  	v62 =	vmul.f32 v53, v12;
	v40 =	vmul.f32 v54, v12;
	v52 =	vld [tilespmem:s28+$0x11400];
	s29 =	sor.u32 $0x200, s6;
	s15 =	sadd.s32 $0x20, s14  }
0x36b: {  	v41 =	vmul.f32 v55, v9;
	v42 =	vmul.f32 v56, v9;
	v53 =	vld [tilespmem:s29+$0x11400];
	s31 =	sor.u32 $0x200, s15  }
0x36c: {  	v43 =	vmul.f32 v57, v9;
	s26 =	sadd.s32 $0x10, s14;
	v44 =	vmul.f32 v14, v12;
	v14 =	vimm.f32 $0.0e+00;
	s28 =	sor.u32 $0x280, s15;
	v54 =	vld [tilespmem:s31+$0x11400]  }
0x36d: {  	v59 =	vmul.f32 v51, v12;
	v19 =	vmul.f32 v19, v9;
	s29 =	sor.u32 $0x200, s26;
	v41 =	vadd.f32 v41, v14;
	v49 =	vld [tilespmem:s28+$0x11400]  }
0x36e: {  	s4 =	sor.u32 $0x380, s26;
	v42 =	vadd.f32 v42, v14;
	v43 =	vadd.f32 v43, v14;
	v50 =	vld [tilespmem:s29+$0x11400];
	v47 =	vmul.f32 v24, v9  }
0x36f: {  	s30 =	sor.u32 $0x280, s6;
	v57 =	vld [tilespmem:s4+$0x11400];
	v48 =	vmul.f32 v25, v9;
	v19 =	vadd.f32 v19, v14;
	v33 =	vadd.f32 v58, v41  }
0x370: {  	s31 =	sor.u32 $0x300, s26;
	v24 =	vld [tilespmem:s30+$0x11400];
	v36 =	vadd.f32 v61, v42;
	v37 =	vadd.f32 v62, v43;
	v25 =	vmul.f32 v26, v9  }
0x371: {  	s30 =	sor.u32 $0x280, s26;
	v56 =	vld [tilespmem:s31+$0x11400];
	v26 =	vmul.f32 v60, v9;
	v38 =	vmul.f32 v63, v9;
	v19 =	vadd.f32 v59, v19  }
0x372: {  	s26 =	sor.u32 $0x380, s15;
	v55 =	vld [tilespmem:s30+$0x11400];
	v45 =	vmul.f32 v52, v9;
	v20 =	vadd.f32 v20, v33;
	v22 =	vadd.f32 v22, v36  }
0x373: {  	s17 =	sor.u32 $0x300, s15;
	v62 =	vld [tilespmem:s26+$0x11400];
	v41 =	vmul.f32 v53, v8;
	v23 =	vadd.f32 v23, v37;
	v21 =	vadd.f32 v21, v19  }
0x374: {  	s31 =	sor.u32 s0, s24;
	v60 =	vld [tilespmem:s17+$0x11400];
	v59 =	vmul.f32 v49, v10;
	v63 =	vadd.f32 v38, v14;
	v49 =	vadd.f32 v45, v14  }
0x375: {  	s30 =	sor.u32 s0, s25;
	v52 =	vld [tilespmem:s31+$0x0];
	v61 =	vmul.f32 v50, v12;
	v19 =	vadd.f32 v3, v20;
	v20 =	vadd.f32 v4, v21  }
0x376: {  	s28 =	sor.u32 $0x300, s6;
	v50 =	vld [tilespmem:s30+$0x0];
	v51 =	vmul.f32 v57, v12;
	v21 =	vadd.f32 v5, v22;
	v22 =	vadd.f32 v39, v23  }
0x377: {  	s29 =	sor.u32 $0x380, s6;
	v3 =	vmul.f32 v55, v12;
	v4 =	vld [tilespmem:s28+$0x11400];
	v5 =	vadd.f32 v25, v14;
	v23 =	vadd.f32 v26, v14  }
0x378: {  	s6 =	sor.u32 s5, s25;
	v25 =	vmul.f32 v56, v12;
	v26 =	vld [tilespmem:s29+$0x11400];
	v53 =	vadd.f32 v51, v49;
	v55 =	vmul.f32 v62, v10  }
0x379: {  	s15 =	sor.u32 s5, s23;
	v58 =	vmul.f32 v54, v10;
	v54 =	vld [tilespmem:s6+$0x0];
	v5 =	vadd.f32 v61, v5;
	v3 =	vadd.f32 v3, v23  }
0x37a: {  	s14 =	sor.u32 s5, s24;
	v57 =	vld [tilespmem:s15+$0x0];
	v23 =	vmul.f32 v60, v10;
	v25 =	vadd.f32 v25, v63;
	v34 =	vadd.f32 v55, v53  }
0x37b: {  	s24 =	sor.u32 s0, s22;
	v24 =	vmul.f32 v24, v8;
	v56 =	vld [tilespmem:s14+$0x0];
	v61 =	vadd.f32 v48, v14;
	v5 =	vadd.f32 v58, v5  }
0x37c: {  	s25 =	sadd.s32 $0x15700, s2;
	s17 =	sor.u32 s5, s22;
	v62 =	vld [tilespmem:s24+$0x0];
	v3 =	vadd.f32 v59, v3;
	v23 =	vadd.f32 v23, v25;
	v59 =	vmul.f32 v50, v9  }
0x37d: {  	s26 =	sor.u32 s0, s25;
	v60 =	vld [tilespmem:s17+$0x0];
	v4 =	vmul.f32 v4, v8;
	v58 =	vmul.f32 v26, v8;
	v26 =	vadd.f32 v41, v5  }
0x37e: {  	s23 =	sor.u32 s0, s23;
	v63 =	vld [tilespmem:s26+$0x0];
	v36 =	vmul.f32 v54, v12;
	v24 =	vadd.f32 v24, v3;
	v37 =	vadd.f32 v59, v14  }
0x37f: {  	v3 =	vmul.f32 v52, v9;
	v5 =	vld [tilespmem:s23+$0x0];
	v25 =	vadd.f32 v4, v23;
	v23 =	vadd.f32 v58, v34  }
0x380: {  	s2 =	sadd.s32 $0x15780, s2;
	v38 =	vmul.f32 v56, v12;
	v4 =	vadd.f32 v47, v14;
	v34 =	vadd.f32 v44, v61  }
0x381: {  	s0 =	sor.u32 s0, s2;
	v45 =	vmul.f32 v62, v9;
	v3 =	vadd.f32 v3, v14;
	v36 =	vadd.f32 v36, v37  }
0x382: {  	v33 =	vld [tilespmem:s0+$0x0];
	s28 =	sor.u32 s5, s25;
	v41 =	vmul.f32 v60, v12;
	v4 =	vadd.f32 v40, v4;
	v40 =	vmul.f32 v57, v12  }
0x383: {  	s29 =	sor.u32 s5, s2;
	v43 =	vld [tilespmem:s28+$0x0];
	v3 =	vadd.f32 v38, v3;
	v46 =	vadd.f32 v31, v36;
	v38 =	vmul.f32 v63, v9  }
0x384: {  	s30 =	sor.u32 s3, s25;
	v42 =	vld [tilespmem:s29+$0x0];
	v44 =	vmul.f32 v5, v9;
	v4 =	vadd.f32 v28, v4;
	v5 =	vadd.f32 v30, v34  }
0x385: {  	s22 =	simm.s32 $0x0;
	s31 =	sor.u32 s3, s2;
	s0 =	sor.u32 s21, s25;
	v36 =	vld [tilespmem:s30+$0x0];
	v31 =	vimm.f32 $0.0e+00;
	v30 =	vimm.f32 $0.0e+00;
	v39 =	vadd.f32 v32, v3  }
0x386: {  	s24 =	simm.s32 $0x40;
	s25 =	simm.s32 $0x440;
	s23 =	simm.s32 $0x200;
	v37 =	vld [tilespmem:s31+$0x0];
	v28 =	vadd.f32 v27, v4;
	v27 =	vadd.f32 v29, v5;
	v29 =	vimm.f32 $0.0e+00  }
.LBB2_8:
0x387: {  	s26 =	sand.u32 $0x40, s24;
	s3 =	sand.u32 $0x780, s24;
	v3 =	vmul.f32 v33, v9;
	v32 =	vadd.f32 v16, v46;
	v33 =	vadd.f32 v15, v39;
	v4 =	vld [tilespmem:s0+$0x0];
	s0 =	sor.u32 s21, s2  }
0x388: {  	s28 =	sand.u32 $0x3C00, s23;
	v5 =	vadd.f32 v44, v14;
	v14 =	vadd.f32 v45, v31;
	s15 =	sadd.s32 $0x400, s3;
	s21 =	sor.u32 $0x30, s26;
	v15 =	vmul.f32 v43, v12;
	v16 =	vld [tilespmem:s0+$0x0]  }
0x389: {  	s4 =	sadd.s32 $0x11400, s28;
	v30 =	vadd.f32 v38, v30;
	v9 =	vld [tilespmem:s25+$0x0];
	s0 =	sor.u32 s21, s15;
	v3 =	vadd.f32 v3, v29;
	v12 =	vmul.f32 v42, v12  }
0x38a: {  	v5 =	vadd.f32 v40, v5;
	v14 =	vadd.f32 v41, v14;
	v34 =	vld [tilespmem:s0+$0x0];
	s0 =	sor.u32 s21, s4;
	v29 =	vmul.f32 v36, v10  }
0x38b: {  	v15 =	vadd.f32 v15, v30;
	v35 =	vld [tilespmem:s0+$0x0];
	v3 =	vadd.f32 v12, v3;
	v10 =	vmul.f32 v37, v10  }
0x38c: {  	v5 =	vadd.f32 v18, v5;
	v12 =	vadd.f32 v17, v14;
	v36 =	vld [tilespmem:s0+$0x80];
	v4 =	vmul.f32 v4, v8  }
0x38d: {  	s6 =	sadd.s32 $0x15400, s28;
	v15 =	vadd.f32 v29, v15;
	v17 =	vld [tilespmem:s0+$0x100];
	v3 =	vadd.f32 v10, v3;
	v10 =	vmul.f32 v16, v8  }
0x38e: {  	s14 =	sadd.s32 $0x15480, s28;
	v14 =	vadd.f32 v13, v5;
	v31 =	vadd.f32 v11, v12;
	v16 =	vld [tilespmem:s0+$0x180];
	s0 =	sor.u32 s21, s6  }
0x38f: {  	s3 =	sadd.s32 $0x15500, s28;
	v30 =	vadd.f32 v4, v15;
	v5 =	vld [tilespmem:s0+$0x0];
	s0 =	sor.u32 s21, s14;
	v29 =	vadd.f32 v10, v3;
	v8 =	vmov v34  }
0x390: {  	s5 =	sadd.s32 $0x15580, s28;
	v3 =	vld [tilespmem:s0+$0x0];
	s0 =	sor.u32 s21, s3  }
0x391: {  	s2 =	sadd.s32 $0x15600, s28;
	v4 =	vld [tilespmem:s0+$0x0];
	s0 =	sor.u32 s21, s5  }
0x392: {  	s30 =	sadd.s32 $0x15680, s28;
	v11 =	vld [tilespmem:s0+$0x0];
	s0 =	sor.u32 s21, s2  }
0x393: {  	s29 =	sor.u32 $0x20, s26;
	v13 =	vld [tilespmem:s0+$0x0];
	s0 =	sor.u32 s21, s30  }
0x394: {  	s17 =	sor.u32 s29, s15;
	v18 =	vld [tilespmem:s0+$0x0]  }
0x395: {  	s0 =	sor.u32 s29, s4;
	v10 =	vld [tilespmem:s17+$0x0]  }
0x396: {  	v37 =	vld [tilespmem:s0+$0x0]  }
0x397: {  	v38 =	vld [tilespmem:s0+$0x80]  }
0x398: {  	v39 =	vld [tilespmem:s0+$0x100]  }
0x399: {  	v40 =	vld [tilespmem:s0+$0x180];
	s0 =	sor.u32 s29, s6  }
0x39a: {  	v41 =	vld [tilespmem:s0+$0x0];
	s0 =	sor.u32 s29, s14  }
0x39b: {  	v42 =	vld [tilespmem:s0+$0x0];
	s0 =	sor.u32 s29, s3  }
0x39c: {  	v43 =	vld [tilespmem:s0+$0x0];
	s0 =	sor.u32 s29, s5  }
0x39d: {  	s17 =	sor.u32 s29, s2;
	v44 =	vld [tilespmem:s0+$0x0]  }
0x39e: {  	s0 =	sor.u32 $0x10, s26;
	v45 =	vld [tilespmem:s17+$0x0];
	s17 =	sor.u32 s29, s30  }
0x39f: {  	s15 =	sor.u32 s0, s15;
	v46 =	vld [tilespmem:s17+$0x0]  }
0x3a0: {  	v12 =	vld [tilespmem:s15+$0x0];
	s15 =	sor.u32 s0, s4  }
0x3a1: {  	v47 =	vld [tilespmem:s15+$0x0]  }
0x3a2: {  	v48 =	vld [tilespmem:s15+$0x80]  }
0x3a3: {  	v50 =	vmul.f32 v35, v8;
	v51 =	vmul.f32 v36, v8;
	v49 =	vld [tilespmem:s15+$0x100]  }
0x3a4: {  	v53 =	vmul.f32 v17, v8;
	v54 =	vmul.f32 v16, v8;
	v52 =	vld [tilespmem:s15+$0x180];
	s15 =	sor.u32 s0, s6  }
0x3a5: {  	v34 =	vmul.f32 v5, v8;
	v35 =	vmul.f32 v3, v8;
	v55 =	vld [tilespmem:s15+$0x0];
	s15 =	sor.u32 s0, s14  }
0x3a6: {  	v16 =	vmul.f32 v4, v8;
	v15 =	vmul.f32 v11, v8;
	s4 =	sor.u32 s26, s4;
	v3 =	vld [tilespmem:s15+$0x0]  }
0x3a7: {  	v13 =	vmul.f32 v13, v8;
	v11 =	vmul.f32 v18, v8;
	v4 =	vld [tilespmem:s4+$0x0]  }
0x3a8: {  	p0 =	por !p0, !p0;
	v56 =	vmul.f32 v37, v10;
	v57 =	vmul.f32 v38, v10;
	s15 =	simm.s32 $0x1;
	v5 =	vld [tilespmem:s4+$0x80]  }
0x3a9: {  	v59 =	vmul.f32 v39, v10;
	v60 =	vmul.f32 v40, v10;
	s15 =	simm.s32 @!p0 $0x0;
	v58 =	vld [tilespmem:s4+$0x100]  }
0x3aa: {  	v36 =	vmul.f32 v41, v10;
	v37 =	vmul.f32 v42, v10;
	s15 =	sshll.u32 s15, $0x6;
	v61 =	vld [tilespmem:s4+$0x180];
	s4 =	sor.u32 s26, s6  }
0x3ab: {  	v38 =	vmul.f32 v43, v10;
	v39 =	vmul.f32 v44, v10;
	s6 =	sadd.s32 s15, s23;
	v42 =	vld [tilespmem:s4+$0x0];
	s4 =	sor.u32 s26, s14  }
0x3ac: {  	v18 =	vmul.f32 v45, v10;
	v17 =	vmul.f32 v46, v10;
	s14 =	sor.u32 $0x200, s6;
	v43 =	vld [tilespmem:s4+$0x0]  }
0x3ad: {  	v45 =	vmul.f32 v47, v12;
	v46 =	vmul.f32 v48, v12;
	s4 =	sor.u32 $0x280, s6;
	v44 =	vld [tilespmem:s14+$0x11400]  }
0x3ae: {  	v48 =	vmul.f32 v49, v12;
	v49 =	vmul.f32 v52, v12;
	v47 =	vld [tilespmem:s4+$0x11400];
	s4 =	sor.u32 $0x300, s6  }
0x3af: {  	v40 =	vmul.f32 v55, v12;
	v41 =	vmul.f32 v3, v12;
	s14 =	sor.u32 $0x380, s6;
	v52 =	vld [tilespmem:s4+$0x11400];
	s4 =	sadd.s32 $0x30, s6  }
0x3b0: {  	v3 =	vmul.f32 v4, v9;
	v4 =	vmul.f32 v5, v9;
	v5 =	vld [tilespmem:s14+$0x11400];
	s14 =	sor.u32 $0x200, s4  }
0x3b1: {  	s15 =	sadd.s32 $0x20, s6;
	v55 =	vmul.f32 v58, v9;
	v58 =	vmul.f32 v61, v9;
	v61 =	vld [tilespmem:s14+$0x11400];
	s14 =	sor.u32 $0x280, s4  }
0x3b2: {  	s17 =	sor.u32 $0x200, s15;
	v42 =	vmul.f32 v42, v9;
	v43 =	vmul.f32 v43, v9;
	v62 =	vld [tilespmem:s14+$0x11400]  }
0x3b3: {  	s6 =	sadd.s32 $0x10, s6;
	v44 =	vmul.f32 v44, v9;
	s14 =	sor.u32 $0x280, s15;
	v47 =	vmul.f32 v47, v9;
	v63 =	vld [tilespmem:s17+$0x11400]  }
0x3b4: {  	v3 =	vadd.f32 v3, v19;
	v4 =	vadd.f32 v4, v20;
	s17 =	sor.u32 $0x200, s6;
	v52 =	vmul.f32 v52, v9;
	v19 =	vld [tilespmem:s14+$0x11400]  }
0x3b5: {  	v20 =	vadd.f32 v55, v21;
	v21 =	vadd.f32 v58, v22;
	s14 =	sor.u32 $0x280, s6;
	v5 =	vmul.f32 v5, v9;
	v22 =	vld [tilespmem:s17+$0x11400]  }
0x3b6: {  	v3 =	vadd.f32 v45, v3;
	v4 =	vadd.f32 v46, v4;
	v45 =	vld [tilespmem:s14+$0x11400];
	s14 =	sor.u32 $0x300, s6;
	v46 =	vmul.f32 v61, v8  }
0x3b7: {  	v20 =	vadd.f32 v48, v20;
	v21 =	vadd.f32 v49, v21;
	s6 =	sor.u32 $0x380, s6;
	v48 =	vld [tilespmem:s14+$0x11400];
	v49 =	vmul.f32 v62, v8  }
0x3b8: {  	v3 =	vadd.f32 v56, v3;
	v4 =	vadd.f32 v57, v4;
	v55 =	vld [tilespmem:s6+$0x11400];
	v56 =	vmul.f32 v63, v10;
	s6 =	sor.u32 $0x300, s15  }
0x3b9: {  	v57 =	vadd.f32 v59, v20;
	v58 =	vadd.f32 v60, v21;
	v59 =	vmul.f32 v19, v10;
	v60 =	vld [tilespmem:s6+$0x11400];
	s6 =	sor.u32 $0x380, s15  }
0x3ba: {  	v20 =	vadd.f32 v51, v4;
	v19 =	vadd.f32 v50, v3;
	v61 =	vmul.f32 v22, v12;
	v62 =	vld [tilespmem:s6+$0x11400];
	s6 =	sor.u32 $0x300, s4  }
0x3bb: {  	v21 =	vadd.f32 v53, v57;
	v22 =	vadd.f32 v54, v58;
	s4 =	sor.u32 $0x380, s4;
	v3 =	vmul.f32 v45, v12;
	v4 =	vld [tilespmem:s6+$0x11400]  }
0x3bc: {  	v26 =	vadd.f32 v44, v26;
	v24 =	vadd.f32 v47, v24;
	s6 =	sor.u32 s26, s3;
	v44 =	vmul.f32 v48, v12;
	v45 =	vld [tilespmem:s4+$0x11400]  }
0x3bd: {  	v25 =	vadd.f32 v52, v25;
	v5 =	vadd.f32 v5, v23;
	s4 =	sor.u32 s26, s5;
	v23 =	vld [tilespmem:s6+$0x0];
	v47 =	vmul.f32 v55, v12  }
0x3be: {  	s3 =	sor.u32 s0, s3;
	v26 =	vadd.f32 v61, v26;
	v3 =	vadd.f32 v3, v24;
	v48 =	vld [tilespmem:s4+$0x0];
	v24 =	vmul.f32 v60, v10  }
0x3bf: {  	v25 =	vadd.f32 v44, v25;
	v5 =	vadd.f32 v47, v5;
	v44 =	vld [tilespmem:s3+$0x0];
	s3 =	sor.u32 s0, s5;
	v47 =	vmul.f32 v62, v10  }
0x3c0: {  	v26 =	vadd.f32 v56, v26;
	v3 =	vadd.f32 v59, v3;
	v50 =	vld [tilespmem:s3+$0x0];
	s3 =	sor.u32 s0, s2;
	v4 =	vmul.f32 v4, v8  }
0x3c1: {  	v25 =	vadd.f32 v24, v25;
	v51 =	vld [tilespmem:s3+$0x0];
	s3 =	sor.u32 s0, s30;
	v5 =	vadd.f32 v47, v5;
	v45 =	vmul.f32 v45, v8  }
0x3c2: {  	s22 =	sadd.s32 $0x4, s22;
	s2 =	sor.u32 s26, s2;
	v26 =	vadd.f32 v46, v26;
	v24 =	vadd.f32 v49, v3;
	v47 =	vmul.f32 v23, v9;
	v52 =	vld [tilespmem:s3+$0x0]  }
0x3c3: {  	p1 =	slt.u32 s22, $0x7C;
	s3 =	sadd.s32 $0x15700, s28;
	v25 =	vadd.f32 v4, v25;
	v3 =	vmul.f32 v48, v9;
	v46 =	vld [tilespmem:s2+$0x0];
	s2 =	sor.u32 s26, s30;
	v23 =	vadd.f32 v45, v5  }
0x3c4: {  	v4 =	vadd.f32 v42, v28;
	v5 =	vadd.f32 v43, v27;
	s4 =	sor.u32 s26, s3;
	v27 =	vld [tilespmem:s2+$0x0];
	s2 =	sadd.s32 $0x15780, s28;
	v28 =	vmul.f32 v44, v12  }
0x3c5: {  	v32 =	vadd.f32 v47, v32;
	v3 =	vadd.f32 v3, v33;
	v47 =	vld [tilespmem:s4+$0x0];
	s4 =	sor.u32 s26, s2;
	v42 =	vmul.f32 v50, v12  }
.Ltmp5:
0x3c6: {  	v4 =	vadd.f32 v40, v4;
	v5 =	vadd.f32 v41, v5;
	v33 =	vld [tilespmem:s4+$0x0];
	v40 =	vmul.f32 v51, v12;
	s4 =	sor.u32 s0, s3;
	(pc) =	sbr.rel @p1 .LBB2_8-.Ltmp5, $4  }
0x3c7: {  	v28 =	vadd.f32 v28, v32;
	s0 =	sor.u32 s0, s2;
	v3 =	vadd.f32 v42, v3;
	v41 =	vmul.f32 v52, v12;
	v43 =	vld [tilespmem:s4+$0x0]  }
0x3c8: {  	v4 =	vadd.f32 v36, v4;
	v5 =	vadd.f32 v37, v5;
	v44 =	vmul.f32 v46, v9;
	v42 =	vld [tilespmem:s0+$0x0];
	s0 =	sor.u32 s29, s3  }
0x3c9: {  	s23 =	sadd.s32 $0x200, s23;
	v46 =	vadd.f32 v38, v28;
	v45 =	vmul.f32 v27, v9;
	v39 =	vadd.f32 v39, v3;
	v36 =	vld [tilespmem:s0+$0x0];
	s0 =	sor.u32 s29, s2  }
0x3ca: {  	s24 =	sadd.s32 $0x40, s24;
	s25 =	sadd.s32 $0x40, s25;
	v28 =	vadd.f32 v34, v4;
	v27 =	vadd.f32 v35, v5;
	v38 =	vmul.f32 v47, v9;
	v37 =	vld [tilespmem:s0+$0x0];
	s0 =	sor.u32 s21, s3  }
0x3cb: {  	(xrf2) =	vadd.scan.msk.f32 $0xffff, v19  }
0x3cc: {  	(xrf2) =	vadd.scan.msk.f32 $0xffff, v20  }
0x3cd: {  	(xrf2) =	vadd.scan.msk.f32 $0xffff, v21  }
0x3ce: {  	(xrf2) =	vadd.scan.msk.f32 $0xffff, v22  }
0x3cf: {  	v3 =	vadd.f32 v16, v46;
	v4 =	vmul.f32 v33, v9;
	v5 =	vadd.f32 v15, v39;
	(xrf2) =	vadd.scan.msk.f32 $0xffff, v26  }
0x3d0: {  	v32 =	vadd.f32 v44, v14;
	v33 =	vld [tilespmem:s0+$0x0];
	v34 =	vadd.f32 v45, v31;
	v35 =	vmul.f32 v43, v12;
	(xrf2) =	vadd.scan.msk.f32 $0xffff, v24  }
0x3d1: {  	v50 =	vld [tilespmem:$0x1FFF0];
	v38 =	vadd.f32 v38, v30;
	v4 =	vadd.f32 v4, v29;
	v39 =	vmul.f32 v42, v12;
	(xrf2) =	vadd.scan.msk.f32 $0xffff, v25  }
0x3d2: {  	s30 =	sor.u32 s21, s2;
	v9 =	vadd.f32 v40, v32;
	v15 =	vadd.f32 v41, v34;
	(xrf2) =	vadd.scan.msk.f32 $0xffff, v23  }
0x3d3: {  	v40 =	vld [tilespmem:s30+$0x0];
	v42 =	vmul.f32 v36, v10;
	v16 =	vadd.f32 v35, v38;
	v4 =	vadd.f32 v39, v4;
	(xrf2) =	vadd.scan.msk.f32 $0xffff, v28  }
0x3d4: {  	v9 =	vadd.f32 v18, v9;
	v44 =	vadd.f32 v17, v15;
	(xrf2) =	vadd.scan.msk.f32 $0xffff, v27  }
0x3d5: {  	v43 =	vmul.f32 v37, v10;
	v45 =	vadd.f32 v42, v16;
	v46, _, _ =	vpop (xrf2);
	(xrf2) =	vadd.scan.msk.f32 $0xffff, v3;
	v3 =	vmul.f32 v33, v8  }
0x3d6: {  	vm1 =	vnez.u8 v50;
	v9 =	vadd.f32 v13, v9;
	v11 =	vadd.f32 v11, v44;
	v47, _, _ =	vpop (xrf2);
	(xrf2) =	vadd.scan.msk.f32 $0xffff, v5  }
0x3d7: {  	v48 =	vbroadcast v46, $0xF;
	v5, _, _ =	vpop (xrf2);
	v10 =	vbroadcast v47, $0xF;
	v3 =	vadd.f32 v3, v45  }
0x3d8: {  	v4 =	vadd.f32 v43, v4;
	v8 =	vmul.f32 v40, v8;
	(xrf2) =	vadd.scan.msk.f32 $0xffff, v9;
	v5 =	vbroadcast v5, $0xF;
	v49, _, _ =	vpop (xrf2)  }
0x3d9: {  	(xrf2) =	vadd.scan.msk.f32 $0xffff, v11;
	v9 =	vsel vm1, v48, v10;
	v51 =	vbroadcast v49, $0xF;
	v52, _, _ =	vpop (xrf2)  }
0x3da: {  	v4 =	vadd.f32 v8, v4;
	(xrf2) =	vadd.scan.msk.f32 $0xffff, v3;
	v5 =	vsel vm2, v9, v5;
	v8 =	vbroadcast v52, $0xF;
	v53, _, _ =	vpop (xrf2)  }
0x3db: {  	v3, _, _ =	vpop (xrf2);
	v5 =	vsel vm3, v5, v51;
	v9 =	vbroadcast v53, $0xF  }
0x3dc: {  	s31 =	sshll.u32 s20, $0x4;
	v55, _, _ =	vpop (xrf2);
	v5 =	vsel vm4, v5, v8;
	v3 =	vbroadcast v3, $0xF  }
0x3dd: {  	v54 =	vmov s31;
	v5 =	vsel vm5, v5, v9;
	v56 =	vbroadcast v55, $0xF;
	v57, _, _ =	vpop (xrf2)  }
0x3de: {  	(xrf2) =	vadd.scan.msk.f32 $0xffff, v4;
	v8 =	vbroadcast v54, $0x0;
	v4, _, _ =	vpop (xrf2);
	v3 =	vsel vm6, v5, v3;
	v5 =	vbroadcast v57, $0xF  }
0x3df: {  	v58, _, _ =	vpop (xrf2);
	v3 =	vsel vm7, v3, v56;
	v4 =	vbroadcast v4, $0xF  }
0x3e0: {  	v8 =	vor.u32 v0, v8;
	v60, _, _ =	vpop (xrf2);
	v3 =	vsel vm8, v3, v5;
	v5 =	vbroadcast v58, $0xF  }
0x3e1: {  	v59 =	vmulhi.u32 $0x51EB851F, v8;
	v3 =	vsel vm9, v3, v4;
	v4 =	vbroadcast v60, $0xF  }
0x3e2: {  	v61, _, _ =	vpop (xrf2);
	v3 =	vsel vm10, v3, v5  }
0x3e3: {  	v9 =	vshrl.u32 v59, $0x5;
	v62, _, _ =	vpop (xrf2);
	v3 =	vsel vm12, v3, v4;
	v4 =	vbroadcast v61, $0xF  }
0x3e4: {  	v5 =	vmul.u32 $0xFFFFFF9C, v9;
	v63, _, _ =	vpop (xrf2)  }
0x3e5: {  	v3 =	vsel vm11, v3, v4;
	v4 =	vbroadcast v63, $0xF  }
0x3e6: {  	v11 =	vbroadcast v62, $0xF;
	v5 =	vadd.s32 v8, v5;
	v8 =	vshll.u32 v9, $0x7  }
0x3e7: {  	v5 =	vor.u32 v5, v8  }
0x3e8: {  	v3 =	vsel vm13, v3, v11  }
0x3e9: {  	v3 =	vsel vm14, v3, v4;
	v4, _, _ =	vpop (xrf2)  }
0x3ea: {  	v3 =	vsel vm15, v3, v4  }
0x3eb: {  	s16 =	sadd.s32 $0x1, s16;
	[tilespmem:s31+$0x19400] =	vst v3  }
0x3ec: {  	p0 =	sne.s32 s16, $0x5;
	v3 =	vld.idx.msk [tilespmem:v5+s19+$0x0], $0xffff  }
.Ltmp6:
0x3ed: {  	_ = 	snop;
	(pc) =	sbr.rel @p0 .LBB2_2-.Ltmp6, $4  }
.Ltmp7:
0x3ee: {  	_ = 	snop;
	(pc) =	sbr.rel @!p0 .LBB2_10-.Ltmp7, $4  }
0x3ef: {  	_ = 	snop  }
0x3f0: {  	_ = 	snop  }
0x3f1: {  	[tilespmem:s31+$0x19500] =	vst v3  }
0x3f2: {  	_ = 	snop  }
.LBB2_11:
0x3f3: {  	_ =	sfence.sel $0x180000  }
0x3f4: {  	[bflag:$0x0] =	sbarrier.arrive $0xFFFF  }
0x3f5: {  	_ =	strace $0x90000047  }
0x3f6: {  	s0 =	stileid.u32;
	[bflag:$0x2] =	sbarrier.arrive $0xFFFF  }
0x3f7: {  	p0 =	sne.s32 s0, $0x0;
	s0 =	rddreg [dreg:$0x3]  }
0x3f8: {  	s0 =	sadd.s32 @!p0 $0x100000, s0  }
0x3f9: {  	[sflag:s0] =	ssyncadd.tile.s32 @!p0 $0x1;
	_ =	shalt  }
.Lfunc_end2:
_tile_overlayer_lowered:
.L_overlay_start_2:
0x3fa: {  	(tag) =	ssettag $0x2  }
0x3fb: {  	s0 =	rddreg [dreg:$0x0];
	s2 =	stileid.u32  }
0x3fc: {  	s1 =	rddreg [dreg:$0x1];
	p0 =	sne.s32 s2, $0x0  }
0x3fd: {  	s3 =	rddreg [dreg:$0x2];
	[bflag:$0x3] =	sbarrier.arrive $0xFFFF;
	s2 =	simm.s32 @!p0 $0x1C05  }
0x3fe: {  	[timem:s3], [sflag:s2] =	dma.local @!p0 [hbm:s0], s1  }
0x3ff: {  	s0 =	simm.s32 @!p0 $0x5  }
0x400: {  	_ =	swait.ge @!p0 [sflag:s0], s1  }
0x401: {  	s1 =	ssub.s32 @!p0 $0x0, s1;
	[sflag:s0] =	ssyncset.done @!p0 $0x0  }
0x402: {  	[sflag:s0] =	ssyncadd.s32 @!p0 s1  }
0x403: {  	[bflag:$0x3] =	sbarrier.arrive $0xFFFF  }
0x404: {  	_ =	shalt  }

</sc_bundles>
